<compile_context>
chip_gen: v7x
topology: tpu7x:2x2x1
jax: 0.10.2.dev20260603
libtpu: 0.0.44.dev20260713+nightly
codegen_flags: <defaults>
</compile_context>

<pallas_src>
import functools

import jax
import jax.numpy as jnp
from jax import lax
from jax.experimental import pallas as pl
from jax.experimental.pallas import tpu as pltpu
import jax.experimental.pallas.tpu_sc as plsc

N_NODES = 100000
MEM_DIM = 128
MSG_DIM = 256
B = 16384

NC = 2
NS = 16
NW = NC * NS
BPW = B // NW
CHUNK = 128
NCHUNK = BPW // CHUNK

CPW = 3128
CT = 136
CK = 22
CT_LAST = 40

LUW = 3200
LUW_LAST = N_NODES - (NW - 1) * LUW

_sc_mesh = plsc.VectorSubcoreMesh(core_axis_name="c", subcore_axis_name="s")
_sc_params = pltpu.CompilerParams(needs_layout_passes=False)


def _wid():
  return lax.axis_index("s") * NC + lax.axis_index("c")


@functools.partial(
    pl.kernel,
    mesh=_sc_mesh,
    out_type=(
        jax.ShapeDtypeStruct((B, MEM_DIM), jnp.float32),
        jax.ShapeDtypeStruct((N_NODES, MEM_DIM), jnp.float32),
        jax.ShapeDtypeStruct((N_NODES,), jnp.float32),
    ),
    scratch_types=[
        pltpu.VMEM((NCHUNK, CHUNK), jnp.int32),
        pltpu.VMEM((BPW, MEM_DIM), jnp.float32),
        pltpu.VMEM((CT, MEM_DIM), jnp.float32),
        pltpu.VMEM((CT, MEM_DIM), jnp.float32),
        pltpu.VMEM((NW, NCHUNK, CHUNK), jnp.int32),
        pltpu.VMEM((LUW,), jnp.float32),
        pltpu.VMEM((16,), jnp.float32),
        pltpu.SemaphoreType.DMA,
        pltpu.SemaphoreType.DMA,
        pltpu.SemaphoreType.DMA,
        pltpu.SemaphoreType.DMA,
        pltpu.SemaphoreType.DMA,
    ],
    compiler_params=_sc_params,
)
def _sc_gather_clone(table, idx3, lu, tvec_hbm, h_out, mem_out, lu_out,
                     idx_v, rows_v, c0, c1, idx_all, seg_v, tv_v,
                     sem_g, sr0, sr1, sw0, sw1):
  wid = _wid()
  base = wid * BPW
  crow = wid * CPW
  lo = wid * LUW
  last = wid == NW - 1
  pltpu.sync_copy(idx3.at[wid], idx_v)
  gathers = [
      pltpu.async_copy(table.at[idx_v.at[c]],
                       rows_v.at[pl.ds(c * CHUNK, CHUNK)], sem_g)
      for c in range(NCHUNK)
  ]

  bufs = (c0, c1)
  srs = (sr0, sr1)
  sws = (sw0, sw1)

  def rd(i):
    return pltpu.async_copy(table.at[pl.ds(crow + i * CT, CT)],
                            bufs[i % 2], srs[i % 2])

  def wr(i):
    return pltpu.async_copy(bufs[i % 2],
                            mem_out.at[pl.ds(crow + i * CT, CT)], sws[i % 2])

  reads = [None] * CK
  writes = [None] * CK
  reads[0] = rd(0)
  reads[1] = rd(1)

  pltpu.sync_copy(idx3, idx_all)

  @pl.when(jnp.logical_not(last))
  def _():
    pltpu.sync_copy(lu.at[pl.ds(lo, LUW)], seg_v)

  @pl.when(last)
  def _():
    pltpu.sync_copy(lu.at[pl.ds(lo, LUW_LAST)], seg_v.at[pl.ds(0, LUW_LAST)])

  pltpu.sync_copy(tvec_hbm, tv_v)
  tv = tv_v[...]
  lov = jnp.full((16,), lo, jnp.int32)
  hiv = lov + jnp.where(last, LUW_LAST, LUW).astype(jnp.int32)

  nvreg = B // 16
  per_it = nvreg // CK

  def scan(vlo, vhi):
    @pl.loop(vlo, vhi)
    def _(v):
      w = v // (NCHUNK * CHUNK // 16)
      rem = v % (NCHUNK * CHUNK // 16)
      c = rem // (CHUNK // 16)
      j = rem % (CHUNK // 16)
      iv = idx_all[w, c, pl.ds(j * 16, 16)]
      m = (iv >= lov) & (iv < hiv)
      plsc.store_scatter(seg_v, [iv - lov], tv, mask=m)

  for i in range(CK):
    reads[i].wait()
    writes[i] = wr(i)
    scan(i * per_it, (i + 1) * per_it)
    if i + 2 < CK:
      writes[i].wait()
      reads[i + 2] = rd(i + 2)
  writes[CK - 2].wait()
  writes[CK - 1].wait()
  scan(CK * per_it, nvreg)

  @pl.when(jnp.logical_not(last))
  def _():
    pltpu.sync_copy(seg_v, lu_out.at[pl.ds(lo, LUW)])

  @pl.when(last)
  def _():
    pltpu.sync_copy(seg_v.at[pl.ds(0, LUW_LAST)], lu_out.at[pl.ds(lo, LUW_LAST)])

  tail = crow + CK * CT

  @pl.when(wid < NW - 1)
  def _():
    pltpu.sync_copy(table.at[pl.ds(tail, CT)], c0)
    pltpu.sync_copy(c0, mem_out.at[pl.ds(tail, CT)])

  @pl.when(wid == NW - 1)
  def _():
    pltpu.sync_copy(table.at[pl.ds(tail, CT_LAST)], c0.at[pl.ds(0, CT_LAST)])
    pltpu.sync_copy(c0.at[pl.ds(0, CT_LAST)], mem_out.at[pl.ds(tail, CT_LAST)])

  for cp in gathers:
    cp.wait()
  pltpu.sync_copy(rows_v, h_out.at[pl.ds(base, BPW)])


_BLK = 4096


def _gru_body(msg_ref, h_ref, wih_ref, whh_ref, bih_ref, bhh_ref, out_ref):
  x = msg_ref[...]
  h = h_ref[...]
  dn = (((1,), (1,)), ((), ()))
  gi = lax.dot_general(x, wih_ref[...], dn,
                       preferred_element_type=jnp.float32) + bih_ref[...]
  gh = lax.dot_general(h, whh_ref[...], dn,
                       preferred_element_type=jnp.float32) + bhh_ref[...]
  i_r, i_z, i_n = gi[:, :128], gi[:, 128:256], gi[:, 256:]
  h_r, h_z, h_n = gh[:, :128], gh[:, 128:256], gh[:, 256:]
  r = jax.nn.sigmoid(i_r + h_r)
  z = jax.nn.sigmoid(i_z + h_z)
  n = jnp.tanh(i_n + r * h_n)
  out_ref[...] = (1.0 - z) * n + z * h


def _tc_gru(msg, h, w_ih, w_hh, b_ih, b_hh):
  return pl.pallas_call(
      _gru_body,
      grid=(B // _BLK,),
      in_specs=[
          pl.BlockSpec((_BLK, MSG_DIM), lambda i: (i, 0)),
          pl.BlockSpec((_BLK, MEM_DIM), lambda i: (i, 0)),
          pl.BlockSpec((3 * MEM_DIM, MSG_DIM), lambda i: (0, 0)),
          pl.BlockSpec((3 * MEM_DIM, MEM_DIM), lambda i: (0, 0)),
          pl.BlockSpec((3 * MEM_DIM,), lambda i: (0,)),
          pl.BlockSpec((3 * MEM_DIM,), lambda i: (0,)),
      ],
      out_specs=pl.BlockSpec((_BLK, MEM_DIM), lambda i: (i, 0)),
      out_shape=jax.ShapeDtypeStruct((B, MEM_DIM), jnp.float32),
  )(msg, h, w_ih, w_hh, b_ih, b_hh)


@functools.partial(
    pl.kernel,
    mesh=_sc_mesh,
    out_type=(),
    scratch_types=[
        pltpu.VMEM((NCHUNK, CHUNK), jnp.int32),
        pltpu.VMEM((BPW, MEM_DIM), jnp.float32),
        pltpu.SemaphoreType.DMA,
    ],
)
def _sc_scatter(idx3, rows, mem_ref, idxc_v, rows_v, sem):
  wid = _wid()
  base = wid * BPW
  pltpu.sync_copy(idx3.at[wid], idxc_v)
  pltpu.sync_copy(rows.at[pl.ds(base, BPW)], rows_v)
  scatters = [
      pltpu.async_copy(rows_v.at[pl.ds(c * CHUNK, CHUNK)],
                       mem_ref.at[idxc_v.at[c]], sem)
      for c in range(NCHUNK)
  ]
  for cp in scatters:
    cp.wait()


def kernel(unique_nids, unique_msg, time, memory, last_update,
           W_ih, W_hh, b_ih, b_hh):
  idx = unique_nids.astype(jnp.int32)
  idx3 = idx.reshape(NW, NCHUNK, CHUNK)
  tvec = jnp.full((16,), time, dtype=jnp.float32)

  h, mem_copy, updated_last_update = _sc_gather_clone(
      memory, idx3, last_update, tvec)
  h_new = _tc_gru(unique_msg, h, W_ih, W_hh, b_ih, b_hh)

  mem_ref = jax.new_ref(mem_copy)
  _sc_scatter(idx3, h_new, mem_ref)
  updated_memory = jax.freeze(mem_ref)
  return (updated_memory, updated_last_update)

# --- scband reference (transcript-rebuilt; emitter-appended) ---
"""Pipeline reference for scband-grumemory-updater-8881992368211 (READ-ONLY COPY).

The authoritative reference and input builder live on the scoring server;
editing this copy changes nothing except your own understanding.
"""

import jax, jax.numpy as jnp
import numpy as np

N_NODES = 100000
MEM_DIM = 128
MSG_DIM = 256
B = 16384


def setup_inputs(seed: int = 0) -> dict:
    key = jax.random.key(seed)
    k1, k2, k3, k4, k5, k6, k7 = jax.random.split(key, 7)
    # unique node ids (permutation slice guarantees uniqueness, matching 'unique_nids')
    unique_nids = jax.random.permutation(k1, N_NODES)[:B]
    unique_msg = jax.random.normal(k2, (B, MSG_DIM), dtype=jnp.float32)
    # Memory module state
    memory = jax.random.normal(k3, (N_NODES, MEM_DIM), dtype=jnp.float32) * 0.1
    last_update = jnp.zeros((N_NODES,), dtype=jnp.float32)
    # GRUCell parameters (torch layout: W_ih [3H, I], W_hh [3H, H], biases [3H])
    s = 1.0 / np.sqrt(MEM_DIM)
    W_ih = jax.random.uniform(k4, (3 * MEM_DIM, MSG_DIM), dtype=jnp.float32, minval=-s, maxval=s)
    W_hh = jax.random.uniform(k5, (3 * MEM_DIM, MEM_DIM), dtype=jnp.float32, minval=-s, maxval=s)
    b_ih = jax.random.uniform(k6, (3 * MEM_DIM,), dtype=jnp.float32, minval=-s, maxval=s)
    b_hh = jax.random.uniform(k7, (3 * MEM_DIM,), dtype=jnp.float32, minval=-s, maxval=s)
    time = 100
    return {"unique_nids": unique_nids, "unique_msg": unique_msg, "time": time,
            "memory": memory, "last_update": last_update,
            "W_ih": W_ih, "W_hh": W_hh, "b_ih": b_ih, "b_hh": b_hh}


def _gru_cell(x, h, W_ih, W_hh, b_ih, b_hh):
    gi = x @ W_ih.T + b_ih
    gh = h @ W_hh.T + b_hh
    i_r, i_z, i_n = jnp.split(gi, 3, axis=1)
    h_r, h_z, h_n = jnp.split(gh, 3, axis=1)
    r = jax.nn.sigmoid(i_r + h_r)
    z = jax.nn.sigmoid(i_z + h_z)
    n = jnp.tanh(i_n + r * h_n)
    return (1.0 - z) * n + z * h


def reference(unique_nids, unique_msg, time, memory, last_update, W_ih, W_hh, b_ih, b_hh):
    # GRUMemoryUpdater.get_updated_memory: clone memory, gather rows, GRU update, scatter back
    h = jnp.take(memory, unique_nids, axis=0)
    h_new = _gru_cell(unique_msg, h, W_ih, W_hh, b_ih, b_hh)
    updated_memory = memory.at[unique_nids].set(h_new)
    updated_last_update = last_update.at[unique_nids].set(jnp.float32(time))
    return (updated_memory, updated_last_update)

if __name__ == "__main__":
    import jax
    _d = setup_inputs()
    print(jax.jit(kernel)(*tuple(_d.values())))

</pallas_src>

<mosaic_0001>
#map = affine_map<(d0, d1) -> (0, 0)>
#map1 = affine_map<(d0, d1) -> (0, 0, 0)>
#map2 = affine_map<(d0, d1) -> (0)>
module attributes {stable_mosaic.version = 14 : i64} {
  func.func @_sc_gather_clone(%arg0: i32, %arg1: i32, %arg2: memref<100000x128xf32, #tpu.memory_space<hbm>>, %arg3: memref<32x4x128xi32, #tpu.memory_space<hbm>>, %arg4: memref<100000xf32, #tpu.memory_space<hbm>>, %arg5: memref<16xf32, #tpu.memory_space<hbm>>, %arg6: memref<16384x128xf32, #tpu.memory_space<hbm>>, %arg7: memref<100000x128xf32, #tpu.memory_space<hbm>>, %arg8: memref<100000xf32, #tpu.memory_space<hbm>>, %arg9: memref<4x128xi32, #tpu.memory_space<vmem>>, %arg10: memref<512x128xf32, #tpu.memory_space<vmem>>, %arg11: memref<136x128xf32, #tpu.memory_space<vmem>>, %arg12: memref<136x128xf32, #tpu.memory_space<vmem>>, %arg13: memref<32x4x128xi32, #tpu.memory_space<vmem>>, %arg14: memref<3200xf32, #tpu.memory_space<vmem>>, %arg15: memref<16xf32, #tpu.memory_space<vmem>>, %arg16: memref<!tpu.dma_semaphore, #tpu.memory_space<semaphore_mem>>, %arg17: memref<!tpu.dma_semaphore, #tpu.memory_space<semaphore_mem>>, %arg18: memref<!tpu.dma_semaphore, #tpu.memory_space<semaphore_mem>>, %arg19: memref<!tpu.dma_semaphore, #tpu.memory_space<semaphore_mem>>, %arg20: memref<!tpu.dma_semaphore, #tpu.memory_space<semaphore_mem>>) attributes {dimension_semantics = [#tpu.dimension_semantics<core_parallel>, #tpu.dimension_semantics<subcore_parallel>], iteration_bounds = array<i64: 2, 16>, scalar_prefetch = 0 : i64, scratch_operands = 12 : i64, tpu.core_type = #tpu.core_type<sc_vector_subcore>, window_params = [{transform_indices = #map}, {transform_indices = #map1}, {transform_indices = #map2}, {transform_indices = #map2}, {transform_indices = #map}, {transform_indices = #map}, {transform_indices = #map2}]} {
    %mul3A = arith.constant 2 : i32
    %mul3A_0 = arith.muli %arg1, %mul3A : i32
    %add3A = arith.addi %mul3A_0, %arg0 : i32
    %mul3A_1 = arith.constant 512 : i32
    %mul3A_2 = arith.muli %add3A, %mul3A_1 : i32
    %mul3A_3 = arith.constant 3128 : i32
    %mul3A_4 = arith.muli %add3A, %mul3A_3 : i32
    %mul3A_5 = arith.constant 3200 : i32
    %mul3A_6 = arith.muli %add3A, %mul3A_5 : i32
    %eq3A = arith.constant 31 : i32
    %eq3A_7 = arith.cmpi eq, %add3A, %eq3A : i32
    "tpu.region"() ({
      %run_scoped3A = tpu.sem_alloc : memref<!tpu.dma_semaphore, #tpu.memory_space<semaphore_mem>>
      %dma_start3A_668 = arith.constant 0 : i32
      %dma_start3A_669 = arith.constant 0 : i32
      %dma_start3A_670 = tpu.memref_slice %arg3[%add3A, %dma_start3A_668, %dma_start3A_669] : memref<32x4x128xi32, #tpu.memory_space<hbm>> -> memref<1x4x128xi32, #tpu.memory_space<hbm>>
      %dma_start3A_671 = tpu.memref_squeeze %dma_start3A_670 : memref<1x4x128xi32, #tpu.memory_space<hbm>> -> memref<4x128xi32, #tpu.memory_space<hbm>>
      %dma_start3A_672 = arith.constant 0 : i32
      %dma_start3A_673 = arith.constant 0 : i32
      %dma_start3A_674 = tpu.memref_slice %arg3[%add3A, %dma_start3A_672, %dma_start3A_673] : memref<32x4x128xi32, #tpu.memory_space<hbm>> -> memref<1x4x128xi32, #tpu.memory_space<hbm>>
      %dma_start3A_675 = tpu.memref_squeeze %dma_start3A_674 : memref<1x4x128xi32, #tpu.memory_space<hbm>> -> memref<4x128xi32, #tpu.memory_space<hbm>>
      tpu.enqueue_dma source(%dma_start3A_675 : memref<4x128xi32, #tpu.memory_space<hbm>>) target(%arg9 : memref<4x128xi32, #tpu.memory_space<vmem>>) target_semaphore(%run_scoped3A : memref<!tpu.dma_semaphore, #tpu.memory_space<semaphore_mem>>)
      %dma_wait3A_676 = arith.constant 0 : i32
      %dma_wait3A_677 = arith.constant 0 : i32
      %dma_wait3A_678 = tpu.memref_slice %arg3[%add3A, %dma_wait3A_676, %dma_wait3A_677] : memref<32x4x128xi32, #tpu.memory_space<hbm>> -> memref<1x4x128xi32, #tpu.memory_space<hbm>>
      %dma_wait3A_679 = tpu.memref_squeeze %dma_wait3A_678 : memref<1x4x128xi32, #tpu.memory_space<hbm>> -> memref<4x128xi32, #tpu.memory_space<hbm>>
      %dma_wait3A_680 = arith.constant 0 : i32
      %dma_wait3A_681 = arith.constant 0 : i32
      %dma_wait3A_682 = tpu.memref_slice %arg3[%add3A, %dma_wait3A_680, %dma_wait3A_681] : memref<32x4x128xi32, #tpu.memory_space<hbm>> -> memref<1x4x128xi32, #tpu.memory_space<hbm>>
      %dma_wait3A_683 = tpu.memref_squeeze %dma_wait3A_682 : memref<1x4x128xi32, #tpu.memory_space<hbm>> -> memref<4x128xi32, #tpu.memory_space<hbm>>
      tpu.wait_dma2 semaphore(%run_scoped3A : memref<!tpu.dma_semaphore, #tpu.memory_space<semaphore_mem>>) src(%dma_wait3A_683 : memref<4x128xi32, #tpu.memory_space<hbm>>) dst(%arg9 : memref<4x128xi32, #tpu.memory_space<vmem>>)
      tpu.yield
    }) : () -> ()
    %dma_start3A = arith.constant 0 : i32
    %dma_start3A_8 = arith.constant 0 : i32
    %dma_start3A_9 = arith.constant 0 : i32
    %dma_start3A_10 = tpu.memref_slice %arg10[%dma_start3A_8, %dma_start3A_9] : memref<512x128xf32, #tpu.memory_space<vmem>> -> memref<128x128xf32, #tpu.memory_space<vmem>>
    %dma_start3A_11 = arith.constant 0 : i32
    %dma_start3A_12 = tpu.memref_slice %arg9[%dma_start3A, %dma_start3A_11] : memref<4x128xi32, #tpu.memory_space<vmem>> -> memref<1x128xi32, #tpu.memory_space<vmem>>
    %dma_start3A_13 = tpu.memref_squeeze %dma_start3A_12 : memref<1x128xi32, #tpu.memory_space<vmem>> -> memref<128xi32, #tpu.memory_space<vmem>>
    %dma_start3A_14 = arith.constant 0 : i32
    %dma_start3A_15 = arith.constant 0 : i32
    %dma_start3A_16 = tpu.memref_slice %arg2[%dma_start3A_14, %dma_start3A_15] : memref<100000x128xf32, #tpu.memory_space<hbm>> -> memref<100000x128xf32, #tpu.memory_space<hbm>>
    tpu.enqueue_indirect_dma source(%dma_start3A_16 : memref<100000x128xf32, #tpu.memory_space<hbm>>) target(%dma_start3A_10 : memref<128x128xf32, #tpu.memory_space<vmem>>) offsets(%dma_start3A_13 : memref<128xi32, #tpu.memory_space<vmem>>) semaphore(%arg16 : memref<!tpu.dma_semaphore, #tpu.memory_space<semaphore_mem>>)
    %dma_start3A_17 = arith.constant 1 : i32
    %dma_start3A_18 = arith.constant 128 : i32
    %dma_start3A_19 = arith.constant 0 : i32
    %dma_start3A_20 = tpu.memref_slice %arg10[%dma_start3A_18, %dma_start3A_19] : memref<512x128xf32, #tpu.memory_space<vmem>> -> memref<128x128xf32, #tpu.memory_space<vmem>>
    %dma_start3A_21 = arith.constant 0 : i32
    %dma_start3A_22 = tpu.memref_slice %arg9[%dma_start3A_17, %dma_start3A_21] : memref<4x128xi32, #tpu.memory_space<vmem>> -> memref<1x128xi32, #tpu.memory_space<vmem>>
    %dma_start3A_23 = tpu.memref_squeeze %dma_start3A_22 : memref<1x128xi32, #tpu.memory_space<vmem>> -> memref<128xi32, #tpu.memory_space<vmem>>
    %dma_start3A_24 = arith.constant 0 : i32
    %dma_start3A_25 = arith.constant 0 : i32
    %dma_start3A_26 = tpu.memref_slice %arg2[%dma_start3A_24, %dma_start3A_25] : memref<100000x128xf32, #tpu.memory_space<hbm>> -> memref<100000x128xf32, #tpu.memory_space<hbm>>
    tpu.enqueue_indirect_dma source(%dma_start3A_26 : memref<100000x128xf32, #tpu.memory_space<hbm>>) target(%dma_start3A_20 : memref<128x128xf32, #tpu.memory_space<vmem>>) offsets(%dma_start3A_23 : memref<128xi32, #tpu.memory_space<vmem>>) semaphore(%arg16 : memref<!tpu.dma_semaphore, #tpu.memory_space<semaphore_mem>>)
    %dma_start3A_27 = arith.constant 2 : i32
    %dma_start3A_28 = arith.constant 256 : i32
    %dma_start3A_29 = arith.constant 0 : i32
    %dma_start3A_30 = tpu.memref_slice %arg10[%dma_start3A_28, %dma_start3A_29] : memref<512x128xf32, #tpu.memory_space<vmem>> -> memref<128x128xf32, #tpu.memory_space<vmem>>
    %dma_start3A_31 = arith.constant 0 : i32
    %dma_start3A_32 = tpu.memref_slice %arg9[%dma_start3A_27, %dma_start3A_31] : memref<4x128xi32, #tpu.memory_space<vmem>> -> memref<1x128xi32, #tpu.memory_space<vmem>>
    %dma_start3A_33 = tpu.memref_squeeze %dma_start3A_32 : memref<1x128xi32, #tpu.memory_space<vmem>> -> memref<128xi32, #tpu.memory_space<vmem>>
    %dma_start3A_34 = arith.constant 0 : i32
    %dma_start3A_35 = arith.constant 0 : i32
    %dma_start3A_36 = tpu.memref_slice %arg2[%dma_start3A_34, %dma_start3A_35] : memref<100000x128xf32, #tpu.memory_space<hbm>> -> memref<100000x128xf32, #tpu.memory_space<hbm>>
    tpu.enqueue_indirect_dma source(%dma_start3A_36 : memref<100000x128xf32, #tpu.memory_space<hbm>>) target(%dma_start3A_30 : memref<128x128xf32, #tpu.memory_space<vmem>>) offsets(%dma_start3A_33 : memref<128xi32, #tpu.memory_space<vmem>>) semaphore(%arg16 : memref<!tpu.dma_semaphore, #tpu.memory_space<semaphore_mem>>)
    %dma_start3A_37 = arith.constant 3 : i32
    %dma_start3A_38 = arith.constant 384 : i32
    %dma_start3A_39 = arith.constant 0 : i32
    %dma_start3A_40 = tpu.memref_slice %arg10[%dma_start3A_38, %dma_start3A_39] : memref<512x128xf32, #tpu.memory_space<vmem>> -> memref<128x128xf32, #tpu.memory_space<vmem>>
    %dma_start3A_41 = arith.constant 0 : i32
    %dma_start3A_42 = tpu.memref_slice %arg9[%dma_start3A_37, %dma_start3A_41] : memref<4x128xi32, #tpu.memory_space<vmem>> -> memref<1x128xi32, #tpu.memory_space<vmem>>
    %dma_start3A_43 = tpu.memref_squeeze %dma_start3A_42 : memref<1x128xi32, #tpu.memory_space<vmem>> -> memref<128xi32, #tpu.memory_space<vmem>>
    %dma_start3A_44 = arith.constant 0 : i32
    %dma_start3A_45 = arith.constant 0 : i32
    %dma_start3A_46 = tpu.memref_slice %arg2[%dma_start3A_44, %dma_start3A_45] : memref<100000x128xf32, #tpu.memory_space<hbm>> -> memref<100000x128xf32, #tpu.memory_space<hbm>>
    tpu.enqueue_indirect_dma source(%dma_start3A_46 : memref<100000x128xf32, #tpu.memory_space<hbm>>) target(%dma_start3A_40 : memref<128x128xf32, #tpu.memory_space<vmem>>) offsets(%dma_start3A_43 : memref<128xi32, #tpu.memory_space<vmem>>) semaphore(%arg16 : memref<!tpu.dma_semaphore, #tpu.memory_space<semaphore_mem>>)
    %add3A_47 = arith.constant 0 : i32
    %add3A_48 = arith.addi %mul3A_4, %add3A_47 : i32
    %dma_start3A_49 = arith.constant 0 : i32
    %dma_start3A_50 = tpu.memref_slice %arg2[%add3A_48, %dma_start3A_49] : memref<100000x128xf32, #tpu.memory_space<hbm>> -> memref<136x128xf32, #tpu.memory_space<hbm>>
    %dma_start3A_51 = arith.constant 0 : i32
    %dma_start3A_52 = tpu.memref_slice %arg2[%add3A_48, %dma_start3A_51] : memref<100000x128xf32, #tpu.memory_space<hbm>> -> memref<136x128xf32, #tpu.memory_space<hbm>>
    tpu.enqueue_dma source(%dma_start3A_52 : memref<136x128xf32, #tpu.memory_space<hbm>>) target(%arg11 : memref<136x128xf32, #tpu.memory_space<vmem>>) target_semaphore(%arg17 : memref<!tpu.dma_semaphore, #tpu.memory_space<semaphore_mem>>)
    %add3A_53 = arith.constant 136 : i32
    %add3A_54 = arith.addi %mul3A_4, %add3A_53 : i32
    %dma_start3A_55 = arith.constant 0 : i32
    %dma_start3A_56 = tpu.memref_slice %arg2[%add3A_54, %dma_start3A_55] : memref<100000x128xf32, #tpu.memory_space<hbm>> -> memref<136x128xf32, #tpu.memory_space<hbm>>
    %dma_start3A_57 = arith.constant 0 : i32
    %dma_start3A_58 = tpu.memref_slice %arg2[%add3A_54, %dma_start3A_57] : memref<100000x128xf32, #tpu.memory_space<hbm>> -> memref<136x128xf32, #tpu.memory_space<hbm>>
    tpu.enqueue_dma source(%dma_start3A_58 : memref<136x128xf32, #tpu.memory_space<hbm>>) target(%arg12 : memref<136x128xf32, #tpu.memory_space<vmem>>) target_semaphore(%arg18 : memref<!tpu.dma_semaphore, #tpu.memory_space<semaphore_mem>>)
    "tpu.region"() ({
      %run_scoped3A = tpu.sem_alloc : memref<!tpu.dma_semaphore, #tpu.memory_space<semaphore_mem>>
      tpu.enqueue_dma source(%arg3 : memref<32x4x128xi32, #tpu.memory_space<hbm>>) target(%arg13 : memref<32x4x128xi32, #tpu.memory_space<vmem>>) target_semaphore(%run_scoped3A : memref<!tpu.dma_semaphore, #tpu.memory_space<semaphore_mem>>)
      tpu.wait_dma2 semaphore(%run_scoped3A : memref<!tpu.dma_semaphore, #tpu.memory_space<semaphore_mem>>) src(%arg3 : memref<32x4x128xi32, #tpu.memory_space<hbm>>) dst(%arg13 : memref<32x4x128xi32, #tpu.memory_space<vmem>>)
      tpu.yield
    }) : () -> ()
    %not3A = arith.constant true
    %not3A_59 = arith.xori %eq3A_7, %not3A : i1
    %convert_element_type3A = arith.extui %not3A_59 : i1 to i32
    %cond3A = arith.constant 0 : i32
    %cond3A_60 = arith.cmpi ne, %convert_element_type3A, %cond3A : i32
    scf.if %cond3A_60 {
      "tpu.region"() ({
        %run_scoped3A = tpu.sem_alloc : memref<!tpu.dma_semaphore, #tpu.memory_space<semaphore_mem>>
        %dma_start3A_668 = tpu.memref_slice %arg4[%mul3A_6] : memref<100000xf32, #tpu.memory_space<hbm>> -> memref<3200xf32, #tpu.memory_space<hbm>>
        %dma_start3A_669 = tpu.memref_slice %arg4[%mul3A_6] : memref<100000xf32, #tpu.memory_space<hbm>> -> memref<3200xf32, #tpu.memory_space<hbm>>
        tpu.enqueue_dma source(%dma_start3A_669 : memref<3200xf32, #tpu.memory_space<hbm>>) target(%arg14 : memref<3200xf32, #tpu.memory_space<vmem>>) target_semaphore(%run_scoped3A : memref<!tpu.dma_semaphore, #tpu.memory_space<semaphore_mem>>)
        %dma_wait3A_670 = tpu.memref_slice %arg4[%mul3A_6] : memref<100000xf32, #tpu.memory_space<hbm>> -> memref<3200xf32, #tpu.memory_space<hbm>>
        %dma_wait3A_671 = tpu.memref_slice %arg4[%mul3A_6] : memref<100000xf32, #tpu.memory_space<hbm>> -> memref<3200xf32, #tpu.memory_space<hbm>>
        tpu.wait_dma2 semaphore(%run_scoped3A : memref<!tpu.dma_semaphore, #tpu.memory_space<semaphore_mem>>) src(%dma_wait3A_671 : memref<3200xf32, #tpu.memory_space<hbm>>) dst(%arg14 : memref<3200xf32, #tpu.memory_space<vmem>>)
        tpu.yield
      }) : () -> ()
    } else {
    }
    %convert_element_type3A_61 = arith.extui %eq3A_7 : i1 to i32
    %cond3A_62 = arith.constant 0 : i32
    %cond3A_63 = arith.cmpi ne, %convert_element_type3A_61, %cond3A_62 : i32
    scf.if %cond3A_63 {
      "tpu.region"() ({
        %run_scoped3A = tpu.sem_alloc : memref<!tpu.dma_semaphore, #tpu.memory_space<semaphore_mem>>
        %dma_start3A_668 = arith.constant 0 : i32
        %dma_start3A_669 = tpu.memref_slice %arg14[%dma_start3A_668] : memref<3200xf32, #tpu.memory_space<vmem>> -> memref<800xf32, #tpu.memory_space<vmem>>
        %dma_start3A_670 = tpu.memref_slice %arg4[%mul3A_6] : memref<100000xf32, #tpu.memory_space<hbm>> -> memref<800xf32, #tpu.memory_space<hbm>>
        %dma_start3A_671 = arith.constant 0 : i32
        %dma_start3A_672 = tpu.memref_slice %arg14[%dma_start3A_671] : memref<3200xf32, #tpu.memory_space<vmem>> -> memref<800xf32, #tpu.memory_space<vmem>>
        %dma_start3A_673 = tpu.memref_slice %arg4[%mul3A_6] : memref<100000xf32, #tpu.memory_space<hbm>> -> memref<800xf32, #tpu.memory_space<hbm>>
        tpu.enqueue_dma source(%dma_start3A_673 : memref<800xf32, #tpu.memory_space<hbm>>) target(%dma_start3A_672 : memref<800xf32, #tpu.memory_space<vmem>>) target_semaphore(%run_scoped3A : memref<!tpu.dma_semaphore, #tpu.memory_space<semaphore_mem>>)
        %dma_wait3A_674 = arith.constant 0 : i32
        %dma_wait3A_675 = tpu.memref_slice %arg14[%dma_wait3A_674] : memref<3200xf32, #tpu.memory_space<vmem>> -> memref<800xf32, #tpu.memory_space<vmem>>
        %dma_wait3A_676 = tpu.memref_slice %arg4[%mul3A_6] : memref<100000xf32, #tpu.memory_space<hbm>> -> memref<800xf32, #tpu.memory_space<hbm>>
        %dma_wait3A_677 = arith.constant 0 : i32
        %dma_wait3A_678 = tpu.memref_slice %arg14[%dma_wait3A_677] : memref<3200xf32, #tpu.memory_space<vmem>> -> memref<800xf32, #tpu.memory_space<vmem>>
        %dma_wait3A_679 = tpu.memref_slice %arg4[%mul3A_6] : memref<100000xf32, #tpu.memory_space<hbm>> -> memref<800xf32, #tpu.memory_space<hbm>>
        tpu.wait_dma2 semaphore(%run_scoped3A : memref<!tpu.dma_semaphore, #tpu.memory_space<semaphore_mem>>) src(%dma_wait3A_679 : memref<800xf32, #tpu.memory_space<hbm>>) dst(%dma_wait3A_678 : memref<800xf32, #tpu.memory_space<vmem>>)
        tpu.yield
      }) : () -> ()
    } else {
    }
    "tpu.region"() ({
      %run_scoped3A = tpu.sem_alloc : memref<!tpu.dma_semaphore, #tpu.memory_space<semaphore_mem>>
      tpu.enqueue_dma source(%arg5 : memref<16xf32, #tpu.memory_space<hbm>>) target(%arg15 : memref<16xf32, #tpu.memory_space<vmem>>) target_semaphore(%run_scoped3A : memref<!tpu.dma_semaphore, #tpu.memory_space<semaphore_mem>>)
      tpu.wait_dma2 semaphore(%run_scoped3A : memref<!tpu.dma_semaphore, #tpu.memory_space<semaphore_mem>>) src(%arg5 : memref<16xf32, #tpu.memory_space<hbm>>) dst(%arg15 : memref<16xf32, #tpu.memory_space<vmem>>)
      tpu.yield
    }) : () -> ()
    %get3A = arith.constant 0 : index
    %get3A_64 = tpu.vector_load %arg15[%get3A] {strides = array<i32>} : memref<16xf32, #tpu.memory_space<vmem>>, vector<16xf32>,
    %broadcast_in_dim3A = vector.broadcast %mul3A_6 : i32 to vector<16xi32>
    %jit3A = arith.constant 800 : i32
    %jit3A_65 = arith.constant 3200 : i32
    %select_n3A = arith.select %eq3A_7, %jit3A, %jit3A_65 : i32
    %add3A_66 = vector.broadcast %select_n3A : i32 to vector<16xi32>
    %add3A_67 = arith.addi %broadcast_in_dim3A, %add3A_66 : vector<16xi32>
    %dma_wait3A = arith.constant 0 : i32
    %dma_wait3A_68 = tpu.memref_slice %arg2[%add3A_48, %dma_wait3A] : memref<100000x128xf32, #tpu.memory_space<hbm>> -> memref<136x128xf32, #tpu.memory_space<hbm>>
    %dma_wait3A_69 = arith.constant 0 : i32
    %dma_wait3A_70 = tpu.memref_slice %arg2[%add3A_48, %dma_wait3A_69] : memref<100000x128xf32, #tpu.memory_space<hbm>> -> memref<136x128xf32, #tpu.memory_space<hbm>>
    tpu.wait_dma2 semaphore(%arg17 : memref<!tpu.dma_semaphore, #tpu.memory_space<semaphore_mem>>) src(%dma_wait3A_70 : memref<136x128xf32, #tpu.memory_space<hbm>>) dst(%arg11 : memref<136x128xf32, #tpu.memory_space<vmem>>)
    %add3A_71 = arith.constant 0 : i32
    %add3A_72 = arith.addi %mul3A_4, %add3A_71 : i32
    %dma_start3A_73 = arith.constant 0 : i32
    %dma_start3A_74 = tpu.memref_slice %arg7[%add3A_72, %dma_start3A_73] : memref<100000x128xf32, #tpu.memory_space<hbm>> -> memref<136x128xf32, #tpu.memory_space<hbm>>
    %dma_start3A_75 = arith.constant 0 : i32
    %dma_start3A_76 = tpu.memref_slice %arg7[%add3A_72, %dma_start3A_75] : memref<100000x128xf32, #tpu.memory_space<hbm>> -> memref<136x128xf32, #tpu.memory_space<hbm>>
    tpu.enqueue_dma source(%arg11 : memref<136x128xf32, #tpu.memory_space<vmem>>) target(%dma_start3A_76 : memref<136x128xf32, #tpu.memory_space<hbm>>) target_semaphore(%arg19 : memref<!tpu.dma_semaphore, #tpu.memory_space<semaphore_mem>>)
    %scan3A = arith.constant 0 : i32
    %scan3A_77 = arith.constant 46 : i32
    %scan3A_78 = arith.addi %scan3A, %scan3A_77 : i32
    %scan3A_79 = arith.constant 1 : i32
    scf.for %scan3A_668 = %scan3A to %scan3A_78 step %scan3A_79  : i32 {
      %mul3A_669 = arith.constant 1 : i32
      %mul3A_670 = arith.muli %scan3A_668, %mul3A_669 : i32
      %add3A_671 = arith.constant 0 : i32
      %add3A_672 = arith.addi %add3A_671, %mul3A_670 : i32
      %jit3A_673 = arith.constant 32 : i32
      %div3A = arith.divsi %add3A_672, %jit3A_673 : i32
      %sign3A = arith.constant 0 : i32
      %sign3A_674 = arith.cmpi sgt, %add3A_672, %sign3A : i32
      %sign3A_675 = arith.extui %sign3A_674 : i1 to i32
      %sign3A_676 = arith.constant 0 : i32
      %sign3A_677 = arith.cmpi slt, %add3A_672, %sign3A_676 : i32
      %sign3A_678 = arith.extui %sign3A_677 : i1 to i32
      %sign3A_679 = arith.subi %sign3A_675, %sign3A_678 : i32
      %sign3A_680 = arith.constant 0 : i32
      %sign3A_681 = arith.cmpi sgt, %jit3A_673, %sign3A_680 : i32
      %sign3A_682 = arith.extui %sign3A_681 : i1 to i32
      %sign3A_683 = arith.constant 0 : i32
      %sign3A_684 = arith.cmpi slt, %jit3A_673, %sign3A_683 : i32
      %sign3A_685 = arith.extui %sign3A_684 : i1 to i32
      %sign3A_686 = arith.subi %sign3A_682, %sign3A_685 : i32
      %ne3A = arith.cmpi ne, %sign3A_679, %sign3A_686 : i32
      %rem3A = arith.remsi %add3A_672, %jit3A_673 : i32
      %ne3A_687 = arith.constant 0 : i32
      %ne3A_688 = arith.cmpi ne, %rem3A, %ne3A_687 : i32
      %and3A = arith.andi %ne3A, %ne3A_688 : i1
      %sub3A = arith.constant 1 : i32
      %sub3A_689 = arith.subi %div3A, %sub3A : i32
      %select_n3A_690 = arith.select %and3A, %sub3A_689, %div3A : i32
      %jit3A_691 = arith.constant 32 : i32
      %eq3A_692 = arith.constant 0 : i32
      %eq3A_693 = arith.cmpi eq, %jit3A_691, %eq3A_692 : i32
      %jit3A_694 = arith.constant 1 : i32
      %select_n3A_695 = arith.select %eq3A_693, %jit3A_694, %jit3A_691 : i32
      %rem3A_696 = arith.remsi %add3A_672, %select_n3A_695 : i32
      %ne3A_697 = arith.constant 0 : i32
      %ne3A_698 = arith.cmpi ne, %rem3A_696, %ne3A_697 : i32
      %lt3A_699 = arith.constant 0 : i32
      %lt3A_700 = arith.cmpi slt, %rem3A_696, %lt3A_699 : i32
      %lt3A_701 = arith.constant 0 : i32
      %lt3A_702 = arith.cmpi slt, %select_n3A_695, %lt3A_701 : i32
      %ne3A_703 = arith.xori %lt3A_700, %lt3A_702 : i1
      %and3A_704 = arith.andi %ne3A_703, %ne3A_698 : i1
      %add3A_705 = arith.addi %rem3A_696, %select_n3A_695 : i32
      %select_n3A_706 = arith.select %and3A_704, %add3A_705, %rem3A_696 : i32
      %jit3A_707 = arith.constant 8 : i32
      %div3A_708 = arith.divsi %select_n3A_706, %jit3A_707 : i32
      %sign3A_709 = arith.constant 0 : i32
      %sign3A_710 = arith.cmpi sgt, %select_n3A_706, %sign3A_709 : i32
      %sign3A_711 = arith.extui %sign3A_710 : i1 to i32
      %sign3A_712 = arith.constant 0 : i32
      %sign3A_713 = arith.cmpi slt, %select_n3A_706, %sign3A_712 : i32
      %sign3A_714 = arith.extui %sign3A_713 : i1 to i32
      %sign3A_715 = arith.subi %sign3A_711, %sign3A_714 : i32
      %sign3A_716 = arith.constant 0 : i32
      %sign3A_717 = arith.cmpi sgt, %jit3A_707, %sign3A_716 : i32
      %sign3A_718 = arith.extui %sign3A_717 : i1 to i32
      %sign3A_719 = arith.constant 0 : i32
      %sign3A_720 = arith.cmpi slt, %jit3A_707, %sign3A_719 : i32
      %sign3A_721 = arith.extui %sign3A_720 : i1 to i32
      %sign3A_722 = arith.subi %sign3A_718, %sign3A_721 : i32
      %ne3A_723 = arith.cmpi ne, %sign3A_715, %sign3A_722 : i32
      %rem3A_724 = arith.remsi %select_n3A_706, %jit3A_707 : i32
      %ne3A_725 = arith.constant 0 : i32
      %ne3A_726 = arith.cmpi ne, %rem3A_724, %ne3A_725 : i32
      %and3A_727 = arith.andi %ne3A_723, %ne3A_726 : i1
      %sub3A_728 = arith.constant 1 : i32
      %sub3A_729 = arith.subi %div3A_708, %sub3A_728 : i32
      %select_n3A_730 = arith.select %and3A_727, %sub3A_729, %div3A_708 : i32
      %jit3A_731 = arith.constant 8 : i32
      %eq3A_732 = arith.constant 0 : i32
      %eq3A_733 = arith.cmpi eq, %jit3A_731, %eq3A_732 : i32
      %jit3A_734 = arith.constant 1 : i32
      %select_n3A_735 = arith.select %eq3A_733, %jit3A_734, %jit3A_731 : i32
      %rem3A_736 = arith.remsi %select_n3A_706, %select_n3A_735 : i32
      %ne3A_737 = arith.constant 0 : i32
      %ne3A_738 = arith.cmpi ne, %rem3A_736, %ne3A_737 : i32
      %lt3A_739 = arith.constant 0 : i32
      %lt3A_740 = arith.cmpi slt, %rem3A_736, %lt3A_739 : i32
      %lt3A_741 = arith.constant 0 : i32
      %lt3A_742 = arith.cmpi slt, %select_n3A_735, %lt3A_741 : i32
      %ne3A_743 = arith.xori %lt3A_740, %lt3A_742 : i1
      %and3A_744 = arith.andi %ne3A_743, %ne3A_738 : i1
      %add3A_745 = arith.addi %rem3A_736, %select_n3A_735 : i32
      %select_n3A_746 = arith.select %and3A_744, %add3A_745, %rem3A_736 : i32
      %mul3A_747 = arith.constant 16 : i32
      %mul3A_748 = arith.muli %select_n3A_746, %mul3A_747 : i32
      %get3A_749 = arith.index_cast %select_n3A_690 : i32 to index
      %get3A_750 = arith.index_cast %select_n3A_730 : i32 to index
      %get3A_751 = arith.index_cast %mul3A_748 : i32 to index
      %get3A_752 = tpu.vector_load %arg13[%get3A_749, %get3A_750, %get3A_751] {strides = array<i32>} : memref<32x4x128xi32, #tpu.memory_space<vmem>>, vector<16xi32>,
      %ge3A = arith.cmpi sge, %get3A_752, %broadcast_in_dim3A : vector<16xi32>
      %lt3A_753 = arith.cmpi slt, %get3A_752, %add3A_67 : vector<16xi32>
      %and3A_754 = arith.andi %ge3A, %lt3A_753 : vector<16xi1>
      %sub3A_755 = arith.subi %get3A_752, %broadcast_in_dim3A : vector<16xi32>
      tpu.vector_store_idx %arg14[%sub3A_755], %get3A_64 masked %and3A_754 : memref<3200xf32, #tpu.memory_space<vmem>>[vector<16xi32>], vector<16xf32>, vector<16xi1>
    }
    %scan3A_80 = arith.constant 46 : i32
    %dma_wait3A_81 = arith.constant 0 : i32
    %dma_wait3A_82 = tpu.memref_slice %arg7[%add3A_72, %dma_wait3A_81] : memref<100000x128xf32, #tpu.memory_space<hbm>> -> memref<136x128xf32, #tpu.memory_space<hbm>>
    %dma_wait3A_83 = arith.constant 0 : i32
    %dma_wait3A_84 = tpu.memref_slice %arg7[%add3A_72, %dma_wait3A_83] : memref<100000x128xf32, #tpu.memory_space<hbm>> -> memref<136x128xf32, #tpu.memory_space<hbm>>
    tpu.wait_dma2 semaphore(%arg19 : memref<!tpu.dma_semaphore, #tpu.memory_space<semaphore_mem>>) src(%arg11 : memref<136x128xf32, #tpu.memory_space<vmem>>) dst(%dma_wait3A_84 : memref<136x128xf32, #tpu.memory_space<hbm>>)
    %add3A_85 = arith.constant 272 : i32
    %add3A_86 = arith.addi %mul3A_4, %add3A_85 : i32
    %dma_start3A_87 = arith.constant 0 : i32
    %dma_start3A_88 = tpu.memref_slice %arg2[%add3A_86, %dma_start3A_87] : memref<100000x128xf32, #tpu.memory_space<hbm>> -> memref<136x128xf32, #tpu.memory_space<hbm>>
    %dma_start3A_89 = arith.constant 0 : i32
    %dma_start3A_90 = tpu.memref_slice %arg2[%add3A_86, %dma_start3A_89] : memref<100000x128xf32, #tpu.memory_space<hbm>> -> memref<136x128xf32, #tpu.memory_space<hbm>>
    tpu.enqueue_dma source(%dma_start3A_90 : memref<136x128xf32, #tpu.memory_space<hbm>>) target(%arg11 : memref<136x128xf32, #tpu.memory_space<vmem>>) target_semaphore(%arg17 : memref<!tpu.dma_semaphore, #tpu.memory_space<semaphore_mem>>)
    %dma_wait3A_91 = arith.constant 0 : i32
    %dma_wait3A_92 = tpu.memref_slice %arg2[%add3A_54, %dma_wait3A_91] : memref<100000x128xf32, #tpu.memory_space<hbm>> -> memref<136x128xf32, #tpu.memory_space<hbm>>
    %dma_wait3A_93 = arith.constant 0 : i32
    %dma_wait3A_94 = tpu.memref_slice %arg2[%add3A_54, %dma_wait3A_93] : memref<100000x128xf32, #tpu.memory_space<hbm>> -> memref<136x128xf32, #tpu.memory_space<hbm>>
    tpu.wait_dma2 semaphore(%arg18 : memref<!tpu.dma_semaphore, #tpu.memory_space<semaphore_mem>>) src(%dma_wait3A_94 : memref<136x128xf32, #tpu.memory_space<hbm>>) dst(%arg12 : memref<136x128xf32, #tpu.memory_space<vmem>>)
    %add3A_95 = arith.constant 136 : i32
    %add3A_96 = arith.addi %mul3A_4, %add3A_95 : i32
    %dma_start3A_97 = arith.constant 0 : i32
    %dma_start3A_98 = tpu.memref_slice %arg7[%add3A_96, %dma_start3A_97] : memref<100000x128xf32, #tpu.memory_space<hbm>> -> memref<136x128xf32, #tpu.memory_space<hbm>>
    %dma_start3A_99 = arith.constant 0 : i32
    %dma_start3A_100 = tpu.memref_slice %arg7[%add3A_96, %dma_start3A_99] : memref<100000x128xf32, #tpu.memory_space<hbm>> -> memref<136x128xf32, #tpu.memory_space<hbm>>
    tpu.enqueue_dma source(%arg12 : memref<136x128xf32, #tpu.memory_space<vmem>>) target(%dma_start3A_100 : memref<136x128xf32, #tpu.memory_space<hbm>>) target_semaphore(%arg20 : memref<!tpu.dma_semaphore, #tpu.memory_space<semaphore_mem>>)
    %scan3A_101 = arith.constant 0 : i32
    %scan3A_102 = arith.constant 46 : i32
    %scan3A_103 = arith.addi %scan3A_101, %scan3A_102 : i32
    %scan3A_104 = arith.constant 1 : i32
    scf.for %scan3A_668 = %scan3A_101 to %scan3A_103 step %scan3A_104  : i32 {
      %mul3A_669 = arith.constant 1 : i32
      %mul3A_670 = arith.muli %scan3A_668, %mul3A_669 : i32
      %add3A_671 = arith.constant 46 : i32
      %add3A_672 = arith.addi %add3A_671, %mul3A_670 : i32
      %jit3A_673 = arith.constant 32 : i32
      %div3A = arith.divsi %add3A_672, %jit3A_673 : i32
      %sign3A = arith.constant 0 : i32
      %sign3A_674 = arith.cmpi sgt, %add3A_672, %sign3A : i32
      %sign3A_675 = arith.extui %sign3A_674 : i1 to i32
      %sign3A_676 = arith.constant 0 : i32
      %sign3A_677 = arith.cmpi slt, %add3A_672, %sign3A_676 : i32
      %sign3A_678 = arith.extui %sign3A_677 : i1 to i32
      %sign3A_679 = arith.subi %sign3A_675, %sign3A_678 : i32
      %sign3A_680 = arith.constant 0 : i32
      %sign3A_681 = arith.cmpi sgt, %jit3A_673, %sign3A_680 : i32
      %sign3A_682 = arith.extui %sign3A_681 : i1 to i32
      %sign3A_683 = arith.constant 0 : i32
      %sign3A_684 = arith.cmpi slt, %jit3A_673, %sign3A_683 : i32
      %sign3A_685 = arith.extui %sign3A_684 : i1 to i32
      %sign3A_686 = arith.subi %sign3A_682, %sign3A_685 : i32
      %ne3A = arith.cmpi ne, %sign3A_679, %sign3A_686 : i32
      %rem3A = arith.remsi %add3A_672, %jit3A_673 : i32
      %ne3A_687 = arith.constant 0 : i32
      %ne3A_688 = arith.cmpi ne, %rem3A, %ne3A_687 : i32
      %and3A = arith.andi %ne3A, %ne3A_688 : i1
      %sub3A = arith.constant 1 : i32
      %sub3A_689 = arith.subi %div3A, %sub3A : i32
      %select_n3A_690 = arith.select %and3A, %sub3A_689, %div3A : i32
      %jit3A_691 = arith.constant 32 : i32
      %eq3A_692 = arith.constant 0 : i32
      %eq3A_693 = arith.cmpi eq, %jit3A_691, %eq3A_692 : i32
      %jit3A_694 = arith.constant 1 : i32
      %select_n3A_695 = arith.select %eq3A_693, %jit3A_694, %jit3A_691 : i32
      %rem3A_696 = arith.remsi %add3A_672, %select_n3A_695 : i32
      %ne3A_697 = arith.constant 0 : i32
      %ne3A_698 = arith.cmpi ne, %rem3A_696, %ne3A_697 : i32
      %lt3A_699 = arith.constant 0 : i32
      %lt3A_700 = arith.cmpi slt, %rem3A_696, %lt3A_699 : i32
      %lt3A_701 = arith.constant 0 : i32
      %lt3A_702 = arith.cmpi slt, %select_n3A_695, %lt3A_701 : i32
      %ne3A_703 = arith.xori %lt3A_700, %lt3A_702 : i1
      %and3A_704 = arith.andi %ne3A_703, %ne3A_698 : i1
      %add3A_705 = arith.addi %rem3A_696, %select_n3A_695 : i32
      %select_n3A_706 = arith.select %and3A_704, %add3A_705, %rem3A_696 : i32
      %jit3A_707 = arith.constant 8 : i32
      %div3A_708 = arith.divsi %select_n3A_706, %jit3A_707 : i32
      %sign3A_709 = arith.constant 0 : i32
      %sign3A_710 = arith.cmpi sgt, %select_n3A_706, %sign3A_709 : i32
      %sign3A_711 = arith.extui %sign3A_710 : i1 to i32
      %sign3A_712 = arith.constant 0 : i32
      %sign3A_713 = arith.cmpi slt, %select_n3A_706, %sign3A_712 : i32
      %sign3A_714 = arith.extui %sign3A_713 : i1 to i32
      %sign3A_715 = arith.subi %sign3A_711, %sign3A_714 : i32
      %sign3A_716 = arith.constant 0 : i32
      %sign3A_717 = arith.cmpi sgt, %jit3A_707, %sign3A_716 : i32
      %sign3A_718 = arith.extui %sign3A_717 : i1 to i32
      %sign3A_719 = arith.constant 0 : i32
      %sign3A_720 = arith.cmpi slt, %jit3A_707, %sign3A_719 : i32
      %sign3A_721 = arith.extui %sign3A_720 : i1 to i32
      %sign3A_722 = arith.subi %sign3A_718, %sign3A_721 : i32
      %ne3A_723 = arith.cmpi ne, %sign3A_715, %sign3A_722 : i32
      %rem3A_724 = arith.remsi %select_n3A_706, %jit3A_707 : i32
      %ne3A_725 = arith.constant 0 : i32
      %ne3A_726 = arith.cmpi ne, %rem3A_724, %ne3A_725 : i32
      %and3A_727 = arith.andi %ne3A_723, %ne3A_726 : i1
      %sub3A_728 = arith.constant 1 : i32
      %sub3A_729 = arith.subi %div3A_708, %sub3A_728 : i32
      %select_n3A_730 = arith.select %and3A_727, %sub3A_729, %div3A_708 : i32
      %jit3A_731 = arith.constant 8 : i32
      %eq3A_732 = arith.constant 0 : i32
      %eq3A_733 = arith.cmpi eq, %jit3A_731, %eq3A_732 : i32
      %jit3A_734 = arith.constant 1 : i32
      %select_n3A_735 = arith.select %eq3A_733, %jit3A_734, %jit3A_731 : i32
      %rem3A_736 = arith.remsi %select_n3A_706, %select_n3A_735 : i32
      %ne3A_737 = arith.constant 0 : i32
      %ne3A_738 = arith.cmpi ne, %rem3A_736, %ne3A_737 : i32
      %lt3A_739 = arith.constant 0 : i32
      %lt3A_740 = arith.cmpi slt, %rem3A_736, %lt3A_739 : i32
      %lt3A_741 = arith.constant 0 : i32
      %lt3A_742 = arith.cmpi slt, %select_n3A_735, %lt3A_741 : i32
      %ne3A_743 = arith.xori %lt3A_740, %lt3A_742 : i1
      %and3A_744 = arith.andi %ne3A_743, %ne3A_738 : i1
      %add3A_745 = arith.addi %rem3A_736, %select_n3A_735 : i32
      %select_n3A_746 = arith.select %and3A_744, %add3A_745, %rem3A_736 : i32
      %mul3A_747 = arith.constant 16 : i32
      %mul3A_748 = arith.muli %select_n3A_746, %mul3A_747 : i32
      %get3A_749 = arith.index_cast %select_n3A_690 : i32 to index
      %get3A_750 = arith.index_cast %select_n3A_730 : i32 to index
      %get3A_751 = arith.index_cast %mul3A_748 : i32 to index
      %get3A_752 = tpu.vector_load %arg13[%get3A_749, %get3A_750, %get3A_751] {strides = array<i32>} : memref<32x4x128xi32, #tpu.memory_space<vmem>>, vector<16xi32>,
      %ge3A = arith.cmpi sge, %get3A_752, %broadcast_in_dim3A : vector<16xi32>
      %lt3A_753 = arith.cmpi slt, %get3A_752, %add3A_67 : vector<16xi32>
      %and3A_754 = arith.andi %ge3A, %lt3A_753 : vector<16xi1>
      %sub3A_755 = arith.subi %get3A_752, %broadcast_in_dim3A : vector<16xi32>
      tpu.vector_store_idx %arg14[%sub3A_755], %get3A_64 masked %and3A_754 : memref<3200xf32, #tpu.memory_space<vmem>>[vector<16xi32>], vector<16xf32>, vector<16xi1>
    }
    %scan3A_105 = arith.constant 46 : i32
    %dma_wait3A_106 = arith.constant 0 : i32
    %dma_wait3A_107 = tpu.memref_slice %arg7[%add3A_96, %dma_wait3A_106] : memref<100000x128xf32, #tpu.memory_space<hbm>> -> memref<136x128xf32, #tpu.memory_space<hbm>>
    %dma_wait3A_108 = arith.constant 0 : i32
    %dma_wait3A_109 = tpu.memref_slice %arg7[%add3A_96, %dma_wait3A_108] : memref<100000x128xf32, #tpu.memory_space<hbm>> -> memref<136x128xf32, #tpu.memory_space<hbm>>
    tpu.wait_dma2 semaphore(%arg20 : memref<!tpu.dma_semaphore, #tpu.memory_space<semaphore_mem>>) src(%arg12 : memref<136x128xf32, #tpu.memory_space<vmem>>) dst(%dma_wait3A_109 : memref<136x128xf32, #tpu.memory_space<hbm>>)
    %add3A_110 = arith.constant 408 : i32
    %add3A_111 = arith.addi %mul3A_4, %add3A_110 : i32
    %dma_start3A_112 = arith.constant 0 : i32
    %dma_start3A_113 = tpu.memref_slice %arg2[%add3A_111, %dma_start3A_112] : memref<100000x128xf32, #tpu.memory_space<hbm>> -> memref<136x128xf32, #tpu.memory_space<hbm>>
    %dma_start3A_114 = arith.constant 0 : i32
    %dma_start3A_115 = tpu.memref_slice %arg2[%add3A_111, %dma_start3A_114] : memref<100000x128xf32, #tpu.memory_space<hbm>> -> memref<136x128xf32, #tpu.memory_space<hbm>>
    tpu.enqueue_dma source(%dma_start3A_115 : memref<136x128xf32, #tpu.memory_space<hbm>>) target(%arg12 : memref<136x128xf32, #tpu.memory_space<vmem>>) target_semaphore(%arg18 : memref<!tpu.dma_semaphore, #tpu.memory_space<semaphore_mem>>)
    %dma_wait3A_116 = arith.constant 0 : i32
    %dma_wait3A_117 = tpu.memref_slice %arg2[%add3A_86, %dma_wait3A_116] : memref<100000x128xf32, #tpu.memory_space<hbm>> -> memref<136x128xf32, #tpu.memory_space<hbm>>
    %dma_wait3A_118 = arith.constant 0 : i32
    %dma_wait3A_119 = tpu.memref_slice %arg2[%add3A_86, %dma_wait3A_118] : memref<100000x128xf32, #tpu.memory_space<hbm>> -> memref<136x128xf32, #tpu.memory_space<hbm>>
    tpu.wait_dma2 semaphore(%arg17 : memref<!tpu.dma_semaphore, #tpu.memory_space<semaphore_mem>>) src(%dma_wait3A_119 : memref<136x128xf32, #tpu.memory_space<hbm>>) dst(%arg11 : memref<136x128xf32, #tpu.memory_space<vmem>>)
    %add3A_120 = arith.constant 272 : i32
    %add3A_121 = arith.addi %mul3A_4, %add3A_120 : i32
    %dma_start3A_122 = arith.constant 0 : i32
    %dma_start3A_123 = tpu.memref_slice %arg7[%add3A_121, %dma_start3A_122] : memref<100000x128xf32, #tpu.memory_space<hbm>> -> memref<136x128xf32, #tpu.memory_space<hbm>>
    %dma_start3A_124 = arith.constant 0 : i32
    %dma_start3A_125 = tpu.memref_slice %arg7[%add3A_121, %dma_start3A_124] : memref<100000x128xf32, #tpu.memory_space<hbm>> -> memref<136x128xf32, #tpu.memory_space<hbm>>
    tpu.enqueue_dma source(%arg11 : memref<136x128xf32, #tpu.memory_space<vmem>>) target(%dma_start3A_125 : memref<136x128xf32, #tpu.memory_space<hbm>>) target_semaphore(%arg19 : memref<!tpu.dma_semaphore, #tpu.memory_space<semaphore_mem>>)
    %scan3A_126 = arith.constant 0 : i32
    %scan3A_127 = arith.constant 46 : i32
    %scan3A_128 = arith.addi %scan3A_126, %scan3A_127 : i32
    %scan3A_129 = arith.constant 1 : i32
    scf.for %scan3A_668 = %scan3A_126 to %scan3A_128 step %scan3A_129  : i32 {
      %mul3A_669 = arith.constant 1 : i32
      %mul3A_670 = arith.muli %scan3A_668, %mul3A_669 : i32
      %add3A_671 = arith.constant 92 : i32
      %add3A_672 = arith.addi %add3A_671, %mul3A_670 : i32
      %jit3A_673 = arith.constant 32 : i32
      %div3A = arith.divsi %add3A_672, %jit3A_673 : i32
      %sign3A = arith.constant 0 : i32
      %sign3A_674 = arith.cmpi sgt, %add3A_672, %sign3A : i32
      %sign3A_675 = arith.extui %sign3A_674 : i1 to i32
      %sign3A_676 = arith.constant 0 : i32
      %sign3A_677 = arith.cmpi slt, %add3A_672, %sign3A_676 : i32
      %sign3A_678 = arith.extui %sign3A_677 : i1 to i32
      %sign3A_679 = arith.subi %sign3A_675, %sign3A_678 : i32
      %sign3A_680 = arith.constant 0 : i32
      %sign3A_681 = arith.cmpi sgt, %jit3A_673, %sign3A_680 : i32
      %sign3A_682 = arith.extui %sign3A_681 : i1 to i32
      %sign3A_683 = arith.constant 0 : i32
      %sign3A_684 = arith.cmpi slt, %jit3A_673, %sign3A_683 : i32
      %sign3A_685 = arith.extui %sign3A_684 : i1 to i32
      %sign3A_686 = arith.subi %sign3A_682, %sign3A_685 : i32
      %ne3A = arith.cmpi ne, %sign3A_679, %sign3A_686 : i32
      %rem3A = arith.remsi %add3A_672, %jit3A_673 : i32
      %ne3A_687 = arith.constant 0 : i32
      %ne3A_688 = arith.cmpi ne, %rem3A, %ne3A_687 : i32
      %and3A = arith.andi %ne3A, %ne3A_688 : i1
      %sub3A = arith.constant 1 : i32
      %sub3A_689 = arith.subi %div3A, %sub3A : i32
      %select_n3A_690 = arith.select %and3A, %sub3A_689, %div3A : i32
      %jit3A_691 = arith.constant 32 : i32
      %eq3A_692 = arith.constant 0 : i32
      %eq3A_693 = arith.cmpi eq, %jit3A_691, %eq3A_692 : i32
      %jit3A_694 = arith.constant 1 : i32
      %select_n3A_695 = arith.select %eq3A_693, %jit3A_694, %jit3A_691 : i32
      %rem3A_696 = arith.remsi %add3A_672, %select_n3A_695 : i32
      %ne3A_697 = arith.constant 0 : i32
      %ne3A_698 = arith.cmpi ne, %rem3A_696, %ne3A_697 : i32
      %lt3A_699 = arith.constant 0 : i32
      %lt3A_700 = arith.cmpi slt, %rem3A_696, %lt3A_699 : i32
      %lt3A_701 = arith.constant 0 : i32
      %lt3A_702 = arith.cmpi slt, %select_n3A_695, %lt3A_701 : i32
      %ne3A_703 = arith.xori %lt3A_700, %lt3A_702 : i1
      %and3A_704 = arith.andi %ne3A_703, %ne3A_698 : i1
      %add3A_705 = arith.addi %rem3A_696, %select_n3A_695 : i32
      %select_n3A_706 = arith.select %and3A_704, %add3A_705, %rem3A_696 : i32
      %jit3A_707 = arith.constant 8 : i32
      %div3A_708 = arith.divsi %select_n3A_706, %jit3A_707 : i32
      %sign3A_709 = arith.constant 0 : i32
      %sign3A_710 = arith.cmpi sgt, %select_n3A_706, %sign3A_709 : i32
      %sign3A_711 = arith.extui %sign3A_710 : i1 to i32
      %sign3A_712 = arith.constant 0 : i32
      %sign3A_713 = arith.cmpi slt, %select_n3A_706, %sign3A_712 : i32
      %sign3A_714 = arith.extui %sign3A_713 : i1 to i32
      %sign3A_715 = arith.subi %sign3A_711, %sign3A_714 : i32
      %sign3A_716 = arith.constant 0 : i32
      %sign3A_717 = arith.cmpi sgt, %jit3A_707, %sign3A_716 : i32
      %sign3A_718 = arith.extui %sign3A_717 : i1 to i32
      %sign3A_719 = arith.constant 0 : i32
      %sign3A_720 = arith.cmpi slt, %jit3A_707, %sign3A_719 : i32
      %sign3A_721 = arith.extui %sign3A_720 : i1 to i32
      %sign3A_722 = arith.subi %sign3A_718, %sign3A_721 : i32
      %ne3A_723 = arith.cmpi ne, %sign3A_715, %sign3A_722 : i32
      %rem3A_724 = arith.remsi %select_n3A_706, %jit3A_707 : i32
      %ne3A_725 = arith.constant 0 : i32
      %ne3A_726 = arith.cmpi ne, %rem3A_724, %ne3A_725 : i32
      %and3A_727 = arith.andi %ne3A_723, %ne3A_726 : i1
      %sub3A_728 = arith.constant 1 : i32
      %sub3A_729 = arith.subi %div3A_708, %sub3A_728 : i32
      %select_n3A_730 = arith.select %and3A_727, %sub3A_729, %div3A_708 : i32
      %jit3A_731 = arith.constant 8 : i32
      %eq3A_732 = arith.constant 0 : i32
      %eq3A_733 = arith.cmpi eq, %jit3A_731, %eq3A_732 : i32
      %jit3A_734 = arith.constant 1 : i32
      %select_n3A_735 = arith.select %eq3A_733, %jit3A_734, %jit3A_731 : i32
      %rem3A_736 = arith.remsi %select_n3A_706, %select_n3A_735 : i32
      %ne3A_737 = arith.constant 0 : i32
      %ne3A_738 = arith.cmpi ne, %rem3A_736, %ne3A_737 : i32
      %lt3A_739 = arith.constant 0 : i32
      %lt3A_740 = arith.cmpi slt, %rem3A_736, %lt3A_739 : i32
      %lt3A_741 = arith.constant 0 : i32
      %lt3A_742 = arith.cmpi slt, %select_n3A_735, %lt3A_741 : i32
      %ne3A_743 = arith.xori %lt3A_740, %lt3A_742 : i1
      %and3A_744 = arith.andi %ne3A_743, %ne3A_738 : i1
      %add3A_745 = arith.addi %rem3A_736, %select_n3A_735 : i32
      %select_n3A_746 = arith.select %and3A_744, %add3A_745, %rem3A_736 : i32
      %mul3A_747 = arith.constant 16 : i32
      %mul3A_748 = arith.muli %select_n3A_746, %mul3A_747 : i32
      %get3A_749 = arith.index_cast %select_n3A_690 : i32 to index
      %get3A_750 = arith.index_cast %select_n3A_730 : i32 to index
      %get3A_751 = arith.index_cast %mul3A_748 : i32 to index
      %get3A_752 = tpu.vector_load %arg13[%get3A_749, %get3A_750, %get3A_751] {strides = array<i32>} : memref<32x4x128xi32, #tpu.memory_space<vmem>>, vector<16xi32>,
      %ge3A = arith.cmpi sge, %get3A_752, %broadcast_in_dim3A : vector<16xi32>
      %lt3A_753 = arith.cmpi slt, %get3A_752, %add3A_67 : vector<16xi32>
      %and3A_754 = arith.andi %ge3A, %lt3A_753 : vector<16xi1>
      %sub3A_755 = arith.subi %get3A_752, %broadcast_in_dim3A : vector<16xi32>
      tpu.vector_store_idx %arg14[%sub3A_755], %get3A_64 masked %and3A_754 : memref<3200xf32, #tpu.memory_space<vmem>>[vector<16xi32>], vector<16xf32>, vector<16xi1>
    }
    %scan3A_130 = arith.constant 46 : i32
    %dma_wait3A_131 = arith.constant 0 : i32
    %dma_wait3A_132 = tpu.memref_slice %arg7[%add3A_121, %dma_wait3A_131] : memref<100000x128xf32, #tpu.memory_space<hbm>> -> memref<136x128xf32, #tpu.memory_space<hbm>>
    %dma_wait3A_133 = arith.constant 0 : i32
    %dma_wait3A_134 = tpu.memref_slice %arg7[%add3A_121, %dma_wait3A_133] : memref<100000x128xf32, #tpu.memory_space<hbm>> -> memref<136x128xf32, #tpu.memory_space<hbm>>
    tpu.wait_dma2 semaphore(%arg19 : memref<!tpu.dma_semaphore, #tpu.memory_space<semaphore_mem>>) src(%arg11 : memref<136x128xf32, #tpu.memory_space<vmem>>) dst(%dma_wait3A_134 : memref<136x128xf32, #tpu.memory_space<hbm>>)
    %add3A_135 = arith.constant 544 : i32
    %add3A_136 = arith.addi %mul3A_4, %add3A_135 : i32
    %dma_start3A_137 = arith.constant 0 : i32
    %dma_start3A_138 = tpu.memref_slice %arg2[%add3A_136, %dma_start3A_137] : memref<100000x128xf32, #tpu.memory_space<hbm>> -> memref<136x128xf32, #tpu.memory_space<hbm>>
    %dma_start3A_139 = arith.constant 0 : i32
    %dma_start3A_140 = tpu.memref_slice %arg2[%add3A_136, %dma_start3A_139] : memref<100000x128xf32, #tpu.memory_space<hbm>> -> memref<136x128xf32, #tpu.memory_space<hbm>>
    tpu.enqueue_dma source(%dma_start3A_140 : memref<136x128xf32, #tpu.memory_space<hbm>>) target(%arg11 : memref<136x128xf32, #tpu.memory_space<vmem>>) target_semaphore(%arg17 : memref<!tpu.dma_semaphore, #tpu.memory_space<semaphore_mem>>)
    %dma_wait3A_141 = arith.constant 0 : i32
    %dma_wait3A_142 = tpu.memref_slice %arg2[%add3A_111, %dma_wait3A_141] : memref<100000x128xf32, #tpu.memory_space<hbm>> -> memref<136x128xf32, #tpu.memory_space<hbm>>
    %dma_wait3A_143 = arith.constant 0 : i32
    %dma_wait3A_144 = tpu.memref_slice %arg2[%add3A_111, %dma_wait3A_143] : memref<100000x128xf32, #tpu.memory_space<hbm>> -> memref<136x128xf32, #tpu.memory_space<hbm>>
    tpu.wait_dma2 semaphore(%arg18 : memref<!tpu.dma_semaphore, #tpu.memory_space<semaphore_mem>>) src(%dma_wait3A_144 : memref<136x128xf32, #tpu.memory_space<hbm>>) dst(%arg12 : memref<136x128xf32, #tpu.memory_space<vmem>>)
    %add3A_145 = arith.constant 408 : i32
    %add3A_146 = arith.addi %mul3A_4, %add3A_145 : i32
    %dma_start3A_147 = arith.constant 0 : i32
    %dma_start3A_148 = tpu.memref_slice %arg7[%add3A_146, %dma_start3A_147] : memref<100000x128xf32, #tpu.memory_space<hbm>> -> memref<136x128xf32, #tpu.memory_space<hbm>>
    %dma_start3A_149 = arith.constant 0 : i32
    %dma_start3A_150 = tpu.memref_slice %arg7[%add3A_146, %dma_start3A_149] : memref<100000x128xf32, #tpu.memory_space<hbm>> -> memref<136x128xf32, #tpu.memory_space<hbm>>
    tpu.enqueue_dma source(%arg12 : memref<136x128xf32, #tpu.memory_space<vmem>>) target(%dma_start3A_150 : memref<136x128xf32, #tpu.memory_space<hbm>>) target_semaphore(%arg20 : memref<!tpu.dma_semaphore, #tpu.memory_space<semaphore_mem>>)
    %scan3A_151 = arith.constant 0 : i32
    %scan3A_152 = arith.constant 46 : i32
    %scan3A_153 = arith.addi %scan3A_151, %scan3A_152 : i32
    %scan3A_154 = arith.constant 1 : i32
    scf.for %scan3A_668 = %scan3A_151 to %scan3A_153 step %scan3A_154  : i32 {
      %mul3A_669 = arith.constant 1 : i32
      %mul3A_670 = arith.muli %scan3A_668, %mul3A_669 : i32
      %add3A_671 = arith.constant 138 : i32
      %add3A_672 = arith.addi %add3A_671, %mul3A_670 : i32
      %jit3A_673 = arith.constant 32 : i32
      %div3A = arith.divsi %add3A_672, %jit3A_673 : i32
      %sign3A = arith.constant 0 : i32
      %sign3A_674 = arith.cmpi sgt, %add3A_672, %sign3A : i32
      %sign3A_675 = arith.extui %sign3A_674 : i1 to i32
      %sign3A_676 = arith.constant 0 : i32
      %sign3A_677 = arith.cmpi slt, %add3A_672, %sign3A_676 : i32
      %sign3A_678 = arith.extui %sign3A_677 : i1 to i32
      %sign3A_679 = arith.subi %sign3A_675, %sign3A_678 : i32
      %sign3A_680 = arith.constant 0 : i32
      %sign3A_681 = arith.cmpi sgt, %jit3A_673, %sign3A_680 : i32
      %sign3A_682 = arith.extui %sign3A_681 : i1 to i32
      %sign3A_683 = arith.constant 0 : i32
      %sign3A_684 = arith.cmpi slt, %jit3A_673, %sign3A_683 : i32
      %sign3A_685 = arith.extui %sign3A_684 : i1 to i32
      %sign3A_686 = arith.subi %sign3A_682, %sign3A_685 : i32
      %ne3A = arith.cmpi ne, %sign3A_679, %sign3A_686 : i32
      %rem3A = arith.remsi %add3A_672, %jit3A_673 : i32
      %ne3A_687 = arith.constant 0 : i32
      %ne3A_688 = arith.cmpi ne, %rem3A, %ne3A_687 : i32
      %and3A = arith.andi %ne3A, %ne3A_688 : i1
      %sub3A = arith.constant 1 : i32
      %sub3A_689 = arith.subi %div3A, %sub3A : i32
      %select_n3A_690 = arith.select %and3A, %sub3A_689, %div3A : i32
      %jit3A_691 = arith.constant 32 : i32
      %eq3A_692 = arith.constant 0 : i32
      %eq3A_693 = arith.cmpi eq, %jit3A_691, %eq3A_692 : i32
      %jit3A_694 = arith.constant 1 : i32
      %select_n3A_695 = arith.select %eq3A_693, %jit3A_694, %jit3A_691 : i32
      %rem3A_696 = arith.remsi %add3A_672, %select_n3A_695 : i32
      %ne3A_697 = arith.constant 0 : i32
      %ne3A_698 = arith.cmpi ne, %rem3A_696, %ne3A_697 : i32
      %lt3A_699 = arith.constant 0 : i32
      %lt3A_700 = arith.cmpi slt, %rem3A_696, %lt3A_699 : i32
      %lt3A_701 = arith.constant 0 : i32
      %lt3A_702 = arith.cmpi slt, %select_n3A_695, %lt3A_701 : i32
      %ne3A_703 = arith.xori %lt3A_700, %lt3A_702 : i1
      %and3A_704 = arith.andi %ne3A_703, %ne3A_698 : i1
      %add3A_705 = arith.addi %rem3A_696, %select_n3A_695 : i32
      %select_n3A_706 = arith.select %and3A_704, %add3A_705, %rem3A_696 : i32
      %jit3A_707 = arith.constant 8 : i32
      %div3A_708 = arith.divsi %select_n3A_706, %jit3A_707 : i32
      %sign3A_709 = arith.constant 0 : i32
      %sign3A_710 = arith.cmpi sgt, %select_n3A_706, %sign3A_709 : i32
      %sign3A_711 = arith.extui %sign3A_710 : i1 to i32
      %sign3A_712 = arith.constant 0 : i32
      %sign3A_713 = arith.cmpi slt, %select_n3A_706, %sign3A_712 : i32
      %sign3A_714 = arith.extui %sign3A_713 : i1 to i32
      %sign3A_715 = arith.subi %sign3A_711, %sign3A_714 : i32
      %sign3A_716 = arith.constant 0 : i32
      %sign3A_717 = arith.cmpi sgt, %jit3A_707, %sign3A_716 : i32
      %sign3A_718 = arith.extui %sign3A_717 : i1 to i32
      %sign3A_719 = arith.constant 0 : i32
      %sign3A_720 = arith.cmpi slt, %jit3A_707, %sign3A_719 : i32
      %sign3A_721 = arith.extui %sign3A_720 : i1 to i32
      %sign3A_722 = arith.subi %sign3A_718, %sign3A_721 : i32
      %ne3A_723 = arith.cmpi ne, %sign3A_715, %sign3A_722 : i32
      %rem3A_724 = arith.remsi %select_n3A_706, %jit3A_707 : i32
      %ne3A_725 = arith.constant 0 : i32
      %ne3A_726 = arith.cmpi ne, %rem3A_724, %ne3A_725 : i32
      %and3A_727 = arith.andi %ne3A_723, %ne3A_726 : i1
      %sub3A_728 = arith.constant 1 : i32
      %sub3A_729 = arith.subi %div3A_708, %sub3A_728 : i32
      %select_n3A_730 = arith.select %and3A_727, %sub3A_729, %div3A_708 : i32
      %jit3A_731 = arith.constant 8 : i32
      %eq3A_732 = arith.constant 0 : i32
      %eq3A_733 = arith.cmpi eq, %jit3A_731, %eq3A_732 : i32
      %jit3A_734 = arith.constant 1 : i32
      %select_n3A_735 = arith.select %eq3A_733, %jit3A_734, %jit3A_731 : i32
      %rem3A_736 = arith.remsi %select_n3A_706, %select_n3A_735 : i32
      %ne3A_737 = arith.constant 0 : i32
      %ne3A_738 = arith.cmpi ne, %rem3A_736, %ne3A_737 : i32
      %lt3A_739 = arith.constant 0 : i32
      %lt3A_740 = arith.cmpi slt, %rem3A_736, %lt3A_739 : i32
      %lt3A_741 = arith.constant 0 : i32
      %lt3A_742 = arith.cmpi slt, %select_n3A_735, %lt3A_741 : i32
      %ne3A_743 = arith.xori %lt3A_740, %lt3A_742 : i1
      %and3A_744 = arith.andi %ne3A_743, %ne3A_738 : i1
      %add3A_745 = arith.addi %rem3A_736, %select_n3A_735 : i32
      %select_n3A_746 = arith.select %and3A_744, %add3A_745, %rem3A_736 : i32
      %mul3A_747 = arith.constant 16 : i32
      %mul3A_748 = arith.muli %select_n3A_746, %mul3A_747 : i32
      %get3A_749 = arith.index_cast %select_n3A_690 : i32 to index
      %get3A_750 = arith.index_cast %select_n3A_730 : i32 to index
      %get3A_751 = arith.index_cast %mul3A_748 : i32 to index
      %get3A_752 = tpu.vector_load %arg13[%get3A_749, %get3A_750, %get3A_751] {strides = array<i32>} : memref<32x4x128xi32, #tpu.memory_space<vmem>>, vector<16xi32>,
      %ge3A = arith.cmpi sge, %get3A_752, %broadcast_in_dim3A : vector<16xi32>
      %lt3A_753 = arith.cmpi slt, %get3A_752, %add3A_67 : vector<16xi32>
      %and3A_754 = arith.andi %ge3A, %lt3A_753 : vector<16xi1>
      %sub3A_755 = arith.subi %get3A_752, %broadcast_in_dim3A : vector<16xi32>
      tpu.vector_store_idx %arg14[%sub3A_755], %get3A_64 masked %and3A_754 : memref<3200xf32, #tpu.memory_space<vmem>>[vector<16xi32>], vector<16xf32>, vector<16xi1>
    }
    %scan3A_155 = arith.constant 46 : i32
    %dma_wait3A_156 = arith.constant 0 : i32
    %dma_wait3A_157 = tpu.memref_slice %arg7[%add3A_146, %dma_wait3A_156] : memref<100000x128xf32, #tpu.memory_space<hbm>> -> memref<136x128xf32, #tpu.memory_space<hbm>>
    %dma_wait3A_158 = arith.constant 0 : i32
    %dma_wait3A_159 = tpu.memref_slice %arg7[%add3A_146, %dma_wait3A_158] : memref<100000x128xf32, #tpu.memory_space<hbm>> -> memref<136x128xf32, #tpu.memory_space<hbm>>
    tpu.wait_dma2 semaphore(%arg20 : memref<!tpu.dma_semaphore, #tpu.memory_space<semaphore_mem>>) src(%arg12 : memref<136x128xf32, #tpu.memory_space<vmem>>) dst(%dma_wait3A_159 : memref<136x128xf32, #tpu.memory_space<hbm>>)
    %add3A_160 = arith.constant 680 : i32
    %add3A_161 = arith.addi %mul3A_4, %add3A_160 : i32
    %dma_start3A_162 = arith.constant 0 : i32
    %dma_start3A_163 = tpu.memref_slice %arg2[%add3A_161, %dma_start3A_162] : memref<100000x128xf32, #tpu.memory_space<hbm>> -> memref<136x128xf32, #tpu.memory_space<hbm>>
    %dma_start3A_164 = arith.constant 0 : i32
    %dma_start3A_165 = tpu.memref_slice %arg2[%add3A_161, %dma_start3A_164] : memref<100000x128xf32, #tpu.memory_space<hbm>> -> memref<136x128xf32, #tpu.memory_space<hbm>>
    tpu.enqueue_dma source(%dma_start3A_165 : memref<136x128xf32, #tpu.memory_space<hbm>>) target(%arg12 : memref<136x128xf32, #tpu.memory_space<vmem>>) target_semaphore(%arg18 : memref<!tpu.dma_semaphore, #tpu.memory_space<semaphore_mem>>)
    %dma_wait3A_166 = arith.constant 0 : i32
    %dma_wait3A_167 = tpu.memref_slice %arg2[%add3A_136, %dma_wait3A_166] : memref<100000x128xf32, #tpu.memory_space<hbm>> -> memref<136x128xf32, #tpu.memory_space<hbm>>
    %dma_wait3A_168 = arith.constant 0 : i32
    %dma_wait3A_169 = tpu.memref_slice %arg2[%add3A_136, %dma_wait3A_168] : memref<100000x128xf32, #tpu.memory_space<hbm>> -> memref<136x128xf32, #tpu.memory_space<hbm>>
    tpu.wait_dma2 semaphore(%arg17 : memref<!tpu.dma_semaphore, #tpu.memory_space<semaphore_mem>>) src(%dma_wait3A_169 : memref<136x128xf32, #tpu.memory_space<hbm>>) dst(%arg11 : memref<136x128xf32, #tpu.memory_space<vmem>>)
    %add3A_170 = arith.constant 544 : i32
    %add3A_171 = arith.addi %mul3A_4, %add3A_170 : i32
    %dma_start3A_172 = arith.constant 0 : i32
    %dma_start3A_173 = tpu.memref_slice %arg7[%add3A_171, %dma_start3A_172] : memref<100000x128xf32, #tpu.memory_space<hbm>> -> memref<136x128xf32, #tpu.memory_space<hbm>>
    %dma_start3A_174 = arith.constant 0 : i32
    %dma_start3A_175 = tpu.memref_slice %arg7[%add3A_171, %dma_start3A_174] : memref<100000x128xf32, #tpu.memory_space<hbm>> -> memref<136x128xf32, #tpu.memory_space<hbm>>
    tpu.enqueue_dma source(%arg11 : memref<136x128xf32, #tpu.memory_space<vmem>>) target(%dma_start3A_175 : memref<136x128xf32, #tpu.memory_space<hbm>>) target_semaphore(%arg19 : memref<!tpu.dma_semaphore, #tpu.memory_space<semaphore_mem>>)
    %scan3A_176 = arith.constant 0 : i32
    %scan3A_177 = arith.constant 46 : i32
    %scan3A_178 = arith.addi %scan3A_176, %scan3A_177 : i32
    %scan3A_179 = arith.constant 1 : i32
    scf.for %scan3A_668 = %scan3A_176 to %scan3A_178 step %scan3A_179  : i32 {
      %mul3A_669 = arith.constant 1 : i32
      %mul3A_670 = arith.muli %scan3A_668, %mul3A_669 : i32
      %add3A_671 = arith.constant 184 : i32
      %add3A_672 = arith.addi %add3A_671, %mul3A_670 : i32
      %jit3A_673 = arith.constant 32 : i32
      %div3A = arith.divsi %add3A_672, %jit3A_673 : i32
      %sign3A = arith.constant 0 : i32
      %sign3A_674 = arith.cmpi sgt, %add3A_672, %sign3A : i32
      %sign3A_675 = arith.extui %sign3A_674 : i1 to i32
      %sign3A_676 = arith.constant 0 : i32
      %sign3A_677 = arith.cmpi slt, %add3A_672, %sign3A_676 : i32
      %sign3A_678 = arith.extui %sign3A_677 : i1 to i32
      %sign3A_679 = arith.subi %sign3A_675, %sign3A_678 : i32
      %sign3A_680 = arith.constant 0 : i32
      %sign3A_681 = arith.cmpi sgt, %jit3A_673, %sign3A_680 : i32
      %sign3A_682 = arith.extui %sign3A_681 : i1 to i32
      %sign3A_683 = arith.constant 0 : i32
      %sign3A_684 = arith.cmpi slt, %jit3A_673, %sign3A_683 : i32
      %sign3A_685 = arith.extui %sign3A_684 : i1 to i32
      %sign3A_686 = arith.subi %sign3A_682, %sign3A_685 : i32
      %ne3A = arith.cmpi ne, %sign3A_679, %sign3A_686 : i32
      %rem3A = arith.remsi %add3A_672, %jit3A_673 : i32
      %ne3A_687 = arith.constant 0 : i32
      %ne3A_688 = arith.cmpi ne, %rem3A, %ne3A_687 : i32
      %and3A = arith.andi %ne3A, %ne3A_688 : i1
      %sub3A = arith.constant 1 : i32
      %sub3A_689 = arith.subi %div3A, %sub3A : i32
      %select_n3A_690 = arith.select %and3A, %sub3A_689, %div3A : i32
      %jit3A_691 = arith.constant 32 : i32
      %eq3A_692 = arith.constant 0 : i32
      %eq3A_693 = arith.cmpi eq, %jit3A_691, %eq3A_692 : i32
      %jit3A_694 = arith.constant 1 : i32
      %select_n3A_695 = arith.select %eq3A_693, %jit3A_694, %jit3A_691 : i32
      %rem3A_696 = arith.remsi %add3A_672, %select_n3A_695 : i32
      %ne3A_697 = arith.constant 0 : i32
      %ne3A_698 = arith.cmpi ne, %rem3A_696, %ne3A_697 : i32
      %lt3A_699 = arith.constant 0 : i32
      %lt3A_700 = arith.cmpi slt, %rem3A_696, %lt3A_699 : i32
      %lt3A_701 = arith.constant 0 : i32
      %lt3A_702 = arith.cmpi slt, %select_n3A_695, %lt3A_701 : i32
      %ne3A_703 = arith.xori %lt3A_700, %lt3A_702 : i1
      %and3A_704 = arith.andi %ne3A_703, %ne3A_698 : i1
      %add3A_705 = arith.addi %rem3A_696, %select_n3A_695 : i32
      %select_n3A_706 = arith.select %and3A_704, %add3A_705, %rem3A_696 : i32
      %jit3A_707 = arith.constant 8 : i32
      %div3A_708 = arith.divsi %select_n3A_706, %jit3A_707 : i32
      %sign3A_709 = arith.constant 0 : i32
      %sign3A_710 = arith.cmpi sgt, %select_n3A_706, %sign3A_709 : i32
      %sign3A_711 = arith.extui %sign3A_710 : i1 to i32
      %sign3A_712 = arith.constant 0 : i32
      %sign3A_713 = arith.cmpi slt, %select_n3A_706, %sign3A_712 : i32
      %sign3A_714 = arith.extui %sign3A_713 : i1 to i32
      %sign3A_715 = arith.subi %sign3A_711, %sign3A_714 : i32
      %sign3A_716 = arith.constant 0 : i32
      %sign3A_717 = arith.cmpi sgt, %jit3A_707, %sign3A_716 : i32
      %sign3A_718 = arith.extui %sign3A_717 : i1 to i32
      %sign3A_719 = arith.constant 0 : i32
      %sign3A_720 = arith.cmpi slt, %jit3A_707, %sign3A_719 : i32
      %sign3A_721 = arith.extui %sign3A_720 : i1 to i32
      %sign3A_722 = arith.subi %sign3A_718, %sign3A_721 : i32
      %ne3A_723 = arith.cmpi ne, %sign3A_715, %sign3A_722 : i32
      %rem3A_724 = arith.remsi %select_n3A_706, %jit3A_707 : i32
      %ne3A_725 = arith.constant 0 : i32
      %ne3A_726 = arith.cmpi ne, %rem3A_724, %ne3A_725 : i32
      %and3A_727 = arith.andi %ne3A_723, %ne3A_726 : i1
      %sub3A_728 = arith.constant 1 : i32
      %sub3A_729 = arith.subi %div3A_708, %sub3A_728 : i32
      %select_n3A_730 = arith.select %and3A_727, %sub3A_729, %div3A_708 : i32
      %jit3A_731 = arith.constant 8 : i32
      %eq3A_732 = arith.constant 0 : i32
      %eq3A_733 = arith.cmpi eq, %jit3A_731, %eq3A_732 : i32
      %jit3A_734 = arith.constant 1 : i32
      %select_n3A_735 = arith.select %eq3A_733, %jit3A_734, %jit3A_731 : i32
      %rem3A_736 = arith.remsi %select_n3A_706, %select_n3A_735 : i32
      %ne3A_737 = arith.constant 0 : i32
      %ne3A_738 = arith.cmpi ne, %rem3A_736, %ne3A_737 : i32
      %lt3A_739 = arith.constant 0 : i32
      %lt3A_740 = arith.cmpi slt, %rem3A_736, %lt3A_739 : i32
      %lt3A_741 = arith.constant 0 : i32
      %lt3A_742 = arith.cmpi slt, %select_n3A_735, %lt3A_741 : i32
      %ne3A_743 = arith.xori %lt3A_740, %lt3A_742 : i1
      %and3A_744 = arith.andi %ne3A_743, %ne3A_738 : i1
      %add3A_745 = arith.addi %rem3A_736, %select_n3A_735 : i32
      %select_n3A_746 = arith.select %and3A_744, %add3A_745, %rem3A_736 : i32
      %mul3A_747 = arith.constant 16 : i32
      %mul3A_748 = arith.muli %select_n3A_746, %mul3A_747 : i32
      %get3A_749 = arith.index_cast %select_n3A_690 : i32 to index
      %get3A_750 = arith.index_cast %select_n3A_730 : i32 to index
      %get3A_751 = arith.index_cast %mul3A_748 : i32 to index
      %get3A_752 = tpu.vector_load %arg13[%get3A_749, %get3A_750, %get3A_751] {strides = array<i32>} : memref<32x4x128xi32, #tpu.memory_space<vmem>>, vector<16xi32>,
      %ge3A = arith.cmpi sge, %get3A_752, %broadcast_in_dim3A : vector<16xi32>
      %lt3A_753 = arith.cmpi slt, %get3A_752, %add3A_67 : vector<16xi32>
      %and3A_754 = arith.andi %ge3A, %lt3A_753 : vector<16xi1>
      %sub3A_755 = arith.subi %get3A_752, %broadcast_in_dim3A : vector<16xi32>
      tpu.vector_store_idx %arg14[%sub3A_755], %get3A_64 masked %and3A_754 : memref<3200xf32, #tpu.memory_space<vmem>>[vector<16xi32>], vector<16xf32>, vector<16xi1>
    }
    %scan3A_180 = arith.constant 46 : i32
    %dma_wait3A_181 = arith.constant 0 : i32
    %dma_wait3A_182 = tpu.memref_slice %arg7[%add3A_171, %dma_wait3A_181] : memref<100000x128xf32, #tpu.memory_space<hbm>> -> memref<136x128xf32, #tpu.memory_space<hbm>>
    %dma_wait3A_183 = arith.constant 0 : i32
    %dma_wait3A_184 = tpu.memref_slice %arg7[%add3A_171, %dma_wait3A_183] : memref<100000x128xf32, #tpu.memory_space<hbm>> -> memref<136x128xf32, #tpu.memory_space<hbm>>
    tpu.wait_dma2 semaphore(%arg19 : memref<!tpu.dma_semaphore, #tpu.memory_space<semaphore_mem>>) src(%arg11 : memref<136x128xf32, #tpu.memory_space<vmem>>) dst(%dma_wait3A_184 : memref<136x128xf32, #tpu.memory_space<hbm>>)
    %add3A_185 = arith.constant 816 : i32
    %add3A_186 = arith.addi %mul3A_4, %add3A_185 : i32
    %dma_start3A_187 = arith.constant 0 : i32
    %dma_start3A_188 = tpu.memref_slice %arg2[%add3A_186, %dma_start3A_187] : memref<100000x128xf32, #tpu.memory_space<hbm>> -> memref<136x128xf32, #tpu.memory_space<hbm>>
    %dma_start3A_189 = arith.constant 0 : i32
    %dma_start3A_190 = tpu.memref_slice %arg2[%add3A_186, %dma_start3A_189] : memref<100000x128xf32, #tpu.memory_space<hbm>> -> memref<136x128xf32, #tpu.memory_space<hbm>>
    tpu.enqueue_dma source(%dma_start3A_190 : memref<136x128xf32, #tpu.memory_space<hbm>>) target(%arg11 : memref<136x128xf32, #tpu.memory_space<vmem>>) target_semaphore(%arg17 : memref<!tpu.dma_semaphore, #tpu.memory_space<semaphore_mem>>)
    %dma_wait3A_191 = arith.constant 0 : i32
    %dma_wait3A_192 = tpu.memref_slice %arg2[%add3A_161, %dma_wait3A_191] : memref<100000x128xf32, #tpu.memory_space<hbm>> -> memref<136x128xf32, #tpu.memory_space<hbm>>
    %dma_wait3A_193 = arith.constant 0 : i32
    %dma_wait3A_194 = tpu.memref_slice %arg2[%add3A_161, %dma_wait3A_193] : memref<100000x128xf32, #tpu.memory_space<hbm>> -> memref<136x128xf32, #tpu.memory_space<hbm>>
    tpu.wait_dma2 semaphore(%arg18 : memref<!tpu.dma_semaphore, #tpu.memory_space<semaphore_mem>>) src(%dma_wait3A_194 : memref<136x128xf32, #tpu.memory_space<hbm>>) dst(%arg12 : memref<136x128xf32, #tpu.memory_space<vmem>>)
    %add3A_195 = arith.constant 680 : i32
    %add3A_196 = arith.addi %mul3A_4, %add3A_195 : i32
    %dma_start3A_197 = arith.constant 0 : i32
    %dma_start3A_198 = tpu.memref_slice %arg7[%add3A_196, %dma_start3A_197] : memref<100000x128xf32, #tpu.memory_space<hbm>> -> memref<136x128xf32, #tpu.memory_space<hbm>>
    %dma_start3A_199 = arith.constant 0 : i32
    %dma_start3A_200 = tpu.memref_slice %arg7[%add3A_196, %dma_start3A_199] : memref<100000x128xf32, #tpu.memory_space<hbm>> -> memref<136x128xf32, #tpu.memory_space<hbm>>
    tpu.enqueue_dma source(%arg12 : memref<136x128xf32, #tpu.memory_space<vmem>>) target(%dma_start3A_200 : memref<136x128xf32, #tpu.memory_space<hbm>>) target_semaphore(%arg20 : memref<!tpu.dma_semaphore, #tpu.memory_space<semaphore_mem>>)
    %scan3A_201 = arith.constant 0 : i32
    %scan3A_202 = arith.constant 46 : i32
    %scan3A_203 = arith.addi %scan3A_201, %scan3A_202 : i32
    %scan3A_204 = arith.constant 1 : i32
    scf.for %scan3A_668 = %scan3A_201 to %scan3A_203 step %scan3A_204  : i32 {
      %mul3A_669 = arith.constant 1 : i32
      %mul3A_670 = arith.muli %scan3A_668, %mul3A_669 : i32
      %add3A_671 = arith.constant 230 : i32
      %add3A_672 = arith.addi %add3A_671, %mul3A_670 : i32
      %jit3A_673 = arith.constant 32 : i32
      %div3A = arith.divsi %add3A_672, %jit3A_673 : i32
      %sign3A = arith.constant 0 : i32
      %sign3A_674 = arith.cmpi sgt, %add3A_672, %sign3A : i32
      %sign3A_675 = arith.extui %sign3A_674 : i1 to i32
      %sign3A_676 = arith.constant 0 : i32
      %sign3A_677 = arith.cmpi slt, %add3A_672, %sign3A_676 : i32
      %sign3A_678 = arith.extui %sign3A_677 : i1 to i32
      %sign3A_679 = arith.subi %sign3A_675, %sign3A_678 : i32
      %sign3A_680 = arith.constant 0 : i32
      %sign3A_681 = arith.cmpi sgt, %jit3A_673, %sign3A_680 : i32
      %sign3A_682 = arith.extui %sign3A_681 : i1 to i32
      %sign3A_683 = arith.constant 0 : i32
      %sign3A_684 = arith.cmpi slt, %jit3A_673, %sign3A_683 : i32
      %sign3A_685 = arith.extui %sign3A_684 : i1 to i32
      %sign3A_686 = arith.subi %sign3A_682, %sign3A_685 : i32
      %ne3A = arith.cmpi ne, %sign3A_679, %sign3A_686 : i32
      %rem3A = arith.remsi %add3A_672, %jit3A_673 : i32
      %ne3A_687 = arith.constant 0 : i32
      %ne3A_688 = arith.cmpi ne, %rem3A, %ne3A_687 : i32
      %and3A = arith.andi %ne3A, %ne3A_688 : i1
      %sub3A = arith.constant 1 : i32
      %sub3A_689 = arith.subi %div3A, %sub3A : i32
      %select_n3A_690 = arith.select %and3A, %sub3A_689, %div3A : i32
      %jit3A_691 = arith.constant 32 : i32
      %eq3A_692 = arith.constant 0 : i32
      %eq3A_693 = arith.cmpi eq, %jit3A_691, %eq3A_692 : i32
      %jit3A_694 = arith.constant 1 : i32
      %select_n3A_695 = arith.select %eq3A_693, %jit3A_694, %jit3A_691 : i32
      %rem3A_696 = arith.remsi %add3A_672, %select_n3A_695 : i32
      %ne3A_697 = arith.constant 0 : i32
      %ne3A_698 = arith.cmpi ne, %rem3A_696, %ne3A_697 : i32
      %lt3A_699 = arith.constant 0 : i32
      %lt3A_700 = arith.cmpi slt, %rem3A_696, %lt3A_699 : i32
      %lt3A_701 = arith.constant 0 : i32
      %lt3A_702 = arith.cmpi slt, %select_n3A_695, %lt3A_701 : i32
      %ne3A_703 = arith.xori %lt3A_700, %lt3A_702 : i1
      %and3A_704 = arith.andi %ne3A_703, %ne3A_698 : i1
      %add3A_705 = arith.addi %rem3A_696, %select_n3A_695 : i32
      %select_n3A_706 = arith.select %and3A_704, %add3A_705, %rem3A_696 : i32
      %jit3A_707 = arith.constant 8 : i32
      %div3A_708 = arith.divsi %select_n3A_706, %jit3A_707 : i32
      %sign3A_709 = arith.constant 0 : i32
      %sign3A_710 = arith.cmpi sgt, %select_n3A_706, %sign3A_709 : i32
      %sign3A_711 = arith.extui %sign3A_710 : i1 to i32
      %sign3A_712 = arith.constant 0 : i32
      %sign3A_713 = arith.cmpi slt, %select_n3A_706, %sign3A_712 : i32
      %sign3A_714 = arith.extui %sign3A_713 : i1 to i32
      %sign3A_715 = arith.subi %sign3A_711, %sign3A_714 : i32
      %sign3A_716 = arith.constant 0 : i32
      %sign3A_717 = arith.cmpi sgt, %jit3A_707, %sign3A_716 : i32
      %sign3A_718 = arith.extui %sign3A_717 : i1 to i32
      %sign3A_719 = arith.constant 0 : i32
      %sign3A_720 = arith.cmpi slt, %jit3A_707, %sign3A_719 : i32
      %sign3A_721 = arith.extui %sign3A_720 : i1 to i32
      %sign3A_722 = arith.subi %sign3A_718, %sign3A_721 : i32
      %ne3A_723 = arith.cmpi ne, %sign3A_715, %sign3A_722 : i32
      %rem3A_724 = arith.remsi %select_n3A_706, %jit3A_707 : i32
      %ne3A_725 = arith.constant 0 : i32
      %ne3A_726 = arith.cmpi ne, %rem3A_724, %ne3A_725 : i32
      %and3A_727 = arith.andi %ne3A_723, %ne3A_726 : i1
      %sub3A_728 = arith.constant 1 : i32
      %sub3A_729 = arith.subi %div3A_708, %sub3A_728 : i32
      %select_n3A_730 = arith.select %and3A_727, %sub3A_729, %div3A_708 : i32
      %jit3A_731 = arith.constant 8 : i32
      %eq3A_732 = arith.constant 0 : i32
      %eq3A_733 = arith.cmpi eq, %jit3A_731, %eq3A_732 : i32
      %jit3A_734 = arith.constant 1 : i32
      %select_n3A_735 = arith.select %eq3A_733, %jit3A_734, %jit3A_731 : i32
      %rem3A_736 = arith.remsi %select_n3A_706, %select_n3A_735 : i32
      %ne3A_737 = arith.constant 0 : i32
      %ne3A_738 = arith.cmpi ne, %rem3A_736, %ne3A_737 : i32
      %lt3A_739 = arith.constant 0 : i32
      %lt3A_740 = arith.cmpi slt, %rem3A_736, %lt3A_739 : i32
      %lt3A_741 = arith.constant 0 : i32
      %lt3A_742 = arith.cmpi slt, %select_n3A_735, %lt3A_741 : i32
      %ne3A_743 = arith.xori %lt3A_740, %lt3A_742 : i1
      %and3A_744 = arith.andi %ne3A_743, %ne3A_738 : i1
      %add3A_745 = arith.addi %rem3A_736, %select_n3A_735 : i32
      %select_n3A_746 = arith.select %and3A_744, %add3A_745, %rem3A_736 : i32
      %mul3A_747 = arith.constant 16 : i32
      %mul3A_748 = arith.muli %select_n3A_746, %mul3A_747 : i32
      %get3A_749 = arith.index_cast %select_n3A_690 : i32 to index
      %get3A_750 = arith.index_cast %select_n3A_730 : i32 to index
      %get3A_751 = arith.index_cast %mul3A_748 : i32 to index
      %get3A_752 = tpu.vector_load %arg13[%get3A_749, %get3A_750, %get3A_751] {strides = array<i32>} : memref<32x4x128xi32, #tpu.memory_space<vmem>>, vector<16xi32>,
      %ge3A = arith.cmpi sge, %get3A_752, %broadcast_in_dim3A : vector<16xi32>
      %lt3A_753 = arith.cmpi slt, %get3A_752, %add3A_67 : vector<16xi32>
      %and3A_754 = arith.andi %ge3A, %lt3A_753 : vector<16xi1>
      %sub3A_755 = arith.subi %get3A_752, %broadcast_in_dim3A : vector<16xi32>
      tpu.vector_store_idx %arg14[%sub3A_755], %get3A_64 masked %and3A_754 : memref<3200xf32, #tpu.memory_space<vmem>>[vector<16xi32>], vector<16xf32>, vector<16xi1>
    }
    %scan3A_205 = arith.constant 46 : i32
    %dma_wait3A_206 = arith.constant 0 : i32
    %dma_wait3A_207 = tpu.memref_slice %arg7[%add3A_196, %dma_wait3A_206] : memref<100000x128xf32, #tpu.memory_space<hbm>> -> memref<136x128xf32, #tpu.memory_space<hbm>>
    %dma_wait3A_208 = arith.constant 0 : i32
    %dma_wait3A_209 = tpu.memref_slice %arg7[%add3A_196, %dma_wait3A_208] : memref<100000x128xf32, #tpu.memory_space<hbm>> -> memref<136x128xf32, #tpu.memory_space<hbm>>
    tpu.wait_dma2 semaphore(%arg20 : memref<!tpu.dma_semaphore, #tpu.memory_space<semaphore_mem>>) src(%arg12 : memref<136x128xf32, #tpu.memory_space<vmem>>) dst(%dma_wait3A_209 : memref<136x128xf32, #tpu.memory_space<hbm>>)
    %add3A_210 = arith.constant 952 : i32
    %add3A_211 = arith.addi %mul3A_4, %add3A_210 : i32
    %dma_start3A_212 = arith.constant 0 : i32
    %dma_start3A_213 = tpu.memref_slice %arg2[%add3A_211, %dma_start3A_212] : memref<100000x128xf32, #tpu.memory_space<hbm>> -> memref<136x128xf32, #tpu.memory_space<hbm>>
    %dma_start3A_214 = arith.constant 0 : i32
    %dma_start3A_215 = tpu.memref_slice %arg2[%add3A_211, %dma_start3A_214] : memref<100000x128xf32, #tpu.memory_space<hbm>> -> memref<136x128xf32, #tpu.memory_space<hbm>>
    tpu.enqueue_dma source(%dma_start3A_215 : memref<136x128xf32, #tpu.memory_space<hbm>>) target(%arg12 : memref<136x128xf32, #tpu.memory_space<vmem>>) target_semaphore(%arg18 : memref<!tpu.dma_semaphore, #tpu.memory_space<semaphore_mem>>)
    %dma_wait3A_216 = arith.constant 0 : i32
    %dma_wait3A_217 = tpu.memref_slice %arg2[%add3A_186, %dma_wait3A_216] : memref<100000x128xf32, #tpu.memory_space<hbm>> -> memref<136x128xf32, #tpu.memory_space<hbm>>
    %dma_wait3A_218 = arith.constant 0 : i32
    %dma_wait3A_219 = tpu.memref_slice %arg2[%add3A_186, %dma_wait3A_218] : memref<100000x128xf32, #tpu.memory_space<hbm>> -> memref<136x128xf32, #tpu.memory_space<hbm>>
    tpu.wait_dma2 semaphore(%arg17 : memref<!tpu.dma_semaphore, #tpu.memory_space<semaphore_mem>>) src(%dma_wait3A_219 : memref<136x128xf32, #tpu.memory_space<hbm>>) dst(%arg11 : memref<136x128xf32, #tpu.memory_space<vmem>>)
    %add3A_220 = arith.constant 816 : i32
    %add3A_221 = arith.addi %mul3A_4, %add3A_220 : i32
    %dma_start3A_222 = arith.constant 0 : i32
    %dma_start3A_223 = tpu.memref_slice %arg7[%add3A_221, %dma_start3A_222] : memref<100000x128xf32, #tpu.memory_space<hbm>> -> memref<136x128xf32, #tpu.memory_space<hbm>>
    %dma_start3A_224 = arith.constant 0 : i32
    %dma_start3A_225 = tpu.memref_slice %arg7[%add3A_221, %dma_start3A_224] : memref<100000x128xf32, #tpu.memory_space<hbm>> -> memref<136x128xf32, #tpu.memory_space<hbm>>
    tpu.enqueue_dma source(%arg11 : memref<136x128xf32, #tpu.memory_space<vmem>>) target(%dma_start3A_225 : memref<136x128xf32, #tpu.memory_space<hbm>>) target_semaphore(%arg19 : memref<!tpu.dma_semaphore, #tpu.memory_space<semaphore_mem>>)
    %scan3A_226 = arith.constant 0 : i32
    %scan3A_227 = arith.constant 46 : i32
    %scan3A_228 = arith.addi %scan3A_226, %scan3A_227 : i32
    %scan3A_229 = arith.constant 1 : i32
    scf.for %scan3A_668 = %scan3A_226 to %scan3A_228 step %scan3A_229  : i32 {
      %mul3A_669 = arith.constant 1 : i32
      %mul3A_670 = arith.muli %scan3A_668, %mul3A_669 : i32
      %add3A_671 = arith.constant 276 : i32
      %add3A_672 = arith.addi %add3A_671, %mul3A_670 : i32
      %jit3A_673 = arith.constant 32 : i32
      %div3A = arith.divsi %add3A_672, %jit3A_673 : i32
      %sign3A = arith.constant 0 : i32
      %sign3A_674 = arith.cmpi sgt, %add3A_672, %sign3A : i32
      %sign3A_675 = arith.extui %sign3A_674 : i1 to i32
      %sign3A_676 = arith.constant 0 : i32
      %sign3A_677 = arith.cmpi slt, %add3A_672, %sign3A_676 : i32
      %sign3A_678 = arith.extui %sign3A_677 : i1 to i32
      %sign3A_679 = arith.subi %sign3A_675, %sign3A_678 : i32
      %sign3A_680 = arith.constant 0 : i32
      %sign3A_681 = arith.cmpi sgt, %jit3A_673, %sign3A_680 : i32
      %sign3A_682 = arith.extui %sign3A_681 : i1 to i32
      %sign3A_683 = arith.constant 0 : i32
      %sign3A_684 = arith.cmpi slt, %jit3A_673, %sign3A_683 : i32
      %sign3A_685 = arith.extui %sign3A_684 : i1 to i32
      %sign3A_686 = arith.subi %sign3A_682, %sign3A_685 : i32
      %ne3A = arith.cmpi ne, %sign3A_679, %sign3A_686 : i32
      %rem3A = arith.remsi %add3A_672, %jit3A_673 : i32
      %ne3A_687 = arith.constant 0 : i32
      %ne3A_688 = arith.cmpi ne, %rem3A, %ne3A_687 : i32
      %and3A = arith.andi %ne3A, %ne3A_688 : i1
      %sub3A = arith.constant 1 : i32
      %sub3A_689 = arith.subi %div3A, %sub3A : i32
      %select_n3A_690 = arith.select %and3A, %sub3A_689, %div3A : i32
      %jit3A_691 = arith.constant 32 : i32
      %eq3A_692 = arith.constant 0 : i32
      %eq3A_693 = arith.cmpi eq, %jit3A_691, %eq3A_692 : i32
      %jit3A_694 = arith.constant 1 : i32
      %select_n3A_695 = arith.select %eq3A_693, %jit3A_694, %jit3A_691 : i32
      %rem3A_696 = arith.remsi %add3A_672, %select_n3A_695 : i32
      %ne3A_697 = arith.constant 0 : i32
      %ne3A_698 = arith.cmpi ne, %rem3A_696, %ne3A_697 : i32
      %lt3A_699 = arith.constant 0 : i32
      %lt3A_700 = arith.cmpi slt, %rem3A_696, %lt3A_699 : i32
      %lt3A_701 = arith.constant 0 : i32
      %lt3A_702 = arith.cmpi slt, %select_n3A_695, %lt3A_701 : i32
      %ne3A_703 = arith.xori %lt3A_700, %lt3A_702 : i1
      %and3A_704 = arith.andi %ne3A_703, %ne3A_698 : i1
      %add3A_705 = arith.addi %rem3A_696, %select_n3A_695 : i32
      %select_n3A_706 = arith.select %and3A_704, %add3A_705, %rem3A_696 : i32
      %jit3A_707 = arith.constant 8 : i32
      %div3A_708 = arith.divsi %select_n3A_706, %jit3A_707 : i32
      %sign3A_709 = arith.constant 0 : i32
      %sign3A_710 = arith.cmpi sgt, %select_n3A_706, %sign3A_709 : i32
      %sign3A_711 = arith.extui %sign3A_710 : i1 to i32
      %sign3A_712 = arith.constant 0 : i32
      %sign3A_713 = arith.cmpi slt, %select_n3A_706, %sign3A_712 : i32
      %sign3A_714 = arith.extui %sign3A_713 : i1 to i32
      %sign3A_715 = arith.subi %sign3A_711, %sign3A_714 : i32
      %sign3A_716 = arith.constant 0 : i32
      %sign3A_717 = arith.cmpi sgt, %jit3A_707, %sign3A_716 : i32
      %sign3A_718 = arith.extui %sign3A_717 : i1 to i32
      %sign3A_719 = arith.constant 0 : i32
      %sign3A_720 = arith.cmpi slt, %jit3A_707, %sign3A_719 : i32
      %sign3A_721 = arith.extui %sign3A_720 : i1 to i32
      %sign3A_722 = arith.subi %sign3A_718, %sign3A_721 : i32
      %ne3A_723 = arith.cmpi ne, %sign3A_715, %sign3A_722 : i32
      %rem3A_724 = arith.remsi %select_n3A_706, %jit3A_707 : i32
      %ne3A_725 = arith.constant 0 : i32
      %ne3A_726 = arith.cmpi ne, %rem3A_724, %ne3A_725 : i32
      %and3A_727 = arith.andi %ne3A_723, %ne3A_726 : i1
      %sub3A_728 = arith.constant 1 : i32
      %sub3A_729 = arith.subi %div3A_708, %sub3A_728 : i32
      %select_n3A_730 = arith.select %and3A_727, %sub3A_729, %div3A_708 : i32
      %jit3A_731 = arith.constant 8 : i32
      %eq3A_732 = arith.constant 0 : i32
      %eq3A_733 = arith.cmpi eq, %jit3A_731, %eq3A_732 : i32
      %jit3A_734 = arith.constant 1 : i32
      %select_n3A_735 = arith.select %eq3A_733, %jit3A_734, %jit3A_731 : i32
      %rem3A_736 = arith.remsi %select_n3A_706, %select_n3A_735 : i32
      %ne3A_737 = arith.constant 0 : i32
      %ne3A_738 = arith.cmpi ne, %rem3A_736, %ne3A_737 : i32
      %lt3A_739 = arith.constant 0 : i32
      %lt3A_740 = arith.cmpi slt, %rem3A_736, %lt3A_739 : i32
      %lt3A_741 = arith.constant 0 : i32
      %lt3A_742 = arith.cmpi slt, %select_n3A_735, %lt3A_741 : i32
      %ne3A_743 = arith.xori %lt3A_740, %lt3A_742 : i1
      %and3A_744 = arith.andi %ne3A_743, %ne3A_738 : i1
      %add3A_745 = arith.addi %rem3A_736, %select_n3A_735 : i32
      %select_n3A_746 = arith.select %and3A_744, %add3A_745, %rem3A_736 : i32
      %mul3A_747 = arith.constant 16 : i32
      %mul3A_748 = arith.muli %select_n3A_746, %mul3A_747 : i32
      %get3A_749 = arith.index_cast %select_n3A_690 : i32 to index
      %get3A_750 = arith.index_cast %select_n3A_730 : i32 to index
      %get3A_751 = arith.index_cast %mul3A_748 : i32 to index
      %get3A_752 = tpu.vector_load %arg13[%get3A_749, %get3A_750, %get3A_751] {strides = array<i32>} : memref<32x4x128xi32, #tpu.memory_space<vmem>>, vector<16xi32>,
      %ge3A = arith.cmpi sge, %get3A_752, %broadcast_in_dim3A : vector<16xi32>
      %lt3A_753 = arith.cmpi slt, %get3A_752, %add3A_67 : vector<16xi32>
      %and3A_754 = arith.andi %ge3A, %lt3A_753 : vector<16xi1>
      %sub3A_755 = arith.subi %get3A_752, %broadcast_in_dim3A : vector<16xi32>
      tpu.vector_store_idx %arg14[%sub3A_755], %get3A_64 masked %and3A_754 : memref<3200xf32, #tpu.memory_space<vmem>>[vector<16xi32>], vector<16xf32>, vector<16xi1>
    }
    %scan3A_230 = arith.constant 46 : i32
    %dma_wait3A_231 = arith.constant 0 : i32
    %dma_wait3A_232 = tpu.memref_slice %arg7[%add3A_221, %dma_wait3A_231] : memref<100000x128xf32, #tpu.memory_space<hbm>> -> memref<136x128xf32, #tpu.memory_space<hbm>>
    %dma_wait3A_233 = arith.constant 0 : i32
    %dma_wait3A_234 = tpu.memref_slice %arg7[%add3A_221, %dma_wait3A_233] : memref<100000x128xf32, #tpu.memory_space<hbm>> -> memref<136x128xf32, #tpu.memory_space<hbm>>
    tpu.wait_dma2 semaphore(%arg19 : memref<!tpu.dma_semaphore, #tpu.memory_space<semaphore_mem>>) src(%arg11 : memref<136x128xf32, #tpu.memory_space<vmem>>) dst(%dma_wait3A_234 : memref<136x128xf32, #tpu.memory_space<hbm>>)
    %add3A_235 = arith.constant 1088 : i32
    %add3A_236 = arith.addi %mul3A_4, %add3A_235 : i32
    %dma_start3A_237 = arith.constant 0 : i32
    %dma_start3A_238 = tpu.memref_slice %arg2[%add3A_236, %dma_start3A_237] : memref<100000x128xf32, #tpu.memory_space<hbm>> -> memref<136x128xf32, #tpu.memory_space<hbm>>
    %dma_start3A_239 = arith.constant 0 : i32
    %dma_start3A_240 = tpu.memref_slice %arg2[%add3A_236, %dma_start3A_239] : memref<100000x128xf32, #tpu.memory_space<hbm>> -> memref<136x128xf32, #tpu.memory_space<hbm>>
    tpu.enqueue_dma source(%dma_start3A_240 : memref<136x128xf32, #tpu.memory_space<hbm>>) target(%arg11 : memref<136x128xf32, #tpu.memory_space<vmem>>) target_semaphore(%arg17 : memref<!tpu.dma_semaphore, #tpu.memory_space<semaphore_mem>>)
    %dma_wait3A_241 = arith.constant 0 : i32
    %dma_wait3A_242 = tpu.memref_slice %arg2[%add3A_211, %dma_wait3A_241] : memref<100000x128xf32, #tpu.memory_space<hbm>> -> memref<136x128xf32, #tpu.memory_space<hbm>>
    %dma_wait3A_243 = arith.constant 0 : i32
    %dma_wait3A_244 = tpu.memref_slice %arg2[%add3A_211, %dma_wait3A_243] : memref<100000x128xf32, #tpu.memory_space<hbm>> -> memref<136x128xf32, #tpu.memory_space<hbm>>
    tpu.wait_dma2 semaphore(%arg18 : memref<!tpu.dma_semaphore, #tpu.memory_space<semaphore_mem>>) src(%dma_wait3A_244 : memref<136x128xf32, #tpu.memory_space<hbm>>) dst(%arg12 : memref<136x128xf32, #tpu.memory_space<vmem>>)
    %add3A_245 = arith.constant 952 : i32
    %add3A_246 = arith.addi %mul3A_4, %add3A_245 : i32
    %dma_start3A_247 = arith.constant 0 : i32
    %dma_start3A_248 = tpu.memref_slice %arg7[%add3A_246, %dma_start3A_247] : memref<100000x128xf32, #tpu.memory_space<hbm>> -> memref<136x128xf32, #tpu.memory_space<hbm>>
    %dma_start3A_249 = arith.constant 0 : i32
    %dma_start3A_250 = tpu.memref_slice %arg7[%add3A_246, %dma_start3A_249] : memref<100000x128xf32, #tpu.memory_space<hbm>> -> memref<136x128xf32, #tpu.memory_space<hbm>>
    tpu.enqueue_dma source(%arg12 : memref<136x128xf32, #tpu.memory_space<vmem>>) target(%dma_start3A_250 : memref<136x128xf32, #tpu.memory_space<hbm>>) target_semaphore(%arg20 : memref<!tpu.dma_semaphore, #tpu.memory_space<semaphore_mem>>)
    %scan3A_251 = arith.constant 0 : i32
    %scan3A_252 = arith.constant 46 : i32
    %scan3A_253 = arith.addi %scan3A_251, %scan3A_252 : i32
    %scan3A_254 = arith.constant 1 : i32
    scf.for %scan3A_668 = %scan3A_251 to %scan3A_253 step %scan3A_254  : i32 {
      %mul3A_669 = arith.constant 1 : i32
      %mul3A_670 = arith.muli %scan3A_668, %mul3A_669 : i32
      %add3A_671 = arith.constant 322 : i32
      %add3A_672 = arith.addi %add3A_671, %mul3A_670 : i32
      %jit3A_673 = arith.constant 32 : i32
      %div3A = arith.divsi %add3A_672, %jit3A_673 : i32
      %sign3A = arith.constant 0 : i32
      %sign3A_674 = arith.cmpi sgt, %add3A_672, %sign3A : i32
      %sign3A_675 = arith.extui %sign3A_674 : i1 to i32
      %sign3A_676 = arith.constant 0 : i32
      %sign3A_677 = arith.cmpi slt, %add3A_672, %sign3A_676 : i32
      %sign3A_678 = arith.extui %sign3A_677 : i1 to i32
      %sign3A_679 = arith.subi %sign3A_675, %sign3A_678 : i32
      %sign3A_680 = arith.constant 0 : i32
      %sign3A_681 = arith.cmpi sgt, %jit3A_673, %sign3A_680 : i32
      %sign3A_682 = arith.extui %sign3A_681 : i1 to i32
      %sign3A_683 = arith.constant 0 : i32
      %sign3A_684 = arith.cmpi slt, %jit3A_673, %sign3A_683 : i32
      %sign3A_685 = arith.extui %sign3A_684 : i1 to i32
      %sign3A_686 = arith.subi %sign3A_682, %sign3A_685 : i32
      %ne3A = arith.cmpi ne, %sign3A_679, %sign3A_686 : i32
      %rem3A = arith.remsi %add3A_672, %jit3A_673 : i32
      %ne3A_687 = arith.constant 0 : i32
      %ne3A_688 = arith.cmpi ne, %rem3A, %ne3A_687 : i32
      %and3A = arith.andi %ne3A, %ne3A_688 : i1
      %sub3A = arith.constant 1 : i32
      %sub3A_689 = arith.subi %div3A, %sub3A : i32
      %select_n3A_690 = arith.select %and3A, %sub3A_689, %div3A : i32
      %jit3A_691 = arith.constant 32 : i32
      %eq3A_692 = arith.constant 0 : i32
      %eq3A_693 = arith.cmpi eq, %jit3A_691, %eq3A_692 : i32
      %jit3A_694 = arith.constant 1 : i32
      %select_n3A_695 = arith.select %eq3A_693, %jit3A_694, %jit3A_691 : i32
      %rem3A_696 = arith.remsi %add3A_672, %select_n3A_695 : i32
      %ne3A_697 = arith.constant 0 : i32
      %ne3A_698 = arith.cmpi ne, %rem3A_696, %ne3A_697 : i32
      %lt3A_699 = arith.constant 0 : i32
      %lt3A_700 = arith.cmpi slt, %rem3A_696, %lt3A_699 : i32
      %lt3A_701 = arith.constant 0 : i32
      %lt3A_702 = arith.cmpi slt, %select_n3A_695, %lt3A_701 : i32
      %ne3A_703 = arith.xori %lt3A_700, %lt3A_702 : i1
      %and3A_704 = arith.andi %ne3A_703, %ne3A_698 : i1
      %add3A_705 = arith.addi %rem3A_696, %select_n3A_695 : i32
      %select_n3A_706 = arith.select %and3A_704, %add3A_705, %rem3A_696 : i32
      %jit3A_707 = arith.constant 8 : i32
      %div3A_708 = arith.divsi %select_n3A_706, %jit3A_707 : i32
      %sign3A_709 = arith.constant 0 : i32
      %sign3A_710 = arith.cmpi sgt, %select_n3A_706, %sign3A_709 : i32
      %sign3A_711 = arith.extui %sign3A_710 : i1 to i32
      %sign3A_712 = arith.constant 0 : i32
      %sign3A_713 = arith.cmpi slt, %select_n3A_706, %sign3A_712 : i32
      %sign3A_714 = arith.extui %sign3A_713 : i1 to i32
      %sign3A_715 = arith.subi %sign3A_711, %sign3A_714 : i32
      %sign3A_716 = arith.constant 0 : i32
      %sign3A_717 = arith.cmpi sgt, %jit3A_707, %sign3A_716 : i32
      %sign3A_718 = arith.extui %sign3A_717 : i1 to i32
      %sign3A_719 = arith.constant 0 : i32
      %sign3A_720 = arith.cmpi slt, %jit3A_707, %sign3A_719 : i32
      %sign3A_721 = arith.extui %sign3A_720 : i1 to i32
      %sign3A_722 = arith.subi %sign3A_718, %sign3A_721 : i32
      %ne3A_723 = arith.cmpi ne, %sign3A_715, %sign3A_722 : i32
      %rem3A_724 = arith.remsi %select_n3A_706, %jit3A_707 : i32
      %ne3A_725 = arith.constant 0 : i32
      %ne3A_726 = arith.cmpi ne, %rem3A_724, %ne3A_725 : i32
      %and3A_727 = arith.andi %ne3A_723, %ne3A_726 : i1
      %sub3A_728 = arith.constant 1 : i32
      %sub3A_729 = arith.subi %div3A_708, %sub3A_728 : i32
      %select_n3A_730 = arith.select %and3A_727, %sub3A_729, %div3A_708 : i32
      %jit3A_731 = arith.constant 8 : i32
      %eq3A_732 = arith.constant 0 : i32
      %eq3A_733 = arith.cmpi eq, %jit3A_731, %eq3A_732 : i32
      %jit3A_734 = arith.constant 1 : i32
      %select_n3A_735 = arith.select %eq3A_733, %jit3A_734, %jit3A_731 : i32
      %rem3A_736 = arith.remsi %select_n3A_706, %select_n3A_735 : i32
      %ne3A_737 = arith.constant 0 : i32
      %ne3A_738 = arith.cmpi ne, %rem3A_736, %ne3A_737 : i32
      %lt3A_739 = arith.constant 0 : i32
      %lt3A_740 = arith.cmpi slt, %rem3A_736, %lt3A_739 : i32
      %lt3A_741 = arith.constant 0 : i32
      %lt3A_742 = arith.cmpi slt, %select_n3A_735, %lt3A_741 : i32
      %ne3A_743 = arith.xori %lt3A_740, %lt3A_742 : i1
      %and3A_744 = arith.andi %ne3A_743, %ne3A_738 : i1
      %add3A_745 = arith.addi %rem3A_736, %select_n3A_735 : i32
      %select_n3A_746 = arith.select %and3A_744, %add3A_745, %rem3A_736 : i32
      %mul3A_747 = arith.constant 16 : i32
      %mul3A_748 = arith.muli %select_n3A_746, %mul3A_747 : i32
      %get3A_749 = arith.index_cast %select_n3A_690 : i32 to index
      %get3A_750 = arith.index_cast %select_n3A_730 : i32 to index
      %get3A_751 = arith.index_cast %mul3A_748 : i32 to index
      %get3A_752 = tpu.vector_load %arg13[%get3A_749, %get3A_750, %get3A_751] {strides = array<i32>} : memref<32x4x128xi32, #tpu.memory_space<vmem>>, vector<16xi32>,
      %ge3A = arith.cmpi sge, %get3A_752, %broadcast_in_dim3A : vector<16xi32>
      %lt3A_753 = arith.cmpi slt, %get3A_752, %add3A_67 : vector<16xi32>
      %and3A_754 = arith.andi %ge3A, %lt3A_753 : vector<16xi1>
      %sub3A_755 = arith.subi %get3A_752, %broadcast_in_dim3A : vector<16xi32>
      tpu.vector_store_idx %arg14[%sub3A_755], %get3A_64 masked %and3A_754 : memref<3200xf32, #tpu.memory_space<vmem>>[vector<16xi32>], vector<16xf32>, vector<16xi1>
    }
    %scan3A_255 = arith.constant 46 : i32
    %dma_wait3A_256 = arith.constant 0 : i32
    %dma_wait3A_257 = tpu.memref_slice %arg7[%add3A_246, %dma_wait3A_256] : memref<100000x128xf32, #tpu.memory_space<hbm>> -> memref<136x128xf32, #tpu.memory_space<hbm>>
    %dma_wait3A_258 = arith.constant 0 : i32
    %dma_wait3A_259 = tpu.memref_slice %arg7[%add3A_246, %dma_wait3A_258] : memref<100000x128xf32, #tpu.memory_space<hbm>> -> memref<136x128xf32, #tpu.memory_space<hbm>>
    tpu.wait_dma2 semaphore(%arg20 : memref<!tpu.dma_semaphore, #tpu.memory_space<semaphore_mem>>) src(%arg12 : memref<136x128xf32, #tpu.memory_space<vmem>>) dst(%dma_wait3A_259 : memref<136x128xf32, #tpu.memory_space<hbm>>)
    %add3A_260 = arith.constant 1224 : i32
    %add3A_261 = arith.addi %mul3A_4, %add3A_260 : i32
    %dma_start3A_262 = arith.constant 0 : i32
    %dma_start3A_263 = tpu.memref_slice %arg2[%add3A_261, %dma_start3A_262] : memref<100000x128xf32, #tpu.memory_space<hbm>> -> memref<136x128xf32, #tpu.memory_space<hbm>>
    %dma_start3A_264 = arith.constant 0 : i32
    %dma_start3A_265 = tpu.memref_slice %arg2[%add3A_261, %dma_start3A_264] : memref<100000x128xf32, #tpu.memory_space<hbm>> -> memref<136x128xf32, #tpu.memory_space<hbm>>
    tpu.enqueue_dma source(%dma_start3A_265 : memref<136x128xf32, #tpu.memory_space<hbm>>) target(%arg12 : memref<136x128xf32, #tpu.memory_space<vmem>>) target_semaphore(%arg18 : memref<!tpu.dma_semaphore, #tpu.memory_space<semaphore_mem>>)
    %dma_wait3A_266 = arith.constant 0 : i32
    %dma_wait3A_267 = tpu.memref_slice %arg2[%add3A_236, %dma_wait3A_266] : memref<100000x128xf32, #tpu.memory_space<hbm>> -> memref<136x128xf32, #tpu.memory_space<hbm>>
    %dma_wait3A_268 = arith.constant 0 : i32
    %dma_wait3A_269 = tpu.memref_slice %arg2[%add3A_236, %dma_wait3A_268] : memref<100000x128xf32, #tpu.memory_space<hbm>> -> memref<136x128xf32, #tpu.memory_space<hbm>>
    tpu.wait_dma2 semaphore(%arg17 : memref<!tpu.dma_semaphore, #tpu.memory_space<semaphore_mem>>) src(%dma_wait3A_269 : memref<136x128xf32, #tpu.memory_space<hbm>>) dst(%arg11 : memref<136x128xf32, #tpu.memory_space<vmem>>)
    %add3A_270 = arith.constant 1088 : i32
    %add3A_271 = arith.addi %mul3A_4, %add3A_270 : i32
    %dma_start3A_272 = arith.constant 0 : i32
    %dma_start3A_273 = tpu.memref_slice %arg7[%add3A_271, %dma_start3A_272] : memref<100000x128xf32, #tpu.memory_space<hbm>> -> memref<136x128xf32, #tpu.memory_space<hbm>>
    %dma_start3A_274 = arith.constant 0 : i32
    %dma_start3A_275 = tpu.memref_slice %arg7[%add3A_271, %dma_start3A_274] : memref<100000x128xf32, #tpu.memory_space<hbm>> -> memref<136x128xf32, #tpu.memory_space<hbm>>
    tpu.enqueue_dma source(%arg11 : memref<136x128xf32, #tpu.memory_space<vmem>>) target(%dma_start3A_275 : memref<136x128xf32, #tpu.memory_space<hbm>>) target_semaphore(%arg19 : memref<!tpu.dma_semaphore, #tpu.memory_space<semaphore_mem>>)
    %scan3A_276 = arith.constant 0 : i32
    %scan3A_277 = arith.constant 46 : i32
    %scan3A_278 = arith.addi %scan3A_276, %scan3A_277 : i32
    %scan3A_279 = arith.constant 1 : i32
    scf.for %scan3A_668 = %scan3A_276 to %scan3A_278 step %scan3A_279  : i32 {
      %mul3A_669 = arith.constant 1 : i32
      %mul3A_670 = arith.muli %scan3A_668, %mul3A_669 : i32
      %add3A_671 = arith.constant 368 : i32
      %add3A_672 = arith.addi %add3A_671, %mul3A_670 : i32
      %jit3A_673 = arith.constant 32 : i32
      %div3A = arith.divsi %add3A_672, %jit3A_673 : i32
      %sign3A = arith.constant 0 : i32
      %sign3A_674 = arith.cmpi sgt, %add3A_672, %sign3A : i32
      %sign3A_675 = arith.extui %sign3A_674 : i1 to i32
      %sign3A_676 = arith.constant 0 : i32
      %sign3A_677 = arith.cmpi slt, %add3A_672, %sign3A_676 : i32
      %sign3A_678 = arith.extui %sign3A_677 : i1 to i32
      %sign3A_679 = arith.subi %sign3A_675, %sign3A_678 : i32
      %sign3A_680 = arith.constant 0 : i32
      %sign3A_681 = arith.cmpi sgt, %jit3A_673, %sign3A_680 : i32
      %sign3A_682 = arith.extui %sign3A_681 : i1 to i32
      %sign3A_683 = arith.constant 0 : i32
      %sign3A_684 = arith.cmpi slt, %jit3A_673, %sign3A_683 : i32
      %sign3A_685 = arith.extui %sign3A_684 : i1 to i32
      %sign3A_686 = arith.subi %sign3A_682, %sign3A_685 : i32
      %ne3A = arith.cmpi ne, %sign3A_679, %sign3A_686 : i32
      %rem3A = arith.remsi %add3A_672, %jit3A_673 : i32
      %ne3A_687 = arith.constant 0 : i32
      %ne3A_688 = arith.cmpi ne, %rem3A, %ne3A_687 : i32
      %and3A = arith.andi %ne3A, %ne3A_688 : i1
      %sub3A = arith.constant 1 : i32
      %sub3A_689 = arith.subi %div3A, %sub3A : i32
      %select_n3A_690 = arith.select %and3A, %sub3A_689, %div3A : i32
      %jit3A_691 = arith.constant 32 : i32
      %eq3A_692 = arith.constant 0 : i32
      %eq3A_693 = arith.cmpi eq, %jit3A_691, %eq3A_692 : i32
      %jit3A_694 = arith.constant 1 : i32
      %select_n3A_695 = arith.select %eq3A_693, %jit3A_694, %jit3A_691 : i32
      %rem3A_696 = arith.remsi %add3A_672, %select_n3A_695 : i32
      %ne3A_697 = arith.constant 0 : i32
      %ne3A_698 = arith.cmpi ne, %rem3A_696, %ne3A_697 : i32
      %lt3A_699 = arith.constant 0 : i32
      %lt3A_700 = arith.cmpi slt, %rem3A_696, %lt3A_699 : i32
      %lt3A_701 = arith.constant 0 : i32
      %lt3A_702 = arith.cmpi slt, %select_n3A_695, %lt3A_701 : i32
      %ne3A_703 = arith.xori %lt3A_700, %lt3A_702 : i1
      %and3A_704 = arith.andi %ne3A_703, %ne3A_698 : i1
      %add3A_705 = arith.addi %rem3A_696, %select_n3A_695 : i32
      %select_n3A_706 = arith.select %and3A_704, %add3A_705, %rem3A_696 : i32
      %jit3A_707 = arith.constant 8 : i32
      %div3A_708 = arith.divsi %select_n3A_706, %jit3A_707 : i32
      %sign3A_709 = arith.constant 0 : i32
      %sign3A_710 = arith.cmpi sgt, %select_n3A_706, %sign3A_709 : i32
      %sign3A_711 = arith.extui %sign3A_710 : i1 to i32
      %sign3A_712 = arith.constant 0 : i32
      %sign3A_713 = arith.cmpi slt, %select_n3A_706, %sign3A_712 : i32
      %sign3A_714 = arith.extui %sign3A_713 : i1 to i32
      %sign3A_715 = arith.subi %sign3A_711, %sign3A_714 : i32
      %sign3A_716 = arith.constant 0 : i32
      %sign3A_717 = arith.cmpi sgt, %jit3A_707, %sign3A_716 : i32
      %sign3A_718 = arith.extui %sign3A_717 : i1 to i32
      %sign3A_719 = arith.constant 0 : i32
      %sign3A_720 = arith.cmpi slt, %jit3A_707, %sign3A_719 : i32
      %sign3A_721 = arith.extui %sign3A_720 : i1 to i32
      %sign3A_722 = arith.subi %sign3A_718, %sign3A_721 : i32
      %ne3A_723 = arith.cmpi ne, %sign3A_715, %sign3A_722 : i32
      %rem3A_724 = arith.remsi %select_n3A_706, %jit3A_707 : i32
      %ne3A_725 = arith.constant 0 : i32
      %ne3A_726 = arith.cmpi ne, %rem3A_724, %ne3A_725 : i32
      %and3A_727 = arith.andi %ne3A_723, %ne3A_726 : i1
      %sub3A_728 = arith.constant 1 : i32
      %sub3A_729 = arith.subi %div3A_708, %sub3A_728 : i32
      %select_n3A_730 = arith.select %and3A_727, %sub3A_729, %div3A_708 : i32
      %jit3A_731 = arith.constant 8 : i32
      %eq3A_732 = arith.constant 0 : i32
      %eq3A_733 = arith.cmpi eq, %jit3A_731, %eq3A_732 : i32
      %jit3A_734 = arith.constant 1 : i32
      %select_n3A_735 = arith.select %eq3A_733, %jit3A_734, %jit3A_731 : i32
      %rem3A_736 = arith.remsi %select_n3A_706, %select_n3A_735 : i32
      %ne3A_737 = arith.constant 0 : i32
      %ne3A_738 = arith.cmpi ne, %rem3A_736, %ne3A_737 : i32
      %lt3A_739 = arith.constant 0 : i32
      %lt3A_740 = arith.cmpi slt, %rem3A_736, %lt3A_739 : i32
      %lt3A_741 = arith.constant 0 : i32
      %lt3A_742 = arith.cmpi slt, %select_n3A_735, %lt3A_741 : i32
      %ne3A_743 = arith.xori %lt3A_740, %lt3A_742 : i1
      %and3A_744 = arith.andi %ne3A_743, %ne3A_738 : i1
      %add3A_745 = arith.addi %rem3A_736, %select_n3A_735 : i32
      %select_n3A_746 = arith.select %and3A_744, %add3A_745, %rem3A_736 : i32
      %mul3A_747 = arith.constant 16 : i32
      %mul3A_748 = arith.muli %select_n3A_746, %mul3A_747 : i32
      %get3A_749 = arith.index_cast %select_n3A_690 : i32 to index
      %get3A_750 = arith.index_cast %select_n3A_730 : i32 to index
      %get3A_751 = arith.index_cast %mul3A_748 : i32 to index
      %get3A_752 = tpu.vector_load %arg13[%get3A_749, %get3A_750, %get3A_751] {strides = array<i32>} : memref<32x4x128xi32, #tpu.memory_space<vmem>>, vector<16xi32>,
      %ge3A = arith.cmpi sge, %get3A_752, %broadcast_in_dim3A : vector<16xi32>
      %lt3A_753 = arith.cmpi slt, %get3A_752, %add3A_67 : vector<16xi32>
      %and3A_754 = arith.andi %ge3A, %lt3A_753 : vector<16xi1>
      %sub3A_755 = arith.subi %get3A_752, %broadcast_in_dim3A : vector<16xi32>
      tpu.vector_store_idx %arg14[%sub3A_755], %get3A_64 masked %and3A_754 : memref<3200xf32, #tpu.memory_space<vmem>>[vector<16xi32>], vector<16xf32>, vector<16xi1>
    }
    %scan3A_280 = arith.constant 46 : i32
    %dma_wait3A_281 = arith.constant 0 : i32
    %dma_wait3A_282 = tpu.memref_slice %arg7[%add3A_271, %dma_wait3A_281] : memref<100000x128xf32, #tpu.memory_space<hbm>> -> memref<136x128xf32, #tpu.memory_space<hbm>>
    %dma_wait3A_283 = arith.constant 0 : i32
    %dma_wait3A_284 = tpu.memref_slice %arg7[%add3A_271, %dma_wait3A_283] : memref<100000x128xf32, #tpu.memory_space<hbm>> -> memref<136x128xf32, #tpu.memory_space<hbm>>
    tpu.wait_dma2 semaphore(%arg19 : memref<!tpu.dma_semaphore, #tpu.memory_space<semaphore_mem>>) src(%arg11 : memref<136x128xf32, #tpu.memory_space<vmem>>) dst(%dma_wait3A_284 : memref<136x128xf32, #tpu.memory_space<hbm>>)
    %add3A_285 = arith.constant 1360 : i32
    %add3A_286 = arith.addi %mul3A_4, %add3A_285 : i32
    %dma_start3A_287 = arith.constant 0 : i32
    %dma_start3A_288 = tpu.memref_slice %arg2[%add3A_286, %dma_start3A_287] : memref<100000x128xf32, #tpu.memory_space<hbm>> -> memref<136x128xf32, #tpu.memory_space<hbm>>
    %dma_start3A_289 = arith.constant 0 : i32
    %dma_start3A_290 = tpu.memref_slice %arg2[%add3A_286, %dma_start3A_289] : memref<100000x128xf32, #tpu.memory_space<hbm>> -> memref<136x128xf32, #tpu.memory_space<hbm>>
    tpu.enqueue_dma source(%dma_start3A_290 : memref<136x128xf32, #tpu.memory_space<hbm>>) target(%arg11 : memref<136x128xf32, #tpu.memory_space<vmem>>) target_semaphore(%arg17 : memref<!tpu.dma_semaphore, #tpu.memory_space<semaphore_mem>>)
    %dma_wait3A_291 = arith.constant 0 : i32
    %dma_wait3A_292 = tpu.memref_slice %arg2[%add3A_261, %dma_wait3A_291] : memref<100000x128xf32, #tpu.memory_space<hbm>> -> memref<136x128xf32, #tpu.memory_space<hbm>>
    %dma_wait3A_293 = arith.constant 0 : i32
    %dma_wait3A_294 = tpu.memref_slice %arg2[%add3A_261, %dma_wait3A_293] : memref<100000x128xf32, #tpu.memory_space<hbm>> -> memref<136x128xf32, #tpu.memory_space<hbm>>
    tpu.wait_dma2 semaphore(%arg18 : memref<!tpu.dma_semaphore, #tpu.memory_space<semaphore_mem>>) src(%dma_wait3A_294 : memref<136x128xf32, #tpu.memory_space<hbm>>) dst(%arg12 : memref<136x128xf32, #tpu.memory_space<vmem>>)
    %add3A_295 = arith.constant 1224 : i32
    %add3A_296 = arith.addi %mul3A_4, %add3A_295 : i32
    %dma_start3A_297 = arith.constant 0 : i32
    %dma_start3A_298 = tpu.memref_slice %arg7[%add3A_296, %dma_start3A_297] : memref<100000x128xf32, #tpu.memory_space<hbm>> -> memref<136x128xf32, #tpu.memory_space<hbm>>
    %dma_start3A_299 = arith.constant 0 : i32
    %dma_start3A_300 = tpu.memref_slice %arg7[%add3A_296, %dma_start3A_299] : memref<100000x128xf32, #tpu.memory_space<hbm>> -> memref<136x128xf32, #tpu.memory_space<hbm>>
    tpu.enqueue_dma source(%arg12 : memref<136x128xf32, #tpu.memory_space<vmem>>) target(%dma_start3A_300 : memref<136x128xf32, #tpu.memory_space<hbm>>) target_semaphore(%arg20 : memref<!tpu.dma_semaphore, #tpu.memory_space<semaphore_mem>>)
    %scan3A_301 = arith.constant 0 : i32
    %scan3A_302 = arith.constant 46 : i32
    %scan3A_303 = arith.addi %scan3A_301, %scan3A_302 : i32
    %scan3A_304 = arith.constant 1 : i32
    scf.for %scan3A_668 = %scan3A_301 to %scan3A_303 step %scan3A_304  : i32 {
      %mul3A_669 = arith.constant 1 : i32
      %mul3A_670 = arith.muli %scan3A_668, %mul3A_669 : i32
      %add3A_671 = arith.constant 414 : i32
      %add3A_672 = arith.addi %add3A_671, %mul3A_670 : i32
      %jit3A_673 = arith.constant 32 : i32
      %div3A = arith.divsi %add3A_672, %jit3A_673 : i32
      %sign3A = arith.constant 0 : i32
      %sign3A_674 = arith.cmpi sgt, %add3A_672, %sign3A : i32
      %sign3A_675 = arith.extui %sign3A_674 : i1 to i32
      %sign3A_676 = arith.constant 0 : i32
      %sign3A_677 = arith.cmpi slt, %add3A_672, %sign3A_676 : i32
      %sign3A_678 = arith.extui %sign3A_677 : i1 to i32
      %sign3A_679 = arith.subi %sign3A_675, %sign3A_678 : i32
      %sign3A_680 = arith.constant 0 : i32
      %sign3A_681 = arith.cmpi sgt, %jit3A_673, %sign3A_680 : i32
      %sign3A_682 = arith.extui %sign3A_681 : i1 to i32
      %sign3A_683 = arith.constant 0 : i32
      %sign3A_684 = arith.cmpi slt, %jit3A_673, %sign3A_683 : i32
      %sign3A_685 = arith.extui %sign3A_684 : i1 to i32
      %sign3A_686 = arith.subi %sign3A_682, %sign3A_685 : i32
      %ne3A = arith.cmpi ne, %sign3A_679, %sign3A_686 : i32
      %rem3A = arith.remsi %add3A_672, %jit3A_673 : i32
      %ne3A_687 = arith.constant 0 : i32
      %ne3A_688 = arith.cmpi ne, %rem3A, %ne3A_687 : i32
      %and3A = arith.andi %ne3A, %ne3A_688 : i1
      %sub3A = arith.constant 1 : i32
      %sub3A_689 = arith.subi %div3A, %sub3A : i32
      %select_n3A_690 = arith.select %and3A, %sub3A_689, %div3A : i32
      %jit3A_691 = arith.constant 32 : i32
      %eq3A_692 = arith.constant 0 : i32
      %eq3A_693 = arith.cmpi eq, %jit3A_691, %eq3A_692 : i32
      %jit3A_694 = arith.constant 1 : i32
      %select_n3A_695 = arith.select %eq3A_693, %jit3A_694, %jit3A_691 : i32
      %rem3A_696 = arith.remsi %add3A_672, %select_n3A_695 : i32
      %ne3A_697 = arith.constant 0 : i32
      %ne3A_698 = arith.cmpi ne, %rem3A_696, %ne3A_697 : i32
      %lt3A_699 = arith.constant 0 : i32
      %lt3A_700 = arith.cmpi slt, %rem3A_696, %lt3A_699 : i32
      %lt3A_701 = arith.constant 0 : i32
      %lt3A_702 = arith.cmpi slt, %select_n3A_695, %lt3A_701 : i32
      %ne3A_703 = arith.xori %lt3A_700, %lt3A_702 : i1
      %and3A_704 = arith.andi %ne3A_703, %ne3A_698 : i1
      %add3A_705 = arith.addi %rem3A_696, %select_n3A_695 : i32
      %select_n3A_706 = arith.select %and3A_704, %add3A_705, %rem3A_696 : i32
      %jit3A_707 = arith.constant 8 : i32
      %div3A_708 = arith.divsi %select_n3A_706, %jit3A_707 : i32
      %sign3A_709 = arith.constant 0 : i32
      %sign3A_710 = arith.cmpi sgt, %select_n3A_706, %sign3A_709 : i32
      %sign3A_711 = arith.extui %sign3A_710 : i1 to i32
      %sign3A_712 = arith.constant 0 : i32
      %sign3A_713 = arith.cmpi slt, %select_n3A_706, %sign3A_712 : i32
      %sign3A_714 = arith.extui %sign3A_713 : i1 to i32
      %sign3A_715 = arith.subi %sign3A_711, %sign3A_714 : i32
      %sign3A_716 = arith.constant 0 : i32
      %sign3A_717 = arith.cmpi sgt, %jit3A_707, %sign3A_716 : i32
      %sign3A_718 = arith.extui %sign3A_717 : i1 to i32
      %sign3A_719 = arith.constant 0 : i32
      %sign3A_720 = arith.cmpi slt, %jit3A_707, %sign3A_719 : i32
      %sign3A_721 = arith.extui %sign3A_720 : i1 to i32
      %sign3A_722 = arith.subi %sign3A_718, %sign3A_721 : i32
      %ne3A_723 = arith.cmpi ne, %sign3A_715, %sign3A_722 : i32
      %rem3A_724 = arith.remsi %select_n3A_706, %jit3A_707 : i32
      %ne3A_725 = arith.constant 0 : i32
      %ne3A_726 = arith.cmpi ne, %rem3A_724, %ne3A_725 : i32
      %and3A_727 = arith.andi %ne3A_723, %ne3A_726 : i1
      %sub3A_728 = arith.constant 1 : i32
      %sub3A_729 = arith.subi %div3A_708, %sub3A_728 : i32
      %select_n3A_730 = arith.select %and3A_727, %sub3A_729, %div3A_708 : i32
      %jit3A_731 = arith.constant 8 : i32
      %eq3A_732 = arith.constant 0 : i32
      %eq3A_733 = arith.cmpi eq, %jit3A_731, %eq3A_732 : i32
      %jit3A_734 = arith.constant 1 : i32
      %select_n3A_735 = arith.select %eq3A_733, %jit3A_734, %jit3A_731 : i32
      %rem3A_736 = arith.remsi %select_n3A_706, %select_n3A_735 : i32
      %ne3A_737 = arith.constant 0 : i32
      %ne3A_738 = arith.cmpi ne, %rem3A_736, %ne3A_737 : i32
      %lt3A_739 = arith.constant 0 : i32
      %lt3A_740 = arith.cmpi slt, %rem3A_736, %lt3A_739 : i32
      %lt3A_741 = arith.constant 0 : i32
      %lt3A_742 = arith.cmpi slt, %select_n3A_735, %lt3A_741 : i32
      %ne3A_743 = arith.xori %lt3A_740, %lt3A_742 : i1
      %and3A_744 = arith.andi %ne3A_743, %ne3A_738 : i1
      %add3A_745 = arith.addi %rem3A_736, %select_n3A_735 : i32
      %select_n3A_746 = arith.select %and3A_744, %add3A_745, %rem3A_736 : i32
      %mul3A_747 = arith.constant 16 : i32
      %mul3A_748 = arith.muli %select_n3A_746, %mul3A_747 : i32
      %get3A_749 = arith.index_cast %select_n3A_690 : i32 to index
      %get3A_750 = arith.index_cast %select_n3A_730 : i32 to index
      %get3A_751 = arith.index_cast %mul3A_748 : i32 to index
      %get3A_752 = tpu.vector_load %arg13[%get3A_749, %get3A_750, %get3A_751] {strides = array<i32>} : memref<32x4x128xi32, #tpu.memory_space<vmem>>, vector<16xi32>,
      %ge3A = arith.cmpi sge, %get3A_752, %broadcast_in_dim3A : vector<16xi32>
      %lt3A_753 = arith.cmpi slt, %get3A_752, %add3A_67 : vector<16xi32>
      %and3A_754 = arith.andi %ge3A, %lt3A_753 : vector<16xi1>
      %sub3A_755 = arith.subi %get3A_752, %broadcast_in_dim3A : vector<16xi32>
      tpu.vector_store_idx %arg14[%sub3A_755], %get3A_64 masked %and3A_754 : memref<3200xf32, #tpu.memory_space<vmem>>[vector<16xi32>], vector<16xf32>, vector<16xi1>
    }
    %scan3A_305 = arith.constant 46 : i32
    %dma_wait3A_306 = arith.constant 0 : i32
    %dma_wait3A_307 = tpu.memref_slice %arg7[%add3A_296, %dma_wait3A_306] : memref<100000x128xf32, #tpu.memory_space<hbm>> -> memref<136x128xf32, #tpu.memory_space<hbm>>
    %dma_wait3A_308 = arith.constant 0 : i32
    %dma_wait3A_309 = tpu.memref_slice %arg7[%add3A_296, %dma_wait3A_308] : memref<100000x128xf32, #tpu.memory_space<hbm>> -> memref<136x128xf32, #tpu.memory_space<hbm>>
    tpu.wait_dma2 semaphore(%arg20 : memref<!tpu.dma_semaphore, #tpu.memory_space<semaphore_mem>>) src(%arg12 : memref<136x128xf32, #tpu.memory_space<vmem>>) dst(%dma_wait3A_309 : memref<136x128xf32, #tpu.memory_space<hbm>>)
    %add3A_310 = arith.constant 1496 : i32
    %add3A_311 = arith.addi %mul3A_4, %add3A_310 : i32
    %dma_start3A_312 = arith.constant 0 : i32
    %dma_start3A_313 = tpu.memref_slice %arg2[%add3A_311, %dma_start3A_312] : memref<100000x128xf32, #tpu.memory_space<hbm>> -> memref<136x128xf32, #tpu.memory_space<hbm>>
    %dma_start3A_314 = arith.constant 0 : i32
    %dma_start3A_315 = tpu.memref_slice %arg2[%add3A_311, %dma_start3A_314] : memref<100000x128xf32, #tpu.memory_space<hbm>> -> memref<136x128xf32, #tpu.memory_space<hbm>>
    tpu.enqueue_dma source(%dma_start3A_315 : memref<136x128xf32, #tpu.memory_space<hbm>>) target(%arg12 : memref<136x128xf32, #tpu.memory_space<vmem>>) target_semaphore(%arg18 : memref<!tpu.dma_semaphore, #tpu.memory_space<semaphore_mem>>)
    %dma_wait3A_316 = arith.constant 0 : i32
    %dma_wait3A_317 = tpu.memref_slice %arg2[%add3A_286, %dma_wait3A_316] : memref<100000x128xf32, #tpu.memory_space<hbm>> -> memref<136x128xf32, #tpu.memory_space<hbm>>
    %dma_wait3A_318 = arith.constant 0 : i32
    %dma_wait3A_319 = tpu.memref_slice %arg2[%add3A_286, %dma_wait3A_318] : memref<100000x128xf32, #tpu.memory_space<hbm>> -> memref<136x128xf32, #tpu.memory_space<hbm>>
    tpu.wait_dma2 semaphore(%arg17 : memref<!tpu.dma_semaphore, #tpu.memory_space<semaphore_mem>>) src(%dma_wait3A_319 : memref<136x128xf32, #tpu.memory_space<hbm>>) dst(%arg11 : memref<136x128xf32, #tpu.memory_space<vmem>>)
    %add3A_320 = arith.constant 1360 : i32
    %add3A_321 = arith.addi %mul3A_4, %add3A_320 : i32
    %dma_start3A_322 = arith.constant 0 : i32
    %dma_start3A_323 = tpu.memref_slice %arg7[%add3A_321, %dma_start3A_322] : memref<100000x128xf32, #tpu.memory_space<hbm>> -> memref<136x128xf32, #tpu.memory_space<hbm>>
    %dma_start3A_324 = arith.constant 0 : i32
    %dma_start3A_325 = tpu.memref_slice %arg7[%add3A_321, %dma_start3A_324] : memref<100000x128xf32, #tpu.memory_space<hbm>> -> memref<136x128xf32, #tpu.memory_space<hbm>>
    tpu.enqueue_dma source(%arg11 : memref<136x128xf32, #tpu.memory_space<vmem>>) target(%dma_start3A_325 : memref<136x128xf32, #tpu.memory_space<hbm>>) target_semaphore(%arg19 : memref<!tpu.dma_semaphore, #tpu.memory_space<semaphore_mem>>)
    %scan3A_326 = arith.constant 0 : i32
    %scan3A_327 = arith.constant 46 : i32
    %scan3A_328 = arith.addi %scan3A_326, %scan3A_327 : i32
    %scan3A_329 = arith.constant 1 : i32
    scf.for %scan3A_668 = %scan3A_326 to %scan3A_328 step %scan3A_329  : i32 {
      %mul3A_669 = arith.constant 1 : i32
      %mul3A_670 = arith.muli %scan3A_668, %mul3A_669 : i32
      %add3A_671 = arith.constant 460 : i32
      %add3A_672 = arith.addi %add3A_671, %mul3A_670 : i32
      %jit3A_673 = arith.constant 32 : i32
      %div3A = arith.divsi %add3A_672, %jit3A_673 : i32
      %sign3A = arith.constant 0 : i32
      %sign3A_674 = arith.cmpi sgt, %add3A_672, %sign3A : i32
      %sign3A_675 = arith.extui %sign3A_674 : i1 to i32
      %sign3A_676 = arith.constant 0 : i32
      %sign3A_677 = arith.cmpi slt, %add3A_672, %sign3A_676 : i32
      %sign3A_678 = arith.extui %sign3A_677 : i1 to i32
      %sign3A_679 = arith.subi %sign3A_675, %sign3A_678 : i32
      %sign3A_680 = arith.constant 0 : i32
      %sign3A_681 = arith.cmpi sgt, %jit3A_673, %sign3A_680 : i32
      %sign3A_682 = arith.extui %sign3A_681 : i1 to i32
      %sign3A_683 = arith.constant 0 : i32
      %sign3A_684 = arith.cmpi slt, %jit3A_673, %sign3A_683 : i32
      %sign3A_685 = arith.extui %sign3A_684 : i1 to i32
      %sign3A_686 = arith.subi %sign3A_682, %sign3A_685 : i32
      %ne3A = arith.cmpi ne, %sign3A_679, %sign3A_686 : i32
      %rem3A = arith.remsi %add3A_672, %jit3A_673 : i32
      %ne3A_687 = arith.constant 0 : i32
      %ne3A_688 = arith.cmpi ne, %rem3A, %ne3A_687 : i32
      %and3A = arith.andi %ne3A, %ne3A_688 : i1
      %sub3A = arith.constant 1 : i32
      %sub3A_689 = arith.subi %div3A, %sub3A : i32
      %select_n3A_690 = arith.select %and3A, %sub3A_689, %div3A : i32
      %jit3A_691 = arith.constant 32 : i32
      %eq3A_692 = arith.constant 0 : i32
      %eq3A_693 = arith.cmpi eq, %jit3A_691, %eq3A_692 : i32
      %jit3A_694 = arith.constant 1 : i32
      %select_n3A_695 = arith.select %eq3A_693, %jit3A_694, %jit3A_691 : i32
      %rem3A_696 = arith.remsi %add3A_672, %select_n3A_695 : i32
      %ne3A_697 = arith.constant 0 : i32
      %ne3A_698 = arith.cmpi ne, %rem3A_696, %ne3A_697 : i32
      %lt3A_699 = arith.constant 0 : i32
      %lt3A_700 = arith.cmpi slt, %rem3A_696, %lt3A_699 : i32
      %lt3A_701 = arith.constant 0 : i32
      %lt3A_702 = arith.cmpi slt, %select_n3A_695, %lt3A_701 : i32
      %ne3A_703 = arith.xori %lt3A_700, %lt3A_702 : i1
      %and3A_704 = arith.andi %ne3A_703, %ne3A_698 : i1
      %add3A_705 = arith.addi %rem3A_696, %select_n3A_695 : i32
      %select_n3A_706 = arith.select %and3A_704, %add3A_705, %rem3A_696 : i32
      %jit3A_707 = arith.constant 8 : i32
      %div3A_708 = arith.divsi %select_n3A_706, %jit3A_707 : i32
      %sign3A_709 = arith.constant 0 : i32
      %sign3A_710 = arith.cmpi sgt, %select_n3A_706, %sign3A_709 : i32
      %sign3A_711 = arith.extui %sign3A_710 : i1 to i32
      %sign3A_712 = arith.constant 0 : i32
      %sign3A_713 = arith.cmpi slt, %select_n3A_706, %sign3A_712 : i32
      %sign3A_714 = arith.extui %sign3A_713 : i1 to i32
      %sign3A_715 = arith.subi %sign3A_711, %sign3A_714 : i32
      %sign3A_716 = arith.constant 0 : i32
      %sign3A_717 = arith.cmpi sgt, %jit3A_707, %sign3A_716 : i32
      %sign3A_718 = arith.extui %sign3A_717 : i1 to i32
      %sign3A_719 = arith.constant 0 : i32
      %sign3A_720 = arith.cmpi slt, %jit3A_707, %sign3A_719 : i32
      %sign3A_721 = arith.extui %sign3A_720 : i1 to i32
      %sign3A_722 = arith.subi %sign3A_718, %sign3A_721 : i32
      %ne3A_723 = arith.cmpi ne, %sign3A_715, %sign3A_722 : i32
      %rem3A_724 = arith.remsi %select_n3A_706, %jit3A_707 : i32
      %ne3A_725 = arith.constant 0 : i32
      %ne3A_726 = arith.cmpi ne, %rem3A_724, %ne3A_725 : i32
      %and3A_727 = arith.andi %ne3A_723, %ne3A_726 : i1
      %sub3A_728 = arith.constant 1 : i32
      %sub3A_729 = arith.subi %div3A_708, %sub3A_728 : i32
      %select_n3A_730 = arith.select %and3A_727, %sub3A_729, %div3A_708 : i32
      %jit3A_731 = arith.constant 8 : i32
      %eq3A_732 = arith.constant 0 : i32
      %eq3A_733 = arith.cmpi eq, %jit3A_731, %eq3A_732 : i32
      %jit3A_734 = arith.constant 1 : i32
      %select_n3A_735 = arith.select %eq3A_733, %jit3A_734, %jit3A_731 : i32
      %rem3A_736 = arith.remsi %select_n3A_706, %select_n3A_735 : i32
      %ne3A_737 = arith.constant 0 : i32
      %ne3A_738 = arith.cmpi ne, %rem3A_736, %ne3A_737 : i32
      %lt3A_739 = arith.constant 0 : i32
      %lt3A_740 = arith.cmpi slt, %rem3A_736, %lt3A_739 : i32
      %lt3A_741 = arith.constant 0 : i32
      %lt3A_742 = arith.cmpi slt, %select_n3A_735, %lt3A_741 : i32
      %ne3A_743 = arith.xori %lt3A_740, %lt3A_742 : i1
      %and3A_744 = arith.andi %ne3A_743, %ne3A_738 : i1
      %add3A_745 = arith.addi %rem3A_736, %select_n3A_735 : i32
      %select_n3A_746 = arith.select %and3A_744, %add3A_745, %rem3A_736 : i32
      %mul3A_747 = arith.constant 16 : i32
      %mul3A_748 = arith.muli %select_n3A_746, %mul3A_747 : i32
      %get3A_749 = arith.index_cast %select_n3A_690 : i32 to index
      %get3A_750 = arith.index_cast %select_n3A_730 : i32 to index
      %get3A_751 = arith.index_cast %mul3A_748 : i32 to index
      %get3A_752 = tpu.vector_load %arg13[%get3A_749, %get3A_750, %get3A_751] {strides = array<i32>} : memref<32x4x128xi32, #tpu.memory_space<vmem>>, vector<16xi32>,
      %ge3A = arith.cmpi sge, %get3A_752, %broadcast_in_dim3A : vector<16xi32>
      %lt3A_753 = arith.cmpi slt, %get3A_752, %add3A_67 : vector<16xi32>
      %and3A_754 = arith.andi %ge3A, %lt3A_753 : vector<16xi1>
      %sub3A_755 = arith.subi %get3A_752, %broadcast_in_dim3A : vector<16xi32>
      tpu.vector_store_idx %arg14[%sub3A_755], %get3A_64 masked %and3A_754 : memref<3200xf32, #tpu.memory_space<vmem>>[vector<16xi32>], vector<16xf32>, vector<16xi1>
    }
    %scan3A_330 = arith.constant 46 : i32
    %dma_wait3A_331 = arith.constant 0 : i32
    %dma_wait3A_332 = tpu.memref_slice %arg7[%add3A_321, %dma_wait3A_331] : memref<100000x128xf32, #tpu.memory_space<hbm>> -> memref<136x128xf32, #tpu.memory_space<hbm>>
    %dma_wait3A_333 = arith.constant 0 : i32
    %dma_wait3A_334 = tpu.memref_slice %arg7[%add3A_321, %dma_wait3A_333] : memref<100000x128xf32, #tpu.memory_space<hbm>> -> memref<136x128xf32, #tpu.memory_space<hbm>>
    tpu.wait_dma2 semaphore(%arg19 : memref<!tpu.dma_semaphore, #tpu.memory_space<semaphore_mem>>) src(%arg11 : memref<136x128xf32, #tpu.memory_space<vmem>>) dst(%dma_wait3A_334 : memref<136x128xf32, #tpu.memory_space<hbm>>)
    %add3A_335 = arith.constant 1632 : i32
    %add3A_336 = arith.addi %mul3A_4, %add3A_335 : i32
    %dma_start3A_337 = arith.constant 0 : i32
    %dma_start3A_338 = tpu.memref_slice %arg2[%add3A_336, %dma_start3A_337] : memref<100000x128xf32, #tpu.memory_space<hbm>> -> memref<136x128xf32, #tpu.memory_space<hbm>>
    %dma_start3A_339 = arith.constant 0 : i32
    %dma_start3A_340 = tpu.memref_slice %arg2[%add3A_336, %dma_start3A_339] : memref<100000x128xf32, #tpu.memory_space<hbm>> -> memref<136x128xf32, #tpu.memory_space<hbm>>
    tpu.enqueue_dma source(%dma_start3A_340 : memref<136x128xf32, #tpu.memory_space<hbm>>) target(%arg11 : memref<136x128xf32, #tpu.memory_space<vmem>>) target_semaphore(%arg17 : memref<!tpu.dma_semaphore, #tpu.memory_space<semaphore_mem>>)
    %dma_wait3A_341 = arith.constant 0 : i32
    %dma_wait3A_342 = tpu.memref_slice %arg2[%add3A_311, %dma_wait3A_341] : memref<100000x128xf32, #tpu.memory_space<hbm>> -> memref<136x128xf32, #tpu.memory_space<hbm>>
    %dma_wait3A_343 = arith.constant 0 : i32
    %dma_wait3A_344 = tpu.memref_slice %arg2[%add3A_311, %dma_wait3A_343] : memref<100000x128xf32, #tpu.memory_space<hbm>> -> memref<136x128xf32, #tpu.memory_space<hbm>>
    tpu.wait_dma2 semaphore(%arg18 : memref<!tpu.dma_semaphore, #tpu.memory_space<semaphore_mem>>) src(%dma_wait3A_344 : memref<136x128xf32, #tpu.memory_space<hbm>>) dst(%arg12 : memref<136x128xf32, #tpu.memory_space<vmem>>)
    %add3A_345 = arith.constant 1496 : i32
    %add3A_346 = arith.addi %mul3A_4, %add3A_345 : i32
    %dma_start3A_347 = arith.constant 0 : i32
    %dma_start3A_348 = tpu.memref_slice %arg7[%add3A_346, %dma_start3A_347] : memref<100000x128xf32, #tpu.memory_space<hbm>> -> memref<136x128xf32, #tpu.memory_space<hbm>>
    %dma_start3A_349 = arith.constant 0 : i32
    %dma_start3A_350 = tpu.memref_slice %arg7[%add3A_346, %dma_start3A_349] : memref<100000x128xf32, #tpu.memory_space<hbm>> -> memref<136x128xf32, #tpu.memory_space<hbm>>
    tpu.enqueue_dma source(%arg12 : memref<136x128xf32, #tpu.memory_space<vmem>>) target(%dma_start3A_350 : memref<136x128xf32, #tpu.memory_space<hbm>>) target_semaphore(%arg20 : memref<!tpu.dma_semaphore, #tpu.memory_space<semaphore_mem>>)
    %scan3A_351 = arith.constant 0 : i32
    %scan3A_352 = arith.constant 46 : i32
    %scan3A_353 = arith.addi %scan3A_351, %scan3A_352 : i32
    %scan3A_354 = arith.constant 1 : i32
    scf.for %scan3A_668 = %scan3A_351 to %scan3A_353 step %scan3A_354  : i32 {
      %mul3A_669 = arith.constant 1 : i32
      %mul3A_670 = arith.muli %scan3A_668, %mul3A_669 : i32
      %add3A_671 = arith.constant 506 : i32
      %add3A_672 = arith.addi %add3A_671, %mul3A_670 : i32
      %jit3A_673 = arith.constant 32 : i32
      %div3A = arith.divsi %add3A_672, %jit3A_673 : i32
      %sign3A = arith.constant 0 : i32
      %sign3A_674 = arith.cmpi sgt, %add3A_672, %sign3A : i32
      %sign3A_675 = arith.extui %sign3A_674 : i1 to i32
      %sign3A_676 = arith.constant 0 : i32
      %sign3A_677 = arith.cmpi slt, %add3A_672, %sign3A_676 : i32
      %sign3A_678 = arith.extui %sign3A_677 : i1 to i32
      %sign3A_679 = arith.subi %sign3A_675, %sign3A_678 : i32
      %sign3A_680 = arith.constant 0 : i32
      %sign3A_681 = arith.cmpi sgt, %jit3A_673, %sign3A_680 : i32
      %sign3A_682 = arith.extui %sign3A_681 : i1 to i32
      %sign3A_683 = arith.constant 0 : i32
      %sign3A_684 = arith.cmpi slt, %jit3A_673, %sign3A_683 : i32
      %sign3A_685 = arith.extui %sign3A_684 : i1 to i32
      %sign3A_686 = arith.subi %sign3A_682, %sign3A_685 : i32
      %ne3A = arith.cmpi ne, %sign3A_679, %sign3A_686 : i32
      %rem3A = arith.remsi %add3A_672, %jit3A_673 : i32
      %ne3A_687 = arith.constant 0 : i32
      %ne3A_688 = arith.cmpi ne, %rem3A, %ne3A_687 : i32
      %and3A = arith.andi %ne3A, %ne3A_688 : i1
      %sub3A = arith.constant 1 : i32
      %sub3A_689 = arith.subi %div3A, %sub3A : i32
      %select_n3A_690 = arith.select %and3A, %sub3A_689, %div3A : i32
      %jit3A_691 = arith.constant 32 : i32
      %eq3A_692 = arith.constant 0 : i32
      %eq3A_693 = arith.cmpi eq, %jit3A_691, %eq3A_692 : i32
      %jit3A_694 = arith.constant 1 : i32
      %select_n3A_695 = arith.select %eq3A_693, %jit3A_694, %jit3A_691 : i32
      %rem3A_696 = arith.remsi %add3A_672, %select_n3A_695 : i32
      %ne3A_697 = arith.constant 0 : i32
      %ne3A_698 = arith.cmpi ne, %rem3A_696, %ne3A_697 : i32
      %lt3A_699 = arith.constant 0 : i32
      %lt3A_700 = arith.cmpi slt, %rem3A_696, %lt3A_699 : i32
      %lt3A_701 = arith.constant 0 : i32
      %lt3A_702 = arith.cmpi slt, %select_n3A_695, %lt3A_701 : i32
      %ne3A_703 = arith.xori %lt3A_700, %lt3A_702 : i1
      %and3A_704 = arith.andi %ne3A_703, %ne3A_698 : i1
      %add3A_705 = arith.addi %rem3A_696, %select_n3A_695 : i32
      %select_n3A_706 = arith.select %and3A_704, %add3A_705, %rem3A_696 : i32
      %jit3A_707 = arith.constant 8 : i32
      %div3A_708 = arith.divsi %select_n3A_706, %jit3A_707 : i32
      %sign3A_709 = arith.constant 0 : i32
      %sign3A_710 = arith.cmpi sgt, %select_n3A_706, %sign3A_709 : i32
      %sign3A_711 = arith.extui %sign3A_710 : i1 to i32
      %sign3A_712 = arith.constant 0 : i32
      %sign3A_713 = arith.cmpi slt, %select_n3A_706, %sign3A_712 : i32
      %sign3A_714 = arith.extui %sign3A_713 : i1 to i32
      %sign3A_715 = arith.subi %sign3A_711, %sign3A_714 : i32
      %sign3A_716 = arith.constant 0 : i32
      %sign3A_717 = arith.cmpi sgt, %jit3A_707, %sign3A_716 : i32
      %sign3A_718 = arith.extui %sign3A_717 : i1 to i32
      %sign3A_719 = arith.constant 0 : i32
      %sign3A_720 = arith.cmpi slt, %jit3A_707, %sign3A_719 : i32
      %sign3A_721 = arith.extui %sign3A_720 : i1 to i32
      %sign3A_722 = arith.subi %sign3A_718, %sign3A_721 : i32
      %ne3A_723 = arith.cmpi ne, %sign3A_715, %sign3A_722 : i32
      %rem3A_724 = arith.remsi %select_n3A_706, %jit3A_707 : i32
      %ne3A_725 = arith.constant 0 : i32
      %ne3A_726 = arith.cmpi ne, %rem3A_724, %ne3A_725 : i32
      %and3A_727 = arith.andi %ne3A_723, %ne3A_726 : i1
      %sub3A_728 = arith.constant 1 : i32
      %sub3A_729 = arith.subi %div3A_708, %sub3A_728 : i32
      %select_n3A_730 = arith.select %and3A_727, %sub3A_729, %div3A_708 : i32
      %jit3A_731 = arith.constant 8 : i32
      %eq3A_732 = arith.constant 0 : i32
      %eq3A_733 = arith.cmpi eq, %jit3A_731, %eq3A_732 : i32
      %jit3A_734 = arith.constant 1 : i32
      %select_n3A_735 = arith.select %eq3A_733, %jit3A_734, %jit3A_731 : i32
      %rem3A_736 = arith.remsi %select_n3A_706, %select_n3A_735 : i32
      %ne3A_737 = arith.constant 0 : i32
      %ne3A_738 = arith.cmpi ne, %rem3A_736, %ne3A_737 : i32
      %lt3A_739 = arith.constant 0 : i32
      %lt3A_740 = arith.cmpi slt, %rem3A_736, %lt3A_739 : i32
      %lt3A_741 = arith.constant 0 : i32
      %lt3A_742 = arith.cmpi slt, %select_n3A_735, %lt3A_741 : i32
      %ne3A_743 = arith.xori %lt3A_740, %lt3A_742 : i1
      %and3A_744 = arith.andi %ne3A_743, %ne3A_738 : i1
      %add3A_745 = arith.addi %rem3A_736, %select_n3A_735 : i32
      %select_n3A_746 = arith.select %and3A_744, %add3A_745, %rem3A_736 : i32
      %mul3A_747 = arith.constant 16 : i32
      %mul3A_748 = arith.muli %select_n3A_746, %mul3A_747 : i32
      %get3A_749 = arith.index_cast %select_n3A_690 : i32 to index
      %get3A_750 = arith.index_cast %select_n3A_730 : i32 to index
      %get3A_751 = arith.index_cast %mul3A_748 : i32 to index
      %get3A_752 = tpu.vector_load %arg13[%get3A_749, %get3A_750, %get3A_751] {strides = array<i32>} : memref<32x4x128xi32, #tpu.memory_space<vmem>>, vector<16xi32>,
      %ge3A = arith.cmpi sge, %get3A_752, %broadcast_in_dim3A : vector<16xi32>
      %lt3A_753 = arith.cmpi slt, %get3A_752, %add3A_67 : vector<16xi32>
      %and3A_754 = arith.andi %ge3A, %lt3A_753 : vector<16xi1>
      %sub3A_755 = arith.subi %get3A_752, %broadcast_in_dim3A : vector<16xi32>
      tpu.vector_store_idx %arg14[%sub3A_755], %get3A_64 masked %and3A_754 : memref<3200xf32, #tpu.memory_space<vmem>>[vector<16xi32>], vector<16xf32>, vector<16xi1>
    }
    %scan3A_355 = arith.constant 46 : i32
    %dma_wait3A_356 = arith.constant 0 : i32
    %dma_wait3A_357 = tpu.memref_slice %arg7[%add3A_346, %dma_wait3A_356] : memref<100000x128xf32, #tpu.memory_space<hbm>> -> memref<136x128xf32, #tpu.memory_space<hbm>>
    %dma_wait3A_358 = arith.constant 0 : i32
    %dma_wait3A_359 = tpu.memref_slice %arg7[%add3A_346, %dma_wait3A_358] : memref<100000x128xf32, #tpu.memory_space<hbm>> -> memref<136x128xf32, #tpu.memory_space<hbm>>
    tpu.wait_dma2 semaphore(%arg20 : memref<!tpu.dma_semaphore, #tpu.memory_space<semaphore_mem>>) src(%arg12 : memref<136x128xf32, #tpu.memory_space<vmem>>) dst(%dma_wait3A_359 : memref<136x128xf32, #tpu.memory_space<hbm>>)
    %add3A_360 = arith.constant 1768 : i32
    %add3A_361 = arith.addi %mul3A_4, %add3A_360 : i32
    %dma_start3A_362 = arith.constant 0 : i32
    %dma_start3A_363 = tpu.memref_slice %arg2[%add3A_361, %dma_start3A_362] : memref<100000x128xf32, #tpu.memory_space<hbm>> -> memref<136x128xf32, #tpu.memory_space<hbm>>
    %dma_start3A_364 = arith.constant 0 : i32
    %dma_start3A_365 = tpu.memref_slice %arg2[%add3A_361, %dma_start3A_364] : memref<100000x128xf32, #tpu.memory_space<hbm>> -> memref<136x128xf32, #tpu.memory_space<hbm>>
    tpu.enqueue_dma source(%dma_start3A_365 : memref<136x128xf32, #tpu.memory_space<hbm>>) target(%arg12 : memref<136x128xf32, #tpu.memory_space<vmem>>) target_semaphore(%arg18 : memref<!tpu.dma_semaphore, #tpu.memory_space<semaphore_mem>>)
    %dma_wait3A_366 = arith.constant 0 : i32
    %dma_wait3A_367 = tpu.memref_slice %arg2[%add3A_336, %dma_wait3A_366] : memref<100000x128xf32, #tpu.memory_space<hbm>> -> memref<136x128xf32, #tpu.memory_space<hbm>>
    %dma_wait3A_368 = arith.constant 0 : i32
    %dma_wait3A_369 = tpu.memref_slice %arg2[%add3A_336, %dma_wait3A_368] : memref<100000x128xf32, #tpu.memory_space<hbm>> -> memref<136x128xf32, #tpu.memory_space<hbm>>
    tpu.wait_dma2 semaphore(%arg17 : memref<!tpu.dma_semaphore, #tpu.memory_space<semaphore_mem>>) src(%dma_wait3A_369 : memref<136x128xf32, #tpu.memory_space<hbm>>) dst(%arg11 : memref<136x128xf32, #tpu.memory_space<vmem>>)
    %add3A_370 = arith.constant 1632 : i32
    %add3A_371 = arith.addi %mul3A_4, %add3A_370 : i32
    %dma_start3A_372 = arith.constant 0 : i32
    %dma_start3A_373 = tpu.memref_slice %arg7[%add3A_371, %dma_start3A_372] : memref<100000x128xf32, #tpu.memory_space<hbm>> -> memref<136x128xf32, #tpu.memory_space<hbm>>
    %dma_start3A_374 = arith.constant 0 : i32
    %dma_start3A_375 = tpu.memref_slice %arg7[%add3A_371, %dma_start3A_374] : memref<100000x128xf32, #tpu.memory_space<hbm>> -> memref<136x128xf32, #tpu.memory_space<hbm>>
    tpu.enqueue_dma source(%arg11 : memref<136x128xf32, #tpu.memory_space<vmem>>) target(%dma_start3A_375 : memref<136x128xf32, #tpu.memory_space<hbm>>) target_semaphore(%arg19 : memref<!tpu.dma_semaphore, #tpu.memory_space<semaphore_mem>>)
    %scan3A_376 = arith.constant 0 : i32
    %scan3A_377 = arith.constant 46 : i32
    %scan3A_378 = arith.addi %scan3A_376, %scan3A_377 : i32
    %scan3A_379 = arith.constant 1 : i32
    scf.for %scan3A_668 = %scan3A_376 to %scan3A_378 step %scan3A_379  : i32 {
      %mul3A_669 = arith.constant 1 : i32
      %mul3A_670 = arith.muli %scan3A_668, %mul3A_669 : i32
      %add3A_671 = arith.constant 552 : i32
      %add3A_672 = arith.addi %add3A_671, %mul3A_670 : i32
      %jit3A_673 = arith.constant 32 : i32
      %div3A = arith.divsi %add3A_672, %jit3A_673 : i32
      %sign3A = arith.constant 0 : i32
      %sign3A_674 = arith.cmpi sgt, %add3A_672, %sign3A : i32
      %sign3A_675 = arith.extui %sign3A_674 : i1 to i32
      %sign3A_676 = arith.constant 0 : i32
      %sign3A_677 = arith.cmpi slt, %add3A_672, %sign3A_676 : i32
      %sign3A_678 = arith.extui %sign3A_677 : i1 to i32
      %sign3A_679 = arith.subi %sign3A_675, %sign3A_678 : i32
      %sign3A_680 = arith.constant 0 : i32
      %sign3A_681 = arith.cmpi sgt, %jit3A_673, %sign3A_680 : i32
      %sign3A_682 = arith.extui %sign3A_681 : i1 to i32
      %sign3A_683 = arith.constant 0 : i32
      %sign3A_684 = arith.cmpi slt, %jit3A_673, %sign3A_683 : i32
      %sign3A_685 = arith.extui %sign3A_684 : i1 to i32
      %sign3A_686 = arith.subi %sign3A_682, %sign3A_685 : i32
      %ne3A = arith.cmpi ne, %sign3A_679, %sign3A_686 : i32
      %rem3A = arith.remsi %add3A_672, %jit3A_673 : i32
      %ne3A_687 = arith.constant 0 : i32
      %ne3A_688 = arith.cmpi ne, %rem3A, %ne3A_687 : i32
      %and3A = arith.andi %ne3A, %ne3A_688 : i1
      %sub3A = arith.constant 1 : i32
      %sub3A_689 = arith.subi %div3A, %sub3A : i32
      %select_n3A_690 = arith.select %and3A, %sub3A_689, %div3A : i32
      %jit3A_691 = arith.constant 32 : i32
      %eq3A_692 = arith.constant 0 : i32
      %eq3A_693 = arith.cmpi eq, %jit3A_691, %eq3A_692 : i32
      %jit3A_694 = arith.constant 1 : i32
      %select_n3A_695 = arith.select %eq3A_693, %jit3A_694, %jit3A_691 : i32
      %rem3A_696 = arith.remsi %add3A_672, %select_n3A_695 : i32
      %ne3A_697 = arith.constant 0 : i32
      %ne3A_698 = arith.cmpi ne, %rem3A_696, %ne3A_697 : i32
      %lt3A_699 = arith.constant 0 : i32
      %lt3A_700 = arith.cmpi slt, %rem3A_696, %lt3A_699 : i32
      %lt3A_701 = arith.constant 0 : i32
      %lt3A_702 = arith.cmpi slt, %select_n3A_695, %lt3A_701 : i32
      %ne3A_703 = arith.xori %lt3A_700, %lt3A_702 : i1
      %and3A_704 = arith.andi %ne3A_703, %ne3A_698 : i1
      %add3A_705 = arith.addi %rem3A_696, %select_n3A_695 : i32
      %select_n3A_706 = arith.select %and3A_704, %add3A_705, %rem3A_696 : i32
      %jit3A_707 = arith.constant 8 : i32
      %div3A_708 = arith.divsi %select_n3A_706, %jit3A_707 : i32
      %sign3A_709 = arith.constant 0 : i32
      %sign3A_710 = arith.cmpi sgt, %select_n3A_706, %sign3A_709 : i32
      %sign3A_711 = arith.extui %sign3A_710 : i1 to i32
      %sign3A_712 = arith.constant 0 : i32
      %sign3A_713 = arith.cmpi slt, %select_n3A_706, %sign3A_712 : i32
      %sign3A_714 = arith.extui %sign3A_713 : i1 to i32
      %sign3A_715 = arith.subi %sign3A_711, %sign3A_714 : i32
      %sign3A_716 = arith.constant 0 : i32
      %sign3A_717 = arith.cmpi sgt, %jit3A_707, %sign3A_716 : i32
      %sign3A_718 = arith.extui %sign3A_717 : i1 to i32
      %sign3A_719 = arith.constant 0 : i32
      %sign3A_720 = arith.cmpi slt, %jit3A_707, %sign3A_719 : i32
      %sign3A_721 = arith.extui %sign3A_720 : i1 to i32
      %sign3A_722 = arith.subi %sign3A_718, %sign3A_721 : i32
      %ne3A_723 = arith.cmpi ne, %sign3A_715, %sign3A_722 : i32
      %rem3A_724 = arith.remsi %select_n3A_706, %jit3A_707 : i32
      %ne3A_725 = arith.constant 0 : i32
      %ne3A_726 = arith.cmpi ne, %rem3A_724, %ne3A_725 : i32
      %and3A_727 = arith.andi %ne3A_723, %ne3A_726 : i1
      %sub3A_728 = arith.constant 1 : i32
      %sub3A_729 = arith.subi %div3A_708, %sub3A_728 : i32
      %select_n3A_730 = arith.select %and3A_727, %sub3A_729, %div3A_708 : i32
      %jit3A_731 = arith.constant 8 : i32
      %eq3A_732 = arith.constant 0 : i32
      %eq3A_733 = arith.cmpi eq, %jit3A_731, %eq3A_732 : i32
      %jit3A_734 = arith.constant 1 : i32
      %select_n3A_735 = arith.select %eq3A_733, %jit3A_734, %jit3A_731 : i32
      %rem3A_736 = arith.remsi %select_n3A_706, %select_n3A_735 : i32
      %ne3A_737 = arith.constant 0 : i32
      %ne3A_738 = arith.cmpi ne, %rem3A_736, %ne3A_737 : i32
      %lt3A_739 = arith.constant 0 : i32
      %lt3A_740 = arith.cmpi slt, %rem3A_736, %lt3A_739 : i32
      %lt3A_741 = arith.constant 0 : i32
      %lt3A_742 = arith.cmpi slt, %select_n3A_735, %lt3A_741 : i32
      %ne3A_743 = arith.xori %lt3A_740, %lt3A_742 : i1
      %and3A_744 = arith.andi %ne3A_743, %ne3A_738 : i1
      %add3A_745 = arith.addi %rem3A_736, %select_n3A_735 : i32
      %select_n3A_746 = arith.select %and3A_744, %add3A_745, %rem3A_736 : i32
      %mul3A_747 = arith.constant 16 : i32
      %mul3A_748 = arith.muli %select_n3A_746, %mul3A_747 : i32
      %get3A_749 = arith.index_cast %select_n3A_690 : i32 to index
      %get3A_750 = arith.index_cast %select_n3A_730 : i32 to index
      %get3A_751 = arith.index_cast %mul3A_748 : i32 to index
      %get3A_752 = tpu.vector_load %arg13[%get3A_749, %get3A_750, %get3A_751] {strides = array<i32>} : memref<32x4x128xi32, #tpu.memory_space<vmem>>, vector<16xi32>,
      %ge3A = arith.cmpi sge, %get3A_752, %broadcast_in_dim3A : vector<16xi32>
      %lt3A_753 = arith.cmpi slt, %get3A_752, %add3A_67 : vector<16xi32>
      %and3A_754 = arith.andi %ge3A, %lt3A_753 : vector<16xi1>
      %sub3A_755 = arith.subi %get3A_752, %broadcast_in_dim3A : vector<16xi32>
      tpu.vector_store_idx %arg14[%sub3A_755], %get3A_64 masked %and3A_754 : memref<3200xf32, #tpu.memory_space<vmem>>[vector<16xi32>], vector<16xf32>, vector<16xi1>
    }
    %scan3A_380 = arith.constant 46 : i32
    %dma_wait3A_381 = arith.constant 0 : i32
    %dma_wait3A_382 = tpu.memref_slice %arg7[%add3A_371, %dma_wait3A_381] : memref<100000x128xf32, #tpu.memory_space<hbm>> -> memref<136x128xf32, #tpu.memory_space<hbm>>
    %dma_wait3A_383 = arith.constant 0 : i32
    %dma_wait3A_384 = tpu.memref_slice %arg7[%add3A_371, %dma_wait3A_383] : memref<100000x128xf32, #tpu.memory_space<hbm>> -> memref<136x128xf32, #tpu.memory_space<hbm>>
    tpu.wait_dma2 semaphore(%arg19 : memref<!tpu.dma_semaphore, #tpu.memory_space<semaphore_mem>>) src(%arg11 : memref<136x128xf32, #tpu.memory_space<vmem>>) dst(%dma_wait3A_384 : memref<136x128xf32, #tpu.memory_space<hbm>>)
    %add3A_385 = arith.constant 1904 : i32
    %add3A_386 = arith.addi %mul3A_4, %add3A_385 : i32
    %dma_start3A_387 = arith.constant 0 : i32
    %dma_start3A_388 = tpu.memref_slice %arg2[%add3A_386, %dma_start3A_387] : memref<100000x128xf32, #tpu.memory_space<hbm>> -> memref<136x128xf32, #tpu.memory_space<hbm>>
    %dma_start3A_389 = arith.constant 0 : i32
    %dma_start3A_390 = tpu.memref_slice %arg2[%add3A_386, %dma_start3A_389] : memref<100000x128xf32, #tpu.memory_space<hbm>> -> memref<136x128xf32, #tpu.memory_space<hbm>>
    tpu.enqueue_dma source(%dma_start3A_390 : memref<136x128xf32, #tpu.memory_space<hbm>>) target(%arg11 : memref<136x128xf32, #tpu.memory_space<vmem>>) target_semaphore(%arg17 : memref<!tpu.dma_semaphore, #tpu.memory_space<semaphore_mem>>)
    %dma_wait3A_391 = arith.constant 0 : i32
    %dma_wait3A_392 = tpu.memref_slice %arg2[%add3A_361, %dma_wait3A_391] : memref<100000x128xf32, #tpu.memory_space<hbm>> -> memref<136x128xf32, #tpu.memory_space<hbm>>
    %dma_wait3A_393 = arith.constant 0 : i32
    %dma_wait3A_394 = tpu.memref_slice %arg2[%add3A_361, %dma_wait3A_393] : memref<100000x128xf32, #tpu.memory_space<hbm>> -> memref<136x128xf32, #tpu.memory_space<hbm>>
    tpu.wait_dma2 semaphore(%arg18 : memref<!tpu.dma_semaphore, #tpu.memory_space<semaphore_mem>>) src(%dma_wait3A_394 : memref<136x128xf32, #tpu.memory_space<hbm>>) dst(%arg12 : memref<136x128xf32, #tpu.memory_space<vmem>>)
    %add3A_395 = arith.constant 1768 : i32
    %add3A_396 = arith.addi %mul3A_4, %add3A_395 : i32
    %dma_start3A_397 = arith.constant 0 : i32
    %dma_start3A_398 = tpu.memref_slice %arg7[%add3A_396, %dma_start3A_397] : memref<100000x128xf32, #tpu.memory_space<hbm>> -> memref<136x128xf32, #tpu.memory_space<hbm>>
    %dma_start3A_399 = arith.constant 0 : i32
    %dma_start3A_400 = tpu.memref_slice %arg7[%add3A_396, %dma_start3A_399] : memref<100000x128xf32, #tpu.memory_space<hbm>> -> memref<136x128xf32, #tpu.memory_space<hbm>>
    tpu.enqueue_dma source(%arg12 : memref<136x128xf32, #tpu.memory_space<vmem>>) target(%dma_start3A_400 : memref<136x128xf32, #tpu.memory_space<hbm>>) target_semaphore(%arg20 : memref<!tpu.dma_semaphore, #tpu.memory_space<semaphore_mem>>)
    %scan3A_401 = arith.constant 0 : i32
    %scan3A_402 = arith.constant 46 : i32
    %scan3A_403 = arith.addi %scan3A_401, %scan3A_402 : i32
    %scan3A_404 = arith.constant 1 : i32
    scf.for %scan3A_668 = %scan3A_401 to %scan3A_403 step %scan3A_404  : i32 {
      %mul3A_669 = arith.constant 1 : i32
      %mul3A_670 = arith.muli %scan3A_668, %mul3A_669 : i32
      %add3A_671 = arith.constant 598 : i32
      %add3A_672 = arith.addi %add3A_671, %mul3A_670 : i32
      %jit3A_673 = arith.constant 32 : i32
      %div3A = arith.divsi %add3A_672, %jit3A_673 : i32
      %sign3A = arith.constant 0 : i32
      %sign3A_674 = arith.cmpi sgt, %add3A_672, %sign3A : i32
      %sign3A_675 = arith.extui %sign3A_674 : i1 to i32
      %sign3A_676 = arith.constant 0 : i32
      %sign3A_677 = arith.cmpi slt, %add3A_672, %sign3A_676 : i32
      %sign3A_678 = arith.extui %sign3A_677 : i1 to i32
      %sign3A_679 = arith.subi %sign3A_675, %sign3A_678 : i32
      %sign3A_680 = arith.constant 0 : i32
      %sign3A_681 = arith.cmpi sgt, %jit3A_673, %sign3A_680 : i32
      %sign3A_682 = arith.extui %sign3A_681 : i1 to i32
      %sign3A_683 = arith.constant 0 : i32
      %sign3A_684 = arith.cmpi slt, %jit3A_673, %sign3A_683 : i32
      %sign3A_685 = arith.extui %sign3A_684 : i1 to i32
      %sign3A_686 = arith.subi %sign3A_682, %sign3A_685 : i32
      %ne3A = arith.cmpi ne, %sign3A_679, %sign3A_686 : i32
      %rem3A = arith.remsi %add3A_672, %jit3A_673 : i32
      %ne3A_687 = arith.constant 0 : i32
      %ne3A_688 = arith.cmpi ne, %rem3A, %ne3A_687 : i32
      %and3A = arith.andi %ne3A, %ne3A_688 : i1
      %sub3A = arith.constant 1 : i32
      %sub3A_689 = arith.subi %div3A, %sub3A : i32
      %select_n3A_690 = arith.select %and3A, %sub3A_689, %div3A : i32
      %jit3A_691 = arith.constant 32 : i32
      %eq3A_692 = arith.constant 0 : i32
      %eq3A_693 = arith.cmpi eq, %jit3A_691, %eq3A_692 : i32
      %jit3A_694 = arith.constant 1 : i32
      %select_n3A_695 = arith.select %eq3A_693, %jit3A_694, %jit3A_691 : i32
      %rem3A_696 = arith.remsi %add3A_672, %select_n3A_695 : i32
      %ne3A_697 = arith.constant 0 : i32
      %ne3A_698 = arith.cmpi ne, %rem3A_696, %ne3A_697 : i32
      %lt3A_699 = arith.constant 0 : i32
      %lt3A_700 = arith.cmpi slt, %rem3A_696, %lt3A_699 : i32
      %lt3A_701 = arith.constant 0 : i32
      %lt3A_702 = arith.cmpi slt, %select_n3A_695, %lt3A_701 : i32
      %ne3A_703 = arith.xori %lt3A_700, %lt3A_702 : i1
      %and3A_704 = arith.andi %ne3A_703, %ne3A_698 : i1
      %add3A_705 = arith.addi %rem3A_696, %select_n3A_695 : i32
      %select_n3A_706 = arith.select %and3A_704, %add3A_705, %rem3A_696 : i32
      %jit3A_707 = arith.constant 8 : i32
      %div3A_708 = arith.divsi %select_n3A_706, %jit3A_707 : i32
      %sign3A_709 = arith.constant 0 : i32
      %sign3A_710 = arith.cmpi sgt, %select_n3A_706, %sign3A_709 : i32
      %sign3A_711 = arith.extui %sign3A_710 : i1 to i32
      %sign3A_712 = arith.constant 0 : i32
      %sign3A_713 = arith.cmpi slt, %select_n3A_706, %sign3A_712 : i32
      %sign3A_714 = arith.extui %sign3A_713 : i1 to i32
      %sign3A_715 = arith.subi %sign3A_711, %sign3A_714 : i32
      %sign3A_716 = arith.constant 0 : i32
      %sign3A_717 = arith.cmpi sgt, %jit3A_707, %sign3A_716 : i32
      %sign3A_718 = arith.extui %sign3A_717 : i1 to i32
      %sign3A_719 = arith.constant 0 : i32
      %sign3A_720 = arith.cmpi slt, %jit3A_707, %sign3A_719 : i32
      %sign3A_721 = arith.extui %sign3A_720 : i1 to i32
      %sign3A_722 = arith.subi %sign3A_718, %sign3A_721 : i32
      %ne3A_723 = arith.cmpi ne, %sign3A_715, %sign3A_722 : i32
      %rem3A_724 = arith.remsi %select_n3A_706, %jit3A_707 : i32
      %ne3A_725 = arith.constant 0 : i32
      %ne3A_726 = arith.cmpi ne, %rem3A_724, %ne3A_725 : i32
      %and3A_727 = arith.andi %ne3A_723, %ne3A_726 : i1
      %sub3A_728 = arith.constant 1 : i32
      %sub3A_729 = arith.subi %div3A_708, %sub3A_728 : i32
      %select_n3A_730 = arith.select %and3A_727, %sub3A_729, %div3A_708 : i32
      %jit3A_731 = arith.constant 8 : i32
      %eq3A_732 = arith.constant 0 : i32
      %eq3A_733 = arith.cmpi eq, %jit3A_731, %eq3A_732 : i32
      %jit3A_734 = arith.constant 1 : i32
      %select_n3A_735 = arith.select %eq3A_733, %jit3A_734, %jit3A_731 : i32
      %rem3A_736 = arith.remsi %select_n3A_706, %select_n3A_735 : i32
      %ne3A_737 = arith.constant 0 : i32
      %ne3A_738 = arith.cmpi ne, %rem3A_736, %ne3A_737 : i32
      %lt3A_739 = arith.constant 0 : i32
      %lt3A_740 = arith.cmpi slt, %rem3A_736, %lt3A_739 : i32
      %lt3A_741 = arith.constant 0 : i32
      %lt3A_742 = arith.cmpi slt, %select_n3A_735, %lt3A_741 : i32
      %ne3A_743 = arith.xori %lt3A_740, %lt3A_742 : i1
      %and3A_744 = arith.andi %ne3A_743, %ne3A_738 : i1
      %add3A_745 = arith.addi %rem3A_736, %select_n3A_735 : i32
      %select_n3A_746 = arith.select %and3A_744, %add3A_745, %rem3A_736 : i32
      %mul3A_747 = arith.constant 16 : i32
      %mul3A_748 = arith.muli %select_n3A_746, %mul3A_747 : i32
      %get3A_749 = arith.index_cast %select_n3A_690 : i32 to index
      %get3A_750 = arith.index_cast %select_n3A_730 : i32 to index
      %get3A_751 = arith.index_cast %mul3A_748 : i32 to index
      %get3A_752 = tpu.vector_load %arg13[%get3A_749, %get3A_750, %get3A_751] {strides = array<i32>} : memref<32x4x128xi32, #tpu.memory_space<vmem>>, vector<16xi32>,
      %ge3A = arith.cmpi sge, %get3A_752, %broadcast_in_dim3A : vector<16xi32>
      %lt3A_753 = arith.cmpi slt, %get3A_752, %add3A_67 : vector<16xi32>
      %and3A_754 = arith.andi %ge3A, %lt3A_753 : vector<16xi1>
      %sub3A_755 = arith.subi %get3A_752, %broadcast_in_dim3A : vector<16xi32>
      tpu.vector_store_idx %arg14[%sub3A_755], %get3A_64 masked %and3A_754 : memref<3200xf32, #tpu.memory_space<vmem>>[vector<16xi32>], vector<16xf32>, vector<16xi1>
    }
    %scan3A_405 = arith.constant 46 : i32
    %dma_wait3A_406 = arith.constant 0 : i32
    %dma_wait3A_407 = tpu.memref_slice %arg7[%add3A_396, %dma_wait3A_406] : memref<100000x128xf32, #tpu.memory_space<hbm>> -> memref<136x128xf32, #tpu.memory_space<hbm>>
    %dma_wait3A_408 = arith.constant 0 : i32
    %dma_wait3A_409 = tpu.memref_slice %arg7[%add3A_396, %dma_wait3A_408] : memref<100000x128xf32, #tpu.memory_space<hbm>> -> memref<136x128xf32, #tpu.memory_space<hbm>>
    tpu.wait_dma2 semaphore(%arg20 : memref<!tpu.dma_semaphore, #tpu.memory_space<semaphore_mem>>) src(%arg12 : memref<136x128xf32, #tpu.memory_space<vmem>>) dst(%dma_wait3A_409 : memref<136x128xf32, #tpu.memory_space<hbm>>)
    %add3A_410 = arith.constant 2040 : i32
    %add3A_411 = arith.addi %mul3A_4, %add3A_410 : i32
    %dma_start3A_412 = arith.constant 0 : i32
    %dma_start3A_413 = tpu.memref_slice %arg2[%add3A_411, %dma_start3A_412] : memref<100000x128xf32, #tpu.memory_space<hbm>> -> memref<136x128xf32, #tpu.memory_space<hbm>>
    %dma_start3A_414 = arith.constant 0 : i32
    %dma_start3A_415 = tpu.memref_slice %arg2[%add3A_411, %dma_start3A_414] : memref<100000x128xf32, #tpu.memory_space<hbm>> -> memref<136x128xf32, #tpu.memory_space<hbm>>
    tpu.enqueue_dma source(%dma_start3A_415 : memref<136x128xf32, #tpu.memory_space<hbm>>) target(%arg12 : memref<136x128xf32, #tpu.memory_space<vmem>>) target_semaphore(%arg18 : memref<!tpu.dma_semaphore, #tpu.memory_space<semaphore_mem>>)
    %dma_wait3A_416 = arith.constant 0 : i32
    %dma_wait3A_417 = tpu.memref_slice %arg2[%add3A_386, %dma_wait3A_416] : memref<100000x128xf32, #tpu.memory_space<hbm>> -> memref<136x128xf32, #tpu.memory_space<hbm>>
    %dma_wait3A_418 = arith.constant 0 : i32
    %dma_wait3A_419 = tpu.memref_slice %arg2[%add3A_386, %dma_wait3A_418] : memref<100000x128xf32, #tpu.memory_space<hbm>> -> memref<136x128xf32, #tpu.memory_space<hbm>>
    tpu.wait_dma2 semaphore(%arg17 : memref<!tpu.dma_semaphore, #tpu.memory_space<semaphore_mem>>) src(%dma_wait3A_419 : memref<136x128xf32, #tpu.memory_space<hbm>>) dst(%arg11 : memref<136x128xf32, #tpu.memory_space<vmem>>)
    %add3A_420 = arith.constant 1904 : i32
    %add3A_421 = arith.addi %mul3A_4, %add3A_420 : i32
    %dma_start3A_422 = arith.constant 0 : i32
    %dma_start3A_423 = tpu.memref_slice %arg7[%add3A_421, %dma_start3A_422] : memref<100000x128xf32, #tpu.memory_space<hbm>> -> memref<136x128xf32, #tpu.memory_space<hbm>>
    %dma_start3A_424 = arith.constant 0 : i32
    %dma_start3A_425 = tpu.memref_slice %arg7[%add3A_421, %dma_start3A_424] : memref<100000x128xf32, #tpu.memory_space<hbm>> -> memref<136x128xf32, #tpu.memory_space<hbm>>
    tpu.enqueue_dma source(%arg11 : memref<136x128xf32, #tpu.memory_space<vmem>>) target(%dma_start3A_425 : memref<136x128xf32, #tpu.memory_space<hbm>>) target_semaphore(%arg19 : memref<!tpu.dma_semaphore, #tpu.memory_space<semaphore_mem>>)
    %scan3A_426 = arith.constant 0 : i32
    %scan3A_427 = arith.constant 46 : i32
    %scan3A_428 = arith.addi %scan3A_426, %scan3A_427 : i32
    %scan3A_429 = arith.constant 1 : i32
    scf.for %scan3A_668 = %scan3A_426 to %scan3A_428 step %scan3A_429  : i32 {
      %mul3A_669 = arith.constant 1 : i32
      %mul3A_670 = arith.muli %scan3A_668, %mul3A_669 : i32
      %add3A_671 = arith.constant 644 : i32
      %add3A_672 = arith.addi %add3A_671, %mul3A_670 : i32
      %jit3A_673 = arith.constant 32 : i32
      %div3A = arith.divsi %add3A_672, %jit3A_673 : i32
      %sign3A = arith.constant 0 : i32
      %sign3A_674 = arith.cmpi sgt, %add3A_672, %sign3A : i32
      %sign3A_675 = arith.extui %sign3A_674 : i1 to i32
      %sign3A_676 = arith.constant 0 : i32
      %sign3A_677 = arith.cmpi slt, %add3A_672, %sign3A_676 : i32
      %sign3A_678 = arith.extui %sign3A_677 : i1 to i32
      %sign3A_679 = arith.subi %sign3A_675, %sign3A_678 : i32
      %sign3A_680 = arith.constant 0 : i32
      %sign3A_681 = arith.cmpi sgt, %jit3A_673, %sign3A_680 : i32
      %sign3A_682 = arith.extui %sign3A_681 : i1 to i32
      %sign3A_683 = arith.constant 0 : i32
      %sign3A_684 = arith.cmpi slt, %jit3A_673, %sign3A_683 : i32
      %sign3A_685 = arith.extui %sign3A_684 : i1 to i32
      %sign3A_686 = arith.subi %sign3A_682, %sign3A_685 : i32
      %ne3A = arith.cmpi ne, %sign3A_679, %sign3A_686 : i32
      %rem3A = arith.remsi %add3A_672, %jit3A_673 : i32
      %ne3A_687 = arith.constant 0 : i32
      %ne3A_688 = arith.cmpi ne, %rem3A, %ne3A_687 : i32
      %and3A = arith.andi %ne3A, %ne3A_688 : i1
      %sub3A = arith.constant 1 : i32
      %sub3A_689 = arith.subi %div3A, %sub3A : i32
      %select_n3A_690 = arith.select %and3A, %sub3A_689, %div3A : i32
      %jit3A_691 = arith.constant 32 : i32
      %eq3A_692 = arith.constant 0 : i32
      %eq3A_693 = arith.cmpi eq, %jit3A_691, %eq3A_692 : i32
      %jit3A_694 = arith.constant 1 : i32
      %select_n3A_695 = arith.select %eq3A_693, %jit3A_694, %jit3A_691 : i32
      %rem3A_696 = arith.remsi %add3A_672, %select_n3A_695 : i32
      %ne3A_697 = arith.constant 0 : i32
      %ne3A_698 = arith.cmpi ne, %rem3A_696, %ne3A_697 : i32
      %lt3A_699 = arith.constant 0 : i32
      %lt3A_700 = arith.cmpi slt, %rem3A_696, %lt3A_699 : i32
      %lt3A_701 = arith.constant 0 : i32
      %lt3A_702 = arith.cmpi slt, %select_n3A_695, %lt3A_701 : i32
      %ne3A_703 = arith.xori %lt3A_700, %lt3A_702 : i1
      %and3A_704 = arith.andi %ne3A_703, %ne3A_698 : i1
      %add3A_705 = arith.addi %rem3A_696, %select_n3A_695 : i32
      %select_n3A_706 = arith.select %and3A_704, %add3A_705, %rem3A_696 : i32
      %jit3A_707 = arith.constant 8 : i32
      %div3A_708 = arith.divsi %select_n3A_706, %jit3A_707 : i32
      %sign3A_709 = arith.constant 0 : i32
      %sign3A_710 = arith.cmpi sgt, %select_n3A_706, %sign3A_709 : i32
      %sign3A_711 = arith.extui %sign3A_710 : i1 to i32
      %sign3A_712 = arith.constant 0 : i32
      %sign3A_713 = arith.cmpi slt, %select_n3A_706, %sign3A_712 : i32
      %sign3A_714 = arith.extui %sign3A_713 : i1 to i32
      %sign3A_715 = arith.subi %sign3A_711, %sign3A_714 : i32
      %sign3A_716 = arith.constant 0 : i32
      %sign3A_717 = arith.cmpi sgt, %jit3A_707, %sign3A_716 : i32
      %sign3A_718 = arith.extui %sign3A_717 : i1 to i32
      %sign3A_719 = arith.constant 0 : i32
      %sign3A_720 = arith.cmpi slt, %jit3A_707, %sign3A_719 : i32
      %sign3A_721 = arith.extui %sign3A_720 : i1 to i32
      %sign3A_722 = arith.subi %sign3A_718, %sign3A_721 : i32
      %ne3A_723 = arith.cmpi ne, %sign3A_715, %sign3A_722 : i32
      %rem3A_724 = arith.remsi %select_n3A_706, %jit3A_707 : i32
      %ne3A_725 = arith.constant 0 : i32
      %ne3A_726 = arith.cmpi ne, %rem3A_724, %ne3A_725 : i32
      %and3A_727 = arith.andi %ne3A_723, %ne3A_726 : i1
      %sub3A_728 = arith.constant 1 : i32
      %sub3A_729 = arith.subi %div3A_708, %sub3A_728 : i32
      %select_n3A_730 = arith.select %and3A_727, %sub3A_729, %div3A_708 : i32
      %jit3A_731 = arith.constant 8 : i32
      %eq3A_732 = arith.constant 0 : i32
      %eq3A_733 = arith.cmpi eq, %jit3A_731, %eq3A_732 : i32
      %jit3A_734 = arith.constant 1 : i32
      %select_n3A_735 = arith.select %eq3A_733, %jit3A_734, %jit3A_731 : i32
      %rem3A_736 = arith.remsi %select_n3A_706, %select_n3A_735 : i32
      %ne3A_737 = arith.constant 0 : i32
      %ne3A_738 = arith.cmpi ne, %rem3A_736, %ne3A_737 : i32
      %lt3A_739 = arith.constant 0 : i32
      %lt3A_740 = arith.cmpi slt, %rem3A_736, %lt3A_739 : i32
      %lt3A_741 = arith.constant 0 : i32
      %lt3A_742 = arith.cmpi slt, %select_n3A_735, %lt3A_741 : i32
      %ne3A_743 = arith.xori %lt3A_740, %lt3A_742 : i1
      %and3A_744 = arith.andi %ne3A_743, %ne3A_738 : i1
      %add3A_745 = arith.addi %rem3A_736, %select_n3A_735 : i32
      %select_n3A_746 = arith.select %and3A_744, %add3A_745, %rem3A_736 : i32
      %mul3A_747 = arith.constant 16 : i32
      %mul3A_748 = arith.muli %select_n3A_746, %mul3A_747 : i32
      %get3A_749 = arith.index_cast %select_n3A_690 : i32 to index
      %get3A_750 = arith.index_cast %select_n3A_730 : i32 to index
      %get3A_751 = arith.index_cast %mul3A_748 : i32 to index
      %get3A_752 = tpu.vector_load %arg13[%get3A_749, %get3A_750, %get3A_751] {strides = array<i32>} : memref<32x4x128xi32, #tpu.memory_space<vmem>>, vector<16xi32>,
      %ge3A = arith.cmpi sge, %get3A_752, %broadcast_in_dim3A : vector<16xi32>
      %lt3A_753 = arith.cmpi slt, %get3A_752, %add3A_67 : vector<16xi32>
      %and3A_754 = arith.andi %ge3A, %lt3A_753 : vector<16xi1>
      %sub3A_755 = arith.subi %get3A_752, %broadcast_in_dim3A : vector<16xi32>
      tpu.vector_store_idx %arg14[%sub3A_755], %get3A_64 masked %and3A_754 : memref<3200xf32, #tpu.memory_space<vmem>>[vector<16xi32>], vector<16xf32>, vector<16xi1>
    }
    %scan3A_430 = arith.constant 46 : i32
    %dma_wait3A_431 = arith.constant 0 : i32
    %dma_wait3A_432 = tpu.memref_slice %arg7[%add3A_421, %dma_wait3A_431] : memref<100000x128xf32, #tpu.memory_space<hbm>> -> memref<136x128xf32, #tpu.memory_space<hbm>>
    %dma_wait3A_433 = arith.constant 0 : i32
    %dma_wait3A_434 = tpu.memref_slice %arg7[%add3A_421, %dma_wait3A_433] : memref<100000x128xf32, #tpu.memory_space<hbm>> -> memref<136x128xf32, #tpu.memory_space<hbm>>
    tpu.wait_dma2 semaphore(%arg19 : memref<!tpu.dma_semaphore, #tpu.memory_space<semaphore_mem>>) src(%arg11 : memref<136x128xf32, #tpu.memory_space<vmem>>) dst(%dma_wait3A_434 : memref<136x128xf32, #tpu.memory_space<hbm>>)
    %add3A_435 = arith.constant 2176 : i32
    %add3A_436 = arith.addi %mul3A_4, %add3A_435 : i32
    %dma_start3A_437 = arith.constant 0 : i32
    %dma_start3A_438 = tpu.memref_slice %arg2[%add3A_436, %dma_start3A_437] : memref<100000x128xf32, #tpu.memory_space<hbm>> -> memref<136x128xf32, #tpu.memory_space<hbm>>
    %dma_start3A_439 = arith.constant 0 : i32
    %dma_start3A_440 = tpu.memref_slice %arg2[%add3A_436, %dma_start3A_439] : memref<100000x128xf32, #tpu.memory_space<hbm>> -> memref<136x128xf32, #tpu.memory_space<hbm>>
    tpu.enqueue_dma source(%dma_start3A_440 : memref<136x128xf32, #tpu.memory_space<hbm>>) target(%arg11 : memref<136x128xf32, #tpu.memory_space<vmem>>) target_semaphore(%arg17 : memref<!tpu.dma_semaphore, #tpu.memory_space<semaphore_mem>>)
    %dma_wait3A_441 = arith.constant 0 : i32
    %dma_wait3A_442 = tpu.memref_slice %arg2[%add3A_411, %dma_wait3A_441] : memref<100000x128xf32, #tpu.memory_space<hbm>> -> memref<136x128xf32, #tpu.memory_space<hbm>>
    %dma_wait3A_443 = arith.constant 0 : i32
    %dma_wait3A_444 = tpu.memref_slice %arg2[%add3A_411, %dma_wait3A_443] : memref<100000x128xf32, #tpu.memory_space<hbm>> -> memref<136x128xf32, #tpu.memory_space<hbm>>
    tpu.wait_dma2 semaphore(%arg18 : memref<!tpu.dma_semaphore, #tpu.memory_space<semaphore_mem>>) src(%dma_wait3A_444 : memref<136x128xf32, #tpu.memory_space<hbm>>) dst(%arg12 : memref<136x128xf32, #tpu.memory_space<vmem>>)
    %add3A_445 = arith.constant 2040 : i32
    %add3A_446 = arith.addi %mul3A_4, %add3A_445 : i32
    %dma_start3A_447 = arith.constant 0 : i32
    %dma_start3A_448 = tpu.memref_slice %arg7[%add3A_446, %dma_start3A_447] : memref<100000x128xf32, #tpu.memory_space<hbm>> -> memref<136x128xf32, #tpu.memory_space<hbm>>
    %dma_start3A_449 = arith.constant 0 : i32
    %dma_start3A_450 = tpu.memref_slice %arg7[%add3A_446, %dma_start3A_449] : memref<100000x128xf32, #tpu.memory_space<hbm>> -> memref<136x128xf32, #tpu.memory_space<hbm>>
    tpu.enqueue_dma source(%arg12 : memref<136x128xf32, #tpu.memory_space<vmem>>) target(%dma_start3A_450 : memref<136x128xf32, #tpu.memory_space<hbm>>) target_semaphore(%arg20 : memref<!tpu.dma_semaphore, #tpu.memory_space<semaphore_mem>>)
    %scan3A_451 = arith.constant 0 : i32
    %scan3A_452 = arith.constant 46 : i32
    %scan3A_453 = arith.addi %scan3A_451, %scan3A_452 : i32
    %scan3A_454 = arith.constant 1 : i32
    scf.for %scan3A_668 = %scan3A_451 to %scan3A_453 step %scan3A_454  : i32 {
      %mul3A_669 = arith.constant 1 : i32
      %mul3A_670 = arith.muli %scan3A_668, %mul3A_669 : i32
      %add3A_671 = arith.constant 690 : i32
      %add3A_672 = arith.addi %add3A_671, %mul3A_670 : i32
      %jit3A_673 = arith.constant 32 : i32
      %div3A = arith.divsi %add3A_672, %jit3A_673 : i32
      %sign3A = arith.constant 0 : i32
      %sign3A_674 = arith.cmpi sgt, %add3A_672, %sign3A : i32
      %sign3A_675 = arith.extui %sign3A_674 : i1 to i32
      %sign3A_676 = arith.constant 0 : i32
      %sign3A_677 = arith.cmpi slt, %add3A_672, %sign3A_676 : i32
      %sign3A_678 = arith.extui %sign3A_677 : i1 to i32
      %sign3A_679 = arith.subi %sign3A_675, %sign3A_678 : i32
      %sign3A_680 = arith.constant 0 : i32
      %sign3A_681 = arith.cmpi sgt, %jit3A_673, %sign3A_680 : i32
      %sign3A_682 = arith.extui %sign3A_681 : i1 to i32
      %sign3A_683 = arith.constant 0 : i32
      %sign3A_684 = arith.cmpi slt, %jit3A_673, %sign3A_683 : i32
      %sign3A_685 = arith.extui %sign3A_684 : i1 to i32
      %sign3A_686 = arith.subi %sign3A_682, %sign3A_685 : i32
      %ne3A = arith.cmpi ne, %sign3A_679, %sign3A_686 : i32
      %rem3A = arith.remsi %add3A_672, %jit3A_673 : i32
      %ne3A_687 = arith.constant 0 : i32
      %ne3A_688 = arith.cmpi ne, %rem3A, %ne3A_687 : i32
      %and3A = arith.andi %ne3A, %ne3A_688 : i1
      %sub3A = arith.constant 1 : i32
      %sub3A_689 = arith.subi %div3A, %sub3A : i32
      %select_n3A_690 = arith.select %and3A, %sub3A_689, %div3A : i32
      %jit3A_691 = arith.constant 32 : i32
      %eq3A_692 = arith.constant 0 : i32
      %eq3A_693 = arith.cmpi eq, %jit3A_691, %eq3A_692 : i32
      %jit3A_694 = arith.constant 1 : i32
      %select_n3A_695 = arith.select %eq3A_693, %jit3A_694, %jit3A_691 : i32
      %rem3A_696 = arith.remsi %add3A_672, %select_n3A_695 : i32
      %ne3A_697 = arith.constant 0 : i32
      %ne3A_698 = arith.cmpi ne, %rem3A_696, %ne3A_697 : i32
      %lt3A_699 = arith.constant 0 : i32
      %lt3A_700 = arith.cmpi slt, %rem3A_696, %lt3A_699 : i32
      %lt3A_701 = arith.constant 0 : i32
      %lt3A_702 = arith.cmpi slt, %select_n3A_695, %lt3A_701 : i32
      %ne3A_703 = arith.xori %lt3A_700, %lt3A_702 : i1
      %and3A_704 = arith.andi %ne3A_703, %ne3A_698 : i1
      %add3A_705 = arith.addi %rem3A_696, %select_n3A_695 : i32
      %select_n3A_706 = arith.select %and3A_704, %add3A_705, %rem3A_696 : i32
      %jit3A_707 = arith.constant 8 : i32
      %div3A_708 = arith.divsi %select_n3A_706, %jit3A_707 : i32
      %sign3A_709 = arith.constant 0 : i32
      %sign3A_710 = arith.cmpi sgt, %select_n3A_706, %sign3A_709 : i32
      %sign3A_711 = arith.extui %sign3A_710 : i1 to i32
      %sign3A_712 = arith.constant 0 : i32
      %sign3A_713 = arith.cmpi slt, %select_n3A_706, %sign3A_712 : i32
      %sign3A_714 = arith.extui %sign3A_713 : i1 to i32
      %sign3A_715 = arith.subi %sign3A_711, %sign3A_714 : i32
      %sign3A_716 = arith.constant 0 : i32
      %sign3A_717 = arith.cmpi sgt, %jit3A_707, %sign3A_716 : i32
      %sign3A_718 = arith.extui %sign3A_717 : i1 to i32
      %sign3A_719 = arith.constant 0 : i32
      %sign3A_720 = arith.cmpi slt, %jit3A_707, %sign3A_719 : i32
      %sign3A_721 = arith.extui %sign3A_720 : i1 to i32
      %sign3A_722 = arith.subi %sign3A_718, %sign3A_721 : i32
      %ne3A_723 = arith.cmpi ne, %sign3A_715, %sign3A_722 : i32
      %rem3A_724 = arith.remsi %select_n3A_706, %jit3A_707 : i32
      %ne3A_725 = arith.constant 0 : i32
      %ne3A_726 = arith.cmpi ne, %rem3A_724, %ne3A_725 : i32
      %and3A_727 = arith.andi %ne3A_723, %ne3A_726 : i1
      %sub3A_728 = arith.constant 1 : i32
      %sub3A_729 = arith.subi %div3A_708, %sub3A_728 : i32
      %select_n3A_730 = arith.select %and3A_727, %sub3A_729, %div3A_708 : i32
      %jit3A_731 = arith.constant 8 : i32
      %eq3A_732 = arith.constant 0 : i32
      %eq3A_733 = arith.cmpi eq, %jit3A_731, %eq3A_732 : i32
      %jit3A_734 = arith.constant 1 : i32
      %select_n3A_735 = arith.select %eq3A_733, %jit3A_734, %jit3A_731 : i32
      %rem3A_736 = arith.remsi %select_n3A_706, %select_n3A_735 : i32
      %ne3A_737 = arith.constant 0 : i32
      %ne3A_738 = arith.cmpi ne, %rem3A_736, %ne3A_737 : i32
      %lt3A_739 = arith.constant 0 : i32
      %lt3A_740 = arith.cmpi slt, %rem3A_736, %lt3A_739 : i32
      %lt3A_741 = arith.constant 0 : i32
      %lt3A_742 = arith.cmpi slt, %select_n3A_735, %lt3A_741 : i32
      %ne3A_743 = arith.xori %lt3A_740, %lt3A_742 : i1
      %and3A_744 = arith.andi %ne3A_743, %ne3A_738 : i1
      %add3A_745 = arith.addi %rem3A_736, %select_n3A_735 : i32
      %select_n3A_746 = arith.select %and3A_744, %add3A_745, %rem3A_736 : i32
      %mul3A_747 = arith.constant 16 : i32
      %mul3A_748 = arith.muli %select_n3A_746, %mul3A_747 : i32
      %get3A_749 = arith.index_cast %select_n3A_690 : i32 to index
      %get3A_750 = arith.index_cast %select_n3A_730 : i32 to index
      %get3A_751 = arith.index_cast %mul3A_748 : i32 to index
      %get3A_752 = tpu.vector_load %arg13[%get3A_749, %get3A_750, %get3A_751] {strides = array<i32>} : memref<32x4x128xi32, #tpu.memory_space<vmem>>, vector<16xi32>,
      %ge3A = arith.cmpi sge, %get3A_752, %broadcast_in_dim3A : vector<16xi32>
      %lt3A_753 = arith.cmpi slt, %get3A_752, %add3A_67 : vector<16xi32>
      %and3A_754 = arith.andi %ge3A, %lt3A_753 : vector<16xi1>
      %sub3A_755 = arith.subi %get3A_752, %broadcast_in_dim3A : vector<16xi32>
      tpu.vector_store_idx %arg14[%sub3A_755], %get3A_64 masked %and3A_754 : memref<3200xf32, #tpu.memory_space<vmem>>[vector<16xi32>], vector<16xf32>, vector<16xi1>
    }
    %scan3A_455 = arith.constant 46 : i32
    %dma_wait3A_456 = arith.constant 0 : i32
    %dma_wait3A_457 = tpu.memref_slice %arg7[%add3A_446, %dma_wait3A_456] : memref<100000x128xf32, #tpu.memory_space<hbm>> -> memref<136x128xf32, #tpu.memory_space<hbm>>
    %dma_wait3A_458 = arith.constant 0 : i32
    %dma_wait3A_459 = tpu.memref_slice %arg7[%add3A_446, %dma_wait3A_458] : memref<100000x128xf32, #tpu.memory_space<hbm>> -> memref<136x128xf32, #tpu.memory_space<hbm>>
    tpu.wait_dma2 semaphore(%arg20 : memref<!tpu.dma_semaphore, #tpu.memory_space<semaphore_mem>>) src(%arg12 : memref<136x128xf32, #tpu.memory_space<vmem>>) dst(%dma_wait3A_459 : memref<136x128xf32, #tpu.memory_space<hbm>>)
    %add3A_460 = arith.constant 2312 : i32
    %add3A_461 = arith.addi %mul3A_4, %add3A_460 : i32
    %dma_start3A_462 = arith.constant 0 : i32
    %dma_start3A_463 = tpu.memref_slice %arg2[%add3A_461, %dma_start3A_462] : memref<100000x128xf32, #tpu.memory_space<hbm>> -> memref<136x128xf32, #tpu.memory_space<hbm>>
    %dma_start3A_464 = arith.constant 0 : i32
    %dma_start3A_465 = tpu.memref_slice %arg2[%add3A_461, %dma_start3A_464] : memref<100000x128xf32, #tpu.memory_space<hbm>> -> memref<136x128xf32, #tpu.memory_space<hbm>>
    tpu.enqueue_dma source(%dma_start3A_465 : memref<136x128xf32, #tpu.memory_space<hbm>>) target(%arg12 : memref<136x128xf32, #tpu.memory_space<vmem>>) target_semaphore(%arg18 : memref<!tpu.dma_semaphore, #tpu.memory_space<semaphore_mem>>)
    %dma_wait3A_466 = arith.constant 0 : i32
    %dma_wait3A_467 = tpu.memref_slice %arg2[%add3A_436, %dma_wait3A_466] : memref<100000x128xf32, #tpu.memory_space<hbm>> -> memref<136x128xf32, #tpu.memory_space<hbm>>
    %dma_wait3A_468 = arith.constant 0 : i32
    %dma_wait3A_469 = tpu.memref_slice %arg2[%add3A_436, %dma_wait3A_468] : memref<100000x128xf32, #tpu.memory_space<hbm>> -> memref<136x128xf32, #tpu.memory_space<hbm>>
    tpu.wait_dma2 semaphore(%arg17 : memref<!tpu.dma_semaphore, #tpu.memory_space<semaphore_mem>>) src(%dma_wait3A_469 : memref<136x128xf32, #tpu.memory_space<hbm>>) dst(%arg11 : memref<136x128xf32, #tpu.memory_space<vmem>>)
    %add3A_470 = arith.constant 2176 : i32
    %add3A_471 = arith.addi %mul3A_4, %add3A_470 : i32
    %dma_start3A_472 = arith.constant 0 : i32
    %dma_start3A_473 = tpu.memref_slice %arg7[%add3A_471, %dma_start3A_472] : memref<100000x128xf32, #tpu.memory_space<hbm>> -> memref<136x128xf32, #tpu.memory_space<hbm>>
    %dma_start3A_474 = arith.constant 0 : i32
    %dma_start3A_475 = tpu.memref_slice %arg7[%add3A_471, %dma_start3A_474] : memref<100000x128xf32, #tpu.memory_space<hbm>> -> memref<136x128xf32, #tpu.memory_space<hbm>>
    tpu.enqueue_dma source(%arg11 : memref<136x128xf32, #tpu.memory_space<vmem>>) target(%dma_start3A_475 : memref<136x128xf32, #tpu.memory_space<hbm>>) target_semaphore(%arg19 : memref<!tpu.dma_semaphore, #tpu.memory_space<semaphore_mem>>)
    %scan3A_476 = arith.constant 0 : i32
    %scan3A_477 = arith.constant 46 : i32
    %scan3A_478 = arith.addi %scan3A_476, %scan3A_477 : i32
    %scan3A_479 = arith.constant 1 : i32
    scf.for %scan3A_668 = %scan3A_476 to %scan3A_478 step %scan3A_479  : i32 {
      %mul3A_669 = arith.constant 1 : i32
      %mul3A_670 = arith.muli %scan3A_668, %mul3A_669 : i32
      %add3A_671 = arith.constant 736 : i32
      %add3A_672 = arith.addi %add3A_671, %mul3A_670 : i32
      %jit3A_673 = arith.constant 32 : i32
      %div3A = arith.divsi %add3A_672, %jit3A_673 : i32
      %sign3A = arith.constant 0 : i32
      %sign3A_674 = arith.cmpi sgt, %add3A_672, %sign3A : i32
      %sign3A_675 = arith.extui %sign3A_674 : i1 to i32
      %sign3A_676 = arith.constant 0 : i32
      %sign3A_677 = arith.cmpi slt, %add3A_672, %sign3A_676 : i32
      %sign3A_678 = arith.extui %sign3A_677 : i1 to i32
      %sign3A_679 = arith.subi %sign3A_675, %sign3A_678 : i32
      %sign3A_680 = arith.constant 0 : i32
      %sign3A_681 = arith.cmpi sgt, %jit3A_673, %sign3A_680 : i32
      %sign3A_682 = arith.extui %sign3A_681 : i1 to i32
      %sign3A_683 = arith.constant 0 : i32
      %sign3A_684 = arith.cmpi slt, %jit3A_673, %sign3A_683 : i32
      %sign3A_685 = arith.extui %sign3A_684 : i1 to i32
      %sign3A_686 = arith.subi %sign3A_682, %sign3A_685 : i32
      %ne3A = arith.cmpi ne, %sign3A_679, %sign3A_686 : i32
      %rem3A = arith.remsi %add3A_672, %jit3A_673 : i32
      %ne3A_687 = arith.constant 0 : i32
      %ne3A_688 = arith.cmpi ne, %rem3A, %ne3A_687 : i32
      %and3A = arith.andi %ne3A, %ne3A_688 : i1
      %sub3A = arith.constant 1 : i32
      %sub3A_689 = arith.subi %div3A, %sub3A : i32
      %select_n3A_690 = arith.select %and3A, %sub3A_689, %div3A : i32
      %jit3A_691 = arith.constant 32 : i32
      %eq3A_692 = arith.constant 0 : i32
      %eq3A_693 = arith.cmpi eq, %jit3A_691, %eq3A_692 : i32
      %jit3A_694 = arith.constant 1 : i32
      %select_n3A_695 = arith.select %eq3A_693, %jit3A_694, %jit3A_691 : i32
      %rem3A_696 = arith.remsi %add3A_672, %select_n3A_695 : i32
      %ne3A_697 = arith.constant 0 : i32
      %ne3A_698 = arith.cmpi ne, %rem3A_696, %ne3A_697 : i32
      %lt3A_699 = arith.constant 0 : i32
      %lt3A_700 = arith.cmpi slt, %rem3A_696, %lt3A_699 : i32
      %lt3A_701 = arith.constant 0 : i32
      %lt3A_702 = arith.cmpi slt, %select_n3A_695, %lt3A_701 : i32
      %ne3A_703 = arith.xori %lt3A_700, %lt3A_702 : i1
      %and3A_704 = arith.andi %ne3A_703, %ne3A_698 : i1
      %add3A_705 = arith.addi %rem3A_696, %select_n3A_695 : i32
      %select_n3A_706 = arith.select %and3A_704, %add3A_705, %rem3A_696 : i32
      %jit3A_707 = arith.constant 8 : i32
      %div3A_708 = arith.divsi %select_n3A_706, %jit3A_707 : i32
      %sign3A_709 = arith.constant 0 : i32
      %sign3A_710 = arith.cmpi sgt, %select_n3A_706, %sign3A_709 : i32
      %sign3A_711 = arith.extui %sign3A_710 : i1 to i32
      %sign3A_712 = arith.constant 0 : i32
      %sign3A_713 = arith.cmpi slt, %select_n3A_706, %sign3A_712 : i32
      %sign3A_714 = arith.extui %sign3A_713 : i1 to i32
      %sign3A_715 = arith.subi %sign3A_711, %sign3A_714 : i32
      %sign3A_716 = arith.constant 0 : i32
      %sign3A_717 = arith.cmpi sgt, %jit3A_707, %sign3A_716 : i32
      %sign3A_718 = arith.extui %sign3A_717 : i1 to i32
      %sign3A_719 = arith.constant 0 : i32
      %sign3A_720 = arith.cmpi slt, %jit3A_707, %sign3A_719 : i32
      %sign3A_721 = arith.extui %sign3A_720 : i1 to i32
      %sign3A_722 = arith.subi %sign3A_718, %sign3A_721 : i32
      %ne3A_723 = arith.cmpi ne, %sign3A_715, %sign3A_722 : i32
      %rem3A_724 = arith.remsi %select_n3A_706, %jit3A_707 : i32
      %ne3A_725 = arith.constant 0 : i32
      %ne3A_726 = arith.cmpi ne, %rem3A_724, %ne3A_725 : i32
      %and3A_727 = arith.andi %ne3A_723, %ne3A_726 : i1
      %sub3A_728 = arith.constant 1 : i32
      %sub3A_729 = arith.subi %div3A_708, %sub3A_728 : i32
      %select_n3A_730 = arith.select %and3A_727, %sub3A_729, %div3A_708 : i32
      %jit3A_731 = arith.constant 8 : i32
      %eq3A_732 = arith.constant 0 : i32
      %eq3A_733 = arith.cmpi eq, %jit3A_731, %eq3A_732 : i32
      %jit3A_734 = arith.constant 1 : i32
      %select_n3A_735 = arith.select %eq3A_733, %jit3A_734, %jit3A_731 : i32
      %rem3A_736 = arith.remsi %select_n3A_706, %select_n3A_735 : i32
      %ne3A_737 = arith.constant 0 : i32
      %ne3A_738 = arith.cmpi ne, %rem3A_736, %ne3A_737 : i32
      %lt3A_739 = arith.constant 0 : i32
      %lt3A_740 = arith.cmpi slt, %rem3A_736, %lt3A_739 : i32
      %lt3A_741 = arith.constant 0 : i32
      %lt3A_742 = arith.cmpi slt, %select_n3A_735, %lt3A_741 : i32
      %ne3A_743 = arith.xori %lt3A_740, %lt3A_742 : i1
      %and3A_744 = arith.andi %ne3A_743, %ne3A_738 : i1
      %add3A_745 = arith.addi %rem3A_736, %select_n3A_735 : i32
      %select_n3A_746 = arith.select %and3A_744, %add3A_745, %rem3A_736 : i32
      %mul3A_747 = arith.constant 16 : i32
      %mul3A_748 = arith.muli %select_n3A_746, %mul3A_747 : i32
      %get3A_749 = arith.index_cast %select_n3A_690 : i32 to index
      %get3A_750 = arith.index_cast %select_n3A_730 : i32 to index
      %get3A_751 = arith.index_cast %mul3A_748 : i32 to index
      %get3A_752 = tpu.vector_load %arg13[%get3A_749, %get3A_750, %get3A_751] {strides = array<i32>} : memref<32x4x128xi32, #tpu.memory_space<vmem>>, vector<16xi32>,
      %ge3A = arith.cmpi sge, %get3A_752, %broadcast_in_dim3A : vector<16xi32>
      %lt3A_753 = arith.cmpi slt, %get3A_752, %add3A_67 : vector<16xi32>
      %and3A_754 = arith.andi %ge3A, %lt3A_753 : vector<16xi1>
      %sub3A_755 = arith.subi %get3A_752, %broadcast_in_dim3A : vector<16xi32>
      tpu.vector_store_idx %arg14[%sub3A_755], %get3A_64 masked %and3A_754 : memref<3200xf32, #tpu.memory_space<vmem>>[vector<16xi32>], vector<16xf32>, vector<16xi1>
    }
    %scan3A_480 = arith.constant 46 : i32
    %dma_wait3A_481 = arith.constant 0 : i32
    %dma_wait3A_482 = tpu.memref_slice %arg7[%add3A_471, %dma_wait3A_481] : memref<100000x128xf32, #tpu.memory_space<hbm>> -> memref<136x128xf32, #tpu.memory_space<hbm>>
    %dma_wait3A_483 = arith.constant 0 : i32
    %dma_wait3A_484 = tpu.memref_slice %arg7[%add3A_471, %dma_wait3A_483] : memref<100000x128xf32, #tpu.memory_space<hbm>> -> memref<136x128xf32, #tpu.memory_space<hbm>>
    tpu.wait_dma2 semaphore(%arg19 : memref<!tpu.dma_semaphore, #tpu.memory_space<semaphore_mem>>) src(%arg11 : memref<136x128xf32, #tpu.memory_space<vmem>>) dst(%dma_wait3A_484 : memref<136x128xf32, #tpu.memory_space<hbm>>)
    %add3A_485 = arith.constant 2448 : i32
    %add3A_486 = arith.addi %mul3A_4, %add3A_485 : i32
    %dma_start3A_487 = arith.constant 0 : i32
    %dma_start3A_488 = tpu.memref_slice %arg2[%add3A_486, %dma_start3A_487] : memref<100000x128xf32, #tpu.memory_space<hbm>> -> memref<136x128xf32, #tpu.memory_space<hbm>>
    %dma_start3A_489 = arith.constant 0 : i32
    %dma_start3A_490 = tpu.memref_slice %arg2[%add3A_486, %dma_start3A_489] : memref<100000x128xf32, #tpu.memory_space<hbm>> -> memref<136x128xf32, #tpu.memory_space<hbm>>
    tpu.enqueue_dma source(%dma_start3A_490 : memref<136x128xf32, #tpu.memory_space<hbm>>) target(%arg11 : memref<136x128xf32, #tpu.memory_space<vmem>>) target_semaphore(%arg17 : memref<!tpu.dma_semaphore, #tpu.memory_space<semaphore_mem>>)
    %dma_wait3A_491 = arith.constant 0 : i32
    %dma_wait3A_492 = tpu.memref_slice %arg2[%add3A_461, %dma_wait3A_491] : memref<100000x128xf32, #tpu.memory_space<hbm>> -> memref<136x128xf32, #tpu.memory_space<hbm>>
    %dma_wait3A_493 = arith.constant 0 : i32
    %dma_wait3A_494 = tpu.memref_slice %arg2[%add3A_461, %dma_wait3A_493] : memref<100000x128xf32, #tpu.memory_space<hbm>> -> memref<136x128xf32, #tpu.memory_space<hbm>>
    tpu.wait_dma2 semaphore(%arg18 : memref<!tpu.dma_semaphore, #tpu.memory_space<semaphore_mem>>) src(%dma_wait3A_494 : memref<136x128xf32, #tpu.memory_space<hbm>>) dst(%arg12 : memref<136x128xf32, #tpu.memory_space<vmem>>)
    %add3A_495 = arith.constant 2312 : i32
    %add3A_496 = arith.addi %mul3A_4, %add3A_495 : i32
    %dma_start3A_497 = arith.constant 0 : i32
    %dma_start3A_498 = tpu.memref_slice %arg7[%add3A_496, %dma_start3A_497] : memref<100000x128xf32, #tpu.memory_space<hbm>> -> memref<136x128xf32, #tpu.memory_space<hbm>>
    %dma_start3A_499 = arith.constant 0 : i32
    %dma_start3A_500 = tpu.memref_slice %arg7[%add3A_496, %dma_start3A_499] : memref<100000x128xf32, #tpu.memory_space<hbm>> -> memref<136x128xf32, #tpu.memory_space<hbm>>
    tpu.enqueue_dma source(%arg12 : memref<136x128xf32, #tpu.memory_space<vmem>>) target(%dma_start3A_500 : memref<136x128xf32, #tpu.memory_space<hbm>>) target_semaphore(%arg20 : memref<!tpu.dma_semaphore, #tpu.memory_space<semaphore_mem>>)
    %scan3A_501 = arith.constant 0 : i32
    %scan3A_502 = arith.constant 46 : i32
    %scan3A_503 = arith.addi %scan3A_501, %scan3A_502 : i32
    %scan3A_504 = arith.constant 1 : i32
    scf.for %scan3A_668 = %scan3A_501 to %scan3A_503 step %scan3A_504  : i32 {
      %mul3A_669 = arith.constant 1 : i32
      %mul3A_670 = arith.muli %scan3A_668, %mul3A_669 : i32
      %add3A_671 = arith.constant 782 : i32
      %add3A_672 = arith.addi %add3A_671, %mul3A_670 : i32
      %jit3A_673 = arith.constant 32 : i32
      %div3A = arith.divsi %add3A_672, %jit3A_673 : i32
      %sign3A = arith.constant 0 : i32
      %sign3A_674 = arith.cmpi sgt, %add3A_672, %sign3A : i32
      %sign3A_675 = arith.extui %sign3A_674 : i1 to i32
      %sign3A_676 = arith.constant 0 : i32
      %sign3A_677 = arith.cmpi slt, %add3A_672, %sign3A_676 : i32
      %sign3A_678 = arith.extui %sign3A_677 : i1 to i32
      %sign3A_679 = arith.subi %sign3A_675, %sign3A_678 : i32
      %sign3A_680 = arith.constant 0 : i32
      %sign3A_681 = arith.cmpi sgt, %jit3A_673, %sign3A_680 : i32
      %sign3A_682 = arith.extui %sign3A_681 : i1 to i32
      %sign3A_683 = arith.constant 0 : i32
      %sign3A_684 = arith.cmpi slt, %jit3A_673, %sign3A_683 : i32
      %sign3A_685 = arith.extui %sign3A_684 : i1 to i32
      %sign3A_686 = arith.subi %sign3A_682, %sign3A_685 : i32
      %ne3A = arith.cmpi ne, %sign3A_679, %sign3A_686 : i32
      %rem3A = arith.remsi %add3A_672, %jit3A_673 : i32
      %ne3A_687 = arith.constant 0 : i32
      %ne3A_688 = arith.cmpi ne, %rem3A, %ne3A_687 : i32
      %and3A = arith.andi %ne3A, %ne3A_688 : i1
      %sub3A = arith.constant 1 : i32
      %sub3A_689 = arith.subi %div3A, %sub3A : i32
      %select_n3A_690 = arith.select %and3A, %sub3A_689, %div3A : i32
      %jit3A_691 = arith.constant 32 : i32
      %eq3A_692 = arith.constant 0 : i32
      %eq3A_693 = arith.cmpi eq, %jit3A_691, %eq3A_692 : i32
      %jit3A_694 = arith.constant 1 : i32
      %select_n3A_695 = arith.select %eq3A_693, %jit3A_694, %jit3A_691 : i32
      %rem3A_696 = arith.remsi %add3A_672, %select_n3A_695 : i32
      %ne3A_697 = arith.constant 0 : i32
      %ne3A_698 = arith.cmpi ne, %rem3A_696, %ne3A_697 : i32
      %lt3A_699 = arith.constant 0 : i32
      %lt3A_700 = arith.cmpi slt, %rem3A_696, %lt3A_699 : i32
      %lt3A_701 = arith.constant 0 : i32
      %lt3A_702 = arith.cmpi slt, %select_n3A_695, %lt3A_701 : i32
      %ne3A_703 = arith.xori %lt3A_700, %lt3A_702 : i1
      %and3A_704 = arith.andi %ne3A_703, %ne3A_698 : i1
      %add3A_705 = arith.addi %rem3A_696, %select_n3A_695 : i32
      %select_n3A_706 = arith.select %and3A_704, %add3A_705, %rem3A_696 : i32
      %jit3A_707 = arith.constant 8 : i32
      %div3A_708 = arith.divsi %select_n3A_706, %jit3A_707 : i32
      %sign3A_709 = arith.constant 0 : i32
      %sign3A_710 = arith.cmpi sgt, %select_n3A_706, %sign3A_709 : i32
      %sign3A_711 = arith.extui %sign3A_710 : i1 to i32
      %sign3A_712 = arith.constant 0 : i32
      %sign3A_713 = arith.cmpi slt, %select_n3A_706, %sign3A_712 : i32
      %sign3A_714 = arith.extui %sign3A_713 : i1 to i32
      %sign3A_715 = arith.subi %sign3A_711, %sign3A_714 : i32
      %sign3A_716 = arith.constant 0 : i32
      %sign3A_717 = arith.cmpi sgt, %jit3A_707, %sign3A_716 : i32
      %sign3A_718 = arith.extui %sign3A_717 : i1 to i32
      %sign3A_719 = arith.constant 0 : i32
      %sign3A_720 = arith.cmpi slt, %jit3A_707, %sign3A_719 : i32
      %sign3A_721 = arith.extui %sign3A_720 : i1 to i32
      %sign3A_722 = arith.subi %sign3A_718, %sign3A_721 : i32
      %ne3A_723 = arith.cmpi ne, %sign3A_715, %sign3A_722 : i32
      %rem3A_724 = arith.remsi %select_n3A_706, %jit3A_707 : i32
      %ne3A_725 = arith.constant 0 : i32
      %ne3A_726 = arith.cmpi ne, %rem3A_724, %ne3A_725 : i32
      %and3A_727 = arith.andi %ne3A_723, %ne3A_726 : i1
      %sub3A_728 = arith.constant 1 : i32
      %sub3A_729 = arith.subi %div3A_708, %sub3A_728 : i32
      %select_n3A_730 = arith.select %and3A_727, %sub3A_729, %div3A_708 : i32
      %jit3A_731 = arith.constant 8 : i32
      %eq3A_732 = arith.constant 0 : i32
      %eq3A_733 = arith.cmpi eq, %jit3A_731, %eq3A_732 : i32
      %jit3A_734 = arith.constant 1 : i32
      %select_n3A_735 = arith.select %eq3A_733, %jit3A_734, %jit3A_731 : i32
      %rem3A_736 = arith.remsi %select_n3A_706, %select_n3A_735 : i32
      %ne3A_737 = arith.constant 0 : i32
      %ne3A_738 = arith.cmpi ne, %rem3A_736, %ne3A_737 : i32
      %lt3A_739 = arith.constant 0 : i32
      %lt3A_740 = arith.cmpi slt, %rem3A_736, %lt3A_739 : i32
      %lt3A_741 = arith.constant 0 : i32
      %lt3A_742 = arith.cmpi slt, %select_n3A_735, %lt3A_741 : i32
      %ne3A_743 = arith.xori %lt3A_740, %lt3A_742 : i1
      %and3A_744 = arith.andi %ne3A_743, %ne3A_738 : i1
      %add3A_745 = arith.addi %rem3A_736, %select_n3A_735 : i32
      %select_n3A_746 = arith.select %and3A_744, %add3A_745, %rem3A_736 : i32
      %mul3A_747 = arith.constant 16 : i32
      %mul3A_748 = arith.muli %select_n3A_746, %mul3A_747 : i32
      %get3A_749 = arith.index_cast %select_n3A_690 : i32 to index
      %get3A_750 = arith.index_cast %select_n3A_730 : i32 to index
      %get3A_751 = arith.index_cast %mul3A_748 : i32 to index
      %get3A_752 = tpu.vector_load %arg13[%get3A_749, %get3A_750, %get3A_751] {strides = array<i32>} : memref<32x4x128xi32, #tpu.memory_space<vmem>>, vector<16xi32>,
      %ge3A = arith.cmpi sge, %get3A_752, %broadcast_in_dim3A : vector<16xi32>
      %lt3A_753 = arith.cmpi slt, %get3A_752, %add3A_67 : vector<16xi32>
      %and3A_754 = arith.andi %ge3A, %lt3A_753 : vector<16xi1>
      %sub3A_755 = arith.subi %get3A_752, %broadcast_in_dim3A : vector<16xi32>
      tpu.vector_store_idx %arg14[%sub3A_755], %get3A_64 masked %and3A_754 : memref<3200xf32, #tpu.memory_space<vmem>>[vector<16xi32>], vector<16xf32>, vector<16xi1>
    }
    %scan3A_505 = arith.constant 46 : i32
    %dma_wait3A_506 = arith.constant 0 : i32
    %dma_wait3A_507 = tpu.memref_slice %arg7[%add3A_496, %dma_wait3A_506] : memref<100000x128xf32, #tpu.memory_space<hbm>> -> memref<136x128xf32, #tpu.memory_space<hbm>>
    %dma_wait3A_508 = arith.constant 0 : i32
    %dma_wait3A_509 = tpu.memref_slice %arg7[%add3A_496, %dma_wait3A_508] : memref<100000x128xf32, #tpu.memory_space<hbm>> -> memref<136x128xf32, #tpu.memory_space<hbm>>
    tpu.wait_dma2 semaphore(%arg20 : memref<!tpu.dma_semaphore, #tpu.memory_space<semaphore_mem>>) src(%arg12 : memref<136x128xf32, #tpu.memory_space<vmem>>) dst(%dma_wait3A_509 : memref<136x128xf32, #tpu.memory_space<hbm>>)
    %add3A_510 = arith.constant 2584 : i32
    %add3A_511 = arith.addi %mul3A_4, %add3A_510 : i32
    %dma_start3A_512 = arith.constant 0 : i32
    %dma_start3A_513 = tpu.memref_slice %arg2[%add3A_511, %dma_start3A_512] : memref<100000x128xf32, #tpu.memory_space<hbm>> -> memref<136x128xf32, #tpu.memory_space<hbm>>
    %dma_start3A_514 = arith.constant 0 : i32
    %dma_start3A_515 = tpu.memref_slice %arg2[%add3A_511, %dma_start3A_514] : memref<100000x128xf32, #tpu.memory_space<hbm>> -> memref<136x128xf32, #tpu.memory_space<hbm>>
    tpu.enqueue_dma source(%dma_start3A_515 : memref<136x128xf32, #tpu.memory_space<hbm>>) target(%arg12 : memref<136x128xf32, #tpu.memory_space<vmem>>) target_semaphore(%arg18 : memref<!tpu.dma_semaphore, #tpu.memory_space<semaphore_mem>>)
    %dma_wait3A_516 = arith.constant 0 : i32
    %dma_wait3A_517 = tpu.memref_slice %arg2[%add3A_486, %dma_wait3A_516] : memref<100000x128xf32, #tpu.memory_space<hbm>> -> memref<136x128xf32, #tpu.memory_space<hbm>>
    %dma_wait3A_518 = arith.constant 0 : i32
    %dma_wait3A_519 = tpu.memref_slice %arg2[%add3A_486, %dma_wait3A_518] : memref<100000x128xf32, #tpu.memory_space<hbm>> -> memref<136x128xf32, #tpu.memory_space<hbm>>
    tpu.wait_dma2 semaphore(%arg17 : memref<!tpu.dma_semaphore, #tpu.memory_space<semaphore_mem>>) src(%dma_wait3A_519 : memref<136x128xf32, #tpu.memory_space<hbm>>) dst(%arg11 : memref<136x128xf32, #tpu.memory_space<vmem>>)
    %add3A_520 = arith.constant 2448 : i32
    %add3A_521 = arith.addi %mul3A_4, %add3A_520 : i32
    %dma_start3A_522 = arith.constant 0 : i32
    %dma_start3A_523 = tpu.memref_slice %arg7[%add3A_521, %dma_start3A_522] : memref<100000x128xf32, #tpu.memory_space<hbm>> -> memref<136x128xf32, #tpu.memory_space<hbm>>
    %dma_start3A_524 = arith.constant 0 : i32
    %dma_start3A_525 = tpu.memref_slice %arg7[%add3A_521, %dma_start3A_524] : memref<100000x128xf32, #tpu.memory_space<hbm>> -> memref<136x128xf32, #tpu.memory_space<hbm>>
    tpu.enqueue_dma source(%arg11 : memref<136x128xf32, #tpu.memory_space<vmem>>) target(%dma_start3A_525 : memref<136x128xf32, #tpu.memory_space<hbm>>) target_semaphore(%arg19 : memref<!tpu.dma_semaphore, #tpu.memory_space<semaphore_mem>>)
    %scan3A_526 = arith.constant 0 : i32
    %scan3A_527 = arith.constant 46 : i32
    %scan3A_528 = arith.addi %scan3A_526, %scan3A_527 : i32
    %scan3A_529 = arith.constant 1 : i32
    scf.for %scan3A_668 = %scan3A_526 to %scan3A_528 step %scan3A_529  : i32 {
      %mul3A_669 = arith.constant 1 : i32
      %mul3A_670 = arith.muli %scan3A_668, %mul3A_669 : i32
      %add3A_671 = arith.constant 828 : i32
      %add3A_672 = arith.addi %add3A_671, %mul3A_670 : i32
      %jit3A_673 = arith.constant 32 : i32
      %div3A = arith.divsi %add3A_672, %jit3A_673 : i32
      %sign3A = arith.constant 0 : i32
      %sign3A_674 = arith.cmpi sgt, %add3A_672, %sign3A : i32
      %sign3A_675 = arith.extui %sign3A_674 : i1 to i32
      %sign3A_676 = arith.constant 0 : i32
      %sign3A_677 = arith.cmpi slt, %add3A_672, %sign3A_676 : i32
      %sign3A_678 = arith.extui %sign3A_677 : i1 to i32
      %sign3A_679 = arith.subi %sign3A_675, %sign3A_678 : i32
      %sign3A_680 = arith.constant 0 : i32
      %sign3A_681 = arith.cmpi sgt, %jit3A_673, %sign3A_680 : i32
      %sign3A_682 = arith.extui %sign3A_681 : i1 to i32
      %sign3A_683 = arith.constant 0 : i32
      %sign3A_684 = arith.cmpi slt, %jit3A_673, %sign3A_683 : i32
      %sign3A_685 = arith.extui %sign3A_684 : i1 to i32
      %sign3A_686 = arith.subi %sign3A_682, %sign3A_685 : i32
      %ne3A = arith.cmpi ne, %sign3A_679, %sign3A_686 : i32
      %rem3A = arith.remsi %add3A_672, %jit3A_673 : i32
      %ne3A_687 = arith.constant 0 : i32
      %ne3A_688 = arith.cmpi ne, %rem3A, %ne3A_687 : i32
      %and3A = arith.andi %ne3A, %ne3A_688 : i1
      %sub3A = arith.constant 1 : i32
      %sub3A_689 = arith.subi %div3A, %sub3A : i32
      %select_n3A_690 = arith.select %and3A, %sub3A_689, %div3A : i32
      %jit3A_691 = arith.constant 32 : i32
      %eq3A_692 = arith.constant 0 : i32
      %eq3A_693 = arith.cmpi eq, %jit3A_691, %eq3A_692 : i32
      %jit3A_694 = arith.constant 1 : i32
      %select_n3A_695 = arith.select %eq3A_693, %jit3A_694, %jit3A_691 : i32
      %rem3A_696 = arith.remsi %add3A_672, %select_n3A_695 : i32
      %ne3A_697 = arith.constant 0 : i32
      %ne3A_698 = arith.cmpi ne, %rem3A_696, %ne3A_697 : i32
      %lt3A_699 = arith.constant 0 : i32
      %lt3A_700 = arith.cmpi slt, %rem3A_696, %lt3A_699 : i32
      %lt3A_701 = arith.constant 0 : i32
      %lt3A_702 = arith.cmpi slt, %select_n3A_695, %lt3A_701 : i32
      %ne3A_703 = arith.xori %lt3A_700, %lt3A_702 : i1
      %and3A_704 = arith.andi %ne3A_703, %ne3A_698 : i1
      %add3A_705 = arith.addi %rem3A_696, %select_n3A_695 : i32
      %select_n3A_706 = arith.select %and3A_704, %add3A_705, %rem3A_696 : i32
      %jit3A_707 = arith.constant 8 : i32
      %div3A_708 = arith.divsi %select_n3A_706, %jit3A_707 : i32
      %sign3A_709 = arith.constant 0 : i32
      %sign3A_710 = arith.cmpi sgt, %select_n3A_706, %sign3A_709 : i32
      %sign3A_711 = arith.extui %sign3A_710 : i1 to i32
      %sign3A_712 = arith.constant 0 : i32
      %sign3A_713 = arith.cmpi slt, %select_n3A_706, %sign3A_712 : i32
      %sign3A_714 = arith.extui %sign3A_713 : i1 to i32
      %sign3A_715 = arith.subi %sign3A_711, %sign3A_714 : i32
      %sign3A_716 = arith.constant 0 : i32
      %sign3A_717 = arith.cmpi sgt, %jit3A_707, %sign3A_716 : i32
      %sign3A_718 = arith.extui %sign3A_717 : i1 to i32
      %sign3A_719 = arith.constant 0 : i32
      %sign3A_720 = arith.cmpi slt, %jit3A_707, %sign3A_719 : i32
      %sign3A_721 = arith.extui %sign3A_720 : i1 to i32
      %sign3A_722 = arith.subi %sign3A_718, %sign3A_721 : i32
      %ne3A_723 = arith.cmpi ne, %sign3A_715, %sign3A_722 : i32
      %rem3A_724 = arith.remsi %select_n3A_706, %jit3A_707 : i32
      %ne3A_725 = arith.constant 0 : i32
      %ne3A_726 = arith.cmpi ne, %rem3A_724, %ne3A_725 : i32
      %and3A_727 = arith.andi %ne3A_723, %ne3A_726 : i1
      %sub3A_728 = arith.constant 1 : i32
      %sub3A_729 = arith.subi %div3A_708, %sub3A_728 : i32
      %select_n3A_730 = arith.select %and3A_727, %sub3A_729, %div3A_708 : i32
      %jit3A_731 = arith.constant 8 : i32
      %eq3A_732 = arith.constant 0 : i32
      %eq3A_733 = arith.cmpi eq, %jit3A_731, %eq3A_732 : i32
      %jit3A_734 = arith.constant 1 : i32
      %select_n3A_735 = arith.select %eq3A_733, %jit3A_734, %jit3A_731 : i32
      %rem3A_736 = arith.remsi %select_n3A_706, %select_n3A_735 : i32
      %ne3A_737 = arith.constant 0 : i32
      %ne3A_738 = arith.cmpi ne, %rem3A_736, %ne3A_737 : i32
      %lt3A_739 = arith.constant 0 : i32
      %lt3A_740 = arith.cmpi slt, %rem3A_736, %lt3A_739 : i32
      %lt3A_741 = arith.constant 0 : i32
      %lt3A_742 = arith.cmpi slt, %select_n3A_735, %lt3A_741 : i32
      %ne3A_743 = arith.xori %lt3A_740, %lt3A_742 : i1
      %and3A_744 = arith.andi %ne3A_743, %ne3A_738 : i1
      %add3A_745 = arith.addi %rem3A_736, %select_n3A_735 : i32
      %select_n3A_746 = arith.select %and3A_744, %add3A_745, %rem3A_736 : i32
      %mul3A_747 = arith.constant 16 : i32
      %mul3A_748 = arith.muli %select_n3A_746, %mul3A_747 : i32
      %get3A_749 = arith.index_cast %select_n3A_690 : i32 to index
      %get3A_750 = arith.index_cast %select_n3A_730 : i32 to index
      %get3A_751 = arith.index_cast %mul3A_748 : i32 to index
      %get3A_752 = tpu.vector_load %arg13[%get3A_749, %get3A_750, %get3A_751] {strides = array<i32>} : memref<32x4x128xi32, #tpu.memory_space<vmem>>, vector<16xi32>,
      %ge3A = arith.cmpi sge, %get3A_752, %broadcast_in_dim3A : vector<16xi32>
      %lt3A_753 = arith.cmpi slt, %get3A_752, %add3A_67 : vector<16xi32>
      %and3A_754 = arith.andi %ge3A, %lt3A_753 : vector<16xi1>
      %sub3A_755 = arith.subi %get3A_752, %broadcast_in_dim3A : vector<16xi32>
      tpu.vector_store_idx %arg14[%sub3A_755], %get3A_64 masked %and3A_754 : memref<3200xf32, #tpu.memory_space<vmem>>[vector<16xi32>], vector<16xf32>, vector<16xi1>
    }
    %scan3A_530 = arith.constant 46 : i32
    %dma_wait3A_531 = arith.constant 0 : i32
    %dma_wait3A_532 = tpu.memref_slice %arg7[%add3A_521, %dma_wait3A_531] : memref<100000x128xf32, #tpu.memory_space<hbm>> -> memref<136x128xf32, #tpu.memory_space<hbm>>
    %dma_wait3A_533 = arith.constant 0 : i32
    %dma_wait3A_534 = tpu.memref_slice %arg7[%add3A_521, %dma_wait3A_533] : memref<100000x128xf32, #tpu.memory_space<hbm>> -> memref<136x128xf32, #tpu.memory_space<hbm>>
    tpu.wait_dma2 semaphore(%arg19 : memref<!tpu.dma_semaphore, #tpu.memory_space<semaphore_mem>>) src(%arg11 : memref<136x128xf32, #tpu.memory_space<vmem>>) dst(%dma_wait3A_534 : memref<136x128xf32, #tpu.memory_space<hbm>>)
    %add3A_535 = arith.constant 2720 : i32
    %add3A_536 = arith.addi %mul3A_4, %add3A_535 : i32
    %dma_start3A_537 = arith.constant 0 : i32
    %dma_start3A_538 = tpu.memref_slice %arg2[%add3A_536, %dma_start3A_537] : memref<100000x128xf32, #tpu.memory_space<hbm>> -> memref<136x128xf32, #tpu.memory_space<hbm>>
    %dma_start3A_539 = arith.constant 0 : i32
    %dma_start3A_540 = tpu.memref_slice %arg2[%add3A_536, %dma_start3A_539] : memref<100000x128xf32, #tpu.memory_space<hbm>> -> memref<136x128xf32, #tpu.memory_space<hbm>>
    tpu.enqueue_dma source(%dma_start3A_540 : memref<136x128xf32, #tpu.memory_space<hbm>>) target(%arg11 : memref<136x128xf32, #tpu.memory_space<vmem>>) target_semaphore(%arg17 : memref<!tpu.dma_semaphore, #tpu.memory_space<semaphore_mem>>)
    %dma_wait3A_541 = arith.constant 0 : i32
    %dma_wait3A_542 = tpu.memref_slice %arg2[%add3A_511, %dma_wait3A_541] : memref<100000x128xf32, #tpu.memory_space<hbm>> -> memref<136x128xf32, #tpu.memory_space<hbm>>
    %dma_wait3A_543 = arith.constant 0 : i32
    %dma_wait3A_544 = tpu.memref_slice %arg2[%add3A_511, %dma_wait3A_543] : memref<100000x128xf32, #tpu.memory_space<hbm>> -> memref<136x128xf32, #tpu.memory_space<hbm>>
    tpu.wait_dma2 semaphore(%arg18 : memref<!tpu.dma_semaphore, #tpu.memory_space<semaphore_mem>>) src(%dma_wait3A_544 : memref<136x128xf32, #tpu.memory_space<hbm>>) dst(%arg12 : memref<136x128xf32, #tpu.memory_space<vmem>>)
    %add3A_545 = arith.constant 2584 : i32
    %add3A_546 = arith.addi %mul3A_4, %add3A_545 : i32
    %dma_start3A_547 = arith.constant 0 : i32
    %dma_start3A_548 = tpu.memref_slice %arg7[%add3A_546, %dma_start3A_547] : memref<100000x128xf32, #tpu.memory_space<hbm>> -> memref<136x128xf32, #tpu.memory_space<hbm>>
    %dma_start3A_549 = arith.constant 0 : i32
    %dma_start3A_550 = tpu.memref_slice %arg7[%add3A_546, %dma_start3A_549] : memref<100000x128xf32, #tpu.memory_space<hbm>> -> memref<136x128xf32, #tpu.memory_space<hbm>>
    tpu.enqueue_dma source(%arg12 : memref<136x128xf32, #tpu.memory_space<vmem>>) target(%dma_start3A_550 : memref<136x128xf32, #tpu.memory_space<hbm>>) target_semaphore(%arg20 : memref<!tpu.dma_semaphore, #tpu.memory_space<semaphore_mem>>)
    %scan3A_551 = arith.constant 0 : i32
    %scan3A_552 = arith.constant 46 : i32
    %scan3A_553 = arith.addi %scan3A_551, %scan3A_552 : i32
    %scan3A_554 = arith.constant 1 : i32
    scf.for %scan3A_668 = %scan3A_551 to %scan3A_553 step %scan3A_554  : i32 {
      %mul3A_669 = arith.constant 1 : i32
      %mul3A_670 = arith.muli %scan3A_668, %mul3A_669 : i32
      %add3A_671 = arith.constant 874 : i32
      %add3A_672 = arith.addi %add3A_671, %mul3A_670 : i32
      %jit3A_673 = arith.constant 32 : i32
      %div3A = arith.divsi %add3A_672, %jit3A_673 : i32
      %sign3A = arith.constant 0 : i32
      %sign3A_674 = arith.cmpi sgt, %add3A_672, %sign3A : i32
      %sign3A_675 = arith.extui %sign3A_674 : i1 to i32
      %sign3A_676 = arith.constant 0 : i32
      %sign3A_677 = arith.cmpi slt, %add3A_672, %sign3A_676 : i32
      %sign3A_678 = arith.extui %sign3A_677 : i1 to i32
      %sign3A_679 = arith.subi %sign3A_675, %sign3A_678 : i32
      %sign3A_680 = arith.constant 0 : i32
      %sign3A_681 = arith.cmpi sgt, %jit3A_673, %sign3A_680 : i32
      %sign3A_682 = arith.extui %sign3A_681 : i1 to i32
      %sign3A_683 = arith.constant 0 : i32
      %sign3A_684 = arith.cmpi slt, %jit3A_673, %sign3A_683 : i32
      %sign3A_685 = arith.extui %sign3A_684 : i1 to i32
      %sign3A_686 = arith.subi %sign3A_682, %sign3A_685 : i32
      %ne3A = arith.cmpi ne, %sign3A_679, %sign3A_686 : i32
      %rem3A = arith.remsi %add3A_672, %jit3A_673 : i32
      %ne3A_687 = arith.constant 0 : i32
      %ne3A_688 = arith.cmpi ne, %rem3A, %ne3A_687 : i32
      %and3A = arith.andi %ne3A, %ne3A_688 : i1
      %sub3A = arith.constant 1 : i32
      %sub3A_689 = arith.subi %div3A, %sub3A : i32
      %select_n3A_690 = arith.select %and3A, %sub3A_689, %div3A : i32
      %jit3A_691 = arith.constant 32 : i32
      %eq3A_692 = arith.constant 0 : i32
      %eq3A_693 = arith.cmpi eq, %jit3A_691, %eq3A_692 : i32
      %jit3A_694 = arith.constant 1 : i32
      %select_n3A_695 = arith.select %eq3A_693, %jit3A_694, %jit3A_691 : i32
      %rem3A_696 = arith.remsi %add3A_672, %select_n3A_695 : i32
      %ne3A_697 = arith.constant 0 : i32
      %ne3A_698 = arith.cmpi ne, %rem3A_696, %ne3A_697 : i32
      %lt3A_699 = arith.constant 0 : i32
      %lt3A_700 = arith.cmpi slt, %rem3A_696, %lt3A_699 : i32
      %lt3A_701 = arith.constant 0 : i32
      %lt3A_702 = arith.cmpi slt, %select_n3A_695, %lt3A_701 : i32
      %ne3A_703 = arith.xori %lt3A_700, %lt3A_702 : i1
      %and3A_704 = arith.andi %ne3A_703, %ne3A_698 : i1
      %add3A_705 = arith.addi %rem3A_696, %select_n3A_695 : i32
      %select_n3A_706 = arith.select %and3A_704, %add3A_705, %rem3A_696 : i32
      %jit3A_707 = arith.constant 8 : i32
      %div3A_708 = arith.divsi %select_n3A_706, %jit3A_707 : i32
      %sign3A_709 = arith.constant 0 : i32
      %sign3A_710 = arith.cmpi sgt, %select_n3A_706, %sign3A_709 : i32
      %sign3A_711 = arith.extui %sign3A_710 : i1 to i32
      %sign3A_712 = arith.constant 0 : i32
      %sign3A_713 = arith.cmpi slt, %select_n3A_706, %sign3A_712 : i32
      %sign3A_714 = arith.extui %sign3A_713 : i1 to i32
      %sign3A_715 = arith.subi %sign3A_711, %sign3A_714 : i32
      %sign3A_716 = arith.constant 0 : i32
      %sign3A_717 = arith.cmpi sgt, %jit3A_707, %sign3A_716 : i32
      %sign3A_718 = arith.extui %sign3A_717 : i1 to i32
      %sign3A_719 = arith.constant 0 : i32
      %sign3A_720 = arith.cmpi slt, %jit3A_707, %sign3A_719 : i32
      %sign3A_721 = arith.extui %sign3A_720 : i1 to i32
      %sign3A_722 = arith.subi %sign3A_718, %sign3A_721 : i32
      %ne3A_723 = arith.cmpi ne, %sign3A_715, %sign3A_722 : i32
      %rem3A_724 = arith.remsi %select_n3A_706, %jit3A_707 : i32
      %ne3A_725 = arith.constant 0 : i32
      %ne3A_726 = arith.cmpi ne, %rem3A_724, %ne3A_725 : i32
      %and3A_727 = arith.andi %ne3A_723, %ne3A_726 : i1
      %sub3A_728 = arith.constant 1 : i32
      %sub3A_729 = arith.subi %div3A_708, %sub3A_728 : i32
      %select_n3A_730 = arith.select %and3A_727, %sub3A_729, %div3A_708 : i32
      %jit3A_731 = arith.constant 8 : i32
      %eq3A_732 = arith.constant 0 : i32
      %eq3A_733 = arith.cmpi eq, %jit3A_731, %eq3A_732 : i32
      %jit3A_734 = arith.constant 1 : i32
      %select_n3A_735 = arith.select %eq3A_733, %jit3A_734, %jit3A_731 : i32
      %rem3A_736 = arith.remsi %select_n3A_706, %select_n3A_735 : i32
      %ne3A_737 = arith.constant 0 : i32
      %ne3A_738 = arith.cmpi ne, %rem3A_736, %ne3A_737 : i32
      %lt3A_739 = arith.constant 0 : i32
      %lt3A_740 = arith.cmpi slt, %rem3A_736, %lt3A_739 : i32
      %lt3A_741 = arith.constant 0 : i32
      %lt3A_742 = arith.cmpi slt, %select_n3A_735, %lt3A_741 : i32
      %ne3A_743 = arith.xori %lt3A_740, %lt3A_742 : i1
      %and3A_744 = arith.andi %ne3A_743, %ne3A_738 : i1
      %add3A_745 = arith.addi %rem3A_736, %select_n3A_735 : i32
      %select_n3A_746 = arith.select %and3A_744, %add3A_745, %rem3A_736 : i32
      %mul3A_747 = arith.constant 16 : i32
      %mul3A_748 = arith.muli %select_n3A_746, %mul3A_747 : i32
      %get3A_749 = arith.index_cast %select_n3A_690 : i32 to index
      %get3A_750 = arith.index_cast %select_n3A_730 : i32 to index
      %get3A_751 = arith.index_cast %mul3A_748 : i32 to index
      %get3A_752 = tpu.vector_load %arg13[%get3A_749, %get3A_750, %get3A_751] {strides = array<i32>} : memref<32x4x128xi32, #tpu.memory_space<vmem>>, vector<16xi32>,
      %ge3A = arith.cmpi sge, %get3A_752, %broadcast_in_dim3A : vector<16xi32>
      %lt3A_753 = arith.cmpi slt, %get3A_752, %add3A_67 : vector<16xi32>
      %and3A_754 = arith.andi %ge3A, %lt3A_753 : vector<16xi1>
      %sub3A_755 = arith.subi %get3A_752, %broadcast_in_dim3A : vector<16xi32>
      tpu.vector_store_idx %arg14[%sub3A_755], %get3A_64 masked %and3A_754 : memref<3200xf32, #tpu.memory_space<vmem>>[vector<16xi32>], vector<16xf32>, vector<16xi1>
    }
    %scan3A_555 = arith.constant 46 : i32
    %dma_wait3A_556 = arith.constant 0 : i32
    %dma_wait3A_557 = tpu.memref_slice %arg7[%add3A_546, %dma_wait3A_556] : memref<100000x128xf32, #tpu.memory_space<hbm>> -> memref<136x128xf32, #tpu.memory_space<hbm>>
    %dma_wait3A_558 = arith.constant 0 : i32
    %dma_wait3A_559 = tpu.memref_slice %arg7[%add3A_546, %dma_wait3A_558] : memref<100000x128xf32, #tpu.memory_space<hbm>> -> memref<136x128xf32, #tpu.memory_space<hbm>>
    tpu.wait_dma2 semaphore(%arg20 : memref<!tpu.dma_semaphore, #tpu.memory_space<semaphore_mem>>) src(%arg12 : memref<136x128xf32, #tpu.memory_space<vmem>>) dst(%dma_wait3A_559 : memref<136x128xf32, #tpu.memory_space<hbm>>)
    %add3A_560 = arith.constant 2856 : i32
    %add3A_561 = arith.addi %mul3A_4, %add3A_560 : i32
    %dma_start3A_562 = arith.constant 0 : i32
    %dma_start3A_563 = tpu.memref_slice %arg2[%add3A_561, %dma_start3A_562] : memref<100000x128xf32, #tpu.memory_space<hbm>> -> memref<136x128xf32, #tpu.memory_space<hbm>>
    %dma_start3A_564 = arith.constant 0 : i32
    %dma_start3A_565 = tpu.memref_slice %arg2[%add3A_561, %dma_start3A_564] : memref<100000x128xf32, #tpu.memory_space<hbm>> -> memref<136x128xf32, #tpu.memory_space<hbm>>
    tpu.enqueue_dma source(%dma_start3A_565 : memref<136x128xf32, #tpu.memory_space<hbm>>) target(%arg12 : memref<136x128xf32, #tpu.memory_space<vmem>>) target_semaphore(%arg18 : memref<!tpu.dma_semaphore, #tpu.memory_space<semaphore_mem>>)
    %dma_wait3A_566 = arith.constant 0 : i32
    %dma_wait3A_567 = tpu.memref_slice %arg2[%add3A_536, %dma_wait3A_566] : memref<100000x128xf32, #tpu.memory_space<hbm>> -> memref<136x128xf32, #tpu.memory_space<hbm>>
    %dma_wait3A_568 = arith.constant 0 : i32
    %dma_wait3A_569 = tpu.memref_slice %arg2[%add3A_536, %dma_wait3A_568] : memref<100000x128xf32, #tpu.memory_space<hbm>> -> memref<136x128xf32, #tpu.memory_space<hbm>>
    tpu.wait_dma2 semaphore(%arg17 : memref<!tpu.dma_semaphore, #tpu.memory_space<semaphore_mem>>) src(%dma_wait3A_569 : memref<136x128xf32, #tpu.memory_space<hbm>>) dst(%arg11 : memref<136x128xf32, #tpu.memory_space<vmem>>)
    %add3A_570 = arith.constant 2720 : i32
    %add3A_571 = arith.addi %mul3A_4, %add3A_570 : i32
    %dma_start3A_572 = arith.constant 0 : i32
    %dma_start3A_573 = tpu.memref_slice %arg7[%add3A_571, %dma_start3A_572] : memref<100000x128xf32, #tpu.memory_space<hbm>> -> memref<136x128xf32, #tpu.memory_space<hbm>>
    %dma_start3A_574 = arith.constant 0 : i32
    %dma_start3A_575 = tpu.memref_slice %arg7[%add3A_571, %dma_start3A_574] : memref<100000x128xf32, #tpu.memory_space<hbm>> -> memref<136x128xf32, #tpu.memory_space<hbm>>
    tpu.enqueue_dma source(%arg11 : memref<136x128xf32, #tpu.memory_space<vmem>>) target(%dma_start3A_575 : memref<136x128xf32, #tpu.memory_space<hbm>>) target_semaphore(%arg19 : memref<!tpu.dma_semaphore, #tpu.memory_space<semaphore_mem>>)
    %scan3A_576 = arith.constant 0 : i32
    %scan3A_577 = arith.constant 46 : i32
    %scan3A_578 = arith.addi %scan3A_576, %scan3A_577 : i32
    %scan3A_579 = arith.constant 1 : i32
    scf.for %scan3A_668 = %scan3A_576 to %scan3A_578 step %scan3A_579  : i32 {
      %mul3A_669 = arith.constant 1 : i32
      %mul3A_670 = arith.muli %scan3A_668, %mul3A_669 : i32
      %add3A_671 = arith.constant 920 : i32
      %add3A_672 = arith.addi %add3A_671, %mul3A_670 : i32
      %jit3A_673 = arith.constant 32 : i32
      %div3A = arith.divsi %add3A_672, %jit3A_673 : i32
      %sign3A = arith.constant 0 : i32
      %sign3A_674 = arith.cmpi sgt, %add3A_672, %sign3A : i32
      %sign3A_675 = arith.extui %sign3A_674 : i1 to i32
      %sign3A_676 = arith.constant 0 : i32
      %sign3A_677 = arith.cmpi slt, %add3A_672, %sign3A_676 : i32
      %sign3A_678 = arith.extui %sign3A_677 : i1 to i32
      %sign3A_679 = arith.subi %sign3A_675, %sign3A_678 : i32
      %sign3A_680 = arith.constant 0 : i32
      %sign3A_681 = arith.cmpi sgt, %jit3A_673, %sign3A_680 : i32
      %sign3A_682 = arith.extui %sign3A_681 : i1 to i32
      %sign3A_683 = arith.constant 0 : i32
      %sign3A_684 = arith.cmpi slt, %jit3A_673, %sign3A_683 : i32
      %sign3A_685 = arith.extui %sign3A_684 : i1 to i32
      %sign3A_686 = arith.subi %sign3A_682, %sign3A_685 : i32
      %ne3A = arith.cmpi ne, %sign3A_679, %sign3A_686 : i32
      %rem3A = arith.remsi %add3A_672, %jit3A_673 : i32
      %ne3A_687 = arith.constant 0 : i32
      %ne3A_688 = arith.cmpi ne, %rem3A, %ne3A_687 : i32
      %and3A = arith.andi %ne3A, %ne3A_688 : i1
      %sub3A = arith.constant 1 : i32
      %sub3A_689 = arith.subi %div3A, %sub3A : i32
      %select_n3A_690 = arith.select %and3A, %sub3A_689, %div3A : i32
      %jit3A_691 = arith.constant 32 : i32
      %eq3A_692 = arith.constant 0 : i32
      %eq3A_693 = arith.cmpi eq, %jit3A_691, %eq3A_692 : i32
      %jit3A_694 = arith.constant 1 : i32
      %select_n3A_695 = arith.select %eq3A_693, %jit3A_694, %jit3A_691 : i32
      %rem3A_696 = arith.remsi %add3A_672, %select_n3A_695 : i32
      %ne3A_697 = arith.constant 0 : i32
      %ne3A_698 = arith.cmpi ne, %rem3A_696, %ne3A_697 : i32
      %lt3A_699 = arith.constant 0 : i32
      %lt3A_700 = arith.cmpi slt, %rem3A_696, %lt3A_699 : i32
      %lt3A_701 = arith.constant 0 : i32
      %lt3A_702 = arith.cmpi slt, %select_n3A_695, %lt3A_701 : i32
      %ne3A_703 = arith.xori %lt3A_700, %lt3A_702 : i1
      %and3A_704 = arith.andi %ne3A_703, %ne3A_698 : i1
      %add3A_705 = arith.addi %rem3A_696, %select_n3A_695 : i32
      %select_n3A_706 = arith.select %and3A_704, %add3A_705, %rem3A_696 : i32
      %jit3A_707 = arith.constant 8 : i32
      %div3A_708 = arith.divsi %select_n3A_706, %jit3A_707 : i32
      %sign3A_709 = arith.constant 0 : i32
      %sign3A_710 = arith.cmpi sgt, %select_n3A_706, %sign3A_709 : i32
      %sign3A_711 = arith.extui %sign3A_710 : i1 to i32
      %sign3A_712 = arith.constant 0 : i32
      %sign3A_713 = arith.cmpi slt, %select_n3A_706, %sign3A_712 : i32
      %sign3A_714 = arith.extui %sign3A_713 : i1 to i32
      %sign3A_715 = arith.subi %sign3A_711, %sign3A_714 : i32
      %sign3A_716 = arith.constant 0 : i32
      %sign3A_717 = arith.cmpi sgt, %jit3A_707, %sign3A_716 : i32
      %sign3A_718 = arith.extui %sign3A_717 : i1 to i32
      %sign3A_719 = arith.constant 0 : i32
      %sign3A_720 = arith.cmpi slt, %jit3A_707, %sign3A_719 : i32
      %sign3A_721 = arith.extui %sign3A_720 : i1 to i32
      %sign3A_722 = arith.subi %sign3A_718, %sign3A_721 : i32
      %ne3A_723 = arith.cmpi ne, %sign3A_715, %sign3A_722 : i32
      %rem3A_724 = arith.remsi %select_n3A_706, %jit3A_707 : i32
      %ne3A_725 = arith.constant 0 : i32
      %ne3A_726 = arith.cmpi ne, %rem3A_724, %ne3A_725 : i32
      %and3A_727 = arith.andi %ne3A_723, %ne3A_726 : i1
      %sub3A_728 = arith.constant 1 : i32
      %sub3A_729 = arith.subi %div3A_708, %sub3A_728 : i32
      %select_n3A_730 = arith.select %and3A_727, %sub3A_729, %div3A_708 : i32
      %jit3A_731 = arith.constant 8 : i32
      %eq3A_732 = arith.constant 0 : i32
      %eq3A_733 = arith.cmpi eq, %jit3A_731, %eq3A_732 : i32
      %jit3A_734 = arith.constant 1 : i32
      %select_n3A_735 = arith.select %eq3A_733, %jit3A_734, %jit3A_731 : i32
      %rem3A_736 = arith.remsi %select_n3A_706, %select_n3A_735 : i32
      %ne3A_737 = arith.constant 0 : i32
      %ne3A_738 = arith.cmpi ne, %rem3A_736, %ne3A_737 : i32
      %lt3A_739 = arith.constant 0 : i32
      %lt3A_740 = arith.cmpi slt, %rem3A_736, %lt3A_739 : i32
      %lt3A_741 = arith.constant 0 : i32
      %lt3A_742 = arith.cmpi slt, %select_n3A_735, %lt3A_741 : i32
      %ne3A_743 = arith.xori %lt3A_740, %lt3A_742 : i1
      %and3A_744 = arith.andi %ne3A_743, %ne3A_738 : i1
      %add3A_745 = arith.addi %rem3A_736, %select_n3A_735 : i32
      %select_n3A_746 = arith.select %and3A_744, %add3A_745, %rem3A_736 : i32
      %mul3A_747 = arith.constant 16 : i32
      %mul3A_748 = arith.muli %select_n3A_746, %mul3A_747 : i32
      %get3A_749 = arith.index_cast %select_n3A_690 : i32 to index
      %get3A_750 = arith.index_cast %select_n3A_730 : i32 to index
      %get3A_751 = arith.index_cast %mul3A_748 : i32 to index
      %get3A_752 = tpu.vector_load %arg13[%get3A_749, %get3A_750, %get3A_751] {strides = array<i32>} : memref<32x4x128xi32, #tpu.memory_space<vmem>>, vector<16xi32>,
      %ge3A = arith.cmpi sge, %get3A_752, %broadcast_in_dim3A : vector<16xi32>
      %lt3A_753 = arith.cmpi slt, %get3A_752, %add3A_67 : vector<16xi32>
      %and3A_754 = arith.andi %ge3A, %lt3A_753 : vector<16xi1>
      %sub3A_755 = arith.subi %get3A_752, %broadcast_in_dim3A : vector<16xi32>
      tpu.vector_store_idx %arg14[%sub3A_755], %get3A_64 masked %and3A_754 : memref<3200xf32, #tpu.memory_space<vmem>>[vector<16xi32>], vector<16xf32>, vector<16xi1>
    }
    %scan3A_580 = arith.constant 46 : i32
    %dma_wait3A_581 = arith.constant 0 : i32
    %dma_wait3A_582 = tpu.memref_slice %arg2[%add3A_561, %dma_wait3A_581] : memref<100000x128xf32, #tpu.memory_space<hbm>> -> memref<136x128xf32, #tpu.memory_space<hbm>>
    %dma_wait3A_583 = arith.constant 0 : i32
    %dma_wait3A_584 = tpu.memref_slice %arg2[%add3A_561, %dma_wait3A_583] : memref<100000x128xf32, #tpu.memory_space<hbm>> -> memref<136x128xf32, #tpu.memory_space<hbm>>
    tpu.wait_dma2 semaphore(%arg18 : memref<!tpu.dma_semaphore, #tpu.memory_space<semaphore_mem>>) src(%dma_wait3A_584 : memref<136x128xf32, #tpu.memory_space<hbm>>) dst(%arg12 : memref<136x128xf32, #tpu.memory_space<vmem>>)
    %add3A_585 = arith.constant 2856 : i32
    %add3A_586 = arith.addi %mul3A_4, %add3A_585 : i32
    %dma_start3A_587 = arith.constant 0 : i32
    %dma_start3A_588 = tpu.memref_slice %arg7[%add3A_586, %dma_start3A_587] : memref<100000x128xf32, #tpu.memory_space<hbm>> -> memref<136x128xf32, #tpu.memory_space<hbm>>
    %dma_start3A_589 = arith.constant 0 : i32
    %dma_start3A_590 = tpu.memref_slice %arg7[%add3A_586, %dma_start3A_589] : memref<100000x128xf32, #tpu.memory_space<hbm>> -> memref<136x128xf32, #tpu.memory_space<hbm>>
    tpu.enqueue_dma source(%arg12 : memref<136x128xf32, #tpu.memory_space<vmem>>) target(%dma_start3A_590 : memref<136x128xf32, #tpu.memory_space<hbm>>) target_semaphore(%arg20 : memref<!tpu.dma_semaphore, #tpu.memory_space<semaphore_mem>>)
    %scan3A_591 = arith.constant 0 : i32
    %scan3A_592 = arith.constant 46 : i32
    %scan3A_593 = arith.addi %scan3A_591, %scan3A_592 : i32
    %scan3A_594 = arith.constant 1 : i32
    scf.for %scan3A_668 = %scan3A_591 to %scan3A_593 step %scan3A_594  : i32 {
      %mul3A_669 = arith.constant 1 : i32
      %mul3A_670 = arith.muli %scan3A_668, %mul3A_669 : i32
      %add3A_671 = arith.constant 966 : i32
      %add3A_672 = arith.addi %add3A_671, %mul3A_670 : i32
      %jit3A_673 = arith.constant 32 : i32
      %div3A = arith.divsi %add3A_672, %jit3A_673 : i32
      %sign3A = arith.constant 0 : i32
      %sign3A_674 = arith.cmpi sgt, %add3A_672, %sign3A : i32
      %sign3A_675 = arith.extui %sign3A_674 : i1 to i32
      %sign3A_676 = arith.constant 0 : i32
      %sign3A_677 = arith.cmpi slt, %add3A_672, %sign3A_676 : i32
      %sign3A_678 = arith.extui %sign3A_677 : i1 to i32
      %sign3A_679 = arith.subi %sign3A_675, %sign3A_678 : i32
      %sign3A_680 = arith.constant 0 : i32
      %sign3A_681 = arith.cmpi sgt, %jit3A_673, %sign3A_680 : i32
      %sign3A_682 = arith.extui %sign3A_681 : i1 to i32
      %sign3A_683 = arith.constant 0 : i32
      %sign3A_684 = arith.cmpi slt, %jit3A_673, %sign3A_683 : i32
      %sign3A_685 = arith.extui %sign3A_684 : i1 to i32
      %sign3A_686 = arith.subi %sign3A_682, %sign3A_685 : i32
      %ne3A = arith.cmpi ne, %sign3A_679, %sign3A_686 : i32
      %rem3A = arith.remsi %add3A_672, %jit3A_673 : i32
      %ne3A_687 = arith.constant 0 : i32
      %ne3A_688 = arith.cmpi ne, %rem3A, %ne3A_687 : i32
      %and3A = arith.andi %ne3A, %ne3A_688 : i1
      %sub3A = arith.constant 1 : i32
      %sub3A_689 = arith.subi %div3A, %sub3A : i32
      %select_n3A_690 = arith.select %and3A, %sub3A_689, %div3A : i32
      %jit3A_691 = arith.constant 32 : i32
      %eq3A_692 = arith.constant 0 : i32
      %eq3A_693 = arith.cmpi eq, %jit3A_691, %eq3A_692 : i32
      %jit3A_694 = arith.constant 1 : i32
      %select_n3A_695 = arith.select %eq3A_693, %jit3A_694, %jit3A_691 : i32
      %rem3A_696 = arith.remsi %add3A_672, %select_n3A_695 : i32
      %ne3A_697 = arith.constant 0 : i32
      %ne3A_698 = arith.cmpi ne, %rem3A_696, %ne3A_697 : i32
      %lt3A_699 = arith.constant 0 : i32
      %lt3A_700 = arith.cmpi slt, %rem3A_696, %lt3A_699 : i32
      %lt3A_701 = arith.constant 0 : i32
      %lt3A_702 = arith.cmpi slt, %select_n3A_695, %lt3A_701 : i32
      %ne3A_703 = arith.xori %lt3A_700, %lt3A_702 : i1
      %and3A_704 = arith.andi %ne3A_703, %ne3A_698 : i1
      %add3A_705 = arith.addi %rem3A_696, %select_n3A_695 : i32
      %select_n3A_706 = arith.select %and3A_704, %add3A_705, %rem3A_696 : i32
      %jit3A_707 = arith.constant 8 : i32
      %div3A_708 = arith.divsi %select_n3A_706, %jit3A_707 : i32
      %sign3A_709 = arith.constant 0 : i32
      %sign3A_710 = arith.cmpi sgt, %select_n3A_706, %sign3A_709 : i32
      %sign3A_711 = arith.extui %sign3A_710 : i1 to i32
      %sign3A_712 = arith.constant 0 : i32
      %sign3A_713 = arith.cmpi slt, %select_n3A_706, %sign3A_712 : i32
      %sign3A_714 = arith.extui %sign3A_713 : i1 to i32
      %sign3A_715 = arith.subi %sign3A_711, %sign3A_714 : i32
      %sign3A_716 = arith.constant 0 : i32
      %sign3A_717 = arith.cmpi sgt, %jit3A_707, %sign3A_716 : i32
      %sign3A_718 = arith.extui %sign3A_717 : i1 to i32
      %sign3A_719 = arith.constant 0 : i32
      %sign3A_720 = arith.cmpi slt, %jit3A_707, %sign3A_719 : i32
      %sign3A_721 = arith.extui %sign3A_720 : i1 to i32
      %sign3A_722 = arith.subi %sign3A_718, %sign3A_721 : i32
      %ne3A_723 = arith.cmpi ne, %sign3A_715, %sign3A_722 : i32
      %rem3A_724 = arith.remsi %select_n3A_706, %jit3A_707 : i32
      %ne3A_725 = arith.constant 0 : i32
      %ne3A_726 = arith.cmpi ne, %rem3A_724, %ne3A_725 : i32
      %and3A_727 = arith.andi %ne3A_723, %ne3A_726 : i1
      %sub3A_728 = arith.constant 1 : i32
      %sub3A_729 = arith.subi %div3A_708, %sub3A_728 : i32
      %select_n3A_730 = arith.select %and3A_727, %sub3A_729, %div3A_708 : i32
      %jit3A_731 = arith.constant 8 : i32
      %eq3A_732 = arith.constant 0 : i32
      %eq3A_733 = arith.cmpi eq, %jit3A_731, %eq3A_732 : i32
      %jit3A_734 = arith.constant 1 : i32
      %select_n3A_735 = arith.select %eq3A_733, %jit3A_734, %jit3A_731 : i32
      %rem3A_736 = arith.remsi %select_n3A_706, %select_n3A_735 : i32
      %ne3A_737 = arith.constant 0 : i32
      %ne3A_738 = arith.cmpi ne, %rem3A_736, %ne3A_737 : i32
      %lt3A_739 = arith.constant 0 : i32
      %lt3A_740 = arith.cmpi slt, %rem3A_736, %lt3A_739 : i32
      %lt3A_741 = arith.constant 0 : i32
      %lt3A_742 = arith.cmpi slt, %select_n3A_735, %lt3A_741 : i32
      %ne3A_743 = arith.xori %lt3A_740, %lt3A_742 : i1
      %and3A_744 = arith.andi %ne3A_743, %ne3A_738 : i1
      %add3A_745 = arith.addi %rem3A_736, %select_n3A_735 : i32
      %select_n3A_746 = arith.select %and3A_744, %add3A_745, %rem3A_736 : i32
      %mul3A_747 = arith.constant 16 : i32
      %mul3A_748 = arith.muli %select_n3A_746, %mul3A_747 : i32
      %get3A_749 = arith.index_cast %select_n3A_690 : i32 to index
      %get3A_750 = arith.index_cast %select_n3A_730 : i32 to index
      %get3A_751 = arith.index_cast %mul3A_748 : i32 to index
      %get3A_752 = tpu.vector_load %arg13[%get3A_749, %get3A_750, %get3A_751] {strides = array<i32>} : memref<32x4x128xi32, #tpu.memory_space<vmem>>, vector<16xi32>,
      %ge3A = arith.cmpi sge, %get3A_752, %broadcast_in_dim3A : vector<16xi32>
      %lt3A_753 = arith.cmpi slt, %get3A_752, %add3A_67 : vector<16xi32>
      %and3A_754 = arith.andi %ge3A, %lt3A_753 : vector<16xi1>
      %sub3A_755 = arith.subi %get3A_752, %broadcast_in_dim3A : vector<16xi32>
      tpu.vector_store_idx %arg14[%sub3A_755], %get3A_64 masked %and3A_754 : memref<3200xf32, #tpu.memory_space<vmem>>[vector<16xi32>], vector<16xf32>, vector<16xi1>
    }
    %scan3A_595 = arith.constant 46 : i32
    %dma_wait3A_596 = arith.constant 0 : i32
    %dma_wait3A_597 = tpu.memref_slice %arg7[%add3A_571, %dma_wait3A_596] : memref<100000x128xf32, #tpu.memory_space<hbm>> -> memref<136x128xf32, #tpu.memory_space<hbm>>
    %dma_wait3A_598 = arith.constant 0 : i32
    %dma_wait3A_599 = tpu.memref_slice %arg7[%add3A_571, %dma_wait3A_598] : memref<100000x128xf32, #tpu.memory_space<hbm>> -> memref<136x128xf32, #tpu.memory_space<hbm>>
    tpu.wait_dma2 semaphore(%arg19 : memref<!tpu.dma_semaphore, #tpu.memory_space<semaphore_mem>>) src(%arg11 : memref<136x128xf32, #tpu.memory_space<vmem>>) dst(%dma_wait3A_599 : memref<136x128xf32, #tpu.memory_space<hbm>>)
    %dma_wait3A_600 = arith.constant 0 : i32
    %dma_wait3A_601 = tpu.memref_slice %arg7[%add3A_586, %dma_wait3A_600] : memref<100000x128xf32, #tpu.memory_space<hbm>> -> memref<136x128xf32, #tpu.memory_space<hbm>>
    %dma_wait3A_602 = arith.constant 0 : i32
    %dma_wait3A_603 = tpu.memref_slice %arg7[%add3A_586, %dma_wait3A_602] : memref<100000x128xf32, #tpu.memory_space<hbm>> -> memref<136x128xf32, #tpu.memory_space<hbm>>
    tpu.wait_dma2 semaphore(%arg20 : memref<!tpu.dma_semaphore, #tpu.memory_space<semaphore_mem>>) src(%arg12 : memref<136x128xf32, #tpu.memory_space<vmem>>) dst(%dma_wait3A_603 : memref<136x128xf32, #tpu.memory_space<hbm>>)
    %scan3A_604 = arith.constant 0 : i32
    %scan3A_605 = arith.constant 12 : i32
    %scan3A_606 = arith.addi %scan3A_604, %scan3A_605 : i32
    %scan3A_607 = arith.constant 1 : i32
    scf.for %scan3A_668 = %scan3A_604 to %scan3A_606 step %scan3A_607  : i32 {
      %mul3A_669 = arith.constant 1 : i32
      %mul3A_670 = arith.muli %scan3A_668, %mul3A_669 : i32
      %add3A_671 = arith.constant 1012 : i32
      %add3A_672 = arith.addi %add3A_671, %mul3A_670 : i32
      %jit3A_673 = arith.constant 32 : i32
      %div3A = arith.divsi %add3A_672, %jit3A_673 : i32
      %sign3A = arith.constant 0 : i32
      %sign3A_674 = arith.cmpi sgt, %add3A_672, %sign3A : i32
      %sign3A_675 = arith.extui %sign3A_674 : i1 to i32
      %sign3A_676 = arith.constant 0 : i32
      %sign3A_677 = arith.cmpi slt, %add3A_672, %sign3A_676 : i32
      %sign3A_678 = arith.extui %sign3A_677 : i1 to i32
      %sign3A_679 = arith.subi %sign3A_675, %sign3A_678 : i32
      %sign3A_680 = arith.constant 0 : i32
      %sign3A_681 = arith.cmpi sgt, %jit3A_673, %sign3A_680 : i32
      %sign3A_682 = arith.extui %sign3A_681 : i1 to i32
      %sign3A_683 = arith.constant 0 : i32
      %sign3A_684 = arith.cmpi slt, %jit3A_673, %sign3A_683 : i32
      %sign3A_685 = arith.extui %sign3A_684 : i1 to i32
      %sign3A_686 = arith.subi %sign3A_682, %sign3A_685 : i32
      %ne3A = arith.cmpi ne, %sign3A_679, %sign3A_686 : i32
      %rem3A = arith.remsi %add3A_672, %jit3A_673 : i32
      %ne3A_687 = arith.constant 0 : i32
      %ne3A_688 = arith.cmpi ne, %rem3A, %ne3A_687 : i32
      %and3A = arith.andi %ne3A, %ne3A_688 : i1
      %sub3A = arith.constant 1 : i32
      %sub3A_689 = arith.subi %div3A, %sub3A : i32
      %select_n3A_690 = arith.select %and3A, %sub3A_689, %div3A : i32
      %jit3A_691 = arith.constant 32 : i32
      %eq3A_692 = arith.constant 0 : i32
      %eq3A_693 = arith.cmpi eq, %jit3A_691, %eq3A_692 : i32
      %jit3A_694 = arith.constant 1 : i32
      %select_n3A_695 = arith.select %eq3A_693, %jit3A_694, %jit3A_691 : i32
      %rem3A_696 = arith.remsi %add3A_672, %select_n3A_695 : i32
      %ne3A_697 = arith.constant 0 : i32
      %ne3A_698 = arith.cmpi ne, %rem3A_696, %ne3A_697 : i32
      %lt3A_699 = arith.constant 0 : i32
      %lt3A_700 = arith.cmpi slt, %rem3A_696, %lt3A_699 : i32
      %lt3A_701 = arith.constant 0 : i32
      %lt3A_702 = arith.cmpi slt, %select_n3A_695, %lt3A_701 : i32
      %ne3A_703 = arith.xori %lt3A_700, %lt3A_702 : i1
      %and3A_704 = arith.andi %ne3A_703, %ne3A_698 : i1
      %add3A_705 = arith.addi %rem3A_696, %select_n3A_695 : i32
      %select_n3A_706 = arith.select %and3A_704, %add3A_705, %rem3A_696 : i32
      %jit3A_707 = arith.constant 8 : i32
      %div3A_708 = arith.divsi %select_n3A_706, %jit3A_707 : i32
      %sign3A_709 = arith.constant 0 : i32
      %sign3A_710 = arith.cmpi sgt, %select_n3A_706, %sign3A_709 : i32
      %sign3A_711 = arith.extui %sign3A_710 : i1 to i32
      %sign3A_712 = arith.constant 0 : i32
      %sign3A_713 = arith.cmpi slt, %select_n3A_706, %sign3A_712 : i32
      %sign3A_714 = arith.extui %sign3A_713 : i1 to i32
      %sign3A_715 = arith.subi %sign3A_711, %sign3A_714 : i32
      %sign3A_716 = arith.constant 0 : i32
      %sign3A_717 = arith.cmpi sgt, %jit3A_707, %sign3A_716 : i32
      %sign3A_718 = arith.extui %sign3A_717 : i1 to i32
      %sign3A_719 = arith.constant 0 : i32
      %sign3A_720 = arith.cmpi slt, %jit3A_707, %sign3A_719 : i32
      %sign3A_721 = arith.extui %sign3A_720 : i1 to i32
      %sign3A_722 = arith.subi %sign3A_718, %sign3A_721 : i32
      %ne3A_723 = arith.cmpi ne, %sign3A_715, %sign3A_722 : i32
      %rem3A_724 = arith.remsi %select_n3A_706, %jit3A_707 : i32
      %ne3A_725 = arith.constant 0 : i32
      %ne3A_726 = arith.cmpi ne, %rem3A_724, %ne3A_725 : i32
      %and3A_727 = arith.andi %ne3A_723, %ne3A_726 : i1
      %sub3A_728 = arith.constant 1 : i32
      %sub3A_729 = arith.subi %div3A_708, %sub3A_728 : i32
      %select_n3A_730 = arith.select %and3A_727, %sub3A_729, %div3A_708 : i32
      %jit3A_731 = arith.constant 8 : i32
      %eq3A_732 = arith.constant 0 : i32
      %eq3A_733 = arith.cmpi eq, %jit3A_731, %eq3A_732 : i32
      %jit3A_734 = arith.constant 1 : i32
      %select_n3A_735 = arith.select %eq3A_733, %jit3A_734, %jit3A_731 : i32
      %rem3A_736 = arith.remsi %select_n3A_706, %select_n3A_735 : i32
      %ne3A_737 = arith.constant 0 : i32
      %ne3A_738 = arith.cmpi ne, %rem3A_736, %ne3A_737 : i32
      %lt3A_739 = arith.constant 0 : i32
      %lt3A_740 = arith.cmpi slt, %rem3A_736, %lt3A_739 : i32
      %lt3A_741 = arith.constant 0 : i32
      %lt3A_742 = arith.cmpi slt, %select_n3A_735, %lt3A_741 : i32
      %ne3A_743 = arith.xori %lt3A_740, %lt3A_742 : i1
      %and3A_744 = arith.andi %ne3A_743, %ne3A_738 : i1
      %add3A_745 = arith.addi %rem3A_736, %select_n3A_735 : i32
      %select_n3A_746 = arith.select %and3A_744, %add3A_745, %rem3A_736 : i32
      %mul3A_747 = arith.constant 16 : i32
      %mul3A_748 = arith.muli %select_n3A_746, %mul3A_747 : i32
      %get3A_749 = arith.index_cast %select_n3A_690 : i32 to index
      %get3A_750 = arith.index_cast %select_n3A_730 : i32 to index
      %get3A_751 = arith.index_cast %mul3A_748 : i32 to index
      %get3A_752 = tpu.vector_load %arg13[%get3A_749, %get3A_750, %get3A_751] {strides = array<i32>} : memref<32x4x128xi32, #tpu.memory_space<vmem>>, vector<16xi32>,
      %ge3A = arith.cmpi sge, %get3A_752, %broadcast_in_dim3A : vector<16xi32>
      %lt3A_753 = arith.cmpi slt, %get3A_752, %add3A_67 : vector<16xi32>
      %and3A_754 = arith.andi %ge3A, %lt3A_753 : vector<16xi1>
      %sub3A_755 = arith.subi %get3A_752, %broadcast_in_dim3A : vector<16xi32>
      tpu.vector_store_idx %arg14[%sub3A_755], %get3A_64 masked %and3A_754 : memref<3200xf32, #tpu.memory_space<vmem>>[vector<16xi32>], vector<16xf32>, vector<16xi1>
    }
    %scan3A_608 = arith.constant 12 : i32
    %not3A_609 = arith.constant true
    %not3A_610 = arith.xori %eq3A_7, %not3A_609 : i1
    %convert_element_type3A_611 = arith.extui %not3A_610 : i1 to i32
    %cond3A_612 = arith.constant 0 : i32
    %cond3A_613 = arith.cmpi ne, %convert_element_type3A_611, %cond3A_612 : i32
    scf.if %cond3A_613 {
      "tpu.region"() ({
        %run_scoped3A = tpu.sem_alloc : memref<!tpu.dma_semaphore, #tpu.memory_space<semaphore_mem>>
        %dma_start3A_668 = tpu.memref_slice %arg8[%mul3A_6] : memref<100000xf32, #tpu.memory_space<hbm>> -> memref<3200xf32, #tpu.memory_space<hbm>>
        %dma_start3A_669 = tpu.memref_slice %arg8[%mul3A_6] : memref<100000xf32, #tpu.memory_space<hbm>> -> memref<3200xf32, #tpu.memory_space<hbm>>
        tpu.enqueue_dma source(%arg14 : memref<3200xf32, #tpu.memory_space<vmem>>) target(%dma_start3A_669 : memref<3200xf32, #tpu.memory_space<hbm>>) target_semaphore(%run_scoped3A : memref<!tpu.dma_semaphore, #tpu.memory_space<semaphore_mem>>)
        %dma_wait3A_670 = tpu.memref_slice %arg8[%mul3A_6] : memref<100000xf32, #tpu.memory_space<hbm>> -> memref<3200xf32, #tpu.memory_space<hbm>>
        %dma_wait3A_671 = tpu.memref_slice %arg8[%mul3A_6] : memref<100000xf32, #tpu.memory_space<hbm>> -> memref<3200xf32, #tpu.memory_space<hbm>>
        tpu.wait_dma2 semaphore(%run_scoped3A : memref<!tpu.dma_semaphore, #tpu.memory_space<semaphore_mem>>) src(%arg14 : memref<3200xf32, #tpu.memory_space<vmem>>) dst(%dma_wait3A_671 : memref<3200xf32, #tpu.memory_space<hbm>>)
        tpu.yield
      }) : () -> ()
    } else {
    }
    %convert_element_type3A_614 = arith.extui %eq3A_7 : i1 to i32
    %cond3A_615 = arith.constant 0 : i32
    %cond3A_616 = arith.cmpi ne, %convert_element_type3A_614, %cond3A_615 : i32
    scf.if %cond3A_616 {
      "tpu.region"() ({
        %run_scoped3A = tpu.sem_alloc : memref<!tpu.dma_semaphore, #tpu.memory_space<semaphore_mem>>
        %dma_start3A_668 = arith.constant 0 : i32
        %dma_start3A_669 = tpu.memref_slice %arg14[%dma_start3A_668] : memref<3200xf32, #tpu.memory_space<vmem>> -> memref<800xf32, #tpu.memory_space<vmem>>
        %dma_start3A_670 = tpu.memref_slice %arg8[%mul3A_6] : memref<100000xf32, #tpu.memory_space<hbm>> -> memref<800xf32, #tpu.memory_space<hbm>>
        %dma_start3A_671 = tpu.memref_slice %arg8[%mul3A_6] : memref<100000xf32, #tpu.memory_space<hbm>> -> memref<800xf32, #tpu.memory_space<hbm>>
        %dma_start3A_672 = arith.constant 0 : i32
        %dma_start3A_673 = tpu.memref_slice %arg14[%dma_start3A_672] : memref<3200xf32, #tpu.memory_space<vmem>> -> memref<800xf32, #tpu.memory_space<vmem>>
        tpu.enqueue_dma source(%dma_start3A_673 : memref<800xf32, #tpu.memory_space<vmem>>) target(%dma_start3A_671 : memref<800xf32, #tpu.memory_space<hbm>>) target_semaphore(%run_scoped3A : memref<!tpu.dma_semaphore, #tpu.memory_space<semaphore_mem>>)
        %dma_wait3A_674 = arith.constant 0 : i32
        %dma_wait3A_675 = tpu.memref_slice %arg14[%dma_wait3A_674] : memref<3200xf32, #tpu.memory_space<vmem>> -> memref<800xf32, #tpu.memory_space<vmem>>
        %dma_wait3A_676 = tpu.memref_slice %arg8[%mul3A_6] : memref<100000xf32, #tpu.memory_space<hbm>> -> memref<800xf32, #tpu.memory_space<hbm>>
        %dma_wait3A_677 = tpu.memref_slice %arg8[%mul3A_6] : memref<100000xf32, #tpu.memory_space<hbm>> -> memref<800xf32, #tpu.memory_space<hbm>>
        %dma_wait3A_678 = arith.constant 0 : i32
        %dma_wait3A_679 = tpu.memref_slice %arg14[%dma_wait3A_678] : memref<3200xf32, #tpu.memory_space<vmem>> -> memref<800xf32, #tpu.memory_space<vmem>>
        tpu.wait_dma2 semaphore(%run_scoped3A : memref<!tpu.dma_semaphore, #tpu.memory_space<semaphore_mem>>) src(%dma_wait3A_679 : memref<800xf32, #tpu.memory_space<vmem>>) dst(%dma_wait3A_677 : memref<800xf32, #tpu.memory_space<hbm>>)
        tpu.yield
      }) : () -> ()
    } else {
    }
    %add3A_617 = arith.constant 2992 : i32
    %add3A_618 = arith.addi %mul3A_4, %add3A_617 : i32
    %lt3A = arith.constant 31 : i32
    %lt3A_619 = arith.cmpi slt, %add3A, %lt3A : i32
    %convert_element_type3A_620 = arith.extui %lt3A_619 : i1 to i32
    %cond3A_621 = arith.constant 0 : i32
    %cond3A_622 = arith.cmpi ne, %convert_element_type3A_620, %cond3A_621 : i32
    scf.if %cond3A_622 {
      "tpu.region"() ({
        %run_scoped3A = tpu.sem_alloc : memref<!tpu.dma_semaphore, #tpu.memory_space<semaphore_mem>>
        %dma_start3A_668 = arith.constant 0 : i32
        %dma_start3A_669 = tpu.memref_slice %arg2[%add3A_618, %dma_start3A_668] : memref<100000x128xf32, #tpu.memory_space<hbm>> -> memref<136x128xf32, #tpu.memory_space<hbm>>
        %dma_start3A_670 = arith.constant 0 : i32
        %dma_start3A_671 = tpu.memref_slice %arg2[%add3A_618, %dma_start3A_670] : memref<100000x128xf32, #tpu.memory_space<hbm>> -> memref<136x128xf32, #tpu.memory_space<hbm>>
        tpu.enqueue_dma source(%dma_start3A_671 : memref<136x128xf32, #tpu.memory_space<hbm>>) target(%arg11 : memref<136x128xf32, #tpu.memory_space<vmem>>) target_semaphore(%run_scoped3A : memref<!tpu.dma_semaphore, #tpu.memory_space<semaphore_mem>>)
        %dma_wait3A_672 = arith.constant 0 : i32
        %dma_wait3A_673 = tpu.memref_slice %arg2[%add3A_618, %dma_wait3A_672] : memref<100000x128xf32, #tpu.memory_space<hbm>> -> memref<136x128xf32, #tpu.memory_space<hbm>>
        %dma_wait3A_674 = arith.constant 0 : i32
        %dma_wait3A_675 = tpu.memref_slice %arg2[%add3A_618, %dma_wait3A_674] : memref<100000x128xf32, #tpu.memory_space<hbm>> -> memref<136x128xf32, #tpu.memory_space<hbm>>
        tpu.wait_dma2 semaphore(%run_scoped3A : memref<!tpu.dma_semaphore, #tpu.memory_space<semaphore_mem>>) src(%dma_wait3A_675 : memref<136x128xf32, #tpu.memory_space<hbm>>) dst(%arg11 : memref<136x128xf32, #tpu.memory_space<vmem>>)
        tpu.yield
      }) : () -> ()
      "tpu.region"() ({
        %run_scoped3A = tpu.sem_alloc : memref<!tpu.dma_semaphore, #tpu.memory_space<semaphore_mem>>
        %dma_start3A_668 = arith.constant 0 : i32
        %dma_start3A_669 = tpu.memref_slice %arg7[%add3A_618, %dma_start3A_668] : memref<100000x128xf32, #tpu.memory_space<hbm>> -> memref<136x128xf32, #tpu.memory_space<hbm>>
        %dma_start3A_670 = arith.constant 0 : i32
        %dma_start3A_671 = tpu.memref_slice %arg7[%add3A_618, %dma_start3A_670] : memref<100000x128xf32, #tpu.memory_space<hbm>> -> memref<136x128xf32, #tpu.memory_space<hbm>>
        tpu.enqueue_dma source(%arg11 : memref<136x128xf32, #tpu.memory_space<vmem>>) target(%dma_start3A_671 : memref<136x128xf32, #tpu.memory_space<hbm>>) target_semaphore(%run_scoped3A : memref<!tpu.dma_semaphore, #tpu.memory_space<semaphore_mem>>)
        %dma_wait3A_672 = arith.constant 0 : i32
        %dma_wait3A_673 = tpu.memref_slice %arg7[%add3A_618, %dma_wait3A_672] : memref<100000x128xf32, #tpu.memory_space<hbm>> -> memref<136x128xf32, #tpu.memory_space<hbm>>
        %dma_wait3A_674 = arith.constant 0 : i32
        %dma_wait3A_675 = tpu.memref_slice %arg7[%add3A_618, %dma_wait3A_674] : memref<100000x128xf32, #tpu.memory_space<hbm>> -> memref<136x128xf32, #tpu.memory_space<hbm>>
        tpu.wait_dma2 semaphore(%run_scoped3A : memref<!tpu.dma_semaphore, #tpu.memory_space<semaphore_mem>>) src(%arg11 : memref<136x128xf32, #tpu.memory_space<vmem>>) dst(%dma_wait3A_675 : memref<136x128xf32, #tpu.memory_space<hbm>>)
        tpu.yield
      }) : () -> ()
    } else {
    }
    %eq3A_623 = arith.constant 31 : i32
    %eq3A_624 = arith.cmpi eq, %add3A, %eq3A_623 : i32
    %convert_element_type3A_625 = arith.extui %eq3A_624 : i1 to i32
    %cond3A_626 = arith.constant 0 : i32
    %cond3A_627 = arith.cmpi ne, %convert_element_type3A_625, %cond3A_626 : i32
    scf.if %cond3A_627 {
      "tpu.region"() ({
        %run_scoped3A = tpu.sem_alloc : memref<!tpu.dma_semaphore, #tpu.memory_space<semaphore_mem>>
        %dma_start3A_668 = arith.constant 0 : i32
        %dma_start3A_669 = arith.constant 0 : i32
        %dma_start3A_670 = tpu.memref_slice %arg11[%dma_start3A_668, %dma_start3A_669] : memref<136x128xf32, #tpu.memory_space<vmem>> -> memref<40x128xf32, #tpu.memory_space<vmem>>
        %dma_start3A_671 = arith.constant 0 : i32
        %dma_start3A_672 = tpu.memref_slice %arg2[%add3A_618, %dma_start3A_671] : memref<100000x128xf32, #tpu.memory_space<hbm>> -> memref<40x128xf32, #tpu.memory_space<hbm>>
        %dma_start3A_673 = arith.constant 0 : i32
        %dma_start3A_674 = arith.constant 0 : i32
        %dma_start3A_675 = tpu.memref_slice %arg11[%dma_start3A_673, %dma_start3A_674] : memref<136x128xf32, #tpu.memory_space<vmem>> -> memref<40x128xf32, #tpu.memory_space<vmem>>
        %dma_start3A_676 = arith.constant 0 : i32
        %dma_start3A_677 = tpu.memref_slice %arg2[%add3A_618, %dma_start3A_676] : memref<100000x128xf32, #tpu.memory_space<hbm>> -> memref<40x128xf32, #tpu.memory_space<hbm>>
        tpu.enqueue_dma source(%dma_start3A_677 : memref<40x128xf32, #tpu.memory_space<hbm>>) target(%dma_start3A_675 : memref<40x128xf32, #tpu.memory_space<vmem>>) target_semaphore(%run_scoped3A : memref<!tpu.dma_semaphore, #tpu.memory_space<semaphore_mem>>)
        %dma_wait3A_678 = arith.constant 0 : i32
        %dma_wait3A_679 = arith.constant 0 : i32
        %dma_wait3A_680 = tpu.memref_slice %arg11[%dma_wait3A_678, %dma_wait3A_679] : memref<136x128xf32, #tpu.memory_space<vmem>> -> memref<40x128xf32, #tpu.memory_space<vmem>>
        %dma_wait3A_681 = arith.constant 0 : i32
        %dma_wait3A_682 = tpu.memref_slice %arg2[%add3A_618, %dma_wait3A_681] : memref<100000x128xf32, #tpu.memory_space<hbm>> -> memref<40x128xf32, #tpu.memory_space<hbm>>
        %dma_wait3A_683 = arith.constant 0 : i32
        %dma_wait3A_684 = arith.constant 0 : i32
        %dma_wait3A_685 = tpu.memref_slice %arg11[%dma_wait3A_683, %dma_wait3A_684] : memref<136x128xf32, #tpu.memory_space<vmem>> -> memref<40x128xf32, #tpu.memory_space<vmem>>
        %dma_wait3A_686 = arith.constant 0 : i32
        %dma_wait3A_687 = tpu.memref_slice %arg2[%add3A_618, %dma_wait3A_686] : memref<100000x128xf32, #tpu.memory_space<hbm>> -> memref<40x128xf32, #tpu.memory_space<hbm>>
        tpu.wait_dma2 semaphore(%run_scoped3A : memref<!tpu.dma_semaphore, #tpu.memory_space<semaphore_mem>>) src(%dma_wait3A_687 : memref<40x128xf32, #tpu.memory_space<hbm>>) dst(%dma_wait3A_685 : memref<40x128xf32, #tpu.memory_space<vmem>>)
        tpu.yield
      }) : () -> ()
      "tpu.region"() ({
        %run_scoped3A = tpu.sem_alloc : memref<!tpu.dma_semaphore, #tpu.memory_space<semaphore_mem>>
        %dma_start3A_668 = arith.constant 0 : i32
        %dma_start3A_669 = arith.constant 0 : i32
        %dma_start3A_670 = tpu.memref_slice %arg11[%dma_start3A_668, %dma_start3A_669] : memref<136x128xf32, #tpu.memory_space<vmem>> -> memref<40x128xf32, #tpu.memory_space<vmem>>
        %dma_start3A_671 = arith.constant 0 : i32
        %dma_start3A_672 = tpu.memref_slice %arg7[%add3A_618, %dma_start3A_671] : memref<100000x128xf32, #tpu.memory_space<hbm>> -> memref<40x128xf32, #tpu.memory_space<hbm>>
        %dma_start3A_673 = arith.constant 0 : i32
        %dma_start3A_674 = tpu.memref_slice %arg7[%add3A_618, %dma_start3A_673] : memref<100000x128xf32, #tpu.memory_space<hbm>> -> memref<40x128xf32, #tpu.memory_space<hbm>>
        %dma_start3A_675 = arith.constant 0 : i32
        %dma_start3A_676 = arith.constant 0 : i32
        %dma_start3A_677 = tpu.memref_slice %arg11[%dma_start3A_675, %dma_start3A_676] : memref<136x128xf32, #tpu.memory_space<vmem>> -> memref<40x128xf32, #tpu.memory_space<vmem>>
        tpu.enqueue_dma source(%dma_start3A_677 : memref<40x128xf32, #tpu.memory_space<vmem>>) target(%dma_start3A_674 : memref<40x128xf32, #tpu.memory_space<hbm>>) target_semaphore(%run_scoped3A : memref<!tpu.dma_semaphore, #tpu.memory_space<semaphore_mem>>)
        %dma_wait3A_678 = arith.constant 0 : i32
        %dma_wait3A_679 = arith.constant 0 : i32
        %dma_wait3A_680 = tpu.memref_slice %arg11[%dma_wait3A_678, %dma_wait3A_679] : memref<136x128xf32, #tpu.memory_space<vmem>> -> memref<40x128xf32, #tpu.memory_space<vmem>>
        %dma_wait3A_681 = arith.constant 0 : i32
        %dma_wait3A_682 = tpu.memref_slice %arg7[%add3A_618, %dma_wait3A_681] : memref<100000x128xf32, #tpu.memory_space<hbm>> -> memref<40x128xf32, #tpu.memory_space<hbm>>
        %dma_wait3A_683 = arith.constant 0 : i32
        %dma_wait3A_684 = tpu.memref_slice %arg7[%add3A_618, %dma_wait3A_683] : memref<100000x128xf32, #tpu.memory_space<hbm>> -> memref<40x128xf32, #tpu.memory_space<hbm>>
        %dma_wait3A_685 = arith.constant 0 : i32
        %dma_wait3A_686 = arith.constant 0 : i32
        %dma_wait3A_687 = tpu.memref_slice %arg11[%dma_wait3A_685, %dma_wait3A_686] : memref<136x128xf32, #tpu.memory_space<vmem>> -> memref<40x128xf32, #tpu.memory_space<vmem>>
        tpu.wait_dma2 semaphore(%run_scoped3A : memref<!tpu.dma_semaphore, #tpu.memory_space<semaphore_mem>>) src(%dma_wait3A_687 : memref<40x128xf32, #tpu.memory_space<vmem>>) dst(%dma_wait3A_684 : memref<40x128xf32, #tpu.memory_space<hbm>>)
        tpu.yield
      }) : () -> ()
    } else {
    }
    %dma_wait3A_628 = arith.constant 0 : i32
    %dma_wait3A_629 = arith.constant 0 : i32
    %dma_wait3A_630 = arith.constant 0 : i32
    %dma_wait3A_631 = tpu.memref_slice %arg10[%dma_wait3A_629, %dma_wait3A_630] : memref<512x128xf32, #tpu.memory_space<vmem>> -> memref<128x128xf32, #tpu.memory_space<vmem>>
    %dma_wait3A_632 = arith.constant 0 : i32
    %dma_wait3A_633 = tpu.memref_slice %arg9[%dma_wait3A_628, %dma_wait3A_632] : memref<4x128xi32, #tpu.memory_space<vmem>> -> memref<1x128xi32, #tpu.memory_space<vmem>>
    %dma_wait3A_634 = tpu.memref_squeeze %dma_wait3A_633 : memref<1x128xi32, #tpu.memory_space<vmem>> -> memref<128xi32, #tpu.memory_space<vmem>>
    %dma_wait3A_635 = arith.constant 0 : i32
    %dma_wait3A_636 = arith.constant 0 : i32
    %dma_wait3A_637 = tpu.memref_slice %arg2[%dma_wait3A_635, %dma_wait3A_636] : memref<100000x128xf32, #tpu.memory_space<hbm>> -> memref<100000x128xf32, #tpu.memory_space<hbm>>
    tpu.wait_indirect_dma semaphore(%arg16 : memref<!tpu.dma_semaphore, #tpu.memory_space<semaphore_mem>>) src(%dma_wait3A_637 : memref<100000x128xf32, #tpu.memory_space<hbm>>) dst(%dma_wait3A_631 : memref<128x128xf32, #tpu.memory_space<vmem>>)
    %dma_wait3A_638 = arith.constant 1 : i32
    %dma_wait3A_639 = arith.constant 128 : i32
    %dma_wait3A_640 = arith.constant 0 : i32
    %dma_wait3A_641 = tpu.memref_slice %arg10[%dma_wait3A_639, %dma_wait3A_640] : memref<512x128xf32, #tpu.memory_space<vmem>> -> memref<128x128xf32, #tpu.memory_space<vmem>>
    %dma_wait3A_642 = arith.constant 0 : i32
    %dma_wait3A_643 = tpu.memref_slice %arg9[%dma_wait3A_638, %dma_wait3A_642] : memref<4x128xi32, #tpu.memory_space<vmem>> -> memref<1x128xi32, #tpu.memory_space<vmem>>
    %dma_wait3A_644 = tpu.memref_squeeze %dma_wait3A_643 : memref<1x128xi32, #tpu.memory_space<vmem>> -> memref<128xi32, #tpu.memory_space<vmem>>
    %dma_wait3A_645 = arith.constant 0 : i32
    %dma_wait3A_646 = arith.constant 0 : i32
    %dma_wait3A_647 = tpu.memref_slice %arg2[%dma_wait3A_645, %dma_wait3A_646] : memref<100000x128xf32, #tpu.memory_space<hbm>> -> memref<100000x128xf32, #tpu.memory_space<hbm>>
    tpu.wait_indirect_dma semaphore(%arg16 : memref<!tpu.dma_semaphore, #tpu.memory_space<semaphore_mem>>) src(%dma_wait3A_647 : memref<100000x128xf32, #tpu.memory_space<hbm>>) dst(%dma_wait3A_641 : memref<128x128xf32, #tpu.memory_space<vmem>>)
    %dma_wait3A_648 = arith.constant 2 : i32
    %dma_wait3A_649 = arith.constant 256 : i32
    %dma_wait3A_650 = arith.constant 0 : i32
    %dma_wait3A_651 = tpu.memref_slice %arg10[%dma_wait3A_649, %dma_wait3A_650] : memref<512x128xf32, #tpu.memory_space<vmem>> -> memref<128x128xf32, #tpu.memory_space<vmem>>
    %dma_wait3A_652 = arith.constant 0 : i32
    %dma_wait3A_653 = tpu.memref_slice %arg9[%dma_wait3A_648, %dma_wait3A_652] : memref<4x128xi32, #tpu.memory_space<vmem>> -> memref<1x128xi32, #tpu.memory_space<vmem>>
    %dma_wait3A_654 = tpu.memref_squeeze %dma_wait3A_653 : memref<1x128xi32, #tpu.memory_space<vmem>> -> memref<128xi32, #tpu.memory_space<vmem>>
    %dma_wait3A_655 = arith.constant 0 : i32
    %dma_wait3A_656 = arith.constant 0 : i32
    %dma_wait3A_657 = tpu.memref_slice %arg2[%dma_wait3A_655, %dma_wait3A_656] : memref<100000x128xf32, #tpu.memory_space<hbm>> -> memref<100000x128xf32, #tpu.memory_space<hbm>>
    tpu.wait_indirect_dma semaphore(%arg16 : memref<!tpu.dma_semaphore, #tpu.memory_space<semaphore_mem>>) src(%dma_wait3A_657 : memref<100000x128xf32, #tpu.memory_space<hbm>>) dst(%dma_wait3A_651 : memref<128x128xf32, #tpu.memory_space<vmem>>)
    %dma_wait3A_658 = arith.constant 3 : i32
    %dma_wait3A_659 = arith.constant 384 : i32
    %dma_wait3A_660 = arith.constant 0 : i32
    %dma_wait3A_661 = tpu.memref_slice %arg10[%dma_wait3A_659, %dma_wait3A_660] : memref<512x128xf32, #tpu.memory_space<vmem>> -> memref<128x128xf32, #tpu.memory_space<vmem>>
    %dma_wait3A_662 = arith.constant 0 : i32
    %dma_wait3A_663 = tpu.memref_slice %arg9[%dma_wait3A_658, %dma_wait3A_662] : memref<4x128xi32, #tpu.memory_space<vmem>> -> memref<1x128xi32, #tpu.memory_space<vmem>>
    %dma_wait3A_664 = tpu.memref_squeeze %dma_wait3A_663 : memref<1x128xi32, #tpu.memory_space<vmem>> -> memref<128xi32, #tpu.memory_space<vmem>>
    %dma_wait3A_665 = arith.constant 0 : i32
    %dma_wait3A_666 = arith.constant 0 : i32
    %dma_wait3A_667 = tpu.memref_slice %arg2[%dma_wait3A_665, %dma_wait3A_666] : memref<100000x128xf32, #tpu.memory_space<hbm>> -> memref<100000x128xf32, #tpu.memory_space<hbm>>
    tpu.wait_indirect_dma semaphore(%arg16 : memref<!tpu.dma_semaphore, #tpu.memory_space<semaphore_mem>>) src(%dma_wait3A_667 : memref<100000x128xf32, #tpu.memory_space<hbm>>) dst(%dma_wait3A_661 : memref<128x128xf32, #tpu.memory_space<vmem>>)
    "tpu.region"() ({
      %run_scoped3A = tpu.sem_alloc : memref<!tpu.dma_semaphore, #tpu.memory_space<semaphore_mem>>
      %dma_start3A_668 = arith.constant 0 : i32
      %dma_start3A_669 = tpu.memref_slice %arg6[%mul3A_2, %dma_start3A_668] : memref<16384x128xf32, #tpu.memory_space<hbm>> -> memref<512x128xf32, #tpu.memory_space<hbm>>
      %dma_start3A_670 = arith.constant 0 : i32
      %dma_start3A_671 = tpu.memref_slice %arg6[%mul3A_2, %dma_start3A_670] : memref<16384x128xf32, #tpu.memory_space<hbm>> -> memref<512x128xf32, #tpu.memory_space<hbm>>
      tpu.enqueue_dma source(%arg10 : memref<512x128xf32, #tpu.memory_space<vmem>>) target(%dma_start3A_671 : memref<512x128xf32, #tpu.memory_space<hbm>>) target_semaphore(%run_scoped3A : memref<!tpu.dma_semaphore, #tpu.memory_space<semaphore_mem>>)
      %dma_wait3A_672 = arith.constant 0 : i32
      %dma_wait3A_673 = tpu.memref_slice %arg6[%mul3A_2, %dma_wait3A_672] : memref<16384x128xf32, #tpu.memory_space<hbm>> -> memref<512x128xf32, #tpu.memory_space<hbm>>
      %dma_wait3A_674 = arith.constant 0 : i32
      %dma_wait3A_675 = tpu.memref_slice %arg6[%mul3A_2, %dma_wait3A_674] : memref<16384x128xf32, #tpu.memory_space<hbm>> -> memref<512x128xf32, #tpu.memory_space<hbm>>
      tpu.wait_dma2 semaphore(%run_scoped3A : memref<!tpu.dma_semaphore, #tpu.memory_space<semaphore_mem>>) src(%arg10 : memref<512x128xf32, #tpu.memory_space<vmem>>) dst(%dma_wait3A_675 : memref<512x128xf32, #tpu.memory_space<hbm>>)
      tpu.yield
    }) : () -> ()
    return
  }
}

#map = affine_map<(d0, d1) -> (0, 0, 0)>
#map1 = affine_map<(d0, d1) -> (0, 0)>
module attributes {stable_mosaic.version = 14 : i64} {
  func.func @new_body(%arg0: i32, %arg1: i32, %arg2: memref<32x4x128xi32, #tpu.memory_space<hbm>>, %arg3: memref<16384x128xf32, #tpu.memory_space<hbm>>, %arg4: memref<100000x128xf32, #tpu.memory_space<hbm>>, %arg5: memref<100000x128xf32, #tpu.memory_space<hbm>>, %arg6: memref<4x128xi32, #tpu.memory_space<vmem>>, %arg7: memref<512x128xf32, #tpu.memory_space<vmem>>, %arg8: memref<!tpu.dma_semaphore, #tpu.memory_space<semaphore_mem>>) attributes {dimension_semantics = [#tpu.dimension_semantics<core_parallel>, #tpu.dimension_semantics<subcore_parallel>], iteration_bounds = array<i64: 2, 16>, scalar_prefetch = 0 : i64, scratch_operands = 3 : i64, tpu.core_type = #tpu.core_type<sc_vector_subcore>, window_params = [{transform_indices = #map}, {transform_indices = #map1}, {transform_indices = #map1}, {transform_indices = #map1}]} {
    %mul3A = arith.constant 2 : i32
    %mul3A_0 = arith.muli %arg1, %mul3A : i32
    %add3A = arith.addi %mul3A_0, %arg0 : i32
    %mul3A_1 = arith.constant 512 : i32
    %mul3A_2 = arith.muli %add3A, %mul3A_1 : i32
    "tpu.region"() ({
      %run_scoped3A = tpu.sem_alloc : memref<!tpu.dma_semaphore, #tpu.memory_space<semaphore_mem>>
      %dma_start3A_81 = arith.constant 0 : i32
      %dma_start3A_82 = arith.constant 0 : i32
      %dma_start3A_83 = tpu.memref_slice %arg2[%add3A, %dma_start3A_81, %dma_start3A_82] : memref<32x4x128xi32, #tpu.memory_space<hbm>> -> memref<1x4x128xi32, #tpu.memory_space<hbm>>
      %dma_start3A_84 = tpu.memref_squeeze %dma_start3A_83 : memref<1x4x128xi32, #tpu.memory_space<hbm>> -> memref<4x128xi32, #tpu.memory_space<hbm>>
      %dma_start3A_85 = arith.constant 0 : i32
      %dma_start3A_86 = arith.constant 0 : i32
      %dma_start3A_87 = tpu.memref_slice %arg2[%add3A, %dma_start3A_85, %dma_start3A_86] : memref<32x4x128xi32, #tpu.memory_space<hbm>> -> memref<1x4x128xi32, #tpu.memory_space<hbm>>
      %dma_start3A_88 = tpu.memref_squeeze %dma_start3A_87 : memref<1x4x128xi32, #tpu.memory_space<hbm>> -> memref<4x128xi32, #tpu.memory_space<hbm>>
      tpu.enqueue_dma source(%dma_start3A_88 : memref<4x128xi32, #tpu.memory_space<hbm>>) target(%arg6 : memref<4x128xi32, #tpu.memory_space<vmem>>) target_semaphore(%run_scoped3A : memref<!tpu.dma_semaphore, #tpu.memory_space<semaphore_mem>>)
      %dma_wait3A_89 = arith.constant 0 : i32
      %dma_wait3A_90 = arith.constant 0 : i32
      %dma_wait3A_91 = tpu.memref_slice %arg2[%add3A, %dma_wait3A_89, %dma_wait3A_90] : memref<32x4x128xi32, #tpu.memory_space<hbm>> -> memref<1x4x128xi32, #tpu.memory_space<hbm>>
      %dma_wait3A_92 = tpu.memref_squeeze %dma_wait3A_91 : memref<1x4x128xi32, #tpu.memory_space<hbm>> -> memref<4x128xi32, #tpu.memory_space<hbm>>
      %dma_wait3A_93 = arith.constant 0 : i32
      %dma_wait3A_94 = arith.constant 0 : i32
      %dma_wait3A_95 = tpu.memref_slice %arg2[%add3A, %dma_wait3A_93, %dma_wait3A_94] : memref<32x4x128xi32, #tpu.memory_space<hbm>> -> memref<1x4x128xi32, #tpu.memory_space<hbm>>
      %dma_wait3A_96 = tpu.memref_squeeze %dma_wait3A_95 : memref<1x4x128xi32, #tpu.memory_space<hbm>> -> memref<4x128xi32, #tpu.memory_space<hbm>>
      tpu.wait_dma2 semaphore(%run_scoped3A : memref<!tpu.dma_semaphore, #tpu.memory_space<semaphore_mem>>) src(%dma_wait3A_96 : memref<4x128xi32, #tpu.memory_space<hbm>>) dst(%arg6 : memref<4x128xi32, #tpu.memory_space<vmem>>)
      tpu.yield
    }) : () -> ()
    "tpu.region"() ({
      %run_scoped3A = tpu.sem_alloc : memref<!tpu.dma_semaphore, #tpu.memory_space<semaphore_mem>>
      %dma_start3A_81 = arith.constant 0 : i32
      %dma_start3A_82 = tpu.memref_slice %arg3[%mul3A_2, %dma_start3A_81] : memref<16384x128xf32, #tpu.memory_space<hbm>> -> memref<512x128xf32, #tpu.memory_space<hbm>>
      %dma_start3A_83 = arith.constant 0 : i32
      %dma_start3A_84 = tpu.memref_slice %arg3[%mul3A_2, %dma_start3A_83] : memref<16384x128xf32, #tpu.memory_space<hbm>> -> memref<512x128xf32, #tpu.memory_space<hbm>>
      tpu.enqueue_dma source(%dma_start3A_84 : memref<512x128xf32, #tpu.memory_space<hbm>>) target(%arg7 : memref<512x128xf32, #tpu.memory_space<vmem>>) target_semaphore(%run_scoped3A : memref<!tpu.dma_semaphore, #tpu.memory_space<semaphore_mem>>)
      %dma_wait3A_85 = arith.constant 0 : i32
      %dma_wait3A_86 = tpu.memref_slice %arg3[%mul3A_2, %dma_wait3A_85] : memref<16384x128xf32, #tpu.memory_space<hbm>> -> memref<512x128xf32, #tpu.memory_space<hbm>>
      %dma_wait3A_87 = arith.constant 0 : i32
      %dma_wait3A_88 = tpu.memref_slice %arg3[%mul3A_2, %dma_wait3A_87] : memref<16384x128xf32, #tpu.memory_space<hbm>> -> memref<512x128xf32, #tpu.memory_space<hbm>>
      tpu.wait_dma2 semaphore(%run_scoped3A : memref<!tpu.dma_semaphore, #tpu.memory_space<semaphore_mem>>) src(%dma_wait3A_88 : memref<512x128xf32, #tpu.memory_space<hbm>>) dst(%arg7 : memref<512x128xf32, #tpu.memory_space<vmem>>)
      tpu.yield
    }) : () -> ()
    %dma_start3A = arith.constant 0 : i32
    %dma_start3A_3 = arith.constant 0 : i32
    %dma_start3A_4 = arith.constant 0 : i32
    %dma_start3A_5 = tpu.memref_slice %arg7[%dma_start3A_3, %dma_start3A_4] : memref<512x128xf32, #tpu.memory_space<vmem>> -> memref<128x128xf32, #tpu.memory_space<vmem>>
    %dma_start3A_6 = arith.constant 0 : i32
    %dma_start3A_7 = tpu.memref_slice %arg6[%dma_start3A, %dma_start3A_6] : memref<4x128xi32, #tpu.memory_space<vmem>> -> memref<1x128xi32, #tpu.memory_space<vmem>>
    %dma_start3A_8 = tpu.memref_squeeze %dma_start3A_7 : memref<1x128xi32, #tpu.memory_space<vmem>> -> memref<128xi32, #tpu.memory_space<vmem>>
    %dma_start3A_9 = arith.constant 0 : i32
    %dma_start3A_10 = arith.constant 0 : i32
    %dma_start3A_11 = tpu.memref_slice %arg4[%dma_start3A_9, %dma_start3A_10] : memref<100000x128xf32, #tpu.memory_space<hbm>> -> memref<100000x128xf32, #tpu.memory_space<hbm>>
    tpu.enqueue_indirect_dma source(%dma_start3A_5 : memref<128x128xf32, #tpu.memory_space<vmem>>) target(%dma_start3A_11 : memref<100000x128xf32, #tpu.memory_space<hbm>>) offsets(%dma_start3A_8 : memref<128xi32, #tpu.memory_space<vmem>>) semaphore(%arg8 : memref<!tpu.dma_semaphore, #tpu.memory_space<semaphore_mem>>)
    %dma_start3A_12 = arith.constant 1 : i32
    %dma_start3A_13 = arith.constant 128 : i32
    %dma_start3A_14 = arith.constant 0 : i32
    %dma_start3A_15 = tpu.memref_slice %arg7[%dma_start3A_13, %dma_start3A_14] : memref<512x128xf32, #tpu.memory_space<vmem>> -> memref<128x128xf32, #tpu.memory_space<vmem>>
    %dma_start3A_16 = arith.constant 0 : i32
    %dma_start3A_17 = tpu.memref_slice %arg6[%dma_start3A_12, %dma_start3A_16] : memref<4x128xi32, #tpu.memory_space<vmem>> -> memref<1x128xi32, #tpu.memory_space<vmem>>
    %dma_start3A_18 = tpu.memref_squeeze %dma_start3A_17 : memref<1x128xi32, #tpu.memory_space<vmem>> -> memref<128xi32, #tpu.memory_space<vmem>>
    %dma_start3A_19 = arith.constant 0 : i32
    %dma_start3A_20 = arith.constant 0 : i32
    %dma_start3A_21 = tpu.memref_slice %arg4[%dma_start3A_19, %dma_start3A_20] : memref<100000x128xf32, #tpu.memory_space<hbm>> -> memref<100000x128xf32, #tpu.memory_space<hbm>>
    tpu.enqueue_indirect_dma source(%dma_start3A_15 : memref<128x128xf32, #tpu.memory_space<vmem>>) target(%dma_start3A_21 : memref<100000x128xf32, #tpu.memory_space<hbm>>) offsets(%dma_start3A_18 : memref<128xi32, #tpu.memory_space<vmem>>) semaphore(%arg8 : memref<!tpu.dma_semaphore, #tpu.memory_space<semaphore_mem>>)
    %dma_start3A_22 = arith.constant 2 : i32
    %dma_start3A_23 = arith.constant 256 : i32
    %dma_start3A_24 = arith.constant 0 : i32
    %dma_start3A_25 = tpu.memref_slice %arg7[%dma_start3A_23, %dma_start3A_24] : memref<512x128xf32, #tpu.memory_space<vmem>> -> memref<128x128xf32, #tpu.memory_space<vmem>>
    %dma_start3A_26 = arith.constant 0 : i32
    %dma_start3A_27 = tpu.memref_slice %arg6[%dma_start3A_22, %dma_start3A_26] : memref<4x128xi32, #tpu.memory_space<vmem>> -> memref<1x128xi32, #tpu.memory_space<vmem>>
    %dma_start3A_28 = tpu.memref_squeeze %dma_start3A_27 : memref<1x128xi32, #tpu.memory_space<vmem>> -> memref<128xi32, #tpu.memory_space<vmem>>
    %dma_start3A_29 = arith.constant 0 : i32
    %dma_start3A_30 = arith.constant 0 : i32
    %dma_start3A_31 = tpu.memref_slice %arg4[%dma_start3A_29, %dma_start3A_30] : memref<100000x128xf32, #tpu.memory_space<hbm>> -> memref<100000x128xf32, #tpu.memory_space<hbm>>
    tpu.enqueue_indirect_dma source(%dma_start3A_25 : memref<128x128xf32, #tpu.memory_space<vmem>>) target(%dma_start3A_31 : memref<100000x128xf32, #tpu.memory_space<hbm>>) offsets(%dma_start3A_28 : memref<128xi32, #tpu.memory_space<vmem>>) semaphore(%arg8 : memref<!tpu.dma_semaphore, #tpu.memory_space<semaphore_mem>>)
    %dma_start3A_32 = arith.constant 3 : i32
    %dma_start3A_33 = arith.constant 384 : i32
    %dma_start3A_34 = arith.constant 0 : i32
    %dma_start3A_35 = tpu.memref_slice %arg7[%dma_start3A_33, %dma_start3A_34] : memref<512x128xf32, #tpu.memory_space<vmem>> -> memref<128x128xf32, #tpu.memory_space<vmem>>
    %dma_start3A_36 = arith.constant 0 : i32
    %dma_start3A_37 = tpu.memref_slice %arg6[%dma_start3A_32, %dma_start3A_36] : memref<4x128xi32, #tpu.memory_space<vmem>> -> memref<1x128xi32, #tpu.memory_space<vmem>>
    %dma_start3A_38 = tpu.memref_squeeze %dma_start3A_37 : memref<1x128xi32, #tpu.memory_space<vmem>> -> memref<128xi32, #tpu.memory_space<vmem>>
    %dma_start3A_39 = arith.constant 0 : i32
    %dma_start3A_40 = arith.constant 0 : i32
    %dma_start3A_41 = tpu.memref_slice %arg4[%dma_start3A_39, %dma_start3A_40] : memref<100000x128xf32, #tpu.memory_space<hbm>> -> memref<100000x128xf32, #tpu.memory_space<hbm>>
    tpu.enqueue_indirect_dma source(%dma_start3A_35 : memref<128x128xf32, #tpu.memory_space<vmem>>) target(%dma_start3A_41 : memref<100000x128xf32, #tpu.memory_space<hbm>>) offsets(%dma_start3A_38 : memref<128xi32, #tpu.memory_space<vmem>>) semaphore(%arg8 : memref<!tpu.dma_semaphore, #tpu.memory_space<semaphore_mem>>)
    %dma_wait3A = arith.constant 0 : i32
    %dma_wait3A_42 = arith.constant 0 : i32
    %dma_wait3A_43 = arith.constant 0 : i32
    %dma_wait3A_44 = tpu.memref_slice %arg7[%dma_wait3A_42, %dma_wait3A_43] : memref<512x128xf32, #tpu.memory_space<vmem>> -> memref<128x128xf32, #tpu.memory_space<vmem>>
    %dma_wait3A_45 = arith.constant 0 : i32
    %dma_wait3A_46 = tpu.memref_slice %arg6[%dma_wait3A, %dma_wait3A_45] : memref<4x128xi32, #tpu.memory_space<vmem>> -> memref<1x128xi32, #tpu.memory_space<vmem>>
    %dma_wait3A_47 = tpu.memref_squeeze %dma_wait3A_46 : memref<1x128xi32, #tpu.memory_space<vmem>> -> memref<128xi32, #tpu.memory_space<vmem>>
    %dma_wait3A_48 = arith.constant 0 : i32
    %dma_wait3A_49 = arith.constant 0 : i32
    %dma_wait3A_50 = tpu.memref_slice %arg4[%dma_wait3A_48, %dma_wait3A_49] : memref<100000x128xf32, #tpu.memory_space<hbm>> -> memref<100000x128xf32, #tpu.memory_space<hbm>>
    tpu.wait_indirect_dma semaphore(%arg8 : memref<!tpu.dma_semaphore, #tpu.memory_space<semaphore_mem>>) src(%dma_wait3A_44 : memref<128x128xf32, #tpu.memory_space<vmem>>) dst(%dma_wait3A_50 : memref<100000x128xf32, #tpu.memory_space<hbm>>)
    %dma_wait3A_51 = arith.constant 1 : i32
    %dma_wait3A_52 = arith.constant 128 : i32
    %dma_wait3A_53 = arith.constant 0 : i32
    %dma_wait3A_54 = tpu.memref_slice %arg7[%dma_wait3A_52, %dma_wait3A_53] : memref<512x128xf32, #tpu.memory_space<vmem>> -> memref<128x128xf32, #tpu.memory_space<vmem>>
    %dma_wait3A_55 = arith.constant 0 : i32
    %dma_wait3A_56 = tpu.memref_slice %arg6[%dma_wait3A_51, %dma_wait3A_55] : memref<4x128xi32, #tpu.memory_space<vmem>> -> memref<1x128xi32, #tpu.memory_space<vmem>>
    %dma_wait3A_57 = tpu.memref_squeeze %dma_wait3A_56 : memref<1x128xi32, #tpu.memory_space<vmem>> -> memref<128xi32, #tpu.memory_space<vmem>>
    %dma_wait3A_58 = arith.constant 0 : i32
    %dma_wait3A_59 = arith.constant 0 : i32
    %dma_wait3A_60 = tpu.memref_slice %arg4[%dma_wait3A_58, %dma_wait3A_59] : memref<100000x128xf32, #tpu.memory_space<hbm>> -> memref<100000x128xf32, #tpu.memory_space<hbm>>
    tpu.wait_indirect_dma semaphore(%arg8 : memref<!tpu.dma_semaphore, #tpu.memory_space<semaphore_mem>>) src(%dma_wait3A_54 : memref<128x128xf32, #tpu.memory_space<vmem>>) dst(%dma_wait3A_60 : memref<100000x128xf32, #tpu.memory_space<hbm>>)
    %dma_wait3A_61 = arith.constant 2 : i32
    %dma_wait3A_62 = arith.constant 256 : i32
    %dma_wait3A_63 = arith.constant 0 : i32
    %dma_wait3A_64 = tpu.memref_slice %arg7[%dma_wait3A_62, %dma_wait3A_63] : memref<512x128xf32, #tpu.memory_space<vmem>> -> memref<128x128xf32, #tpu.memory_space<vmem>>
    %dma_wait3A_65 = arith.constant 0 : i32
    %dma_wait3A_66 = tpu.memref_slice %arg6[%dma_wait3A_61, %dma_wait3A_65] : memref<4x128xi32, #tpu.memory_space<vmem>> -> memref<1x128xi32, #tpu.memory_space<vmem>>
    %dma_wait3A_67 = tpu.memref_squeeze %dma_wait3A_66 : memref<1x128xi32, #tpu.memory_space<vmem>> -> memref<128xi32, #tpu.memory_space<vmem>>
    %dma_wait3A_68 = arith.constant 0 : i32
    %dma_wait3A_69 = arith.constant 0 : i32
    %dma_wait3A_70 = tpu.memref_slice %arg4[%dma_wait3A_68, %dma_wait3A_69] : memref<100000x128xf32, #tpu.memory_space<hbm>> -> memref<100000x128xf32, #tpu.memory_space<hbm>>
    tpu.wait_indirect_dma semaphore(%arg8 : memref<!tpu.dma_semaphore, #tpu.memory_space<semaphore_mem>>) src(%dma_wait3A_64 : memref<128x128xf32, #tpu.memory_space<vmem>>) dst(%dma_wait3A_70 : memref<100000x128xf32, #tpu.memory_space<hbm>>)
    %dma_wait3A_71 = arith.constant 3 : i32
    %dma_wait3A_72 = arith.constant 384 : i32
    %dma_wait3A_73 = arith.constant 0 : i32
    %dma_wait3A_74 = tpu.memref_slice %arg7[%dma_wait3A_72, %dma_wait3A_73] : memref<512x128xf32, #tpu.memory_space<vmem>> -> memref<128x128xf32, #tpu.memory_space<vmem>>
    %dma_wait3A_75 = arith.constant 0 : i32
    %dma_wait3A_76 = tpu.memref_slice %arg6[%dma_wait3A_71, %dma_wait3A_75] : memref<4x128xi32, #tpu.memory_space<vmem>> -> memref<1x128xi32, #tpu.memory_space<vmem>>
    %dma_wait3A_77 = tpu.memref_squeeze %dma_wait3A_76 : memref<1x128xi32, #tpu.memory_space<vmem>> -> memref<128xi32, #tpu.memory_space<vmem>>
    %dma_wait3A_78 = arith.constant 0 : i32
    %dma_wait3A_79 = arith.constant 0 : i32
    %dma_wait3A_80 = tpu.memref_slice %arg4[%dma_wait3A_78, %dma_wait3A_79] : memref<100000x128xf32, #tpu.memory_space<hbm>> -> memref<100000x128xf32, #tpu.memory_space<hbm>>
    tpu.wait_indirect_dma semaphore(%arg8 : memref<!tpu.dma_semaphore, #tpu.memory_space<semaphore_mem>>) src(%dma_wait3A_74 : memref<128x128xf32, #tpu.memory_space<vmem>>) dst(%dma_wait3A_80 : memref<100000x128xf32, #tpu.memory_space<hbm>>)
    return
  }
}

module attributes {stable_mosaic.version = 14 : i64} {
  func.func @_gru_body(%arg0: i32, %arg1: memref<4096x256xf32, #tpu.memory_space<vmem>>, %arg2: memref<4096x128xf32, #tpu.memory_space<vmem>>, %arg3: memref<384x256xf32, #tpu.memory_space<vmem>>, %arg4: memref<384x128xf32, #tpu.memory_space<vmem>>, %arg5: memref<384xf32, #tpu.memory_space<vmem>>, %arg6: memref<384xf32, #tpu.memory_space<vmem>>, %arg7: memref<4096x128xf32, #tpu.memory_space<vmem>>) attributes {dimension_semantics = [#tpu.dimension_semantics<arbitrary>], iteration_bounds = array<i64: 4>, scalar_prefetch = 0 : i64, scratch_operands = 0 : i64, tpu.core_type = #tpu.core_type<tc>, window_params = [{transform_indices = @transform_0, window_bounds = array<i64: 4096, 256>}, {transform_indices = @transform_1, window_bounds = array<i64: 4096, 128>}, {pipeline_mode = #tpu.pipeline_mode<synchronous>, transform_indices = @transform_2, window_bounds = array<i64: 384, 256>}, {pipeline_mode = #tpu.pipeline_mode<synchronous>, transform_indices = @transform_3, window_bounds = array<i64: 384, 128>}, {pipeline_mode = #tpu.pipeline_mode<synchronous>, transform_indices = @transform_4, window_bounds = array<i64: 384>}, {pipeline_mode = #tpu.pipeline_mode<synchronous>, transform_indices = @transform_5, window_bounds = array<i64: 384>}, {transform_indices = @transform_6, window_bounds = array<i64: 4096, 128>}]} {
    %get3A = arith.constant 0 : index
    %get3A_0 = arith.constant 0 : index
    %get3A_1 = vector.load %arg1[%get3A, %get3A_0] : memref<4096x256xf32, #tpu.memory_space<vmem>>, vector<4096x256xf32>
    %get3A_2 = arith.constant 0 : index
    %get3A_3 = arith.constant 0 : index
    %get3A_4 = vector.load %arg2[%get3A_2, %get3A_3] : memref<4096x128xf32, #tpu.memory_space<vmem>>, vector<4096x128xf32>
    %get3A_5 = arith.constant 0 : index
    %get3A_6 = arith.constant 0 : index
    %get3A_7 = vector.load %arg3[%get3A_5, %get3A_6] : memref<384x256xf32, #tpu.memory_space<vmem>>, vector<384x256xf32>
    %dot_general3A = arith.constant dense<0.000000e+00> : vector<4096x384xf32>
    %dot_general3A_8 = tpu.matmul %get3A_1, %get3A_7, %dot_general3A {dimension_numbers = #tpu.dot_dimension_numbers<[1], [1], [0], [0], [0, 0, 1, 0], [], []>, transpose_lhs_hint = false} : vector<4096x256xf32>, vector<384x256xf32>, vector<4096x384xf32> -> vector<4096x384xf32>
    %get3A_9 = arith.constant 0 : index
    %get3A_10 = vector.load %arg5[%get3A_9] : memref<384xf32, #tpu.memory_space<vmem>>, vector<384xf32>
    %broadcast_in_dim3A = vector.shape_cast %get3A_10 : vector<384xf32> to vector<1x384xf32>
    %add3A = vector.broadcast %broadcast_in_dim3A : vector<1x384xf32> to vector<4096x384xf32>
    %add3A_11 = arith.addf %dot_general3A_8, %add3A : vector<4096x384xf32>
    %get3A_12 = arith.constant 0 : index
    %get3A_13 = arith.constant 0 : index
    %get3A_14 = vector.load %arg4[%get3A_12, %get3A_13] : memref<384x128xf32, #tpu.memory_space<vmem>>, vector<384x128xf32>
    %dot_general3A_15 = arith.constant dense<0.000000e+00> : vector<4096x384xf32>
    %dot_general3A_16 = tpu.matmul %get3A_4, %get3A_14, %dot_general3A_15 {dimension_numbers = #tpu.dot_dimension_numbers<[1], [1], [0], [0], [0, 0, 1, 0], [], []>, transpose_lhs_hint = false} : vector<4096x128xf32>, vector<384x128xf32>, vector<4096x384xf32> -> vector<4096x384xf32>
    %get3A_17 = arith.constant 0 : index
    %get3A_18 = vector.load %arg6[%get3A_17] : memref<384xf32, #tpu.memory_space<vmem>>, vector<384xf32>
    %broadcast_in_dim3A_19 = vector.shape_cast %get3A_18 : vector<384xf32> to vector<1x384xf32>
    %add3A_20 = vector.broadcast %broadcast_in_dim3A_19 : vector<1x384xf32> to vector<4096x384xf32>
    %add3A_21 = arith.addf %dot_general3A_16, %add3A_20 : vector<4096x384xf32>
    %slice3A = vector.extract_strided_slice %add3A_11 {offsets = [0, 0], sizes = [4096, 128], strides = [1, 1]} : vector<4096x384xf32> to vector<4096x128xf32>
    %slice3A_22 = vector.extract_strided_slice %add3A_11 {offsets = [0, 128], sizes = [4096, 128], strides = [1, 1]} : vector<4096x384xf32> to vector<4096x128xf32>
    %slice3A_23 = vector.extract_strided_slice %add3A_11 {offsets = [0, 256], sizes = [4096, 128], strides = [1, 1]} : vector<4096x384xf32> to vector<4096x128xf32>
    %slice3A_24 = vector.extract_strided_slice %add3A_21 {offsets = [0, 0], sizes = [4096, 128], strides = [1, 1]} : vector<4096x384xf32> to vector<4096x128xf32>
    %slice3A_25 = vector.extract_strided_slice %add3A_21 {offsets = [0, 128], sizes = [4096, 128], strides = [1, 1]} : vector<4096x384xf32> to vector<4096x128xf32>
    %slice3A_26 = vector.extract_strided_slice %add3A_21 {offsets = [0, 256], sizes = [4096, 128], strides = [1, 1]} : vector<4096x384xf32> to vector<4096x128xf32>
    %add3A_27 = arith.addf %slice3A, %slice3A_24 : vector<4096x128xf32>
    %logistic3A = arith.negf %add3A_27 : vector<4096x128xf32>
    %logistic3A_28 = math.exp %logistic3A : vector<4096x128xf32>
    %logistic3A_29 = arith.constant 1.000000e+00 : f32
    %logistic3A_30 = vector.broadcast %logistic3A_29 : f32 to vector<4096x128xf32>
    %logistic3A_31 = arith.addf %logistic3A_30, %logistic3A_28 : vector<4096x128xf32>
    %logistic3A_32 = arith.divf %logistic3A_30, %logistic3A_31 : vector<4096x128xf32>
    %add3A_33 = arith.addf %slice3A_22, %slice3A_25 : vector<4096x128xf32>
    %logistic3A_34 = arith.negf %add3A_33 : vector<4096x128xf32>
    %logistic3A_35 = math.exp %logistic3A_34 : vector<4096x128xf32>
    %logistic3A_36 = arith.constant 1.000000e+00 : f32
    %logistic3A_37 = vector.broadcast %logistic3A_36 : f32 to vector<4096x128xf32>
    %logistic3A_38 = arith.addf %logistic3A_37, %logistic3A_35 : vector<4096x128xf32>
    %logistic3A_39 = arith.divf %logistic3A_37, %logistic3A_38 : vector<4096x128xf32>
    %mul3A = arith.mulf %logistic3A_32, %slice3A_26 : vector<4096x128xf32>
    %add3A_40 = arith.addf %slice3A_23, %mul3A : vector<4096x128xf32>
    %tanh3A = math.tanh %add3A_40 : vector<4096x128xf32>
    %sub3A = arith.constant 1.000000e+00 : f32
    %sub3A_41 = vector.broadcast %sub3A : f32 to vector<4096x128xf32>
    %sub3A_42 = arith.subf %sub3A_41, %logistic3A_39 : vector<4096x128xf32>
    %mul3A_43 = arith.mulf %sub3A_42, %tanh3A : vector<4096x128xf32>
    %mul3A_44 = arith.mulf %logistic3A_39, %get3A_4 : vector<4096x128xf32>
    %add3A_45 = arith.addf %mul3A_43, %mul3A_44 : vector<4096x128xf32>
    %swap3A = arith.constant 0 : index
    %swap3A_46 = arith.constant 0 : index
    %swap3A_47 = vector.load %arg7[%swap3A, %swap3A_46] : memref<4096x128xf32, #tpu.memory_space<vmem>>, vector<4096x128xf32>
    tpu.vector_store %arg7[%swap3A, %swap3A_46], %add3A_45 {strides = array<i32>} : memref<4096x128xf32, #tpu.memory_space<vmem>>, vector<4096x128xf32>,
    return
  }
  func.func @transform_0(%arg0: i32) -> (i32, i32) {
    %c0_i32 = arith.constant 0 : i32
    %c0_i32_0 = arith.constant 0 : i32
    return %arg0, %c0_i32 : i32, i32
  }
  func.func @transform_1(%arg0: i32) -> (i32, i32) {
    %c0_i32 = arith.constant 0 : i32
    %c0_i32_0 = arith.constant 0 : i32
    return %arg0, %c0_i32 : i32, i32
  }
  func.func @transform_2(%arg0: i32) -> (i32, i32) {
    %c0_i32 = arith.constant 0 : i32
    %c0_i32_0 = arith.constant 0 : i32
    %c0_i32_1 = arith.constant 0 : i32
    return %c0_i32, %c0_i32_0 : i32, i32
  }
  func.func @transform_3(%arg0: i32) -> (i32, i32) {
    %c0_i32 = arith.constant 0 : i32
    %c0_i32_0 = arith.constant 0 : i32
    %c0_i32_1 = arith.constant 0 : i32
    return %c0_i32, %c0_i32_0 : i32, i32
  }
  func.func @transform_4(%arg0: i32) -> i32 {
    %c0_i32 = arith.constant 0 : i32
    %c0_i32_0 = arith.constant 0 : i32
    return %c0_i32 : i32
  }
  func.func @transform_5(%arg0: i32) -> i32 {
    %c0_i32 = arith.constant 0 : i32
    %c0_i32_0 = arith.constant 0 : i32
    return %c0_i32 : i32
  }
  func.func @transform_6(%arg0: i32) -> (i32, i32) {
    %c0_i32 = arith.constant 0 : i32
    %c0_i32_0 = arith.constant 0 : i32
    return %arg0, %c0_i32 : i32, i32
  }
}

</mosaic_0001>

<sc_bundles>
// kernel: kernel.5.cloned.1.call-start
scs
__scs_entry_jumppad:
0x0: {  	(pc) =	sbr.rel $0x88, $3  }
0x1: {  	(tag) =	ssettag $0x0;
	lr =	simm.s32 $0x1  }
0x2: {  	[smem:$0x3F98] =	sst lr;
	_ =	strace $0xD0000000  }
0x3: {  	_ = 	snop  }
0x4: {  	_ = 	snop  }
0x5: {  	_ = 	snop  }
0x6: {  	_ = 	snop  }
0x7: {  	_ = 	snop  }
__scs_overlays_trampoline_lowered:
0x8: {  	[smem:$0x3FA7] =	sst s0  }
0x9: {  	[smem:$0x3FA8] =	sst s1  }
0xa: {  	[smem:$0x3FA9] =	sst s2  }
0xb: {  	[smem:$0x3FAA] =	sst s3  }
0xc: {  	[smem:$0x3FAB] =	sst s4  }
0xd: {  	[smem:$0x3FAC] =	sst s5  }
0xe: {  	[smem:$0x3FAD] =	sst s6  }
0xf: {  	[smem:$0x3FAE] =	sst s7  }
0x10: {  	[smem:$0x3FAF] =	sst s8  }
0x11: {  	[smem:$0x3FB0] =	sst s9;
	s0 =	simm.s32 @!p0 $0x0  }
0x12: {  	s1 =	sld [smem:$0x3F96];
	s0 =	simm.s32 @p0 $0x1  }
0x13: {  	[smem:$0x3FB1] =	sst s0;
	s0 =	simm.s32 @!p1 $0x0  }
0x14: {  	s2 =	sld [smem:$0x3F95];
	s0 =	simm.s32 @p1 $0x1  }
0x15: {  	[smem:$0x3FB2] =	sst s0;
	s0 =	simm.s32 @!p2 $0x0  }
0x16: {  	s3 =	sld [smem:$0x3FDB];
	s0 =	simm.s32 @p2 $0x1  }
0x17: {  	s4 =	simm.s32 $0x1BF5;
	[smem:$0x3FB4] =	sst s0  }
0x18: {  	s0 =	sld [smem:$0x3F97];
	_ =	swait.ge [sflag:s4], $0x0  }
0x19: {  	s7 =	sld [smem:$0x3F98]  }
0x1a: {  	s8 =	sadd.s32 $0xFFFFE003, lr  }
0x1b: {  	s9 =	sadd.s32 $0xFFFFFEF7, lr;
	s5 =	simm.s32 $0xFFFFFFFF;
	p2 =	slt.u32 s8, $0xFFFFF086  }
0x1c: {  	p1 =	slt.u32 s9, $0xF7A;
	s5 =	simm.s32 @!p2 $0x0  }
0x1d: {  	s5 =	simm.s32 @p1 $0x1;
	p0 =	seq.s32 s7, s2  }
0x1e: {  	s7 =	smul.u32 @!p0 $0xF7A, s2;
	p2 =	seq.s32 @!p0 s5, $0x0  }
0x1f: {  	s9 =	smul.u32 $0xF7A, s1;
	s8 =	simm.s32 @!p0 $0x1BF5;
	p2 =	por !p2, p0  }
0x20: {  	[sflag:s8] =	ssyncset.s32 @!p0 $0xFFFFF086;
	s6 =	sadd.s32 @!p0 s3, s7;
	s7 =	simm.s32 @!p0 $0x108  }
0x21: {  	s3 =	sadd.s32 s3, s9;
	s6 =	sadd.s32 @!p0 $0x88, s6;
	s7 =	simm.s32 @p2 $0x1082  }
0x22: {  	[simem:s7], [sflag:s8] =	dma.local @!p0 [hbm:s6], $0xF7A  }
0x23: {  	s9 =	sor.u32 $0xD0000000, s2;
	s6 =	simm.s32 $0x108;
	_ =	swait.ge @!p0 [sflag:s8], $0x0  }
0x24: {  	s3 =	sadd.s32 $0x88, s3;
	s6 =	simm.s32 @!p1 $0x1082;
	[sflag:s4] =	ssyncset.s32 $0xFFFFF086  }
0x25: {  	[simem:s6], [sflag:s4] =	dma.local [hbm:s3], $0xF7A  }
0x26: {  	[smem:$0x3F98] =	sst s1;
	(tag) =	ssettag s2;
	_ =	strace s9  }
0x27: {  	s1 =	sld [smem:$0x3FA8]  }
0x28: {  	s2 =	sld [smem:$0x3FA9]  }
0x29: {  	s4 =	sld [smem:$0x3FAB]  }
0x2a: {  	p0 =	seq.s32 s5, $0x0;
	s5 =	sld [smem:$0x3FAC]  }
0x2b: {  	s6 =	sld [smem:$0x3FAD]  }
0x2c: {  	s7 =	sld [smem:$0x3FAE]  }
0x2d: {  	s3 =	simm.s32 $0x108;
	s8 =	sld [smem:$0x3FAF]  }
0x2e: {  	s3 =	simm.s32 @!p0 $0x1082;
	s9 =	sld [smem:$0x3FB0]  }
0x2f: {  	lr =	sadd.s32 s0, s3;
	s0 =	sld [smem:$0x3FA7]  }
0x30: {  	s3 =	sld [smem:$0x3FAA]  }
0x31: {  	[smem:$0x3FB3] =	sst s10  }
0x32: {  	s10 =	sld [smem:$0x3FB1];
	_ =	sdelay $0x3  }
0x33: {  	p0 =	seq.s32 s10, $0x1;
	s10 =	sld [smem:$0x3FB3];
	_ =	sdelay $0x3  }
0x34: {  	[smem:$0x3FB3] =	sst s10  }
0x35: {  	s10 =	sld [smem:$0x3FB2];
	_ =	sdelay $0x3  }
0x36: {  	p1 =	seq.s32 s10, $0x1;
	s10 =	sld [smem:$0x3FB3];
	_ =	sdelay $0x3  }
0x37: {  	[smem:$0x3FB3] =	sst s10  }
0x38: {  	s10 =	sld [smem:$0x3FB4]  }
0x39: {  	_ = 	snop;
	(pc) =	sbr.ind lr, $3  }
0x3a: {  	_ = 	snop  }
0x3b: {  	_ = 	snop  }
0x3c: {  	p2 =	seq.s32 s10, $0x1;
	s10 =	sld [smem:$0x3FB3]  }
0x3d: {  	_ =	shalt  }
0x3e: {  	_ =	shalt  }
0x3f: {  	_ =	shalt  }
0x40: {  	_ =	shalt  }
0x41: {  	_ =	shalt  }
0x42: {  	_ =	shalt  }
0x43: {  	_ =	shalt  }
0x44: {  	_ =	shalt  }
0x45: {  	_ =	shalt  }
0x46: {  	_ =	shalt  }
0x47: {  	_ =	shalt  }
0x48: {  	_ =	shalt  }
0x49: {  	_ =	shalt  }
0x4a: {  	_ =	shalt  }
0x4b: {  	_ =	shalt  }
0x4c: {  	_ =	shalt  }
0x4d: {  	_ =	shalt  }
0x4e: {  	_ =	shalt  }
0x4f: {  	_ =	shalt  }
0x50: {  	_ =	shalt  }
0x51: {  	_ =	shalt  }
0x52: {  	_ =	shalt  }
0x53: {  	_ =	shalt  }
0x54: {  	_ =	shalt  }
0x55: {  	_ =	shalt  }
0x56: {  	_ =	shalt  }
0x57: {  	_ =	shalt  }
0x58: {  	_ =	shalt  }
0x59: {  	_ =	shalt  }
0x5a: {  	_ =	shalt  }
0x5b: {  	_ =	shalt  }
0x5c: {  	_ =	shalt  }
0x5d: {  	_ =	shalt  }
0x5e: {  	_ =	shalt  }
0x5f: {  	_ =	shalt  }
0x60: {  	_ =	shalt  }
0x61: {  	_ =	shalt  }
0x62: {  	_ =	shalt  }
0x63: {  	_ =	shalt  }
0x64: {  	_ =	shalt  }
0x65: {  	_ =	shalt  }
0x66: {  	_ =	shalt  }
0x67: {  	_ =	shalt  }
0x68: {  	_ =	shalt  }
0x69: {  	_ =	shalt  }
0x6a: {  	_ =	shalt  }
0x6b: {  	_ =	shalt  }
0x6c: {  	_ =	shalt  }
0x6d: {  	_ =	shalt  }
0x6e: {  	_ =	shalt  }
0x6f: {  	_ =	shalt  }
0x70: {  	_ =	shalt  }
0x71: {  	_ =	shalt  }
0x72: {  	_ =	shalt  }
0x73: {  	_ =	shalt  }
0x74: {  	_ =	shalt  }
0x75: {  	_ =	shalt  }
0x76: {  	_ =	shalt  }
0x77: {  	_ =	shalt  }
0x78: {  	_ =	shalt  }
0x79: {  	_ =	shalt  }
0x7a: {  	_ =	shalt  }
0x7b: {  	_ =	shalt  }
0x7c: {  	_ =	shalt  }
0x7d: {  	_ =	shalt  }
0x7e: {  	_ =	shalt  }
0x7f: {  	_ =	shalt  }
0x80: {  	_ =	shalt  }
0x81: {  	_ =	shalt  }
0x82: {  	_ =	shalt  }
0x83: {  	_ =	shalt  }
0x84: {  	_ =	shalt  }
0x85: {  	_ =	shalt  }
0x86: {  	_ =	shalt  }
0x87: {  	_ =	shalt  }
.Lfunc_end0:
.L_simem_size_0:
called_computation_lowered:
.L_overlay_start_0:
0x88: {  	s2 =	sld [smem:$0x3FD9]  }
0x89: {  	s3 =	sld [smem:$0x3FFE];
	_ =	sdelay $0x1  }
0x8a: {  	s1 =	srdreg.scid  }
0x8b: {  	s0 =	sand.u32 $0x1, s1  }
0x8c: {  	s14 =	sshll.u32 s0, $0xA;
	s2 =	sadd.s32 s3, s2  }
0x8d: {  	s2 =	sadd.s32 s2, s14  }
0x8e: {  	[smem:$0x3FBF] =	sst s2  }
0x8f: {  	_ = 	snop  }
0x90: {  	s2 =	sld [smem:$0x3FD0]  }
0x91: {  	s15 =	sld [smem:$0x3FC9]  }
0x92: {  	s4 =	sld [smem:$0x3FC6]  }
0x93: {  	s6 =	simm.s32 $0xA;
	s7 =	simm.s32 $0x10;
	s5 =	sld [smem:$0x3FC5]  }
0x94: {  	[smem:s7], [sflag:s6] =	dma.local [hbm:s2], $0x1  }
0x95: {  	_ =	swait.eq [sflag:s6], $0x1  }
0x96: {  	[sflag:s6] =	ssyncset.done $0x0  }
0x97: {  	s16 =	sld [smem:$0x10];
	[sflag:s6] =	ssyncadd.s32 $0xFFFFFFFF  }
0x98: {  	s17 =	sld [smem:$0x11];
	(tm) =	ssettm $0x1  }
0x99: {  	s18 =	sld [smem:$0x3FFB];
	_ =	sdelay $0x3  }
0x9a: {  	_ =	strace s18  }
0x9b: {  	s7 =	sld [smem:$0x3FFC];
	_ =	sdelay $0x3  }
0x9c: {  	_ =	strace s7  }
0x9d: {  	s7 =	sld [smem:$0x3FFD];
	_ =	sdelay $0x3  }
0x9e: {  	_ =	strace s7  }
0x9f: {  	_ =	strace $0x8FFFFFFF  }
0xa0: {  	s19 =	sld [smem:$0x3FDB];
	_ =	sdelay $0x1  }
0xa1: {  	s8 =	simm.s32 $_scs_section_size  }
0xa2: {  	s9 =	simm.s32 $_size__tile_overlayer_lowered;
	s10 =	simm.s32 $_tile_overlayer_lowered  }
0xa3: {  	s22 =	simm.s32 $0x1BFF;
	s21 =	sshll.u32 s10, $0x1;
	s7 =	sadd.s32 s8, s19  }
0xa4: {  	s11 =	simm.s32 $0x0;
	s20 =	sshll.u32 s9, $0x1;
	s9 =	sadd.s32 s21, s7  }
0xa5: {  	[timem:s11], [sflag:s22] =	dma.local [hbm:s9], s20  }
0xa6: {  	_ =	swait.ge [sflag:s22], s20  }
0xa7: {  	s8 =	ssub.s32 $0x0, s20;
	[sflag:s22] =	ssyncset.done $0x0  }
0xa8: {  	[sflag:s22] =	ssyncadd.s32 s8;
	_ =	sdelay $0x1  }
0xa9: {  	s23 =	simm.s32 $0x1B8B  }
0xaa: {  	_ =	swait.ge [sflag:s23], $0x1  }
0xab: {  	[sflag:s23] =	ssyncset.done $0x0  }
0xac: {  	s25 =	simm.s32 $0x1B8E;
	s24 =	sld [smem:$0x3FFE];
	[sflag:s23] =	ssyncadd.s32 $0xFFFFFFFF  }
0xad: {  	s26 =	simm.s32 $execute0_lowered;
	[smem:$0x3FD2] =	sst s25  }
0xae: {  	s9 =	sshll.u32 s26, $0x1;
	_ =	strace $0x80000046;
	[dreg:$0x1] =	wrdreg $0xFFFFFFFF  }
0xaf: {  	s28 =	simm.s32 $_size_execute0_lowered;
	s7 =	sadd.s32 s7, s9;
	[dreg:$0x0] =	wrdreg $0x0  }
0xb0: {  	s9 =	sshll.u32 s28, $0x1;
	[dreg:$0x2] =	wrdreg s7  }
0xb1: {  	[dreg:$0x3] =	wrdreg s9  }
0xb2: {  	[dreg:$0x4] =	wrdreg $0xC0  }
0xb3: {  	_ =	task [dreg:s11], $0x5FFFF  }
0xb4: {  	[dreg:$0x1] =	wrdreg $0xFFFFFFFF  }
0xb5: {  	[dreg:$0x0] =	wrdreg $0x60  }
0xb6: {  	[dreg:$0x2] =	wrdreg s4  }
0xb7: {  	[dreg:$0x3] =	wrdreg s15  }
0xb8: {  	[dreg:$0x4] =	wrdreg s5  }
0xb9: {  	[dreg:$0x5] =	wrdreg s24  }
0xba: {  	[dreg:$0x6] =	wrdreg s16  }
0xbb: {  	[dreg:$0x7] =	wrdreg s17  }
0xbc: {  	[dreg:$0x8] =	wrdreg $0x9  }
0xbd: {  	_ =	task.clear_ibuf [dreg:s11], $0x9FFFF;
	_ =	strace $0x90000046  }
0xbe: {  	s29 =	simm.s32 $0x9;
	_ =	strace $0x80000048  }
0xbf: {  	_ =	swait.ge [sflag:s29], $0x1  }
0xc0: {  	[sflag:s29] =	ssyncadd.s32 $0xFFFFFFFF  }
0xc1: {  	_ =	strace $0x90000048  }
0xc2: {  	_ =	sfence  }
0xc3: {  	s30 =	sld [smem:$0x0];
	_ =	sdelay $0x2  }
0xc4: {  	s31 =	sshll.u32 s1, $0xD;
	s1 =	sshrl.u32 s1, $0x2  }
0xc5: {  	s3 =	sand.u32 $0x4000, s31;
	s1 =	sadd.s32 s1, s30  }
0xc6: {  	s0 =	sor.u32 s3, s0;
	s1 =	sshll.u32 s1, $0x11  }
0xc7: {  	s0 =	sor.u32 s1, s0  }
0xc8: {  	s0 =	sadd.s32 $0x8F2B, s0  }
0xc9: {  	[sflag:s0] =	ssyncadd.remote.s32 $0x1  }
0xca: {  	_ =	sfence.sel $0xFFFF  }
0xcb: {  	[dreg:$0x0] =	wrdreg $0xFFFFFFFF;
	(pc) =	sbr.abs _section_cstart, $3  }
0xcc: {  	[dreg:$0x1] =	wrdreg $0xFFFFFFFF  }
0xcd: {  	_ =	task.clear_ibuf [dreg:s11], $0x2FFFF;
	_ =	strace $0x9FFFFFFF  }
0xce: {  	(tm) =	ssettm $0x7FFFFFFF  }
0xcf: {  	_ =	shalt  }
tec
execute0_lowered:
.L_overlay_start_1:
0x0: {  	(tag) =	ssettag $0x1  }
0x1: {  	s1 =	rddreg [dreg:$0x0]  }
0x2: {  	s12 =	rddreg [dreg:$0x1]  }
0x3: {  	s10 =	rddreg [dreg:$0x2]  }
0x4: {  	s3 =	rddreg [dreg:$0x3]  }
0x5: {  	s0 =	rddreg [dreg:$0x4]  }
0x6: {  	s2 =	rddreg [dreg:$0x5]  }
0x7: {  	s4 =	simm.s32 $0x0;
	s5 =	srdreg.scid;
	s6 =	stileid.u32  }
0x8: {  	[smem:$0x7FF] =	sst s4;
	s5 =	sand.u32 $0x1, s5;
	s6 =	sshll.u32 s6, $0x1  }
0x9: {  	s9 =	sadd.s32 $0x1800, s3;
	_ =	strace $0x80000047;
	s11 =	sor.u32 s5, s6  }
0xa: {  	s5 =	ssub.s32 $0x2, s5;
	[dreg:$0x7] =	wrdreg s9;
	s8 =	smul.u32 $0x61C00, s11  }
0xb: {  	s6 =	sshll.u32 s11, $0xD;
	s7 =	sshrl.u32 s5, $0x1;
	s25 =	sshll.u32 s11, $0x6  }
0xc: {  	s3 =	sadd.s32 s6, s3;
	s6 =	smul.u32 $0xC80, s11;
	s9 =	sshrl.u32 s8, $0x3  }
0xd: {  	s5 =	ssub.s32 s5, s7;
	s7 =	sadd.s32 s12, s25;
	s26 =	sadd.s32 $0x880, s9  }
0xe: {  	[dreg:$0x8] =	wrdreg s7;
	s8 =	sshrl.u32 s6, $0x3;
	s15 =	sadd.s32 s1, s26  }
0xf: {  	s14 =	sadd.s32 s10, s8;
	[dreg:$0x9] =	wrdreg s15  }
0x10: {  	s13 =	sadd.s32 $0x1100, s9;
	s10 =	sadd.s32 $0x3070, s10;
	[dreg:$0xa] =	wrdreg s14  }
0x11: {  	s16 =	sadd.s32 s1, s13;
	[dreg:$0xb] =	wrdreg s10  }
0x12: {  	s18 =	sadd.s32 $0x1980, s9;
	s17 =	sadd.s32 s0, s26;
	[dreg:$0xc] =	wrdreg s16  }
0x13: {  	s20 =	sadd.s32 s1, s18;
	[dreg:$0xd] =	wrdreg s17  }
0x14: {  	s19 =	sadd.s32 $0x2200, s9;
	s13 =	sadd.s32 s0, s13;
	[dreg:$0xe] =	wrdreg s20  }
0x15: {  	s21 =	sadd.s32 s1, s19;
	[dreg:$0xf] =	wrdreg s13  }
0x16: {  	s22 =	sadd.s32 $0x2A80, s9;
	s23 =	sadd.s32 s0, s19;
	[dreg:$0x10] =	wrdreg s21  }
0x17: {  	s25 =	sadd.s32 $0x3300, s9;
	s24 =	sadd.s32 s1, s22;
	[dreg:$0x12] =	wrdreg s23  }
0x18: {  	p0 =	seq.s32 s11, $0x1F;
	s26 =	sadd.s32 s1, s25;
	[dreg:$0x13] =	wrdreg s24  }
0x19: {  	s7 =	smul.u32 $0xC380, s11;
	s11 =	sadd.s32 s0, s25;
	[dreg:$0x15] =	wrdreg s26  }
0x1a: {  	s12 =	sadd.s32 $0x3B80, s9;
	s10 =	sadd.s32 s0, s18;
	[dreg:$0x16] =	wrdreg s11  }
0x1b: {  	s30 =	sadd.s32 $0x3070, s2;
	s13 =	sadd.s32 s1, s12;
	[dreg:$0x11] =	wrdreg s10  }
0x1c: {  	s14 =	sadd.s32 $0x4400, s9;
	s10 =	sadd.s32 s0, s22;
	[dreg:$0x17] =	wrdreg s13  }
0x1d: {  	s31 =	sadd.s32 $0x186780, s0;
	s15 =	sadd.s32 s1, s14;
	[dreg:$0x14] =	wrdreg s10  }
0x1e: {  	s16 =	sadd.s32 $0x4C80, s9;
	s11 =	sadd.s32 s0, s14;
	[dreg:$0x19] =	wrdreg s15  }
0x1f: {  	s18 =	sadd.s32 $0x5500, s9;
	s17 =	sadd.s32 s1, s16;
	[dreg:$0x1a] =	wrdreg s11  }
0x20: {  	s20 =	sadd.s32 $0x5D80, s9;
	s19 =	sadd.s32 s1, s18;
	[dreg:$0x1b] =	wrdreg s17  }
0x21: {  	s24 =	sadd.s32 $0x6E80, s9;
	s21 =	sadd.s32 s1, s20;
	[dreg:$0x1d] =	wrdreg s19  }
0x22: {  	s26 =	sadd.s32 $0x7700, s9;
	s25 =	sadd.s32 s1, s24;
	[dreg:$0x1f] =	wrdreg s21  }
0x23: {  	s22 =	sadd.s32 $0x6600, s9;
	s10 =	sadd.s32 s0, s12;
	[smem:$0x7ED] =	sst s25  }
0x24: {  	s13 =	sadd.s32 $0x7F80, s9;
	s11 =	sadd.s32 s0, s18;
	[dreg:$0x18] =	wrdreg s10  }
0x25: {  	s23 =	sadd.s32 s1, s22;
	s12 =	sadd.s32 s1, s26;
	[dreg:$0x1e] =	wrdreg s11  }
0x26: {  	s14 =	sadd.s32 s1, s13;
	s15 =	sadd.s32 $0x8800, s9;
	[smem:$0x7EB] =	sst s23  }
0x27: {  	s17 =	sadd.s32 $0x9080, s9;
	s19 =	sadd.s32 $0x9900, s9;
	[smem:$0x7EF] =	sst s12  }
0x28: {  	s21 =	sadd.s32 $0xA180, s9;
	s10 =	sadd.s32 s0, s16;
	[smem:$0x7F1] =	sst s14  }
0x29: {  	s11 =	sadd.s32 s0, s22;
	s16 =	sadd.s32 s1, s15;
	[dreg:$0x1c] =	wrdreg s10  }
0x2a: {  	s18 =	sadd.s32 s1, s17;
	s22 =	sadd.s32 s1, s21;
	[smem:$0x7EC] =	sst s11  }
0x2b: {  	s23 =	sadd.s32 $0xAA00, s9;
	s9 =	sadd.s32 $0xB280, s9;
	[smem:$0x7F3] =	sst s16  }
0x2c: {  	s12 =	simm.s32 $0x1CA00;
	s14 =	simm.s32 $0x5;
	[smem:$0x7F5] =	sst s18  }
0x2d: {  	s10 =	sadd.s32 s0, s20;
	s11 =	sadd.s32 s0, s26;
	[smem:$0x7F9] =	sst s22  }
0x2e: {  	s20 =	sadd.s32 s1, s19;
	s25 =	sadd.s32 s0, s23;
	[smem:$0x7EA] =	sst s10  }
0x2f: {  	s26 =	sadd.s32 s1, s9;
	s18 =	simm.s32 $0x200;
	[smem:$0x7F0] =	sst s11  }
0x30: {  	s16 =	simm.s32 $0x0;
	s10 =	sadd.s32 s0, s24;
	[smem:$0x7F7] =	sst s20  }
0x31: {  	s11 =	sadd.s32 s0, s15;
	s24 =	sadd.s32 s1, s23;
	[smem:$0x7FC] =	sst s25  }
0x32: {  	[smem:$0x7FD] =	sst s26;
	s23 =	sadd.s32 s0, s9;
	s25 =	sadd.s32 s0, s7  }
0x33: {  	s26 =	sadd.s32 s2, s8;
	s2 =	sadd.s32 $0x186780, s1;
	s9 =	simm.s32 $0x10200  }
0x34: {  	s8 =	simm.s32 $0x4;
	s15 =	simm.s32 $0x1;
	[smem:$0x7EE] =	sst s10  }
0x35: {  	s10 =	sadd.s32 s0, s13;
	[smem:$0x7F4] =	sst s11;
	s11 =	sadd.s32 s0, s19  }
0x36: {  	[smem:$0x7FB] =	sst s24;
	s24 =	sadd.s32 s1, s7;
	s7 =	sadd.s32 $0xBB00, s7  }
0x37: {  	s13 =	simm.s32 $0x3;
	[smem:$0x7F2] =	sst s10;
	s10 =	sadd.s32 s0, s17  }
0x38: {  	[smem:$0x7F8] =	sst s11;
	s28 =	sadd.s32 s1, s7;
	s29 =	sadd.s32 s0, s7  }
0x39: {  	s7 =	simm.s32 $0x80;
	s11 =	simm.s32 $0x2;
	[smem:$0x7F6] =	sst s10  }
0x3a: {  	s10 =	sadd.s32 s0, s21;
	s0 =	sadd.s32 $0x1A00, s3;
	s3 =	smax.u32 s5, $0x1  }
0x3b: {  	v0 =	vmov s6;
	s5 =	simm.s32 $0x6;
	[smem:$0x7FA] =	sst s10;
	s10 =	simm.s32 $0x14600  }
.LBB2_1:
0x3c: {  	s17 =	rddreg [dreg:$0x8]  }
0x3d: {  	[tilespmem:s4], [sflag:$0x6] =	stream.linear.gather [hbm4b:s17+s4], $0x200, $0x38;
	[tilespmem:$0x1D700] =	vst v63  }
0x3e: {  	_ =	swait.ge [sflag:s5], $0x200  }
0x3f: {  	[sflag:s5] =	ssyncset.done $0x0  }
0x40: {  	[sflag:s5] =	ssyncadd.s32 $0xFFFFFE00  }
0x41: {  	[tilespmem:s18], [sflag:$0x1] =	stream.indirect.gather [hbm4b:s1+s7], $0x80, s4, s7, $0xb8;
	[tilespmem:$0x1D700] =	vst v63  }
0x42: {  	s18 =	simm.s32 $0x4200  }
0x43: {  	[tilespmem:s18], [sflag:$0x1] =	stream.indirect.gather [hbm4b:s1+s7], $0x80, s7, s7, $0xb8;
	[tilespmem:$0x1D700] =	vst v63  }
0x44: {  	s19 =	simm.s32 $0x100;
	s20 =	simm.s32 $0x8200  }
0x45: {  	[tilespmem:s20], [sflag:$0x1] =	stream.indirect.gather [hbm4b:s1+s7], $0x80, s19, s7, $0xb8;
	[tilespmem:$0x1D700] =	vst v63  }
0x46: {  	s21 =	simm.s32 $0x180;
	s22 =	simm.s32 $0xC200  }
0x47: {  	[tilespmem:s22], [sflag:$0x1] =	stream.indirect.gather [hbm4b:s1+s7], $0x80, s21, s7, $0xb8;
	[tilespmem:$0x1D700] =	vst v63  }
0x48: {  	_ = 	snop  }
0x49: {  	[tilespmem:s9], [sflag:$0x2] =	stream.linear.gather [hbm4b:s24+s4], $0x4400, $0x38;
	[tilespmem:$0x1D700] =	vst v63  }
0x4a: {  	s18 =	rddreg [dreg:$0x9]  }
0x4b: {  	[tilespmem:s10], [sflag:$0x3] =	stream.linear.gather [hbm4b:s18+s4], $0x4400, $0x38;
	[tilespmem:$0x1D700] =	vst v63  }
0x4c: {  	s19 =	rddreg [dreg:$0x1];
	s20 =	simm.s32 $0x18A00  }
0x4d: {  	[tilespmem:s20], [sflag:$0x6] =	stream.linear.gather [hbm4b:s19+s4], $0x4000, $0x38;
	[tilespmem:$0x1D700] =	vst v63  }
0x4e: {  	_ =	swait.ge [sflag:s5], $0x4000  }
0x4f: {  	s17 =	simm.s32 @p0 $0x0;
	[sflag:s5] =	ssyncset.done $0x0  }
0x50: {  	s18 =	simm.s32 @p0 $0x1CA00;
	s19 =	rddreg [dreg:$0xb];
	[sflag:s5] =	ssyncadd.s32 $0xFFFFC000  }
0x51: {  	[tilespmem:s18], [sflag:$0x6] =	stream.linear.gather @p0 [hbm4b:s19+s17], $0x320, $0x38;
	[tilespmem:$0x1D700] =	vst v63  }
0x52: {  	s17 =	simm.s32 @p0 $0x6  }
0x53: {  	_ =	swait.ge @p0 [sflag:s17], $0x320  }
0x54: {  	s18 =	simm.s32 @!p0 $0x1CA00;
	[sflag:s17] =	ssyncset.done @p0 $0x0  }
0x55: {  	s19 =	rddreg [dreg:$0xa];
	[sflag:s17] =	ssyncadd.s32 @p0 $0xFFFFFCE0;
	s17 =	simm.s32 @!p0 $0x0  }
0x56: {  	[tilespmem:s18], [sflag:$0x6] =	stream.linear.gather @!p0 [hbm4b:s19+s17], $0xC80, $0x38;
	[tilespmem:$0x1D700] =	vst v63  }
0x57: {  	s17 =	simm.s32 @!p0 $0x6  }
0x58: {  	_ =	swait.ge @!p0 [sflag:s17], $0xC80  }
0x59: {  	[sflag:s17] =	ssyncset.done @!p0 $0x0  }
0x5a: {  	s22 =	simm.s32 $0x1D680;
	s21 =	rddreg [dreg:$0x7];
	[sflag:s17] =	ssyncadd.s32 @!p0 $0xFFFFF380  }
0x5b: {  	[tilespmem:s22], [sflag:$0x6] =	stream.linear.gather [hbm4b:s21+s4], $0x80, $0x38;
	[tilespmem:$0x1D700] =	vst v63  }
0x5c: {  	_ =	swait.ge [sflag:s5], $0x80  }
0x5d: {  	[sflag:s5] =	ssyncset.done $0x0  }
0x5e: {  	s19 =	sand.u32 $0x800, s4;
	[sflag:s5] =	ssyncadd.s32 $0xFFFFFF80  }
0x5f: {  	s20 =	sand.u32 $0x180, s4;
	s17 =	sshrl.u32 s19, $0x2;
	v1 =	vld [tilespmem:$0x1D680];
	_ =	swait.ge [sflag:s11], $0x4400  }
0x60: {  	s21 =	sand.u32 $0x70, s4;
	s17 =	sor.u32 s20, s17;
	[sflag:s11] =	ssyncset.done $0x0  }
0x61: {  	s17 =	sor.u32 s21, s17;
	[sflag:s11] =	ssyncadd.s32 $0xFFFFBC00  }
0x62: {  	[hbm4b:s25+s4] =	stream.linear.scatter [tilespmem:s9], [sflag:$0x4], $0x4400, $0x38;
	[tilespmem:$0x1D700] =	vst v63  }
0x63: {  	v3 =	vld [tilespmem:s17+$0x18A00]  }
0x64: {  	s17 =	simm.s32 @!p0 $0xC80  }
0x65: {  	s17 =	simm.s32 @p0 $0x320  }
0x66: {  	s17 =	sadd.s32 s6, s17  }
0x67: {  	v2 =	vmov s17  }
0x68: {  	vm0 =	vge.s32 v3, v0;
	v4 =	vsub.s32 v3, v0;
	vm1 =	vlt.s32 v3, v2  }
0x69: {  	v3 =	vand.u32 $0x7F, v3;
	v4 =	vand.u32 $0xFFFFFF80, v4;
	vm0 =	vmand vm0, vm1  }
0x6a: {  	v3 =	vor.u32 v3, v4  }
0x6b: {  	s22 =	simm.s32 $0x40  }
0x6c: {  	s18 =	simm.s32 $0x80;
	s19 =	sand.u32 $0x800, s22;
	s17 =	simm.s32 $0x10  }
.LBB2_2:
0x6d: {  	p1 =	sne.s32 s18, $0xB40;
	s20 =	sand.u32 $0x180, s17;
	s19 =	sshrl.u32 s19, $0x2  }
0x6e: {  	s21 =	sand.u32 $0x70, s17;
	s19 =	sor.u32 s20, s19  }
0x6f: {  	s19 =	sor.u32 s21, s19;
	[tilespmem:v3+s12+$0x0] =	vst.idx.msk vm0, v1  }
0x70: {  	v3 =	vld [tilespmem:s19+$0x18A00];
	_ =	sdelay $0x4  }
.Ltmp0:
0x71: {  	vm0 =	vge.s32 v3, v0;
	vm1 =	vlt.s32 v3, v2;
	v4 =	vsub.s32 v3, v0;
	(pc) =	sbr.rel @p1 .LBB2_2-.Ltmp0, $3  }
0x72: {  	v3 =	vand.u32 $0x7F, v3;
	vm0 =	vmand vm0, vm1;
	v4 =	vand.u32 $0xFFFFFF80, v4  }
0x73: {  	v3 =	vor.u32 v3, v4;
	_ =	sdelay $0x1  }
0x74: {  	s17 =	sadd.s32 $0x10, s17;
	s19 =	sand.u32 $0x800, s18;
	s18 =	sadd.s32 $0x40, s18  }
0x75: {  	_ =	sdelay $0x2  }
0x76: {  	s18 =	sand.u32 $0x180, s17;
	s19 =	sshrl.u32 s19, $0x2  }
0x77: {  	s22 =	sand.u32 $0x70, s17;
	s18 =	sor.u32 s18, s19  }
0x78: {  	[tilespmem:v3+s12+$0x0] =	vst.idx.msk vm0, v1;
	s17 =	sor.u32 s22, s18  }
0x79: {  	v3 =	vld [tilespmem:s17+$0x18A00];
	_ =	sdelay $0x4  }
0x7a: {  	vm0 =	vge.s32 v3, v0;
	vm1 =	vlt.s32 v3, v2;
	v4 =	vsub.s32 v3, v0  }
0x7b: {  	v3 =	vand.u32 $0x7F, v3;
	vm0 =	vmand vm0, vm1;
	v4 =	vand.u32 $0xFFFFFF80, v4  }
0x7c: {  	v3 =	vor.u32 v3, v4;
	_ =	sdelay $0x4  }
0x7d: {  	[tilespmem:v3+s12+$0x0] =	vst.idx.msk vm0, v1  }
0x7e: {  	_ =	swait.ge [sflag:s8], $0x4400  }
0x7f: {  	s20 =	simm.s32 $0xB80;
	s21 =	simm.s32 $0x2E0;
	[sflag:s8] =	ssyncset.done $0x0  }
0x80: {  	s17 =	sand.u32 $0x1800, s20;
	s18 =	rddreg [dreg:$0xc];
	[sflag:s8] =	ssyncadd.s32 $0xFFFFBC00  }
0x81: {  	[tilespmem:s9], [sflag:$0x2] =	stream.linear.gather [hbm4b:s18+s4], $0x4400, $0x38;
	[tilespmem:$0x1D700] =	vst v63  }
0x82: {  	s22 =	sand.u32 $0x180, s21;
	s17 =	sshrl.u32 s17, $0x2;
	_ =	swait.ge [sflag:s13], $0x4400  }
0x83: {  	s17 =	sor.u32 s22, s17;
	s18 =	sand.u32 $0x70, s21;
	[sflag:s13] =	ssyncset.done $0x0  }
0x84: {  	s17 =	sor.u32 s18, s17;
	s19 =	rddreg [dreg:$0xd];
	[sflag:s13] =	ssyncadd.s32 $0xFFFFBC00  }
0x85: {  	[hbm4b:s19+s4] =	stream.linear.scatter [tilespmem:s10], [sflag:$0x5], $0x4400, $0x38;
	[tilespmem:$0x1D700] =	vst v63  }
0x86: {  	v3 =	vld [tilespmem:s17+$0x18A00];
	_ =	sdelay $0x4  }
0x87: {  	vm0 =	vge.s32 v3, v0;
	v4 =	vsub.s32 v3, v0;
	vm1 =	vlt.s32 v3, v2  }
0x88: {  	v3 =	vand.u32 $0x7F, v3;
	v4 =	vand.u32 $0xFFFFFF80, v4;
	vm0 =	vmand vm0, vm1  }
0x89: {  	v3 =	vor.u32 v3, v4  }
0x8a: {  	s18 =	simm.s32 $0xBC0  }
0x8b: {  	s20 =	sand.u32 $0x1800, s18;
	s19 =	simm.s32 $0x300;
	s17 =	simm.s32 $0x2F0  }
.LBB2_4:
0x8c: {  	p1 =	sne.s32 s19, $0x5B0;
	s21 =	sand.u32 $0x180, s17;
	s20 =	sshrl.u32 s20, $0x2  }
0x8d: {  	s22 =	sand.u32 $0x70, s17;
	s17 =	smov.u32 s19;
	s20 =	sor.u32 s21, s20  }
0x8e: {  	s20 =	sor.u32 s22, s20;
	[tilespmem:v3+s12+$0x0] =	vst.idx.msk vm0, v1  }
0x8f: {  	v3 =	vld [tilespmem:s20+$0x18A00];
	_ =	sdelay $0x4  }
.Ltmp1:
0x90: {  	vm0 =	vge.s32 v3, v0;
	vm1 =	vlt.s32 v3, v2;
	v4 =	vsub.s32 v3, v0;
	(pc) =	sbr.rel @p1 .LBB2_4-.Ltmp1, $4  }
0x91: {  	v3 =	vand.u32 $0x7F, v3;
	vm0 =	vmand vm0, vm1;
	v4 =	vand.u32 $0xFFFFFF80, v4  }
0x92: {  	v3 =	vor.u32 v3, v4  }
0x93: {  	s18 =	sadd.s32 $0x40, s18  }
0x94: {  	s19 =	sadd.s32 $0x10, s19;
	s20 =	sand.u32 $0x1800, s18  }
0x95: {  	_ =	sdelay $0x2  }
0x96: {  	s18 =	sand.u32 $0x180, s17;
	s19 =	sshrl.u32 s20, $0x2  }
0x97: {  	s22 =	sand.u32 $0x70, s17;
	s18 =	sor.u32 s18, s19  }
0x98: {  	[tilespmem:v3+s12+$0x0] =	vst.idx.msk vm0, v1;
	s17 =	sor.u32 s22, s18  }
0x99: {  	v3 =	vld [tilespmem:s17+$0x18A00];
	_ =	sdelay $0x4  }
0x9a: {  	vm0 =	vge.s32 v3, v0;
	vm1 =	vlt.s32 v3, v2;
	v4 =	vsub.s32 v3, v0  }
0x9b: {  	v3 =	vand.u32 $0x7F, v3;
	vm0 =	vmand vm0, vm1;
	v4 =	vand.u32 $0xFFFFFF80, v4  }
0x9c: {  	v3 =	vor.u32 v3, v4;
	_ =	sdelay $0x4  }
0x9d: {  	[tilespmem:v3+s12+$0x0] =	vst.idx.msk vm0, v1  }
0x9e: {  	_ =	swait.ge [sflag:s14], $0x4400  }
0x9f: {  	s20 =	simm.s32 $0x1700;
	s21 =	simm.s32 $0x5C0;
	[sflag:s14] =	ssyncset.done $0x0  }
0xa0: {  	s17 =	sand.u32 $0x3800, s20;
	s18 =	rddreg [dreg:$0xe];
	[sflag:s14] =	ssyncadd.s32 $0xFFFFBC00  }
0xa1: {  	[tilespmem:s10], [sflag:$0x3] =	stream.linear.gather [hbm4b:s18+s4], $0x4400, $0x38;
	[tilespmem:$0x1D700] =	vst v63  }
0xa2: {  	s22 =	sand.u32 $0x180, s21;
	s17 =	sshrl.u32 s17, $0x2;
	_ =	swait.ge [sflag:s11], $0x4400  }
0xa3: {  	s17 =	sor.u32 s22, s17;
	s18 =	sand.u32 $0x70, s21;
	[sflag:s11] =	ssyncset.done $0x0  }
0xa4: {  	s17 =	sor.u32 s18, s17;
	s19 =	rddreg [dreg:$0xf];
	[sflag:s11] =	ssyncadd.s32 $0xFFFFBC00  }
0xa5: {  	[hbm4b:s19+s4] =	stream.linear.scatter [tilespmem:s9], [sflag:$0x4], $0x4400, $0x38;
	[tilespmem:$0x1D700] =	vst v63  }
0xa6: {  	v3 =	vld [tilespmem:s17+$0x18A00];
	_ =	sdelay $0x4  }
0xa7: {  	vm0 =	vge.s32 v3, v0;
	v4 =	vsub.s32 v3, v0;
	vm1 =	vlt.s32 v3, v2  }
0xa8: {  	v3 =	vand.u32 $0x7F, v3;
	v4 =	vand.u32 $0xFFFFFF80, v4;
	vm0 =	vmand vm0, vm1  }
0xa9: {  	v3 =	vor.u32 v3, v4  }
0xaa: {  	s18 =	simm.s32 $0x1740  }
0xab: {  	s20 =	sand.u32 $0x3800, s18;
	s19 =	simm.s32 $0x5E0;
	s17 =	simm.s32 $0x5D0  }
.LBB2_6:
0xac: {  	p1 =	sne.s32 s19, $0x890;
	s21 =	sand.u32 $0x180, s17;
	s20 =	sshrl.u32 s20, $0x2  }
0xad: {  	s22 =	sand.u32 $0x70, s17;
	s17 =	smov.u32 s19;
	s20 =	sor.u32 s21, s20  }
0xae: {  	s20 =	sor.u32 s22, s20;
	[tilespmem:v3+s12+$0x0] =	vst.idx.msk vm0, v1  }
0xaf: {  	v3 =	vld [tilespmem:s20+$0x18A00];
	_ =	sdelay $0x4  }
.Ltmp2:
0xb0: {  	vm0 =	vge.s32 v3, v0;
	vm1 =	vlt.s32 v3, v2;
	v4 =	vsub.s32 v3, v0;
	(pc) =	sbr.rel @p1 .LBB2_6-.Ltmp2, $4  }
0xb1: {  	v3 =	vand.u32 $0x7F, v3;
	vm0 =	vmand vm0, vm1;
	v4 =	vand.u32 $0xFFFFFF80, v4  }
0xb2: {  	v3 =	vor.u32 v3, v4  }
0xb3: {  	s18 =	sadd.s32 $0x40, s18  }
0xb4: {  	s19 =	sadd.s32 $0x10, s19;
	s20 =	sand.u32 $0x3800, s18  }
0xb5: {  	_ =	sdelay $0x2  }
0xb6: {  	s18 =	sand.u32 $0x180, s17;
	s19 =	sshrl.u32 s20, $0x2  }
0xb7: {  	s22 =	sand.u32 $0x70, s17;
	s18 =	sor.u32 s18, s19  }
0xb8: {  	[tilespmem:v3+s12+$0x0] =	vst.idx.msk vm0, v1;
	s17 =	sor.u32 s22, s18  }
0xb9: {  	v3 =	vld [tilespmem:s17+$0x18A00];
	_ =	sdelay $0x4  }
0xba: {  	vm0 =	vge.s32 v3, v0;
	vm1 =	vlt.s32 v3, v2;
	v4 =	vsub.s32 v3, v0  }
0xbb: {  	v3 =	vand.u32 $0x7F, v3;
	vm0 =	vmand vm0, vm1;
	v4 =	vand.u32 $0xFFFFFF80, v4  }
0xbc: {  	v3 =	vor.u32 v3, v4;
	_ =	sdelay $0x4  }
0xbd: {  	[tilespmem:v3+s12+$0x0] =	vst.idx.msk vm0, v1  }
0xbe: {  	_ =	swait.ge [sflag:s8], $0x4400  }
0xbf: {  	s20 =	simm.s32 $0x2280;
	s21 =	simm.s32 $0x8A0;
	[sflag:s8] =	ssyncset.done $0x0  }
0xc0: {  	s17 =	sand.u32 $0x3800, s20;
	s18 =	rddreg [dreg:$0x10];
	[sflag:s8] =	ssyncadd.s32 $0xFFFFBC00  }
0xc1: {  	[tilespmem:s9], [sflag:$0x2] =	stream.linear.gather [hbm4b:s18+s4], $0x4400, $0x38;
	[tilespmem:$0x1D700] =	vst v63  }
0xc2: {  	s22 =	sand.u32 $0x180, s21;
	s17 =	sshrl.u32 s17, $0x2;
	_ =	swait.ge [sflag:s13], $0x4400  }
0xc3: {  	s17 =	sor.u32 s22, s17;
	s18 =	sand.u32 $0x70, s21;
	[sflag:s13] =	ssyncset.done $0x0  }
0xc4: {  	s17 =	sor.u32 s18, s17;
	s19 =	rddreg [dreg:$0x11];
	[sflag:s13] =	ssyncadd.s32 $0xFFFFBC00  }
0xc5: {  	[hbm4b:s19+s4] =	stream.linear.scatter [tilespmem:s10], [sflag:$0x5], $0x4400, $0x38;
	[tilespmem:$0x1D700] =	vst v63  }
0xc6: {  	v3 =	vld [tilespmem:s17+$0x18A00];
	_ =	sdelay $0x4  }
0xc7: {  	vm0 =	vge.s32 v3, v0;
	v4 =	vsub.s32 v3, v0;
	vm1 =	vlt.s32 v3, v2  }
0xc8: {  	v3 =	vand.u32 $0x7F, v3;
	v4 =	vand.u32 $0xFFFFFF80, v4;
	vm0 =	vmand vm0, vm1  }
0xc9: {  	v3 =	vor.u32 v3, v4  }
0xca: {  	s18 =	simm.s32 $0x22C0  }
0xcb: {  	s20 =	sand.u32 $0x3800, s18;
	s19 =	simm.s32 $0x8C0;
	s17 =	simm.s32 $0x8B0  }
.LBB2_8:
0xcc: {  	p1 =	sne.s32 s19, $0xB70;
	s21 =	sand.u32 $0x180, s17;
	s20 =	sshrl.u32 s20, $0x2  }
0xcd: {  	s22 =	sand.u32 $0x70, s17;
	s17 =	smov.u32 s19;
	s20 =	sor.u32 s21, s20  }
0xce: {  	s20 =	sor.u32 s22, s20;
	[tilespmem:v3+s12+$0x0] =	vst.idx.msk vm0, v1  }
0xcf: {  	v3 =	vld [tilespmem:s20+$0x18A00];
	_ =	sdelay $0x4  }
.Ltmp3:
0xd0: {  	vm0 =	vge.s32 v3, v0;
	vm1 =	vlt.s32 v3, v2;
	v4 =	vsub.s32 v3, v0;
	(pc) =	sbr.rel @p1 .LBB2_8-.Ltmp3, $4  }
0xd1: {  	v3 =	vand.u32 $0x7F, v3;
	vm0 =	vmand vm0, vm1;
	v4 =	vand.u32 $0xFFFFFF80, v4  }
0xd2: {  	v3 =	vor.u32 v3, v4  }
0xd3: {  	s18 =	sadd.s32 $0x40, s18  }
0xd4: {  	s19 =	sadd.s32 $0x10, s19;
	s20 =	sand.u32 $0x3800, s18  }
0xd5: {  	_ =	sdelay $0x2  }
0xd6: {  	s18 =	sand.u32 $0x180, s17;
	s19 =	sshrl.u32 s20, $0x2  }
0xd7: {  	s22 =	sand.u32 $0x70, s17;
	s18 =	sor.u32 s18, s19  }
0xd8: {  	[tilespmem:v3+s12+$0x0] =	vst.idx.msk vm0, v1;
	s17 =	sor.u32 s22, s18  }
0xd9: {  	v3 =	vld [tilespmem:s17+$0x18A00];
	_ =	sdelay $0x4  }
0xda: {  	vm0 =	vge.s32 v3, v0;
	vm1 =	vlt.s32 v3, v2;
	v4 =	vsub.s32 v3, v0  }
0xdb: {  	v3 =	vand.u32 $0x7F, v3;
	vm0 =	vmand vm0, vm1;
	v4 =	vand.u32 $0xFFFFFF80, v4  }
0xdc: {  	v3 =	vor.u32 v3, v4;
	_ =	sdelay $0x4  }
0xdd: {  	[tilespmem:v3+s12+$0x0] =	vst.idx.msk vm0, v1  }
0xde: {  	_ =	swait.ge [sflag:s14], $0x4400  }
0xdf: {  	s20 =	simm.s32 $0x2E00;
	s21 =	simm.s32 $0xB80;
	[sflag:s14] =	ssyncset.done $0x0  }
0xe0: {  	s17 =	sand.u32 $0x3800, s20;
	s18 =	rddreg [dreg:$0x13];
	[sflag:s14] =	ssyncadd.s32 $0xFFFFBC00  }
0xe1: {  	[tilespmem:s10], [sflag:$0x3] =	stream.linear.gather [hbm4b:s18+s4], $0x4400, $0x38;
	[tilespmem:$0x1D700] =	vst v63  }
0xe2: {  	s22 =	sand.u32 $0x180, s21;
	s17 =	sshrl.u32 s17, $0x2;
	_ =	swait.ge [sflag:s11], $0x4400  }
0xe3: {  	s17 =	sor.u32 s22, s17;
	s18 =	sand.u32 $0x70, s21;
	[sflag:s11] =	ssyncset.done $0x0  }
0xe4: {  	s17 =	sor.u32 s18, s17;
	s19 =	rddreg [dreg:$0x12];
	[sflag:s11] =	ssyncadd.s32 $0xFFFFBC00  }
0xe5: {  	[hbm4b:s19+s4] =	stream.linear.scatter [tilespmem:s9], [sflag:$0x4], $0x4400, $0x38;
	[tilespmem:$0x1D700] =	vst v63  }
0xe6: {  	v3 =	vld [tilespmem:s17+$0x18A00];
	_ =	sdelay $0x4  }
0xe7: {  	vm0 =	vge.s32 v3, v0;
	v4 =	vsub.s32 v3, v0;
	vm1 =	vlt.s32 v3, v2  }
0xe8: {  	v3 =	vand.u32 $0x7F, v3;
	v4 =	vand.u32 $0xFFFFFF80, v4;
	vm0 =	vmand vm0, vm1  }
0xe9: {  	v3 =	vor.u32 v3, v4  }
0xea: {  	s18 =	simm.s32 $0x2E40  }
0xeb: {  	s20 =	sand.u32 $0x3800, s18;
	s19 =	simm.s32 $0xBA0;
	s17 =	simm.s32 $0xB90  }
.LBB2_10:
0xec: {  	p1 =	sne.s32 s19, $0xE50;
	s21 =	sand.u32 $0x180, s17;
	s20 =	sshrl.u32 s20, $0x2  }
0xed: {  	s22 =	sand.u32 $0x70, s17;
	s17 =	smov.u32 s19;
	s20 =	sor.u32 s21, s20  }
0xee: {  	s20 =	sor.u32 s22, s20;
	[tilespmem:v3+s12+$0x0] =	vst.idx.msk vm0, v1  }
0xef: {  	v3 =	vld [tilespmem:s20+$0x18A00];
	_ =	sdelay $0x4  }
.Ltmp4:
0xf0: {  	vm0 =	vge.s32 v3, v0;
	vm1 =	vlt.s32 v3, v2;
	v4 =	vsub.s32 v3, v0;
	(pc) =	sbr.rel @p1 .LBB2_10-.Ltmp4, $4  }
0xf1: {  	v3 =	vand.u32 $0x7F, v3;
	vm0 =	vmand vm0, vm1;
	v4 =	vand.u32 $0xFFFFFF80, v4  }
0xf2: {  	v3 =	vor.u32 v3, v4  }
0xf3: {  	s18 =	sadd.s32 $0x40, s18  }
0xf4: {  	s19 =	sadd.s32 $0x10, s19;
	s20 =	sand.u32 $0x3800, s18  }
0xf5: {  	_ =	sdelay $0x2  }
0xf6: {  	s18 =	sand.u32 $0x180, s17;
	s19 =	sshrl.u32 s20, $0x2  }
0xf7: {  	s22 =	sand.u32 $0x70, s17;
	s18 =	sor.u32 s18, s19  }
0xf8: {  	[tilespmem:v3+s12+$0x0] =	vst.idx.msk vm0, v1;
	s17 =	sor.u32 s22, s18  }
0xf9: {  	v3 =	vld [tilespmem:s17+$0x18A00];
	_ =	sdelay $0x4  }
0xfa: {  	vm0 =	vge.s32 v3, v0;
	vm1 =	vlt.s32 v3, v2;
	v4 =	vsub.s32 v3, v0  }
0xfb: {  	v3 =	vand.u32 $0x7F, v3;
	vm0 =	vmand vm0, vm1;
	v4 =	vand.u32 $0xFFFFFF80, v4  }
0xfc: {  	v3 =	vor.u32 v3, v4;
	_ =	sdelay $0x4  }
0xfd: {  	[tilespmem:v3+s12+$0x0] =	vst.idx.msk vm0, v1  }
0xfe: {  	_ =	swait.ge [sflag:s8], $0x4400  }
0xff: {  	s20 =	simm.s32 $0x3980;
	s21 =	simm.s32 $0xE60;
	[sflag:s8] =	ssyncset.done $0x0  }
0x100: {  	s17 =	sand.u32 $0x7800, s20;
	s18 =	rddreg [dreg:$0x15];
	[sflag:s8] =	ssyncadd.s32 $0xFFFFBC00  }
0x101: {  	[tilespmem:s9], [sflag:$0x2] =	stream.linear.gather [hbm4b:s18+s4], $0x4400, $0x38;
	[tilespmem:$0x1D700] =	vst v63  }
0x102: {  	s22 =	sand.u32 $0x180, s21;
	s17 =	sshrl.u32 s17, $0x2;
	_ =	swait.ge [sflag:s13], $0x4400  }
0x103: {  	s17 =	sor.u32 s22, s17;
	s18 =	sand.u32 $0x70, s21;
	[sflag:s13] =	ssyncset.done $0x0  }
0x104: {  	s17 =	sor.u32 s18, s17;
	s19 =	rddreg [dreg:$0x14];
	[sflag:s13] =	ssyncadd.s32 $0xFFFFBC00  }
0x105: {  	[hbm4b:s19+s4] =	stream.linear.scatter [tilespmem:s10], [sflag:$0x5], $0x4400, $0x38;
	[tilespmem:$0x1D700] =	vst v63  }
0x106: {  	v3 =	vld [tilespmem:s17+$0x18A00];
	_ =	sdelay $0x4  }
0x107: {  	vm0 =	vge.s32 v3, v0;
	v4 =	vsub.s32 v3, v0;
	vm1 =	vlt.s32 v3, v2  }
0x108: {  	v3 =	vand.u32 $0x7F, v3;
	v4 =	vand.u32 $0xFFFFFF80, v4;
	vm0 =	vmand vm0, vm1  }
0x109: {  	v3 =	vor.u32 v3, v4  }
0x10a: {  	s18 =	simm.s32 $0x39C0  }
0x10b: {  	s20 =	sand.u32 $0x7800, s18;
	s19 =	simm.s32 $0xE80;
	s17 =	simm.s32 $0xE70  }
.LBB2_12:
0x10c: {  	p1 =	sne.s32 s19, $0x1130;
	s21 =	sand.u32 $0x180, s17;
	s20 =	sshrl.u32 s20, $0x2  }
0x10d: {  	s22 =	sand.u32 $0x70, s17;
	s17 =	smov.u32 s19;
	s20 =	sor.u32 s21, s20  }
0x10e: {  	s20 =	sor.u32 s22, s20;
	[tilespmem:v3+s12+$0x0] =	vst.idx.msk vm0, v1  }
0x10f: {  	v3 =	vld [tilespmem:s20+$0x18A00];
	_ =	sdelay $0x4  }
.Ltmp5:
0x110: {  	vm0 =	vge.s32 v3, v0;
	vm1 =	vlt.s32 v3, v2;
	v4 =	vsub.s32 v3, v0;
	(pc) =	sbr.rel @p1 .LBB2_12-.Ltmp5, $4  }
0x111: {  	v3 =	vand.u32 $0x7F, v3;
	vm0 =	vmand vm0, vm1;
	v4 =	vand.u32 $0xFFFFFF80, v4  }
0x112: {  	v3 =	vor.u32 v3, v4  }
0x113: {  	s18 =	sadd.s32 $0x40, s18  }
0x114: {  	s19 =	sadd.s32 $0x10, s19;
	s20 =	sand.u32 $0x7800, s18  }
0x115: {  	_ =	sdelay $0x2  }
0x116: {  	s18 =	sand.u32 $0x180, s17;
	s19 =	sshrl.u32 s20, $0x2  }
0x117: {  	s22 =	sand.u32 $0x70, s17;
	s18 =	sor.u32 s18, s19  }
0x118: {  	[tilespmem:v3+s12+$0x0] =	vst.idx.msk vm0, v1;
	s17 =	sor.u32 s22, s18  }
0x119: {  	v3 =	vld [tilespmem:s17+$0x18A00];
	_ =	sdelay $0x4  }
0x11a: {  	vm0 =	vge.s32 v3, v0;
	vm1 =	vlt.s32 v3, v2;
	v4 =	vsub.s32 v3, v0  }
0x11b: {  	v3 =	vand.u32 $0x7F, v3;
	vm0 =	vmand vm0, vm1;
	v4 =	vand.u32 $0xFFFFFF80, v4  }
0x11c: {  	v3 =	vor.u32 v3, v4;
	_ =	sdelay $0x4  }
0x11d: {  	[tilespmem:v3+s12+$0x0] =	vst.idx.msk vm0, v1  }
0x11e: {  	_ =	swait.ge [sflag:s14], $0x4400  }
0x11f: {  	s20 =	simm.s32 $0x4500;
	s21 =	simm.s32 $0x1140;
	[sflag:s14] =	ssyncset.done $0x0  }
0x120: {  	s17 =	sand.u32 $0x5800, s20;
	s18 =	rddreg [dreg:$0x17];
	[sflag:s14] =	ssyncadd.s32 $0xFFFFBC00  }
0x121: {  	[tilespmem:s10], [sflag:$0x3] =	stream.linear.gather [hbm4b:s18+s4], $0x4400, $0x38;
	[tilespmem:$0x1D700] =	vst v63  }
0x122: {  	s22 =	sand.u32 $0x180, s21;
	s17 =	sshrl.u32 s17, $0x2;
	_ =	swait.ge [sflag:s11], $0x4400  }
0x123: {  	s17 =	sor.u32 s22, s17;
	s18 =	sand.u32 $0x70, s21;
	[sflag:s11] =	ssyncset.done $0x0  }
0x124: {  	s17 =	sor.u32 s18, s17;
	s19 =	rddreg [dreg:$0x16];
	[sflag:s11] =	ssyncadd.s32 $0xFFFFBC00  }
0x125: {  	[hbm4b:s19+s4] =	stream.linear.scatter [tilespmem:s9], [sflag:$0x4], $0x4400, $0x38;
	[tilespmem:$0x1D700] =	vst v63  }
0x126: {  	v3 =	vld [tilespmem:s17+$0x18A00];
	_ =	sdelay $0x4  }
0x127: {  	vm0 =	vge.s32 v3, v0;
	v4 =	vsub.s32 v3, v0;
	vm1 =	vlt.s32 v3, v2  }
0x128: {  	v3 =	vand.u32 $0x7F, v3;
	v4 =	vand.u32 $0xFFFFFF80, v4;
	vm0 =	vmand vm0, vm1  }
0x129: {  	v3 =	vor.u32 v3, v4  }
0x12a: {  	s18 =	simm.s32 $0x4540  }
0x12b: {  	s20 =	sand.u32 $0x5800, s18;
	s19 =	simm.s32 $0x1160;
	s17 =	simm.s32 $0x1150  }
.LBB2_14:
0x12c: {  	p1 =	sne.s32 s19, $0x1410;
	s21 =	sand.u32 $0x180, s17;
	s20 =	sshrl.u32 s20, $0x2  }
0x12d: {  	s22 =	sand.u32 $0x70, s17;
	s17 =	smov.u32 s19;
	s20 =	sor.u32 s21, s20  }
0x12e: {  	s20 =	sor.u32 s22, s20;
	[tilespmem:v3+s12+$0x0] =	vst.idx.msk vm0, v1  }
0x12f: {  	v3 =	vld [tilespmem:s20+$0x18A00];
	_ =	sdelay $0x4  }
.Ltmp6:
0x130: {  	vm0 =	vge.s32 v3, v0;
	vm1 =	vlt.s32 v3, v2;
	v4 =	vsub.s32 v3, v0;
	(pc) =	sbr.rel @p1 .LBB2_14-.Ltmp6, $4  }
0x131: {  	v3 =	vand.u32 $0x7F, v3;
	vm0 =	vmand vm0, vm1;
	v4 =	vand.u32 $0xFFFFFF80, v4  }
0x132: {  	v3 =	vor.u32 v3, v4  }
0x133: {  	s18 =	sadd.s32 $0x40, s18  }
0x134: {  	s19 =	sadd.s32 $0x10, s19;
	s20 =	sand.u32 $0x5800, s18  }
0x135: {  	_ =	sdelay $0x2  }
0x136: {  	s18 =	sand.u32 $0x180, s17;
	s19 =	sshrl.u32 s20, $0x2  }
0x137: {  	s22 =	sand.u32 $0x70, s17;
	s18 =	sor.u32 s18, s19  }
0x138: {  	[tilespmem:v3+s12+$0x0] =	vst.idx.msk vm0, v1;
	s17 =	sor.u32 s22, s18  }
0x139: {  	v3 =	vld [tilespmem:s17+$0x18A00];
	_ =	sdelay $0x4  }
0x13a: {  	vm0 =	vge.s32 v3, v0;
	vm1 =	vlt.s32 v3, v2;
	v4 =	vsub.s32 v3, v0  }
0x13b: {  	v3 =	vand.u32 $0x7F, v3;
	vm0 =	vmand vm0, vm1;
	v4 =	vand.u32 $0xFFFFFF80, v4  }
0x13c: {  	v3 =	vor.u32 v3, v4;
	_ =	sdelay $0x4  }
0x13d: {  	[tilespmem:v3+s12+$0x0] =	vst.idx.msk vm0, v1  }
0x13e: {  	_ =	swait.ge [sflag:s8], $0x4400  }
0x13f: {  	s20 =	simm.s32 $0x5080;
	s21 =	simm.s32 $0x1420;
	[sflag:s8] =	ssyncset.done $0x0  }
0x140: {  	s17 =	sand.u32 $0x7800, s20;
	s18 =	rddreg [dreg:$0x19];
	[sflag:s8] =	ssyncadd.s32 $0xFFFFBC00  }
0x141: {  	[tilespmem:s9], [sflag:$0x2] =	stream.linear.gather [hbm4b:s18+s4], $0x4400, $0x38;
	[tilespmem:$0x1D700] =	vst v63  }
0x142: {  	s22 =	sand.u32 $0x180, s21;
	s17 =	sshrl.u32 s17, $0x2;
	_ =	swait.ge [sflag:s13], $0x4400  }
0x143: {  	s17 =	sor.u32 s22, s17;
	s18 =	sand.u32 $0x70, s21;
	[sflag:s13] =	ssyncset.done $0x0  }
0x144: {  	s17 =	sor.u32 s18, s17;
	s19 =	rddreg [dreg:$0x18];
	[sflag:s13] =	ssyncadd.s32 $0xFFFFBC00  }
0x145: {  	[hbm4b:s19+s4] =	stream.linear.scatter [tilespmem:s10], [sflag:$0x5], $0x4400, $0x38;
	[tilespmem:$0x1D700] =	vst v63  }
0x146: {  	v3 =	vld [tilespmem:s17+$0x18A00];
	_ =	sdelay $0x4  }
0x147: {  	vm0 =	vge.s32 v3, v0;
	v4 =	vsub.s32 v3, v0;
	vm1 =	vlt.s32 v3, v2  }
0x148: {  	v3 =	vand.u32 $0x7F, v3;
	v4 =	vand.u32 $0xFFFFFF80, v4;
	vm0 =	vmand vm0, vm1  }
0x149: {  	v3 =	vor.u32 v3, v4  }
0x14a: {  	s18 =	simm.s32 $0x50C0  }
0x14b: {  	s20 =	sand.u32 $0x7800, s18;
	s19 =	simm.s32 $0x1440;
	s17 =	simm.s32 $0x1430  }
.LBB2_16:
0x14c: {  	p1 =	sne.s32 s19, $0x16F0;
	s21 =	sand.u32 $0x180, s17;
	s20 =	sshrl.u32 s20, $0x2  }
0x14d: {  	s22 =	sand.u32 $0x70, s17;
	s17 =	smov.u32 s19;
	s20 =	sor.u32 s21, s20  }
0x14e: {  	s20 =	sor.u32 s22, s20;
	[tilespmem:v3+s12+$0x0] =	vst.idx.msk vm0, v1  }
0x14f: {  	v3 =	vld [tilespmem:s20+$0x18A00];
	_ =	sdelay $0x4  }
.Ltmp7:
0x150: {  	vm0 =	vge.s32 v3, v0;
	vm1 =	vlt.s32 v3, v2;
	v4 =	vsub.s32 v3, v0;
	(pc) =	sbr.rel @p1 .LBB2_16-.Ltmp7, $4  }
0x151: {  	v3 =	vand.u32 $0x7F, v3;
	vm0 =	vmand vm0, vm1;
	v4 =	vand.u32 $0xFFFFFF80, v4  }
0x152: {  	v3 =	vor.u32 v3, v4  }
0x153: {  	s18 =	sadd.s32 $0x40, s18  }
0x154: {  	s19 =	sadd.s32 $0x10, s19;
	s20 =	sand.u32 $0x7800, s18  }
0x155: {  	_ =	sdelay $0x2  }
0x156: {  	s18 =	sand.u32 $0x180, s17;
	s19 =	sshrl.u32 s20, $0x2  }
0x157: {  	s22 =	sand.u32 $0x70, s17;
	s18 =	sor.u32 s18, s19  }
0x158: {  	[tilespmem:v3+s12+$0x0] =	vst.idx.msk vm0, v1;
	s17 =	sor.u32 s22, s18  }
0x159: {  	v3 =	vld [tilespmem:s17+$0x18A00];
	_ =	sdelay $0x4  }
0x15a: {  	vm0 =	vge.s32 v3, v0;
	vm1 =	vlt.s32 v3, v2;
	v4 =	vsub.s32 v3, v0  }
0x15b: {  	v3 =	vand.u32 $0x7F, v3;
	vm0 =	vmand vm0, vm1;
	v4 =	vand.u32 $0xFFFFFF80, v4  }
0x15c: {  	v3 =	vor.u32 v3, v4;
	_ =	sdelay $0x4  }
0x15d: {  	[tilespmem:v3+s12+$0x0] =	vst.idx.msk vm0, v1  }
0x15e: {  	_ =	swait.ge [sflag:s14], $0x4400  }
0x15f: {  	s20 =	simm.s32 $0x5C00;
	s21 =	simm.s32 $0x1700;
	[sflag:s14] =	ssyncset.done $0x0  }
0x160: {  	s17 =	sand.u32 $0x7800, s20;
	s18 =	rddreg [dreg:$0x1b];
	[sflag:s14] =	ssyncadd.s32 $0xFFFFBC00  }
0x161: {  	[tilespmem:s10], [sflag:$0x3] =	stream.linear.gather [hbm4b:s18+s4], $0x4400, $0x38;
	[tilespmem:$0x1D700] =	vst v63  }
0x162: {  	s22 =	sand.u32 $0x180, s21;
	s17 =	sshrl.u32 s17, $0x2;
	_ =	swait.ge [sflag:s11], $0x4400  }
0x163: {  	s17 =	sor.u32 s22, s17;
	s18 =	sand.u32 $0x70, s21;
	[sflag:s11] =	ssyncset.done $0x0  }
0x164: {  	s17 =	sor.u32 s18, s17;
	s19 =	rddreg [dreg:$0x1a];
	[sflag:s11] =	ssyncadd.s32 $0xFFFFBC00  }
0x165: {  	[hbm4b:s19+s4] =	stream.linear.scatter [tilespmem:s9], [sflag:$0x4], $0x4400, $0x38;
	[tilespmem:$0x1D700] =	vst v63  }
0x166: {  	v3 =	vld [tilespmem:s17+$0x18A00];
	_ =	sdelay $0x4  }
0x167: {  	vm0 =	vge.s32 v3, v0;
	v4 =	vsub.s32 v3, v0;
	vm1 =	vlt.s32 v3, v2  }
0x168: {  	v3 =	vand.u32 $0x7F, v3;
	v4 =	vand.u32 $0xFFFFFF80, v4;
	vm0 =	vmand vm0, vm1  }
0x169: {  	v3 =	vor.u32 v3, v4  }
0x16a: {  	s18 =	simm.s32 $0x5C40  }
0x16b: {  	s20 =	sand.u32 $0x7800, s18;
	s19 =	simm.s32 $0x1720;
	s17 =	simm.s32 $0x1710  }
.LBB2_18:
0x16c: {  	p1 =	sne.s32 s19, $0x19D0;
	s21 =	sand.u32 $0x180, s17;
	s20 =	sshrl.u32 s20, $0x2  }
0x16d: {  	s22 =	sand.u32 $0x70, s17;
	s17 =	smov.u32 s19;
	s20 =	sor.u32 s21, s20  }
0x16e: {  	s20 =	sor.u32 s22, s20;
	[tilespmem:v3+s12+$0x0] =	vst.idx.msk vm0, v1  }
0x16f: {  	v3 =	vld [tilespmem:s20+$0x18A00];
	_ =	sdelay $0x4  }
.Ltmp8:
0x170: {  	vm0 =	vge.s32 v3, v0;
	vm1 =	vlt.s32 v3, v2;
	v4 =	vsub.s32 v3, v0;
	(pc) =	sbr.rel @p1 .LBB2_18-.Ltmp8, $4  }
0x171: {  	v3 =	vand.u32 $0x7F, v3;
	vm0 =	vmand vm0, vm1;
	v4 =	vand.u32 $0xFFFFFF80, v4  }
0x172: {  	v3 =	vor.u32 v3, v4  }
0x173: {  	s18 =	sadd.s32 $0x40, s18  }
0x174: {  	s19 =	sadd.s32 $0x10, s19;
	s20 =	sand.u32 $0x7800, s18  }
0x175: {  	_ =	sdelay $0x2  }
0x176: {  	s18 =	sand.u32 $0x180, s17;
	s19 =	sshrl.u32 s20, $0x2  }
0x177: {  	s22 =	sand.u32 $0x70, s17;
	s18 =	sor.u32 s18, s19  }
0x178: {  	[tilespmem:v3+s12+$0x0] =	vst.idx.msk vm0, v1;
	s17 =	sor.u32 s22, s18  }
0x179: {  	v3 =	vld [tilespmem:s17+$0x18A00];
	_ =	sdelay $0x4  }
0x17a: {  	vm0 =	vge.s32 v3, v0;
	vm1 =	vlt.s32 v3, v2;
	v4 =	vsub.s32 v3, v0  }
0x17b: {  	v3 =	vand.u32 $0x7F, v3;
	vm0 =	vmand vm0, vm1;
	v4 =	vand.u32 $0xFFFFFF80, v4  }
0x17c: {  	v3 =	vor.u32 v3, v4;
	_ =	sdelay $0x4  }
0x17d: {  	[tilespmem:v3+s12+$0x0] =	vst.idx.msk vm0, v1  }
0x17e: {  	_ =	swait.ge [sflag:s8], $0x4400  }
0x17f: {  	s20 =	simm.s32 $0x6780;
	s21 =	simm.s32 $0x19E0;
	[sflag:s8] =	ssyncset.done $0x0  }
0x180: {  	s17 =	sand.u32 $0x7800, s20;
	s18 =	rddreg [dreg:$0x1d];
	[sflag:s8] =	ssyncadd.s32 $0xFFFFBC00  }
0x181: {  	[tilespmem:s9], [sflag:$0x2] =	stream.linear.gather [hbm4b:s18+s4], $0x4400, $0x38;
	[tilespmem:$0x1D700] =	vst v63  }
0x182: {  	s22 =	sand.u32 $0x180, s21;
	s17 =	sshrl.u32 s17, $0x2;
	_ =	swait.ge [sflag:s13], $0x4400  }
0x183: {  	s17 =	sor.u32 s22, s17;
	s18 =	sand.u32 $0x70, s21;
	[sflag:s13] =	ssyncset.done $0x0  }
0x184: {  	s17 =	sor.u32 s18, s17;
	s19 =	rddreg [dreg:$0x1c];
	[sflag:s13] =	ssyncadd.s32 $0xFFFFBC00  }
0x185: {  	[hbm4b:s19+s4] =	stream.linear.scatter [tilespmem:s10], [sflag:$0x5], $0x4400, $0x38;
	[tilespmem:$0x1D700] =	vst v63  }
0x186: {  	v3 =	vld [tilespmem:s17+$0x18A00];
	_ =	sdelay $0x4  }
0x187: {  	vm0 =	vge.s32 v3, v0;
	v4 =	vsub.s32 v3, v0;
	vm1 =	vlt.s32 v3, v2  }
0x188: {  	v3 =	vand.u32 $0x7F, v3;
	v4 =	vand.u32 $0xFFFFFF80, v4;
	vm0 =	vmand vm0, vm1  }
0x189: {  	v3 =	vor.u32 v3, v4  }
0x18a: {  	s18 =	simm.s32 $0x67C0  }
0x18b: {  	s20 =	sand.u32 $0x7800, s18;
	s19 =	simm.s32 $0x1A00;
	s17 =	simm.s32 $0x19F0  }
.LBB2_20:
0x18c: {  	p1 =	sne.s32 s19, $0x1CB0;
	s21 =	sand.u32 $0x180, s17;
	s20 =	sshrl.u32 s20, $0x2  }
0x18d: {  	s22 =	sand.u32 $0x70, s17;
	s17 =	smov.u32 s19;
	s20 =	sor.u32 s21, s20  }
0x18e: {  	s20 =	sor.u32 s22, s20;
	[tilespmem:v3+s12+$0x0] =	vst.idx.msk vm0, v1  }
0x18f: {  	v3 =	vld [tilespmem:s20+$0x18A00];
	_ =	sdelay $0x4  }
.Ltmp9:
0x190: {  	vm0 =	vge.s32 v3, v0;
	vm1 =	vlt.s32 v3, v2;
	v4 =	vsub.s32 v3, v0;
	(pc) =	sbr.rel @p1 .LBB2_20-.Ltmp9, $4  }
0x191: {  	v3 =	vand.u32 $0x7F, v3;
	vm0 =	vmand vm0, vm1;
	v4 =	vand.u32 $0xFFFFFF80, v4  }
0x192: {  	v3 =	vor.u32 v3, v4  }
0x193: {  	s18 =	sadd.s32 $0x40, s18  }
0x194: {  	s19 =	sadd.s32 $0x10, s19;
	s20 =	sand.u32 $0x7800, s18  }
0x195: {  	_ =	sdelay $0x2  }
0x196: {  	s18 =	sand.u32 $0x180, s17;
	s19 =	sshrl.u32 s20, $0x2  }
0x197: {  	s22 =	sand.u32 $0x70, s17;
	s18 =	sor.u32 s18, s19  }
0x198: {  	[tilespmem:v3+s12+$0x0] =	vst.idx.msk vm0, v1;
	s17 =	sor.u32 s22, s18  }
0x199: {  	v3 =	vld [tilespmem:s17+$0x18A00];
	_ =	sdelay $0x4  }
0x19a: {  	vm0 =	vge.s32 v3, v0;
	vm1 =	vlt.s32 v3, v2;
	v4 =	vsub.s32 v3, v0  }
0x19b: {  	v3 =	vand.u32 $0x7F, v3;
	vm0 =	vmand vm0, vm1;
	v4 =	vand.u32 $0xFFFFFF80, v4  }
0x19c: {  	v3 =	vor.u32 v3, v4;
	_ =	sdelay $0x4  }
0x19d: {  	[tilespmem:v3+s12+$0x0] =	vst.idx.msk vm0, v1  }
0x19e: {  	_ =	swait.ge [sflag:s14], $0x4400  }
0x19f: {  	s20 =	simm.s32 $0x7300;
	s21 =	simm.s32 $0x1CC0;
	[sflag:s14] =	ssyncset.done $0x0  }
0x1a0: {  	s17 =	sand.u32 $0xF800, s20;
	s18 =	rddreg [dreg:$0x1f];
	[sflag:s14] =	ssyncadd.s32 $0xFFFFBC00  }
0x1a1: {  	[tilespmem:s10], [sflag:$0x3] =	stream.linear.gather [hbm4b:s18+s4], $0x4400, $0x38;
	[tilespmem:$0x1D700] =	vst v63  }
0x1a2: {  	s22 =	sand.u32 $0x180, s21;
	s17 =	sshrl.u32 s17, $0x2;
	_ =	swait.ge [sflag:s11], $0x4400  }
0x1a3: {  	s17 =	sor.u32 s22, s17;
	s18 =	sand.u32 $0x70, s21;
	[sflag:s11] =	ssyncset.done $0x0  }
0x1a4: {  	s17 =	sor.u32 s18, s17;
	s19 =	rddreg [dreg:$0x1e];
	[sflag:s11] =	ssyncadd.s32 $0xFFFFBC00  }
0x1a5: {  	[hbm4b:s19+s4] =	stream.linear.scatter [tilespmem:s9], [sflag:$0x4], $0x4400, $0x38;
	[tilespmem:$0x1D700] =	vst v63  }
0x1a6: {  	v3 =	vld [tilespmem:s17+$0x18A00];
	_ =	sdelay $0x4  }
0x1a7: {  	vm0 =	vge.s32 v3, v0;
	v4 =	vsub.s32 v3, v0;
	vm1 =	vlt.s32 v3, v2  }
0x1a8: {  	v3 =	vand.u32 $0x7F, v3;
	v4 =	vand.u32 $0xFFFFFF80, v4;
	vm0 =	vmand vm0, vm1  }
0x1a9: {  	v3 =	vor.u32 v3, v4  }
0x1aa: {  	s18 =	simm.s32 $0x7340  }
0x1ab: {  	s20 =	sand.u32 $0xF800, s18;
	s19 =	simm.s32 $0x1CE0;
	s17 =	simm.s32 $0x1CD0  }
.LBB2_22:
0x1ac: {  	p1 =	sne.s32 s19, $0x1F90;
	s21 =	sand.u32 $0x180, s17;
	s20 =	sshrl.u32 s20, $0x2  }
0x1ad: {  	s22 =	sand.u32 $0x70, s17;
	s17 =	smov.u32 s19;
	s20 =	sor.u32 s21, s20  }
0x1ae: {  	s20 =	sor.u32 s22, s20;
	[tilespmem:v3+s12+$0x0] =	vst.idx.msk vm0, v1  }
0x1af: {  	v3 =	vld [tilespmem:s20+$0x18A00];
	_ =	sdelay $0x4  }
.Ltmp10:
0x1b0: {  	vm0 =	vge.s32 v3, v0;
	vm1 =	vlt.s32 v3, v2;
	v4 =	vsub.s32 v3, v0;
	(pc) =	sbr.rel @p1 .LBB2_22-.Ltmp10, $4  }
0x1b1: {  	v3 =	vand.u32 $0x7F, v3;
	vm0 =	vmand vm0, vm1;
	v4 =	vand.u32 $0xFFFFFF80, v4  }
0x1b2: {  	v3 =	vor.u32 v3, v4  }
0x1b3: {  	s18 =	sadd.s32 $0x40, s18  }
0x1b4: {  	s19 =	sadd.s32 $0x10, s19;
	s20 =	sand.u32 $0xF800, s18  }
0x1b5: {  	_ =	sdelay $0x2  }
0x1b6: {  	s18 =	sand.u32 $0x180, s17;
	s19 =	sshrl.u32 s20, $0x2  }
0x1b7: {  	s22 =	sand.u32 $0x70, s17;
	s18 =	sor.u32 s18, s19  }
0x1b8: {  	[tilespmem:v3+s12+$0x0] =	vst.idx.msk vm0, v1;
	s17 =	sor.u32 s22, s18  }
0x1b9: {  	v3 =	vld [tilespmem:s17+$0x18A00];
	_ =	sdelay $0x4  }
0x1ba: {  	vm0 =	vge.s32 v3, v0;
	vm1 =	vlt.s32 v3, v2;
	v4 =	vsub.s32 v3, v0  }
0x1bb: {  	v3 =	vand.u32 $0x7F, v3;
	vm0 =	vmand vm0, vm1;
	v4 =	vand.u32 $0xFFFFFF80, v4  }
0x1bc: {  	v3 =	vor.u32 v3, v4;
	_ =	sdelay $0x4  }
0x1bd: {  	[tilespmem:v3+s12+$0x0] =	vst.idx.msk vm0, v1  }
0x1be: {  	_ =	swait.ge [sflag:s8], $0x4400  }
0x1bf: {  	s18 =	sld [smem:$0x7EB]  }
0x1c0: {  	[sflag:s8] =	ssyncset.done $0x0  }
0x1c1: {  	s20 =	simm.s32 $0x7E80;
	[sflag:s8] =	ssyncadd.s32 $0xFFFFBC00  }
0x1c2: {  	[tilespmem:s9], [sflag:$0x2] =	stream.linear.gather [hbm4b:s18+s4], $0x4400, $0x38;
	[tilespmem:$0x1D700] =	vst v63  }
0x1c3: {  	s21 =	simm.s32 $0x1FA0;
	s17 =	sand.u32 $0xF800, s20;
	_ =	swait.ge [sflag:s13], $0x4400  }
0x1c4: {  	s22 =	sand.u32 $0x180, s21;
	s17 =	sshrl.u32 s17, $0x2;
	s19 =	sld [smem:$0x7EA]  }
0x1c5: {  	s17 =	sor.u32 s22, s17;
	s18 =	sand.u32 $0x70, s21;
	[sflag:s13] =	ssyncset.done $0x0  }
0x1c6: {  	s17 =	sor.u32 s18, s17;
	[sflag:s13] =	ssyncadd.s32 $0xFFFFBC00  }
0x1c7: {  	[hbm4b:s19+s4] =	stream.linear.scatter [tilespmem:s10], [sflag:$0x5], $0x4400, $0x38;
	[tilespmem:$0x1D700] =	vst v63  }
0x1c8: {  	v3 =	vld [tilespmem:s17+$0x18A00];
	_ =	sdelay $0x4  }
0x1c9: {  	vm0 =	vge.s32 v3, v0;
	v4 =	vsub.s32 v3, v0;
	vm1 =	vlt.s32 v3, v2  }
0x1ca: {  	v3 =	vand.u32 $0x7F, v3;
	v4 =	vand.u32 $0xFFFFFF80, v4;
	vm0 =	vmand vm0, vm1  }
0x1cb: {  	v3 =	vor.u32 v3, v4  }
0x1cc: {  	s18 =	simm.s32 $0x7EC0  }
0x1cd: {  	s20 =	sand.u32 $0xF800, s18;
	s19 =	simm.s32 $0x1FC0;
	s17 =	simm.s32 $0x1FB0  }
.LBB2_24:
0x1ce: {  	p1 =	sne.s32 s19, $0x2270;
	s21 =	sand.u32 $0x180, s17;
	s20 =	sshrl.u32 s20, $0x2  }
0x1cf: {  	s22 =	sand.u32 $0x70, s17;
	s17 =	smov.u32 s19;
	s20 =	sor.u32 s21, s20  }
0x1d0: {  	s20 =	sor.u32 s22, s20;
	[tilespmem:v3+s12+$0x0] =	vst.idx.msk vm0, v1  }
0x1d1: {  	v3 =	vld [tilespmem:s20+$0x18A00];
	_ =	sdelay $0x4  }
.Ltmp11:
0x1d2: {  	vm0 =	vge.s32 v3, v0;
	vm1 =	vlt.s32 v3, v2;
	v4 =	vsub.s32 v3, v0;
	(pc) =	sbr.rel @p1 .LBB2_24-.Ltmp11, $4  }
0x1d3: {  	v3 =	vand.u32 $0x7F, v3;
	vm0 =	vmand vm0, vm1;
	v4 =	vand.u32 $0xFFFFFF80, v4  }
0x1d4: {  	v3 =	vor.u32 v3, v4  }
0x1d5: {  	s18 =	sadd.s32 $0x40, s18  }
0x1d6: {  	s19 =	sadd.s32 $0x10, s19;
	s20 =	sand.u32 $0xF800, s18  }
0x1d7: {  	_ =	sdelay $0x2  }
0x1d8: {  	s18 =	sand.u32 $0x180, s17;
	s19 =	sshrl.u32 s20, $0x2  }
0x1d9: {  	s22 =	sand.u32 $0x70, s17;
	s18 =	sor.u32 s18, s19  }
0x1da: {  	[tilespmem:v3+s12+$0x0] =	vst.idx.msk vm0, v1;
	s17 =	sor.u32 s22, s18  }
0x1db: {  	v3 =	vld [tilespmem:s17+$0x18A00];
	_ =	sdelay $0x4  }
0x1dc: {  	vm0 =	vge.s32 v3, v0;
	vm1 =	vlt.s32 v3, v2;
	v4 =	vsub.s32 v3, v0  }
0x1dd: {  	v3 =	vand.u32 $0x7F, v3;
	vm0 =	vmand vm0, vm1;
	v4 =	vand.u32 $0xFFFFFF80, v4  }
0x1de: {  	v3 =	vor.u32 v3, v4;
	_ =	sdelay $0x4  }
0x1df: {  	[tilespmem:v3+s12+$0x0] =	vst.idx.msk vm0, v1  }
0x1e0: {  	_ =	swait.ge [sflag:s14], $0x4400  }
0x1e1: {  	s18 =	sld [smem:$0x7ED]  }
0x1e2: {  	[sflag:s14] =	ssyncset.done $0x0  }
0x1e3: {  	s20 =	simm.s32 $0x8A00;
	[sflag:s14] =	ssyncadd.s32 $0xFFFFBC00  }
0x1e4: {  	[tilespmem:s10], [sflag:$0x3] =	stream.linear.gather [hbm4b:s18+s4], $0x4400, $0x38;
	[tilespmem:$0x1D700] =	vst v63  }
0x1e5: {  	s21 =	simm.s32 $0x2280;
	s17 =	sand.u32 $0x9800, s20;
	_ =	swait.ge [sflag:s11], $0x4400  }
0x1e6: {  	s22 =	sand.u32 $0x180, s21;
	s17 =	sshrl.u32 s17, $0x2;
	s19 =	sld [smem:$0x7EC]  }
0x1e7: {  	s17 =	sor.u32 s22, s17;
	s18 =	sand.u32 $0x70, s21;
	[sflag:s11] =	ssyncset.done $0x0  }
0x1e8: {  	s17 =	sor.u32 s18, s17;
	[sflag:s11] =	ssyncadd.s32 $0xFFFFBC00  }
0x1e9: {  	[hbm4b:s19+s4] =	stream.linear.scatter [tilespmem:s9], [sflag:$0x4], $0x4400, $0x38;
	[tilespmem:$0x1D700] =	vst v63  }
0x1ea: {  	v3 =	vld [tilespmem:s17+$0x18A00];
	_ =	sdelay $0x4  }
0x1eb: {  	vm0 =	vge.s32 v3, v0;
	v4 =	vsub.s32 v3, v0;
	vm1 =	vlt.s32 v3, v2  }
0x1ec: {  	v3 =	vand.u32 $0x7F, v3;
	v4 =	vand.u32 $0xFFFFFF80, v4;
	vm0 =	vmand vm0, vm1  }
0x1ed: {  	v3 =	vor.u32 v3, v4  }
0x1ee: {  	s18 =	simm.s32 $0x8A40  }
0x1ef: {  	s20 =	sand.u32 $0x9800, s18;
	s19 =	simm.s32 $0x22A0;
	s17 =	simm.s32 $0x2290  }
.LBB2_26:
0x1f0: {  	p1 =	sne.s32 s19, $0x2550;
	s21 =	sand.u32 $0x180, s17;
	s20 =	sshrl.u32 s20, $0x2  }
0x1f1: {  	s22 =	sand.u32 $0x70, s17;
	s17 =	smov.u32 s19;
	s20 =	sor.u32 s21, s20  }
0x1f2: {  	s20 =	sor.u32 s22, s20;
	[tilespmem:v3+s12+$0x0] =	vst.idx.msk vm0, v1  }
0x1f3: {  	v3 =	vld [tilespmem:s20+$0x18A00];
	_ =	sdelay $0x4  }
.Ltmp12:
0x1f4: {  	vm0 =	vge.s32 v3, v0;
	vm1 =	vlt.s32 v3, v2;
	v4 =	vsub.s32 v3, v0;
	(pc) =	sbr.rel @p1 .LBB2_26-.Ltmp12, $4  }
0x1f5: {  	v3 =	vand.u32 $0x7F, v3;
	vm0 =	vmand vm0, vm1;
	v4 =	vand.u32 $0xFFFFFF80, v4  }
0x1f6: {  	v3 =	vor.u32 v3, v4  }
0x1f7: {  	s18 =	sadd.s32 $0x40, s18  }
0x1f8: {  	s19 =	sadd.s32 $0x10, s19;
	s20 =	sand.u32 $0x9800, s18  }
0x1f9: {  	_ =	sdelay $0x2  }
0x1fa: {  	s18 =	sand.u32 $0x180, s17;
	s19 =	sshrl.u32 s20, $0x2  }
0x1fb: {  	s22 =	sand.u32 $0x70, s17;
	s18 =	sor.u32 s18, s19  }
0x1fc: {  	[tilespmem:v3+s12+$0x0] =	vst.idx.msk vm0, v1;
	s17 =	sor.u32 s22, s18  }
0x1fd: {  	v3 =	vld [tilespmem:s17+$0x18A00];
	_ =	sdelay $0x4  }
0x1fe: {  	vm0 =	vge.s32 v3, v0;
	vm1 =	vlt.s32 v3, v2;
	v4 =	vsub.s32 v3, v0  }
0x1ff: {  	v3 =	vand.u32 $0x7F, v3;
	vm0 =	vmand vm0, vm1;
	v4 =	vand.u32 $0xFFFFFF80, v4  }
0x200: {  	v3 =	vor.u32 v3, v4;
	_ =	sdelay $0x4  }
0x201: {  	[tilespmem:v3+s12+$0x0] =	vst.idx.msk vm0, v1  }
0x202: {  	_ =	swait.ge [sflag:s8], $0x4400  }
0x203: {  	s18 =	sld [smem:$0x7EF]  }
0x204: {  	[sflag:s8] =	ssyncset.done $0x0  }
0x205: {  	s20 =	simm.s32 $0x9580;
	[sflag:s8] =	ssyncadd.s32 $0xFFFFBC00  }
0x206: {  	[tilespmem:s9], [sflag:$0x2] =	stream.linear.gather [hbm4b:s18+s4], $0x4400, $0x38;
	[tilespmem:$0x1D700] =	vst v63  }
0x207: {  	s21 =	simm.s32 $0x2560;
	s17 =	sand.u32 $0xB800, s20;
	_ =	swait.ge [sflag:s13], $0x4400  }
0x208: {  	s22 =	sand.u32 $0x180, s21;
	s17 =	sshrl.u32 s17, $0x2;
	s19 =	sld [smem:$0x7EE]  }
0x209: {  	s17 =	sor.u32 s22, s17;
	s18 =	sand.u32 $0x70, s21;
	[sflag:s13] =	ssyncset.done $0x0  }
0x20a: {  	s17 =	sor.u32 s18, s17;
	[sflag:s13] =	ssyncadd.s32 $0xFFFFBC00  }
0x20b: {  	[hbm4b:s19+s4] =	stream.linear.scatter [tilespmem:s10], [sflag:$0x5], $0x4400, $0x38;
	[tilespmem:$0x1D700] =	vst v63  }
0x20c: {  	v3 =	vld [tilespmem:s17+$0x18A00];
	_ =	sdelay $0x4  }
0x20d: {  	vm0 =	vge.s32 v3, v0;
	v4 =	vsub.s32 v3, v0;
	vm1 =	vlt.s32 v3, v2  }
0x20e: {  	v3 =	vand.u32 $0x7F, v3;
	v4 =	vand.u32 $0xFFFFFF80, v4;
	vm0 =	vmand vm0, vm1  }
0x20f: {  	v3 =	vor.u32 v3, v4  }
0x210: {  	s18 =	simm.s32 $0x95C0  }
0x211: {  	s20 =	sand.u32 $0xB800, s18;
	s19 =	simm.s32 $0x2580;
	s17 =	simm.s32 $0x2570  }
.LBB2_28:
0x212: {  	p1 =	sne.s32 s19, $0x2830;
	s21 =	sand.u32 $0x180, s17;
	s20 =	sshrl.u32 s20, $0x2  }
0x213: {  	s22 =	sand.u32 $0x70, s17;
	s17 =	smov.u32 s19;
	s20 =	sor.u32 s21, s20  }
0x214: {  	s20 =	sor.u32 s22, s20;
	[tilespmem:v3+s12+$0x0] =	vst.idx.msk vm0, v1  }
0x215: {  	v3 =	vld [tilespmem:s20+$0x18A00];
	_ =	sdelay $0x4  }
.Ltmp13:
0x216: {  	vm0 =	vge.s32 v3, v0;
	vm1 =	vlt.s32 v3, v2;
	v4 =	vsub.s32 v3, v0;
	(pc) =	sbr.rel @p1 .LBB2_28-.Ltmp13, $4  }
0x217: {  	v3 =	vand.u32 $0x7F, v3;
	vm0 =	vmand vm0, vm1;
	v4 =	vand.u32 $0xFFFFFF80, v4  }
0x218: {  	v3 =	vor.u32 v3, v4  }
0x219: {  	s18 =	sadd.s32 $0x40, s18  }
0x21a: {  	s19 =	sadd.s32 $0x10, s19;
	s20 =	sand.u32 $0xB800, s18  }
0x21b: {  	_ =	sdelay $0x2  }
0x21c: {  	s18 =	sand.u32 $0x180, s17;
	s19 =	sshrl.u32 s20, $0x2  }
0x21d: {  	s22 =	sand.u32 $0x70, s17;
	s18 =	sor.u32 s18, s19  }
0x21e: {  	[tilespmem:v3+s12+$0x0] =	vst.idx.msk vm0, v1;
	s17 =	sor.u32 s22, s18  }
0x21f: {  	v3 =	vld [tilespmem:s17+$0x18A00];
	_ =	sdelay $0x4  }
0x220: {  	vm0 =	vge.s32 v3, v0;
	vm1 =	vlt.s32 v3, v2;
	v4 =	vsub.s32 v3, v0  }
0x221: {  	v3 =	vand.u32 $0x7F, v3;
	vm0 =	vmand vm0, vm1;
	v4 =	vand.u32 $0xFFFFFF80, v4  }
0x222: {  	v3 =	vor.u32 v3, v4;
	_ =	sdelay $0x4  }
0x223: {  	[tilespmem:v3+s12+$0x0] =	vst.idx.msk vm0, v1  }
0x224: {  	_ =	swait.ge [sflag:s14], $0x4400  }
0x225: {  	s18 =	sld [smem:$0x7F1]  }
0x226: {  	[sflag:s14] =	ssyncset.done $0x0  }
0x227: {  	s20 =	simm.s32 $0xA100;
	[sflag:s14] =	ssyncadd.s32 $0xFFFFBC00  }
0x228: {  	[tilespmem:s10], [sflag:$0x3] =	stream.linear.gather [hbm4b:s18+s4], $0x4400, $0x38;
	[tilespmem:$0x1D700] =	vst v63  }
0x229: {  	s21 =	simm.s32 $0x2840;
	s17 =	sand.u32 $0xB800, s20;
	_ =	swait.ge [sflag:s11], $0x4400  }
0x22a: {  	s22 =	sand.u32 $0x180, s21;
	s17 =	sshrl.u32 s17, $0x2;
	s19 =	sld [smem:$0x7F0]  }
0x22b: {  	s17 =	sor.u32 s22, s17;
	s18 =	sand.u32 $0x70, s21;
	[sflag:s11] =	ssyncset.done $0x0  }
0x22c: {  	s17 =	sor.u32 s18, s17;
	[sflag:s11] =	ssyncadd.s32 $0xFFFFBC00  }
0x22d: {  	[hbm4b:s19+s4] =	stream.linear.scatter [tilespmem:s9], [sflag:$0x4], $0x4400, $0x38;
	[tilespmem:$0x1D700] =	vst v63  }
0x22e: {  	v3 =	vld [tilespmem:s17+$0x18A00];
	_ =	sdelay $0x4  }
0x22f: {  	vm0 =	vge.s32 v3, v0;
	v4 =	vsub.s32 v3, v0;
	vm1 =	vlt.s32 v3, v2  }
0x230: {  	v3 =	vand.u32 $0x7F, v3;
	v4 =	vand.u32 $0xFFFFFF80, v4;
	vm0 =	vmand vm0, vm1  }
0x231: {  	v3 =	vor.u32 v3, v4  }
0x232: {  	s18 =	simm.s32 $0xA140  }
0x233: {  	s20 =	sand.u32 $0xB800, s18;
	s19 =	simm.s32 $0x2860;
	s17 =	simm.s32 $0x2850  }
.LBB2_30:
0x234: {  	p1 =	sne.s32 s19, $0x2B10;
	s21 =	sand.u32 $0x180, s17;
	s20 =	sshrl.u32 s20, $0x2  }
0x235: {  	s22 =	sand.u32 $0x70, s17;
	s17 =	smov.u32 s19;
	s20 =	sor.u32 s21, s20  }
0x236: {  	s20 =	sor.u32 s22, s20;
	[tilespmem:v3+s12+$0x0] =	vst.idx.msk vm0, v1  }
0x237: {  	v3 =	vld [tilespmem:s20+$0x18A00];
	_ =	sdelay $0x4  }
.Ltmp14:
0x238: {  	vm0 =	vge.s32 v3, v0;
	vm1 =	vlt.s32 v3, v2;
	v4 =	vsub.s32 v3, v0;
	(pc) =	sbr.rel @p1 .LBB2_30-.Ltmp14, $4  }
0x239: {  	v3 =	vand.u32 $0x7F, v3;
	vm0 =	vmand vm0, vm1;
	v4 =	vand.u32 $0xFFFFFF80, v4  }
0x23a: {  	v3 =	vor.u32 v3, v4  }
0x23b: {  	s18 =	sadd.s32 $0x40, s18  }
0x23c: {  	s19 =	sadd.s32 $0x10, s19;
	s20 =	sand.u32 $0xB800, s18  }
0x23d: {  	_ =	sdelay $0x2  }
0x23e: {  	s18 =	sand.u32 $0x180, s17;
	s19 =	sshrl.u32 s20, $0x2  }
0x23f: {  	s22 =	sand.u32 $0x70, s17;
	s18 =	sor.u32 s18, s19  }
0x240: {  	[tilespmem:v3+s12+$0x0] =	vst.idx.msk vm0, v1;
	s17 =	sor.u32 s22, s18  }
0x241: {  	v3 =	vld [tilespmem:s17+$0x18A00];
	_ =	sdelay $0x4  }
0x242: {  	vm0 =	vge.s32 v3, v0;
	vm1 =	vlt.s32 v3, v2;
	v4 =	vsub.s32 v3, v0  }
0x243: {  	v3 =	vand.u32 $0x7F, v3;
	vm0 =	vmand vm0, vm1;
	v4 =	vand.u32 $0xFFFFFF80, v4  }
0x244: {  	v3 =	vor.u32 v3, v4;
	_ =	sdelay $0x4  }
0x245: {  	[tilespmem:v3+s12+$0x0] =	vst.idx.msk vm0, v1  }
0x246: {  	_ =	swait.ge [sflag:s8], $0x4400  }
0x247: {  	s18 =	sld [smem:$0x7F3]  }
0x248: {  	[sflag:s8] =	ssyncset.done $0x0  }
0x249: {  	s20 =	simm.s32 $0xAC80;
	[sflag:s8] =	ssyncadd.s32 $0xFFFFBC00  }
0x24a: {  	[tilespmem:s9], [sflag:$0x2] =	stream.linear.gather [hbm4b:s18+s4], $0x4400, $0x38;
	[tilespmem:$0x1D700] =	vst v63  }
0x24b: {  	s21 =	simm.s32 $0x2B20;
	s17 =	sand.u32 $0xB800, s20;
	_ =	swait.ge [sflag:s13], $0x4400  }
0x24c: {  	s22 =	sand.u32 $0x180, s21;
	s17 =	sshrl.u32 s17, $0x2;
	s19 =	sld [smem:$0x7F2]  }
0x24d: {  	s17 =	sor.u32 s22, s17;
	s18 =	sand.u32 $0x70, s21;
	[sflag:s13] =	ssyncset.done $0x0  }
0x24e: {  	s17 =	sor.u32 s18, s17;
	[sflag:s13] =	ssyncadd.s32 $0xFFFFBC00  }
0x24f: {  	[hbm4b:s19+s4] =	stream.linear.scatter [tilespmem:s10], [sflag:$0x5], $0x4400, $0x38;
	[tilespmem:$0x1D700] =	vst v63  }
0x250: {  	v3 =	vld [tilespmem:s17+$0x18A00];
	_ =	sdelay $0x4  }
0x251: {  	vm0 =	vge.s32 v3, v0;
	v4 =	vsub.s32 v3, v0;
	vm1 =	vlt.s32 v3, v2  }
0x252: {  	v3 =	vand.u32 $0x7F, v3;
	v4 =	vand.u32 $0xFFFFFF80, v4;
	vm0 =	vmand vm0, vm1  }
0x253: {  	v3 =	vor.u32 v3, v4  }
0x254: {  	s18 =	simm.s32 $0xACC0  }
0x255: {  	s20 =	sand.u32 $0xB800, s18;
	s19 =	simm.s32 $0x2B40;
	s17 =	simm.s32 $0x2B30  }
.LBB2_32:
0x256: {  	p1 =	sne.s32 s19, $0x2DF0;
	s21 =	sand.u32 $0x180, s17;
	s20 =	sshrl.u32 s20, $0x2  }
0x257: {  	s22 =	sand.u32 $0x70, s17;
	s17 =	smov.u32 s19;
	s20 =	sor.u32 s21, s20  }
0x258: {  	s20 =	sor.u32 s22, s20;
	[tilespmem:v3+s12+$0x0] =	vst.idx.msk vm0, v1  }
0x259: {  	v3 =	vld [tilespmem:s20+$0x18A00];
	_ =	sdelay $0x4  }
.Ltmp15:
0x25a: {  	vm0 =	vge.s32 v3, v0;
	vm1 =	vlt.s32 v3, v2;
	v4 =	vsub.s32 v3, v0;
	(pc) =	sbr.rel @p1 .LBB2_32-.Ltmp15, $4  }
0x25b: {  	v3 =	vand.u32 $0x7F, v3;
	vm0 =	vmand vm0, vm1;
	v4 =	vand.u32 $0xFFFFFF80, v4  }
0x25c: {  	v3 =	vor.u32 v3, v4  }
0x25d: {  	s18 =	sadd.s32 $0x40, s18  }
0x25e: {  	s19 =	sadd.s32 $0x10, s19;
	s20 =	sand.u32 $0xB800, s18  }
0x25f: {  	_ =	sdelay $0x2  }
0x260: {  	s18 =	sand.u32 $0x180, s17;
	s19 =	sshrl.u32 s20, $0x2  }
0x261: {  	s21 =	sand.u32 $0x70, s17;
	s18 =	sor.u32 s18, s19  }
0x262: {  	[tilespmem:v3+s12+$0x0] =	vst.idx.msk vm0, v1;
	s17 =	sor.u32 s21, s18  }
0x263: {  	v3 =	vld [tilespmem:s17+$0x18A00];
	_ =	sdelay $0x4  }
0x264: {  	vm0 =	vge.s32 v3, v0;
	vm1 =	vlt.s32 v3, v2;
	v4 =	vsub.s32 v3, v0  }
0x265: {  	v3 =	vand.u32 $0x7F, v3;
	vm0 =	vmand vm0, vm1;
	v4 =	vand.u32 $0xFFFFFF80, v4  }
0x266: {  	v3 =	vor.u32 v3, v4;
	_ =	sdelay $0x4  }
0x267: {  	[tilespmem:v3+s12+$0x0] =	vst.idx.msk vm0, v1  }
0x268: {  	_ =	swait.ge [sflag:s14], $0x4400  }
0x269: {  	s22 =	sld [smem:$0x7F5]  }
0x26a: {  	[sflag:s14] =	ssyncset.done $0x0  }
0x26b: {  	s17 =	simm.s32 $0x0;
	[sflag:s14] =	ssyncadd.s32 $0xFFFFBC00  }
0x26c: {  	[tilespmem:s10], [sflag:$0x3] =	stream.linear.gather [hbm4b:s22+s17], $0x4400, $0x38;
	[tilespmem:$0x1D700] =	vst v63  }
0x26d: {  	_ =	swait.ge [sflag:s11], $0x4400  }
0x26e: {  	s20 =	simm.s32 $0xB800;
	s19 =	sld [smem:$0x7F4]  }
0x26f: {  	s18 =	sand.u32 $0xF800, s20;
	[sflag:s11] =	ssyncset.done $0x0  }
0x270: {  	s18 =	sshrl.u32 s18, $0x2;
	s21 =	sand.u32 $0x180, s17;
	[sflag:s11] =	ssyncadd.s32 $0xFFFFBC00  }
0x271: {  	[hbm4b:s19+s17] =	stream.linear.scatter [tilespmem:s9], [sflag:$0x4], $0x4400, $0x38;
	[tilespmem:$0x1D700] =	vst v63  }
0x272: {  	s18 =	sor.u32 s21, s18;
	s17 =	sand.u32 $0x70, s17  }
0x273: {  	s17 =	sor.u32 s17, s18  }
0x274: {  	v3 =	vld [tilespmem:s17+$0x18A00];
	_ =	sdelay $0x4  }
0x275: {  	vm0 =	vge.s32 v3, v0;
	v4 =	vsub.s32 v3, v0;
	vm1 =	vlt.s32 v3, v2  }
0x276: {  	v3 =	vand.u32 $0x7F, v3;
	v4 =	vand.u32 $0xFFFFFF80, v4;
	vm0 =	vmand vm0, vm1  }
0x277: {  	v3 =	vor.u32 v3, v4  }
0x278: {  	s22 =	simm.s32 $0xB840  }
0x279: {  	s19 =	sand.u32 $0xF800, s22;
	s18 =	simm.s32 $0xB880;
	s17 =	simm.s32 $0x10  }
.LBB2_34:
0x27a: {  	p1 =	sne.s32 s18, $0xC340;
	s20 =	sand.u32 $0x180, s17;
	s19 =	sshrl.u32 s19, $0x2  }
0x27b: {  	s21 =	sand.u32 $0x70, s17;
	s19 =	sor.u32 s20, s19  }
0x27c: {  	s19 =	sor.u32 s21, s19;
	[tilespmem:v3+s12+$0x0] =	vst.idx.msk vm0, v1  }
0x27d: {  	v3 =	vld [tilespmem:s19+$0x18A00];
	_ =	sdelay $0x4  }
.Ltmp16:
0x27e: {  	vm0 =	vge.s32 v3, v0;
	vm1 =	vlt.s32 v3, v2;
	v4 =	vsub.s32 v3, v0;
	(pc) =	sbr.rel @p1 .LBB2_34-.Ltmp16, $3  }
0x27f: {  	v3 =	vand.u32 $0x7F, v3;
	vm0 =	vmand vm0, vm1;
	v4 =	vand.u32 $0xFFFFFF80, v4  }
0x280: {  	v3 =	vor.u32 v3, v4;
	_ =	sdelay $0x1  }
0x281: {  	s17 =	sadd.s32 $0x10, s17;
	s19 =	sand.u32 $0xF800, s18;
	s18 =	sadd.s32 $0x40, s18  }
0x282: {  	_ =	sdelay $0x2  }
0x283: {  	s18 =	sand.u32 $0x180, s17;
	s19 =	sshrl.u32 s19, $0x2  }
0x284: {  	s22 =	sand.u32 $0x70, s17;
	s18 =	sor.u32 s18, s19  }
0x285: {  	[tilespmem:v3+s12+$0x0] =	vst.idx.msk vm0, v1;
	s17 =	sor.u32 s22, s18  }
0x286: {  	v3 =	vld [tilespmem:s17+$0x18A00];
	_ =	sdelay $0x4  }
0x287: {  	vm0 =	vge.s32 v3, v0;
	vm1 =	vlt.s32 v3, v2;
	v4 =	vsub.s32 v3, v0  }
0x288: {  	v3 =	vand.u32 $0x7F, v3;
	vm0 =	vmand vm0, vm1;
	v4 =	vand.u32 $0xFFFFFF80, v4  }
0x289: {  	v3 =	vor.u32 v3, v4;
	_ =	sdelay $0x4  }
0x28a: {  	[tilespmem:v3+s12+$0x0] =	vst.idx.msk vm0, v1  }
0x28b: {  	_ =	swait.ge [sflag:s8], $0x4400  }
0x28c: {  	s18 =	sld [smem:$0x7F7]  }
0x28d: {  	[sflag:s8] =	ssyncset.done $0x0  }
0x28e: {  	s20 =	simm.s32 $0xC380;
	[sflag:s8] =	ssyncadd.s32 $0xFFFFBC00  }
0x28f: {  	[tilespmem:s9], [sflag:$0x2] =	stream.linear.gather [hbm4b:s18+s4], $0x4400, $0x38;
	[tilespmem:$0x1D700] =	vst v63  }
0x290: {  	s21 =	simm.s32 $0x30E0;
	s17 =	sand.u32 $0xD800, s20;
	_ =	swait.ge [sflag:s13], $0x4400  }
0x291: {  	s22 =	sand.u32 $0x180, s21;
	s17 =	sshrl.u32 s17, $0x2;
	s19 =	sld [smem:$0x7F6]  }
0x292: {  	s17 =	sor.u32 s22, s17;
	s18 =	sand.u32 $0x70, s21;
	[sflag:s13] =	ssyncset.done $0x0  }
0x293: {  	s17 =	sor.u32 s18, s17;
	[sflag:s13] =	ssyncadd.s32 $0xFFFFBC00  }
0x294: {  	[hbm4b:s19+s4] =	stream.linear.scatter [tilespmem:s10], [sflag:$0x5], $0x4400, $0x38;
	[tilespmem:$0x1D700] =	vst v63  }
0x295: {  	v3 =	vld [tilespmem:s17+$0x18A00];
	_ =	sdelay $0x4  }
0x296: {  	vm0 =	vge.s32 v3, v0;
	v4 =	vsub.s32 v3, v0;
	vm1 =	vlt.s32 v3, v2  }
0x297: {  	v3 =	vand.u32 $0x7F, v3;
	v4 =	vand.u32 $0xFFFFFF80, v4;
	vm0 =	vmand vm0, vm1  }
0x298: {  	v3 =	vor.u32 v3, v4  }
0x299: {  	s18 =	simm.s32 $0xC3C0  }
0x29a: {  	s20 =	sand.u32 $0xD800, s18;
	s19 =	simm.s32 $0x3100;
	s17 =	simm.s32 $0x30F0  }
.LBB2_36:
0x29b: {  	p1 =	sne.s32 s19, $0x33B0;
	s21 =	sand.u32 $0x180, s17;
	s20 =	sshrl.u32 s20, $0x2  }
0x29c: {  	s22 =	sand.u32 $0x70, s17;
	s17 =	smov.u32 s19;
	s20 =	sor.u32 s21, s20  }
0x29d: {  	s20 =	sor.u32 s22, s20;
	[tilespmem:v3+s12+$0x0] =	vst.idx.msk vm0, v1  }
0x29e: {  	v3 =	vld [tilespmem:s20+$0x18A00];
	_ =	sdelay $0x4  }
.Ltmp17:
0x29f: {  	vm0 =	vge.s32 v3, v0;
	vm1 =	vlt.s32 v3, v2;
	v4 =	vsub.s32 v3, v0;
	(pc) =	sbr.rel @p1 .LBB2_36-.Ltmp17, $4  }
0x2a0: {  	v3 =	vand.u32 $0x7F, v3;
	vm0 =	vmand vm0, vm1;
	v4 =	vand.u32 $0xFFFFFF80, v4  }
0x2a1: {  	v3 =	vor.u32 v3, v4  }
0x2a2: {  	s18 =	sadd.s32 $0x40, s18  }
0x2a3: {  	s19 =	sadd.s32 $0x10, s19;
	s20 =	sand.u32 $0xD800, s18  }
0x2a4: {  	_ =	sdelay $0x2  }
0x2a5: {  	s18 =	sand.u32 $0x180, s17;
	s19 =	sshrl.u32 s20, $0x2  }
0x2a6: {  	s22 =	sand.u32 $0x70, s17;
	s18 =	sor.u32 s18, s19  }
0x2a7: {  	[tilespmem:v3+s12+$0x0] =	vst.idx.msk vm0, v1;
	s17 =	sor.u32 s22, s18  }
0x2a8: {  	v3 =	vld [tilespmem:s17+$0x18A00];
	_ =	sdelay $0x4  }
0x2a9: {  	vm0 =	vge.s32 v3, v0;
	vm1 =	vlt.s32 v3, v2;
	v4 =	vsub.s32 v3, v0  }
0x2aa: {  	v3 =	vand.u32 $0x7F, v3;
	vm0 =	vmand vm0, vm1;
	v4 =	vand.u32 $0xFFFFFF80, v4  }
0x2ab: {  	v3 =	vor.u32 v3, v4;
	_ =	sdelay $0x4  }
0x2ac: {  	[tilespmem:v3+s12+$0x0] =	vst.idx.msk vm0, v1  }
0x2ad: {  	_ =	swait.ge [sflag:s14], $0x4400  }
0x2ae: {  	s18 =	sld [smem:$0x7F9]  }
0x2af: {  	[sflag:s14] =	ssyncset.done $0x0  }
0x2b0: {  	s20 =	simm.s32 $0xCF00;
	[sflag:s14] =	ssyncadd.s32 $0xFFFFBC00  }
0x2b1: {  	[tilespmem:s10], [sflag:$0x3] =	stream.linear.gather [hbm4b:s18+s4], $0x4400, $0x38;
	[tilespmem:$0x1D700] =	vst v63  }
0x2b2: {  	s21 =	simm.s32 $0x33C0;
	s17 =	sand.u32 $0xD800, s20;
	_ =	swait.ge [sflag:s11], $0x4400  }
0x2b3: {  	s22 =	sand.u32 $0x180, s21;
	s17 =	sshrl.u32 s17, $0x2;
	s19 =	sld [smem:$0x7F8]  }
0x2b4: {  	s17 =	sor.u32 s22, s17;
	s18 =	sand.u32 $0x70, s21;
	[sflag:s11] =	ssyncset.done $0x0  }
0x2b5: {  	s17 =	sor.u32 s18, s17;
	[sflag:s11] =	ssyncadd.s32 $0xFFFFBC00  }
0x2b6: {  	[hbm4b:s19+s4] =	stream.linear.scatter [tilespmem:s9], [sflag:$0x4], $0x4400, $0x38;
	[tilespmem:$0x1D700] =	vst v63  }
0x2b7: {  	v3 =	vld [tilespmem:s17+$0x18A00];
	_ =	sdelay $0x4  }
0x2b8: {  	vm0 =	vge.s32 v3, v0;
	v4 =	vsub.s32 v3, v0;
	vm1 =	vlt.s32 v3, v2  }
0x2b9: {  	v3 =	vand.u32 $0x7F, v3;
	v4 =	vand.u32 $0xFFFFFF80, v4;
	vm0 =	vmand vm0, vm1  }
0x2ba: {  	v3 =	vor.u32 v3, v4  }
0x2bb: {  	s18 =	simm.s32 $0xCF40  }
0x2bc: {  	s20 =	sand.u32 $0xD800, s18;
	s19 =	simm.s32 $0x33E0;
	s17 =	simm.s32 $0x33D0  }
.LBB2_38:
0x2bd: {  	p1 =	sne.s32 s19, $0x3690;
	s21 =	sand.u32 $0x180, s17;
	s20 =	sshrl.u32 s20, $0x2  }
0x2be: {  	s22 =	sand.u32 $0x70, s17;
	s17 =	smov.u32 s19;
	s20 =	sor.u32 s21, s20  }
0x2bf: {  	s20 =	sor.u32 s22, s20;
	[tilespmem:v3+s12+$0x0] =	vst.idx.msk vm0, v1  }
0x2c0: {  	v3 =	vld [tilespmem:s20+$0x18A00];
	_ =	sdelay $0x4  }
.Ltmp18:
0x2c1: {  	vm0 =	vge.s32 v3, v0;
	vm1 =	vlt.s32 v3, v2;
	v4 =	vsub.s32 v3, v0;
	(pc) =	sbr.rel @p1 .LBB2_38-.Ltmp18, $4  }
0x2c2: {  	v3 =	vand.u32 $0x7F, v3;
	vm0 =	vmand vm0, vm1;
	v4 =	vand.u32 $0xFFFFFF80, v4  }
0x2c3: {  	v3 =	vor.u32 v3, v4  }
0x2c4: {  	s18 =	sadd.s32 $0x40, s18  }
0x2c5: {  	s19 =	sadd.s32 $0x10, s19;
	s20 =	sand.u32 $0xD800, s18  }
0x2c6: {  	_ =	sdelay $0x2  }
0x2c7: {  	s18 =	sand.u32 $0x180, s17;
	s19 =	sshrl.u32 s20, $0x2  }
0x2c8: {  	s22 =	sand.u32 $0x70, s17;
	s18 =	sor.u32 s18, s19  }
0x2c9: {  	[tilespmem:v3+s12+$0x0] =	vst.idx.msk vm0, v1;
	s17 =	sor.u32 s22, s18  }
0x2ca: {  	v3 =	vld [tilespmem:s17+$0x18A00];
	_ =	sdelay $0x4  }
0x2cb: {  	vm0 =	vge.s32 v3, v0;
	vm1 =	vlt.s32 v3, v2;
	v4 =	vsub.s32 v3, v0  }
0x2cc: {  	v3 =	vand.u32 $0x7F, v3;
	vm0 =	vmand vm0, vm1;
	v4 =	vand.u32 $0xFFFFFF80, v4  }
0x2cd: {  	v3 =	vor.u32 v3, v4;
	_ =	sdelay $0x4  }
0x2ce: {  	[tilespmem:v3+s12+$0x0] =	vst.idx.msk vm0, v1  }
0x2cf: {  	_ =	swait.ge [sflag:s8], $0x4400  }
0x2d0: {  	s18 =	sld [smem:$0x7FB]  }
0x2d1: {  	[sflag:s8] =	ssyncset.done $0x0  }
0x2d2: {  	s20 =	simm.s32 $0xDA80;
	[sflag:s8] =	ssyncadd.s32 $0xFFFFBC00  }
0x2d3: {  	[tilespmem:s9], [sflag:$0x2] =	stream.linear.gather [hbm4b:s18+s4], $0x4400, $0x38;
	[tilespmem:$0x1D700] =	vst v63  }
0x2d4: {  	s21 =	simm.s32 $0x36A0;
	s17 =	sand.u32 $0xF800, s20;
	_ =	swait.ge [sflag:s13], $0x4400  }
0x2d5: {  	s22 =	sand.u32 $0x180, s21;
	s17 =	sshrl.u32 s17, $0x2;
	s19 =	sld [smem:$0x7FA]  }
0x2d6: {  	s17 =	sor.u32 s22, s17;
	s18 =	sand.u32 $0x70, s21;
	[sflag:s13] =	ssyncset.done $0x0  }
0x2d7: {  	s17 =	sor.u32 s18, s17;
	[sflag:s13] =	ssyncadd.s32 $0xFFFFBC00  }
0x2d8: {  	[hbm4b:s19+s4] =	stream.linear.scatter [tilespmem:s10], [sflag:$0x5], $0x4400, $0x38;
	[tilespmem:$0x1D700] =	vst v63  }
0x2d9: {  	v3 =	vld [tilespmem:s17+$0x18A00];
	_ =	sdelay $0x4  }
0x2da: {  	vm0 =	vge.s32 v3, v0;
	v4 =	vsub.s32 v3, v0;
	vm1 =	vlt.s32 v3, v2  }
0x2db: {  	v3 =	vand.u32 $0x7F, v3;
	v4 =	vand.u32 $0xFFFFFF80, v4;
	vm0 =	vmand vm0, vm1  }
0x2dc: {  	v3 =	vor.u32 v3, v4  }
0x2dd: {  	s18 =	simm.s32 $0xDAC0  }
0x2de: {  	s20 =	sand.u32 $0xF800, s18;
	s19 =	simm.s32 $0x36C0;
	s17 =	simm.s32 $0x36B0  }
.LBB2_40:
0x2df: {  	p1 =	sne.s32 s19, $0x3970;
	s21 =	sand.u32 $0x180, s17;
	s20 =	sshrl.u32 s20, $0x2  }
0x2e0: {  	s22 =	sand.u32 $0x70, s17;
	s17 =	smov.u32 s19;
	s20 =	sor.u32 s21, s20  }
0x2e1: {  	s20 =	sor.u32 s22, s20;
	[tilespmem:v3+s12+$0x0] =	vst.idx.msk vm0, v1  }
0x2e2: {  	v3 =	vld [tilespmem:s20+$0x18A00];
	_ =	sdelay $0x4  }
.Ltmp19:
0x2e3: {  	vm0 =	vge.s32 v3, v0;
	vm1 =	vlt.s32 v3, v2;
	v4 =	vsub.s32 v3, v0;
	(pc) =	sbr.rel @p1 .LBB2_40-.Ltmp19, $4  }
0x2e4: {  	v3 =	vand.u32 $0x7F, v3;
	vm0 =	vmand vm0, vm1;
	v4 =	vand.u32 $0xFFFFFF80, v4  }
0x2e5: {  	v3 =	vor.u32 v3, v4  }
0x2e6: {  	s18 =	sadd.s32 $0x40, s18  }
0x2e7: {  	s19 =	sadd.s32 $0x10, s19;
	s20 =	sand.u32 $0xF800, s18  }
0x2e8: {  	_ =	sdelay $0x2  }
0x2e9: {  	s18 =	sand.u32 $0x180, s17;
	s19 =	sshrl.u32 s20, $0x2  }
0x2ea: {  	s22 =	sand.u32 $0x70, s17;
	s18 =	sor.u32 s18, s19  }
0x2eb: {  	[tilespmem:v3+s12+$0x0] =	vst.idx.msk vm0, v1;
	s17 =	sor.u32 s22, s18  }
0x2ec: {  	v3 =	vld [tilespmem:s17+$0x18A00];
	_ =	sdelay $0x4  }
0x2ed: {  	vm0 =	vge.s32 v3, v0;
	vm1 =	vlt.s32 v3, v2;
	v4 =	vsub.s32 v3, v0  }
0x2ee: {  	v3 =	vand.u32 $0x7F, v3;
	vm0 =	vmand vm0, vm1;
	v4 =	vand.u32 $0xFFFFFF80, v4  }
0x2ef: {  	v3 =	vor.u32 v3, v4;
	_ =	sdelay $0x4  }
0x2f0: {  	[tilespmem:v3+s12+$0x0] =	vst.idx.msk vm0, v1  }
0x2f1: {  	_ =	swait.ge [sflag:s14], $0x4400  }
0x2f2: {  	s18 =	sld [smem:$0x7FD]  }
0x2f3: {  	[sflag:s14] =	ssyncset.done $0x0  }
0x2f4: {  	s20 =	simm.s32 $0xE600;
	[sflag:s14] =	ssyncadd.s32 $0xFFFFBC00  }
0x2f5: {  	[tilespmem:s10], [sflag:$0x3] =	stream.linear.gather [hbm4b:s18+s4], $0x4400, $0x38;
	[tilespmem:$0x1D700] =	vst v63  }
0x2f6: {  	s21 =	simm.s32 $0x3980;
	s17 =	sand.u32 $0xF800, s20;
	_ =	swait.ge [sflag:s11], $0x4400  }
0x2f7: {  	s22 =	sand.u32 $0x180, s21;
	s17 =	sshrl.u32 s17, $0x2;
	s19 =	sld [smem:$0x7FC]  }
0x2f8: {  	s17 =	sor.u32 s22, s17;
	s18 =	sand.u32 $0x70, s21;
	[sflag:s11] =	ssyncset.done $0x0  }
0x2f9: {  	s17 =	sor.u32 s18, s17;
	[sflag:s11] =	ssyncadd.s32 $0xFFFFBC00  }
0x2fa: {  	[hbm4b:s19+s4] =	stream.linear.scatter [tilespmem:s9], [sflag:$0x4], $0x4400, $0x38;
	[tilespmem:$0x1D700] =	vst v63  }
0x2fb: {  	v3 =	vld [tilespmem:s17+$0x18A00];
	_ =	sdelay $0x4  }
0x2fc: {  	vm0 =	vge.s32 v3, v0;
	v4 =	vsub.s32 v3, v0;
	vm1 =	vlt.s32 v3, v2  }
0x2fd: {  	v3 =	vand.u32 $0x7F, v3;
	v4 =	vand.u32 $0xFFFFFF80, v4;
	vm0 =	vmand vm0, vm1  }
0x2fe: {  	v3 =	vor.u32 v3, v4  }
0x2ff: {  	s18 =	simm.s32 $0xE640  }
0x300: {  	s20 =	sand.u32 $0xF800, s18;
	s19 =	simm.s32 $0x39A0;
	s17 =	simm.s32 $0x3990  }
.LBB2_42:
0x301: {  	p1 =	sne.s32 s19, $0x3C50;
	s21 =	sand.u32 $0x180, s17;
	s20 =	sshrl.u32 s20, $0x2  }
0x302: {  	s22 =	sand.u32 $0x70, s17;
	s17 =	smov.u32 s19;
	s20 =	sor.u32 s21, s20  }
0x303: {  	s20 =	sor.u32 s22, s20;
	[tilespmem:v3+s12+$0x0] =	vst.idx.msk vm0, v1  }
0x304: {  	v3 =	vld [tilespmem:s20+$0x18A00];
	_ =	sdelay $0x4  }
.Ltmp20:
0x305: {  	vm0 =	vge.s32 v3, v0;
	vm1 =	vlt.s32 v3, v2;
	v4 =	vsub.s32 v3, v0;
	(pc) =	sbr.rel @p1 .LBB2_42-.Ltmp20, $4  }
0x306: {  	v3 =	vand.u32 $0x7F, v3;
	vm0 =	vmand vm0, vm1;
	v4 =	vand.u32 $0xFFFFFF80, v4  }
0x307: {  	v3 =	vor.u32 v3, v4  }
0x308: {  	s18 =	sadd.s32 $0x40, s18  }
0x309: {  	s19 =	sadd.s32 $0x10, s19;
	s20 =	sand.u32 $0xF800, s18  }
0x30a: {  	_ =	sdelay $0x2  }
0x30b: {  	s18 =	sand.u32 $0x180, s17;
	s19 =	sshrl.u32 s20, $0x2  }
0x30c: {  	s22 =	sand.u32 $0x70, s17;
	s18 =	sor.u32 s18, s19  }
0x30d: {  	[tilespmem:v3+s12+$0x0] =	vst.idx.msk vm0, v1;
	s17 =	sor.u32 s22, s18  }
0x30e: {  	v3 =	vld [tilespmem:s17+$0x18A00];
	_ =	sdelay $0x4  }
0x30f: {  	vm0 =	vge.s32 v3, v0;
	vm1 =	vlt.s32 v3, v2;
	v4 =	vsub.s32 v3, v0  }
0x310: {  	v3 =	vand.u32 $0x7F, v3;
	vm0 =	vmand vm0, vm1;
	v4 =	vand.u32 $0xFFFFFF80, v4  }
0x311: {  	v3 =	vor.u32 v3, v4;
	_ =	sdelay $0x3  }
0x312: {  	s20 =	simm.s32 $0xF180  }
0x313: {  	s21 =	simm.s32 $0x3C60;
	s17 =	sand.u32 $0x1F800, s20;
	[tilespmem:v3+s12+$0x0] =	vst.idx.msk vm0, v1  }
0x314: {  	s22 =	sand.u32 $0x180, s21;
	s17 =	sshrl.u32 s17, $0x2;
	_ =	swait.ge [sflag:s13], $0x4400  }
0x315: {  	s18 =	sand.u32 $0x70, s21;
	s17 =	sor.u32 s22, s17;
	[sflag:s13] =	ssyncset.done $0x0  }
0x316: {  	s17 =	sor.u32 s18, s17;
	[sflag:s13] =	ssyncadd.s32 $0xFFFFBC00  }
0x317: {  	[hbm4b:s23+s4] =	stream.linear.scatter [tilespmem:s10], [sflag:$0x5], $0x4400, $0x38;
	[tilespmem:$0x1D700] =	vst v63  }
0x318: {  	v3 =	vld [tilespmem:s17+$0x18A00];
	_ =	sdelay $0x4  }
0x319: {  	vm0 =	vge.s32 v3, v0;
	v4 =	vsub.s32 v3, v0;
	vm1 =	vlt.s32 v3, v2  }
0x31a: {  	v3 =	vand.u32 $0x7F, v3;
	v4 =	vand.u32 $0xFFFFFF80, v4;
	vm0 =	vmand vm0, vm1  }
0x31b: {  	v3 =	vor.u32 v3, v4  }
0x31c: {  	s18 =	simm.s32 $0xF1C0  }
0x31d: {  	s19 =	simm.s32 $0x3C80;
	s20 =	sand.u32 $0x1F800, s18;
	s17 =	simm.s32 $0x3C70  }
.LBB2_44:
0x31e: {  	p1 =	sne.s32 s19, $0x3F30;
	s21 =	sand.u32 $0x180, s17;
	s20 =	sshrl.u32 s20, $0x2  }
0x31f: {  	s22 =	sand.u32 $0x70, s17;
	s17 =	smov.u32 s19;
	s20 =	sor.u32 s21, s20  }
0x320: {  	s20 =	sor.u32 s22, s20;
	[tilespmem:v3+s12+$0x0] =	vst.idx.msk vm0, v1  }
0x321: {  	v3 =	vld [tilespmem:s20+$0x18A00];
	_ =	sdelay $0x4  }
.Ltmp21:
0x322: {  	vm0 =	vge.s32 v3, v0;
	vm1 =	vlt.s32 v3, v2;
	v4 =	vsub.s32 v3, v0;
	(pc) =	sbr.rel @p1 .LBB2_44-.Ltmp21, $4  }
0x323: {  	v3 =	vand.u32 $0x7F, v3;
	vm0 =	vmand vm0, vm1;
	v4 =	vand.u32 $0xFFFFFF80, v4  }
0x324: {  	v3 =	vor.u32 v3, v4  }
0x325: {  	s18 =	sadd.s32 $0x40, s18  }
0x326: {  	s19 =	sadd.s32 $0x10, s19;
	s20 =	sand.u32 $0x1F800, s18  }
0x327: {  	_ =	sdelay $0x2  }
0x328: {  	s18 =	sand.u32 $0x180, s17;
	s19 =	sshrl.u32 s20, $0x2  }
0x329: {  	s22 =	sand.u32 $0x70, s17;
	s18 =	sor.u32 s18, s19  }
0x32a: {  	[tilespmem:v3+s12+$0x0] =	vst.idx.msk vm0, v1;
	s17 =	sor.u32 s22, s18  }
0x32b: {  	v3 =	vld [tilespmem:s17+$0x18A00];
	_ =	sdelay $0x4  }
0x32c: {  	vm0 =	vge.s32 v3, v0;
	vm1 =	vlt.s32 v3, v2;
	v4 =	vsub.s32 v3, v0  }
0x32d: {  	v3 =	vand.u32 $0x7F, v3;
	vm0 =	vmand vm0, vm1;
	v4 =	vand.u32 $0xFFFFFF80, v4  }
0x32e: {  	v3 =	vor.u32 v3, v4;
	_ =	sdelay $0x4  }
0x32f: {  	[tilespmem:v3+s12+$0x0] =	vst.idx.msk vm0, v1  }
0x330: {  	_ =	swait.ge [sflag:s8], $0x4400  }
0x331: {  	s20 =	simm.s32 $0xFD00;
	[sflag:s8] =	ssyncset.done $0x0  }
0x332: {  	s21 =	simm.s32 $0x3F40;
	s17 =	sand.u32 $0x1F800, s20;
	[sflag:s8] =	ssyncadd.s32 $0xFFFFBC00  }
0x333: {  	s22 =	sand.u32 $0x180, s21;
	s17 =	sshrl.u32 s17, $0x2;
	_ =	swait.ge [sflag:s14], $0x4400  }
0x334: {  	s18 =	sand.u32 $0x70, s21;
	s17 =	sor.u32 s22, s17;
	[sflag:s14] =	ssyncset.done $0x0  }
0x335: {  	s17 =	sor.u32 s18, s17;
	[sflag:s14] =	ssyncadd.s32 $0xFFFFBC00  }
0x336: {  	v3 =	vld [tilespmem:s17+$0x18A00];
	_ =	sdelay $0x4  }
0x337: {  	vm0 =	vge.s32 v3, v0;
	v4 =	vsub.s32 v3, v0;
	vm1 =	vlt.s32 v3, v2  }
0x338: {  	v3 =	vand.u32 $0x7F, v3;
	v4 =	vand.u32 $0xFFFFFF80, v4;
	vm0 =	vmand vm0, vm1  }
0x339: {  	v3 =	vor.u32 v3, v4  }
0x33a: {  	s18 =	simm.s32 $0xFD40  }
0x33b: {  	s19 =	simm.s32 $0x3F60;
	s20 =	sand.u32 $0x1F800, s18;
	s17 =	simm.s32 $0x3F50  }
.LBB2_46:
0x33c: {  	p1 =	sne.s32 s19, $0x3FF0;
	s21 =	sand.u32 $0x180, s17;
	s20 =	sshrl.u32 s20, $0x2  }
0x33d: {  	s22 =	sand.u32 $0x70, s17;
	s17 =	smov.u32 s19;
	s20 =	sor.u32 s21, s20  }
0x33e: {  	s20 =	sor.u32 s22, s20;
	[tilespmem:v3+s12+$0x0] =	vst.idx.msk vm0, v1  }
0x33f: {  	v3 =	vld [tilespmem:s20+$0x18A00];
	_ =	sdelay $0x4  }
.Ltmp22:
0x340: {  	vm0 =	vge.s32 v3, v0;
	vm1 =	vlt.s32 v3, v2;
	v4 =	vsub.s32 v3, v0;
	(pc) =	sbr.rel @p1 .LBB2_46-.Ltmp22, $4  }
0x341: {  	v3 =	vand.u32 $0x7F, v3;
	vm0 =	vmand vm0, vm1;
	v4 =	vand.u32 $0xFFFFFF80, v4  }
0x342: {  	v3 =	vor.u32 v3, v4  }
0x343: {  	s18 =	sadd.s32 $0x40, s18  }
0x344: {  	s19 =	sadd.s32 $0x10, s19;
	s20 =	sand.u32 $0x1F800, s18  }
0x345: {  	_ =	sdelay $0x2  }
0x346: {  	s18 =	sand.u32 $0x180, s17;
	s19 =	sshrl.u32 s20, $0x2  }
0x347: {  	s22 =	sand.u32 $0x70, s17;
	s18 =	sor.u32 s18, s19  }
0x348: {  	[tilespmem:v3+s12+$0x0] =	vst.idx.msk vm0, v1;
	s17 =	sor.u32 s22, s18  }
0x349: {  	v3 =	vld [tilespmem:s17+$0x18A00];
	_ =	sdelay $0x4  }
0x34a: {  	vm15 =	vge.s32 v3, v0;
	vm1 =	vlt.s32 v3, v2;
	v2 =	vsub.s32 v3, v0  }
0x34b: {  	v3 =	vand.u32 $0x7F, v3;
	vm0 =	vmand vm15, vm1;
	v2 =	vand.u32 $0xFFFFFF80, v2  }
0x34c: {  	v2 =	vor.u32 v3, v2;
	_ =	sdelay $0x4  }
0x34d: {  	s18 =	simm.s32 @p0 $0x1CA00;
	s17 =	simm.s32 @p0 $0x0;
	[tilespmem:v2+s12+$0x0] =	vst.idx.msk vm0, v1  }
0x34e: {  	[hbm4b:s30+s17] =	stream.linear.scatter @p0 [tilespmem:s18], [sflag:$0x6], $0x320, $0x38;
	[tilespmem:$0x1D700] =	vst v63  }
0x34f: {  	s18 =	simm.s32 @p0 $0x6  }
0x350: {  	_ =	swait.ge @p0 [sflag:s18], $0x320  }
0x351: {  	[sflag:s18] =	ssyncset.done @p0 $0x0  }
0x352: {  	s19 =	simm.s32 @p0 $0x10200;
	[sflag:s18] =	ssyncadd.s32 @p0 $0xFFFFFCE0  }
0x353: {  	[tilespmem:s19], [sflag:$0x6] =	stream.linear.gather @p0 [hbm4b:s2+s17], $0x1400, $0x38;
	[tilespmem:$0x1D700] =	vst v63  }
0x354: {  	_ =	swait.ge @p0 [sflag:s18], $0x1400  }
0x355: {  	[sflag:s18] =	ssyncset.done @p0 $0x0  }
0x356: {  	[sflag:s18] =	ssyncadd.s32 @p0 $0xFFFFEC00  }
0x357: {  	[hbm4b:s31+s17] =	stream.linear.scatter @p0 [tilespmem:s19], [sflag:$0x6], $0x1400, $0x38;
	[tilespmem:$0x1D700] =	vst v63  }
0x358: {  	_ =	swait.ge @p0 [sflag:s18], $0x1400  }
0x359: {  	[sflag:s18] =	ssyncset.done @p0 $0x0  }
0x35a: {  	s17 =	simm.s32 @!p0 $0x0;
	[sflag:s18] =	ssyncadd.s32 @p0 $0xFFFFEC00;
	s18 =	simm.s32 @!p0 $0x1CA00  }
0x35b: {  	[hbm4b:s26+s17] =	stream.linear.scatter @!p0 [tilespmem:s18], [sflag:$0x6], $0xC80, $0x38;
	[tilespmem:$0x1D700] =	vst v63  }
0x35c: {  	s18 =	simm.s32 @!p0 $0x6  }
0x35d: {  	_ =	swait.ge @!p0 [sflag:s18], $0xC80  }
0x35e: {  	[sflag:s18] =	ssyncset.done @!p0 $0x0  }
0x35f: {  	s19 =	simm.s32 @!p0 $0x10200;
	[sflag:s18] =	ssyncadd.s32 @!p0 $0xFFFFF380  }
0x360: {  	[tilespmem:s19], [sflag:$0x6] =	stream.linear.gather @!p0 [hbm4b:s28+s17], $0x4400, $0x38;
	[tilespmem:$0x1D700] =	vst v63  }
0x361: {  	_ =	swait.ge @!p0 [sflag:s18], $0x4400  }
0x362: {  	[sflag:s18] =	ssyncset.done @!p0 $0x0  }
0x363: {  	[sflag:s18] =	ssyncadd.s32 @!p0 $0xFFFFBC00  }
0x364: {  	[hbm4b:s29+s17] =	stream.linear.scatter @!p0 [tilespmem:s19], [sflag:$0x6], $0x4400, $0x38;
	[tilespmem:$0x1D700] =	vst v63  }
0x365: {  	_ =	swait.ge @!p0 [sflag:s18], $0x4400  }
0x366: {  	[sflag:s18] =	ssyncset.done @!p0 $0x0  }
0x367: {  	[sflag:s18] =	ssyncadd.s32 @!p0 $0xFFFFBC00  }
0x368: {  	_ =	swait.ge [sflag:s15], $0x4000  }
0x369: {  	[sflag:s15] =	ssyncset.done $0x0  }
0x36a: {  	[sflag:s15] =	ssyncadd.s32 $0xFFFFC000  }
0x36b: {  	_ =	swait.ge [sflag:s15], $0x4000  }
0x36c: {  	[sflag:s15] =	ssyncset.done $0x0  }
0x36d: {  	[sflag:s15] =	ssyncadd.s32 $0xFFFFC000  }
0x36e: {  	_ =	swait.ge [sflag:s15], $0x4000  }
0x36f: {  	[sflag:s15] =	ssyncset.done $0x0  }
0x370: {  	[sflag:s15] =	ssyncadd.s32 $0xFFFFC000  }
0x371: {  	s16 =	sadd.s32 $0x1, s16;
	_ =	swait.ge [sflag:s15], $0x4000  }
0x372: {  	p1 =	sne.s32 s16, s3;
	[sflag:s15] =	ssyncset.done $0x0  }
.Ltmp23:
0x373: {  	s18 =	simm.s32 $0x200;
	[sflag:s15] =	ssyncadd.s32 $0xFFFFC000;
	(pc) =	sbr.rel @p1 .LBB2_1-.Ltmp23, $4  }
0x374: {  	[hbm4b:s0+s4] =	stream.linear.scatter [tilespmem:s18], [sflag:$0x6], $0x10000, $0x38;
	[tilespmem:$0x1D700] =	vst v63  }
0x375: {  	_ =	swait.ge [sflag:s5], $0x10000  }
0x376: {  	[sflag:s5] =	ssyncset.done $0x0  }
0x377: {  	[sflag:s5] =	ssyncadd.s32 $0xFFFF0000  }
0x378: {  	_ =	sfence.sel $0x180000  }
0x379: {  	[bflag:$0x0] =	sbarrier.arrive $0xFFFF  }
0x37a: {  	_ =	strace $0x90000047  }
0x37b: {  	s0 =	stileid.u32;
	[bflag:$0x2] =	sbarrier.arrive $0xFFFF  }
0x37c: {  	p0 =	sne.s32 s0, $0x0;
	s0 =	rddreg [dreg:$0x6]  }
0x37d: {  	s0 =	sadd.s32 @!p0 $0x100000, s0  }
0x37e: {  	[sflag:s0] =	ssyncadd.tile.s32 @!p0 $0x1;
	_ =	shalt  }
.Lfunc_end2:
_tile_overlayer_lowered:
.L_overlay_start_2:
0x37f: {  	(tag) =	ssettag $0x2  }
0x380: {  	s0 =	rddreg [dreg:$0x0];
	s2 =	stileid.u32  }
0x381: {  	s1 =	rddreg [dreg:$0x1];
	p0 =	sne.s32 s2, $0x0  }
0x382: {  	s3 =	rddreg [dreg:$0x2];
	[bflag:$0x3] =	sbarrier.arrive $0xFFFF;
	s2 =	simm.s32 @!p0 $0x1C06  }
0x383: {  	[timem:s3], [sflag:s2] =	dma.local @!p0 [hbm:s0], s1  }
0x384: {  	s0 =	simm.s32 @!p0 $0x6  }
0x385: {  	_ =	swait.ge @!p0 [sflag:s0], s1  }
0x386: {  	s1 =	ssub.s32 @!p0 $0x0, s1;
	[sflag:s0] =	ssyncset.done @!p0 $0x0  }
0x387: {  	[sflag:s0] =	ssyncadd.s32 @!p0 s1  }
0x388: {  	[bflag:$0x3] =	sbarrier.arrive $0xFFFF  }
0x389: {  	_ =	shalt  }

// kernel: kernel.8.cloned.1.call-start
scs
__scs_entry_jumppad:
0x0: {  	(pc) =	sbr.rel $0x88, $3  }
0x1: {  	(tag) =	ssettag $0x0;
	lr =	simm.s32 $0x1  }
0x2: {  	[smem:$0x3F98] =	sst lr;
	_ =	strace $0xD0000000  }
0x3: {  	_ = 	snop  }
0x4: {  	_ = 	snop  }
0x5: {  	_ = 	snop  }
0x6: {  	_ = 	snop  }
0x7: {  	_ = 	snop  }
__scs_overlays_trampoline_lowered:
0x8: {  	[smem:$0x3FA7] =	sst s0  }
0x9: {  	[smem:$0x3FA8] =	sst s1  }
0xa: {  	[smem:$0x3FA9] =	sst s2  }
0xb: {  	[smem:$0x3FAA] =	sst s3  }
0xc: {  	[smem:$0x3FAB] =	sst s4  }
0xd: {  	[smem:$0x3FAC] =	sst s5  }
0xe: {  	[smem:$0x3FAD] =	sst s6  }
0xf: {  	[smem:$0x3FAE] =	sst s7  }
0x10: {  	[smem:$0x3FAF] =	sst s8  }
0x11: {  	[smem:$0x3FB0] =	sst s9;
	s0 =	simm.s32 @!p0 $0x0  }
0x12: {  	s1 =	sld [smem:$0x3F96];
	s0 =	simm.s32 @p0 $0x1  }
0x13: {  	[smem:$0x3FB1] =	sst s0;
	s0 =	simm.s32 @!p1 $0x0  }
0x14: {  	s2 =	sld [smem:$0x3F95];
	s0 =	simm.s32 @p1 $0x1  }
0x15: {  	[smem:$0x3FB2] =	sst s0;
	s0 =	simm.s32 @!p2 $0x0  }
0x16: {  	s3 =	sld [smem:$0x3FDB];
	s0 =	simm.s32 @p2 $0x1  }
0x17: {  	s4 =	simm.s32 $0x1BF5;
	[smem:$0x3FB4] =	sst s0  }
0x18: {  	s0 =	sld [smem:$0x3F97];
	_ =	swait.ge [sflag:s4], $0x0  }
0x19: {  	s7 =	sld [smem:$0x3F98]  }
0x1a: {  	s8 =	sadd.s32 $0xFFFFE003, lr  }
0x1b: {  	s9 =	sadd.s32 $0xFFFFFEF7, lr;
	s5 =	simm.s32 $0xFFFFFFFF;
	p2 =	slt.u32 s8, $0xFFFFF086  }
0x1c: {  	p1 =	slt.u32 s9, $0xF7A;
	s5 =	simm.s32 @!p2 $0x0  }
0x1d: {  	s5 =	simm.s32 @p1 $0x1;
	p0 =	seq.s32 s7, s2  }
0x1e: {  	s7 =	smul.u32 @!p0 $0xF7A, s2;
	p2 =	seq.s32 @!p0 s5, $0x0  }
0x1f: {  	s9 =	smul.u32 $0xF7A, s1;
	s8 =	simm.s32 @!p0 $0x1BF5;
	p2 =	por !p2, p0  }
0x20: {  	[sflag:s8] =	ssyncset.s32 @!p0 $0xFFFFF086;
	s6 =	sadd.s32 @!p0 s3, s7;
	s7 =	simm.s32 @!p0 $0x108  }
0x21: {  	s3 =	sadd.s32 s3, s9;
	s6 =	sadd.s32 @!p0 $0x88, s6;
	s7 =	simm.s32 @p2 $0x1082  }
0x22: {  	[simem:s7], [sflag:s8] =	dma.local @!p0 [hbm:s6], $0xF7A  }
0x23: {  	s9 =	sor.u32 $0xD0000000, s2;
	s6 =	simm.s32 $0x108;
	_ =	swait.ge @!p0 [sflag:s8], $0x0  }
0x24: {  	s3 =	sadd.s32 $0x88, s3;
	s6 =	simm.s32 @!p1 $0x1082;
	[sflag:s4] =	ssyncset.s32 $0xFFFFF086  }
0x25: {  	[simem:s6], [sflag:s4] =	dma.local [hbm:s3], $0xF7A  }
0x26: {  	[smem:$0x3F98] =	sst s1;
	(tag) =	ssettag s2;
	_ =	strace s9  }
0x27: {  	s1 =	sld [smem:$0x3FA8]  }
0x28: {  	s2 =	sld [smem:$0x3FA9]  }
0x29: {  	s4 =	sld [smem:$0x3FAB]  }
0x2a: {  	p0 =	seq.s32 s5, $0x0;
	s5 =	sld [smem:$0x3FAC]  }
0x2b: {  	s6 =	sld [smem:$0x3FAD]  }
0x2c: {  	s7 =	sld [smem:$0x3FAE]  }
0x2d: {  	s3 =	simm.s32 $0x108;
	s8 =	sld [smem:$0x3FAF]  }
0x2e: {  	s3 =	simm.s32 @!p0 $0x1082;
	s9 =	sld [smem:$0x3FB0]  }
0x2f: {  	lr =	sadd.s32 s0, s3;
	s0 =	sld [smem:$0x3FA7]  }
0x30: {  	s3 =	sld [smem:$0x3FAA]  }
0x31: {  	[smem:$0x3FB3] =	sst s10  }
0x32: {  	s10 =	sld [smem:$0x3FB1];
	_ =	sdelay $0x3  }
0x33: {  	p0 =	seq.s32 s10, $0x1;
	s10 =	sld [smem:$0x3FB3];
	_ =	sdelay $0x3  }
0x34: {  	[smem:$0x3FB3] =	sst s10  }
0x35: {  	s10 =	sld [smem:$0x3FB2];
	_ =	sdelay $0x3  }
0x36: {  	p1 =	seq.s32 s10, $0x1;
	s10 =	sld [smem:$0x3FB3];
	_ =	sdelay $0x3  }
0x37: {  	[smem:$0x3FB3] =	sst s10  }
0x38: {  	s10 =	sld [smem:$0x3FB4]  }
0x39: {  	_ = 	snop;
	(pc) =	sbr.ind lr, $3  }
0x3a: {  	_ = 	snop  }
0x3b: {  	_ = 	snop  }
0x3c: {  	p2 =	seq.s32 s10, $0x1;
	s10 =	sld [smem:$0x3FB3]  }
0x3d: {  	_ =	shalt  }
0x3e: {  	_ =	shalt  }
0x3f: {  	_ =	shalt  }
0x40: {  	_ =	shalt  }
0x41: {  	_ =	shalt  }
0x42: {  	_ =	shalt  }
0x43: {  	_ =	shalt  }
0x44: {  	_ =	shalt  }
0x45: {  	_ =	shalt  }
0x46: {  	_ =	shalt  }
0x47: {  	_ =	shalt  }
0x48: {  	_ =	shalt  }
0x49: {  	_ =	shalt  }
0x4a: {  	_ =	shalt  }
0x4b: {  	_ =	shalt  }
0x4c: {  	_ =	shalt  }
0x4d: {  	_ =	shalt  }
0x4e: {  	_ =	shalt  }
0x4f: {  	_ =	shalt  }
0x50: {  	_ =	shalt  }
0x51: {  	_ =	shalt  }
0x52: {  	_ =	shalt  }
0x53: {  	_ =	shalt  }
0x54: {  	_ =	shalt  }
0x55: {  	_ =	shalt  }
0x56: {  	_ =	shalt  }
0x57: {  	_ =	shalt  }
0x58: {  	_ =	shalt  }
0x59: {  	_ =	shalt  }
0x5a: {  	_ =	shalt  }
0x5b: {  	_ =	shalt  }
0x5c: {  	_ =	shalt  }
0x5d: {  	_ =	shalt  }
0x5e: {  	_ =	shalt  }
0x5f: {  	_ =	shalt  }
0x60: {  	_ =	shalt  }
0x61: {  	_ =	shalt  }
0x62: {  	_ =	shalt  }
0x63: {  	_ =	shalt  }
0x64: {  	_ =	shalt  }
0x65: {  	_ =	shalt  }
0x66: {  	_ =	shalt  }
0x67: {  	_ =	shalt  }
0x68: {  	_ =	shalt  }
0x69: {  	_ =	shalt  }
0x6a: {  	_ =	shalt  }
0x6b: {  	_ =	shalt  }
0x6c: {  	_ =	shalt  }
0x6d: {  	_ =	shalt  }
0x6e: {  	_ =	shalt  }
0x6f: {  	_ =	shalt  }
0x70: {  	_ =	shalt  }
0x71: {  	_ =	shalt  }
0x72: {  	_ =	shalt  }
0x73: {  	_ =	shalt  }
0x74: {  	_ =	shalt  }
0x75: {  	_ =	shalt  }
0x76: {  	_ =	shalt  }
0x77: {  	_ =	shalt  }
0x78: {  	_ =	shalt  }
0x79: {  	_ =	shalt  }
0x7a: {  	_ =	shalt  }
0x7b: {  	_ =	shalt  }
0x7c: {  	_ =	shalt  }
0x7d: {  	_ =	shalt  }
0x7e: {  	_ =	shalt  }
0x7f: {  	_ =	shalt  }
0x80: {  	_ =	shalt  }
0x81: {  	_ =	shalt  }
0x82: {  	_ =	shalt  }
0x83: {  	_ =	shalt  }
0x84: {  	_ =	shalt  }
0x85: {  	_ =	shalt  }
0x86: {  	_ =	shalt  }
0x87: {  	_ =	shalt  }
.Lfunc_end0:
.L_simem_size_0:
called_computation.1_lowered:
.L_overlay_start_0:
0x88: {  	s2 =	sld [smem:$0x3FD9]  }
0x89: {  	s3 =	sld [smem:$0x3FFE];
	_ =	sdelay $0x1  }
0x8a: {  	s1 =	srdreg.scid  }
0x8b: {  	s0 =	sand.u32 $0x1, s1  }
0x8c: {  	s14 =	sshll.u32 s0, $0xA;
	s2 =	sadd.s32 s3, s2  }
0x8d: {  	s2 =	sadd.s32 s2, s14  }
0x8e: {  	[smem:$0x3FBF] =	sst s2  }
0x8f: {  	_ = 	snop  }
0x90: {  	s2 =	sld [smem:$0x3FD0];
	_ =	sdelay $0x2  }
0x91: {  	s4 =	simm.s32 $0xA;
	s5 =	simm.s32 $0x10;
	s15 =	sld [smem:$0x3FC9]  }
0x92: {  	[smem:s5], [sflag:s4] =	dma.local [hbm:s2], $0x1  }
0x93: {  	_ =	swait.eq [sflag:s4], $0x1  }
0x94: {  	[sflag:s4] =	ssyncset.done $0x0  }
0x95: {  	[sflag:s4] =	ssyncadd.s32 $0xFFFFFFFF  }
0x96: {  	s16 =	sld [smem:$0x10];
	(tm) =	ssettm $0x1  }
0x97: {  	s17 =	sld [smem:$0x3FFB];
	_ =	sdelay $0x3  }
0x98: {  	_ =	strace s17  }
0x99: {  	s4 =	sld [smem:$0x3FFC];
	_ =	sdelay $0x3  }
0x9a: {  	_ =	strace s4  }
0x9b: {  	s4 =	sld [smem:$0x3FFD];
	_ =	sdelay $0x3  }
0x9c: {  	_ =	strace s4  }
0x9d: {  	_ =	strace $0x8FFFFFFF  }
0x9e: {  	s18 =	sld [smem:$0x3FDB];
	_ =	sdelay $0x1  }
0x9f: {  	s19 =	simm.s32 $_scs_section_size  }
0xa0: {  	s6 =	simm.s32 $_size__tile_overlayer_lowered;
	s7 =	simm.s32 $_tile_overlayer_lowered  }
0xa1: {  	s22 =	simm.s32 $0x1BFF;
	s21 =	sshll.u32 s7, $0x1;
	s4 =	sadd.s32 s19, s18  }
0xa2: {  	s8 =	simm.s32 $0x0;
	s20 =	sshll.u32 s6, $0x1;
	s6 =	sadd.s32 s21, s4  }
0xa3: {  	[timem:s8], [sflag:s22] =	dma.local [hbm:s6], s20  }
0xa4: {  	_ =	swait.ge [sflag:s22], s20  }
0xa5: {  	s5 =	ssub.s32 $0x0, s20;
	[sflag:s22] =	ssyncset.done $0x0  }
0xa6: {  	[sflag:s22] =	ssyncadd.s32 s5;
	_ =	sdelay $0x1  }
0xa7: {  	s23 =	simm.s32 $0x1B8B  }
0xa8: {  	_ =	swait.ge [sflag:s23], $0x1  }
0xa9: {  	[sflag:s23] =	ssyncset.done $0x0  }
0xaa: {  	s25 =	simm.s32 $0x1B8E;
	s24 =	sld [smem:$0x3FFE];
	[sflag:s23] =	ssyncadd.s32 $0xFFFFFFFF  }
0xab: {  	s26 =	simm.s32 $execute0_lowered;
	[smem:$0x3FD2] =	sst s25  }
0xac: {  	s6 =	sshll.u32 s26, $0x1;
	_ =	strace $0x80000049;
	[dreg:$0x1] =	wrdreg $0xFFFFFFFF  }
0xad: {  	s28 =	simm.s32 $_size_execute0_lowered;
	s4 =	sadd.s32 s4, s6;
	[dreg:$0x0] =	wrdreg $0x0  }
0xae: {  	s6 =	sshll.u32 s28, $0x1;
	[dreg:$0x2] =	wrdreg s4  }
0xaf: {  	[dreg:$0x3] =	wrdreg s6  }
0xb0: {  	[dreg:$0x4] =	wrdreg $0xC0  }
0xb1: {  	_ =	task [dreg:s8], $0x5FFFF  }
0xb2: {  	[dreg:$0x1] =	wrdreg $0xFFFFFFFF  }
0xb3: {  	[dreg:$0x0] =	wrdreg $0x60  }
0xb4: {  	[dreg:$0x2] =	wrdreg s15  }
0xb5: {  	[dreg:$0x3] =	wrdreg s24  }
0xb6: {  	[dreg:$0x4] =	wrdreg s16  }
0xb7: {  	[dreg:$0x5] =	wrdreg $0x9  }
0xb8: {  	_ =	task.clear_ibuf [dreg:s8], $0x6FFFF;
	_ =	strace $0x90000049  }
0xb9: {  	s29 =	simm.s32 $0x9;
	_ =	strace $0x8000004B  }
0xba: {  	_ =	swait.ge [sflag:s29], $0x1  }
0xbb: {  	[sflag:s29] =	ssyncadd.s32 $0xFFFFFFFF  }
0xbc: {  	_ =	strace $0x9000004B  }
0xbd: {  	_ =	sfence  }
0xbe: {  	s30 =	sld [smem:$0x0];
	_ =	sdelay $0x2  }
0xbf: {  	s31 =	sshll.u32 s1, $0xD;
	s1 =	sshrl.u32 s1, $0x2  }
0xc0: {  	s3 =	sand.u32 $0x4000, s31;
	s1 =	sadd.s32 s1, s30  }
0xc1: {  	s0 =	sor.u32 s3, s0;
	s1 =	sshll.u32 s1, $0x11  }
0xc2: {  	s0 =	sor.u32 s1, s0  }
0xc3: {  	s0 =	sadd.s32 $0x8F2B, s0  }
0xc4: {  	[sflag:s0] =	ssyncadd.remote.s32 $0x1  }
0xc5: {  	_ =	sfence.sel $0xFFFF  }
0xc6: {  	[dreg:$0x0] =	wrdreg $0xFFFFFFFF;
	(pc) =	sbr.abs _section_cstart, $3  }
0xc7: {  	[dreg:$0x1] =	wrdreg $0xFFFFFFFF  }
0xc8: {  	_ =	task.clear_ibuf [dreg:s8], $0x2FFFF;
	_ =	strace $0x9FFFFFFF  }
0xc9: {  	(tm) =	ssettm $0x7FFFFFFF  }
tec
execute0_lowered:
.L_overlay_start_1:
0x0: {  	(tag) =	ssettag $0x1  }
0x1: {  	s4 =	rddreg [dreg:$0x0];
	s1 =	srdreg.scid  }
0x2: {  	s6 =	rddreg [dreg:$0x1];
	s0 =	stileid.u32;
	s15 =	sand.u32 $0x1, s1  }
0x3: {  	s2 =	rddreg [dreg:$0x2];
	s5 =	sshll.u32 s0, $0xA;
	s7 =	sshll.u32 s15, $0x9  }
0x4: {  	s3 =	simm.s32 $0x0;
	s1 =	rddreg [dreg:$0x3];
	s7 =	sor.u32 s7, s5  }
0x5: {  	[smem:$0x7FF] =	sst s3;
	s5 =	sshrl.u32 s7, $0x3  }
0x6: {  	_ =	strace $0x8000004A;
	s4 =	sadd.s32 s4, s5;
	s5 =	simm.s32 $0x2  }
0x7: {  	[tilespmem:s3], [sflag:$0x2] =	stream.linear.gather [hbm4b:s4+s3], $0x200, $0x38;
	[tilespmem:$0x10200] =	vst v63  }
0x8: {  	s7 =	sshll.u32 s7, $0x4;
	_ =	swait.ge [sflag:s5], $0x200  }
0x9: {  	s6 =	sadd.s32 s7, s6;
	[sflag:s5] =	ssyncset.done $0x0  }
0xa: {  	s7 =	simm.s32 $0x200;
	s6 =	sadd.s32 $0x1800, s6;
	[sflag:s5] =	ssyncadd.s32 $0xFFFFFE00  }
0xb: {  	[tilespmem:s7], [sflag:$0x2] =	stream.linear.gather [hbm4b:s6+s3], $0x10000, $0x38;
	[tilespmem:$0x10200] =	vst v63  }
0xc: {  	_ =	swait.ge [sflag:s5], $0x10000  }
0xd: {  	[sflag:s5] =	ssyncset.done $0x0  }
0xe: {  	s8 =	simm.s32 $0x80;
	[sflag:s5] =	ssyncadd.s32 $0xFFFF0000  }
0xf: {  	[hbm4b:s2+s8] =	stream.indirect.scatter [tilespmem:s7], [sflag:$0x1], $0x80, s3, s8, $0xb8;
	[tilespmem:$0x10200] =	vst v63  }
0x10: {  	s9 =	simm.s32 $0x4200  }
0x11: {  	[hbm4b:s2+s8] =	stream.indirect.scatter [tilespmem:s9], [sflag:$0x1], $0x80, s8, s8, $0xb8;
	[tilespmem:$0x10200] =	vst v63  }
0x12: {  	s10 =	simm.s32 $0x100;
	s11 =	simm.s32 $0x8200  }
0x13: {  	[hbm4b:s2+s8] =	stream.indirect.scatter [tilespmem:s11], [sflag:$0x1], $0x80, s10, s8, $0xb8;
	[tilespmem:$0x10200] =	vst v63  }
0x14: {  	s12 =	simm.s32 $0x180;
	s14 =	simm.s32 $0xC200;
	s13 =	simm.s32 $0x1  }
0x15: {  	[hbm4b:s2+s8] =	stream.indirect.scatter [tilespmem:s14], [sflag:$0x1], $0x80, s12, s8, $0xb8;
	[tilespmem:$0x10200] =	vst v63  }
0x16: {  	_ =	swait.ge [sflag:s13], $0x4000  }
0x17: {  	s15 =	ssub.s32 $0x2, s15;
	[sflag:s13] =	ssyncset.done $0x0  }
0x18: {  	s16 =	sshrl.u32 s15, $0x1;
	[sflag:s13] =	ssyncadd.s32 $0xFFFFC000  }
0x19: {  	s15 =	ssub.s32 s15, s16;
	_ =	swait.ge [sflag:s13], $0x4000  }
0x1a: {  	s15 =	smax.u32 s15, $0x1;
	[sflag:s13] =	ssyncset.done $0x0  }
0x1b: {  	p0 =	sne.s32 s15, $0x1;
	[sflag:s13] =	ssyncadd.s32 $0xFFFFC000  }
.Ltmp0:
0x1c: {  	_ =	swait.ge [sflag:s13], $0x4000;
	(pc) =	sbr.rel @!p0 .LBB2_2-.Ltmp0, $4  }
0x1d: {  	[sflag:s13] =	ssyncset.done $0x0  }
0x1e: {  	[sflag:s13] =	ssyncadd.s32 $0xFFFFC000  }
0x1f: {  	_ =	swait.ge [sflag:s13], $0x4000  }
0x20: {  	s15 =	sadd.s32 $0xFFFFFFFF, s15;
	[sflag:s13] =	ssyncset.done $0x0  }
.LBB2_1:
0x21: {  	p0 =	sne.s32 s15, $0x1;
	s15 =	sadd.s32 $0xFFFFFFFF, s15;
	[sflag:s13] =	ssyncadd.s32 $0xFFFFC000  }
0x22: {  	[tilespmem:s3], [sflag:$0x2] =	stream.linear.gather [hbm4b:s4+s3], $0x200, $0x38;
	[tilespmem:$0x10200] =	vst v63  }
0x23: {  	_ =	swait.ge [sflag:s5], $0x200  }
0x24: {  	[sflag:s5] =	ssyncset.done $0x0  }
0x25: {  	[sflag:s5] =	ssyncadd.s32 $0xFFFFFE00  }
0x26: {  	[tilespmem:s7], [sflag:$0x2] =	stream.linear.gather [hbm4b:s6+s3], $0x10000, $0x38;
	[tilespmem:$0x10200] =	vst v63  }
0x27: {  	_ =	swait.ge [sflag:s5], $0x10000  }
0x28: {  	[sflag:s5] =	ssyncset.done $0x0  }
0x29: {  	[sflag:s5] =	ssyncadd.s32 $0xFFFF0000  }
0x2a: {  	[hbm4b:s2+s8] =	stream.indirect.scatter [tilespmem:s7], [sflag:$0x1], $0x80, s3, s8, $0xb8;
	[tilespmem:$0x10200] =	vst v63  }
0x2b: {  	_ = 	snop  }
0x2c: {  	[hbm4b:s2+s8] =	stream.indirect.scatter [tilespmem:s9], [sflag:$0x1], $0x80, s8, s8, $0xb8;
	[tilespmem:$0x10200] =	vst v63  }
0x2d: {  	_ = 	snop  }
0x2e: {  	[hbm4b:s2+s8] =	stream.indirect.scatter [tilespmem:s11], [sflag:$0x1], $0x80, s10, s8, $0xb8;
	[tilespmem:$0x10200] =	vst v63  }
0x2f: {  	_ = 	snop  }
0x30: {  	[hbm4b:s2+s8] =	stream.indirect.scatter [tilespmem:s14], [sflag:$0x1], $0x80, s12, s8, $0xb8;
	[tilespmem:$0x10200] =	vst v63  }
0x31: {  	_ =	swait.ge [sflag:s13], $0x4000  }
0x32: {  	[sflag:s13] =	ssyncset.done $0x0  }
0x33: {  	[sflag:s13] =	ssyncadd.s32 $0xFFFFC000  }
0x34: {  	_ =	swait.ge [sflag:s13], $0x4000  }
0x35: {  	[sflag:s13] =	ssyncset.done $0x0  }
0x36: {  	[sflag:s13] =	ssyncadd.s32 $0xFFFFC000  }
.Ltmp1:
0x37: {  	_ =	swait.ge [sflag:s13], $0x4000;
	(pc) =	sbr.rel @p0 .LBB2_1-.Ltmp1, $4  }
0x38: {  	[sflag:s13] =	ssyncset.done $0x0  }
0x39: {  	[sflag:s13] =	ssyncadd.s32 $0xFFFFC000  }
0x3a: {  	_ =	swait.ge [sflag:s13], $0x4000  }
0x3b: {  	[sflag:s13] =	ssyncset.done $0x0  }
.LBB2_2:
0x3c: {  	[sflag:s13] =	ssyncadd.s32 $0xFFFFC000  }
0x3d: {  	_ =	sfence.sel $0x180000  }
0x3e: {  	[bflag:$0x0] =	sbarrier.arrive $0xFFFF  }
0x3f: {  	p0 =	sne.s32 s0, $0x0;
	_ =	strace $0x9000004A  }
0x40: {  	s0 =	sadd.s32 @!p0 $0x100000, s1;
	[bflag:$0x2] =	sbarrier.arrive $0xFFFF  }
0x41: {  	[sflag:s0] =	ssyncadd.tile.s32 @!p0 $0x1;
	_ =	shalt  }
.Lfunc_end2:
_tile_overlayer_lowered:
.L_overlay_start_2:
0x42: {  	(tag) =	ssettag $0x2  }
0x43: {  	s0 =	rddreg [dreg:$0x0];
	s2 =	stileid.u32  }
0x44: {  	s1 =	rddreg [dreg:$0x1];
	p0 =	sne.s32 s2, $0x0  }
0x45: {  	s3 =	rddreg [dreg:$0x2];
	[bflag:$0x3] =	sbarrier.arrive $0xFFFF;
	s2 =	simm.s32 @!p0 $0x1C02  }
0x46: {  	[timem:s3], [sflag:s2] =	dma.local @!p0 [hbm:s0], s1  }
0x47: {  	s0 =	simm.s32 @!p0 $0x2  }
0x48: {  	_ =	swait.ge @!p0 [sflag:s0], s1  }
0x49: {  	s1 =	ssub.s32 @!p0 $0x0, s1;
	[sflag:s0] =	ssyncset.done @!p0 $0x0  }
0x4a: {  	[sflag:s0] =	ssyncadd.s32 @!p0 s1  }
0x4b: {  	[bflag:$0x3] =	sbarrier.arrive $0xFFFF  }
0x4c: {  	_ =	shalt  }

</sc_bundles>
